<compile_context>
chip_gen: v7x
topology: tpu7x:2x2x1
jax: 0.10.2.dev20260603
libtpu: 0.0.44.dev20260713+nightly
codegen_flags: <defaults>
</compile_context>

<pallas_src>
import functools

import jax
import jax.numpy as jnp
from jax import lax
from jax.experimental import pallas as pl
from jax.experimental.pallas import tpu as pltpu
from jax.experimental.pallas import tpu_sc as plsc

VOCAB = 1000000
EMBED_DIM = 64
NUM_LABELS = 50
BATCH = 4096
SEQ = 200
PAD_IDX = 3000

NC = 2
NS = 16
NW = NC * NS
BPW = BATCH // NW
SEQP = 256
SEQB = 208
NBLK = SEQB // 16
SPLIT0 = 104
SPLIT1 = SEQ - SPLIT0
NLANE = EMBED_DIM // 16
ROWW = 2 * EMBED_DIM


_LB = 4096
NTB = 123
VOC0 = NTB * _LB
_NIN = -(-VOCAB // _LB)


def _tr_body(t1_ref, t2_ref, o_ref):
  o_ref[:, 0:EMBED_DIM] = t1_ref[...].T
  o_ref[:, EMBED_DIM:2 * EMBED_DIM] = t2_ref[...].T


_transpose = pl.pallas_call(
    _tr_body,
    out_shape=jax.ShapeDtypeStruct((VOC0, 2 * EMBED_DIM), jnp.float32),
    grid=(NTB,),
    in_specs=[
        pl.BlockSpec((EMBED_DIM, _LB), lambda i: (0, i)),
        pl.BlockSpec((EMBED_DIM, _LB),
                     lambda i: (0, jnp.minimum(NTB + i, _NIN - 1))),
    ],
    out_specs=pl.BlockSpec((_LB, 2 * EMBED_DIM), lambda i: (i, 0)),
)


CHR = 320
NCH = VOCAB // CHR
CPT = -(-NCH // NW)


def _repack_body(table_hbm, out_hbm, vin0, vin1, vout0, vout1,
                 semi0, semi1, semo0, semo1):
  wid = lax.axis_index("s") * NC + lax.axis_index("c")
  semi = {id(vin0): semi0, id(vin1): semi1}
  semo = {id(vout0): semo0, id(vout1): semo1}

  def _in_copy(g, vin):
    return pltpu.make_async_copy(table_hbm.at[pl.ds(g * CHR, CHR)], vin,
                                 semi[id(vin)])

  def _out_copy(g, vout):
    return pltpu.make_async_copy(vout, out_hbm.at[pl.ds(g * (CHR // 2),
                                                        CHR // 2)],
                                 semo[id(vout)])

  def repack(vin, vout):
    def pair_body(p, carry):
      for rr in range(2):
        for c in range(NLANE):
          vout[p, pl.ds(rr * EMBED_DIM + c * 16, 16)] = (
              vin[p * 2 + rr, pl.ds(c * 16, 16)])
      return carry
    lax.fori_loop(0, CHR // 2, pair_body, 0)

  def chunk_of(t):
    return t * NW + wid

  @pl.when(chunk_of(0) < NCH)
  def _():
    _in_copy(chunk_of(0), vin0).start()

  def body2(i, carry):
    t = i * 2
    for tt, vin_a, vout_a, vin_b in ((t, vin0, vout0, vin1),
                                     (t + 1, vin1, vout1, vin0)):
      g = chunk_of(tt)

      @pl.when(chunk_of(tt + 1) < NCH)
      def _():
        _in_copy(chunk_of(tt + 1), vin_b).start()

      @pl.when(g < NCH)
      def _():
        _in_copy(g, vin_a).wait()
        @pl.when(tt >= 2)
        def _():
          _out_copy(chunk_of(tt - 2), vout_a).wait()
        repack(vin_a, vout_a)
        _out_copy(g, vout_a).start()
    return carry

  lax.fori_loop(0, CPT // 2, body2, 0)

  @pl.when(chunk_of(CPT - 2) < NCH)
  def _():
    _out_copy(chunk_of(CPT - 2), vout0).wait()

  @pl.when(chunk_of(CPT - 1) < NCH)
  def _():
    _out_copy(chunk_of(CPT - 1), vout1).wait()


_repack = functools.partial(
    pl.kernel,
    out_type=jax.ShapeDtypeStruct((VOCAB // 2, ROWW), jnp.float32),
    mesh=plsc.VectorSubcoreMesh(core_axis_name="c", subcore_axis_name="s",
                                num_cores=NC, num_subcores=NS),
    scratch_types=[
        pltpu.VMEM((CHR, EMBED_DIM), jnp.float32),
        pltpu.VMEM((CHR, EMBED_DIM), jnp.float32),
        pltpu.VMEM((CHR // 2, ROWW), jnp.float32),
        pltpu.VMEM((CHR // 2, ROWW), jnp.float32),
        pltpu.SemaphoreType.DMA,
        pltpu.SemaphoreType.DMA,
        pltpu.SemaphoreType.DMA,
        pltpu.SemaphoreType.DMA,
    ],
)(_repack_body)


def _sc_pool_body(ids_hbm, table_hbm, out_hbm, idx_v, rows0, rows1,
                  pidx0, pidx1, pooled_v, sem0, sem1):
  wid = lax.axis_index("s") * NC + lax.axis_index("c")
  base = wid * BPW

  pltpu.sync_copy(ids_hbm.at[pl.ds(base * SEQP, BPW * SEQP)], idx_v)

  zeros16 = jnp.zeros((16,), jnp.float32)
  for buf in (rows0, rows1):
    for rz in range(SEQ, SEQB):
      for c in range(ROWW // 16):
        buf[rz, pl.ds(c * 16, 16)] = zeros16

  def _row_copies(r, buf, pidx, sem):
    return (
        pltpu.make_async_copy(table_hbm.at[pidx.at[pl.ds(0, SPLIT0)]],
                              buf.at[pl.ds(0, SPLIT0)], sem),
        pltpu.make_async_copy(table_hbm.at[pidx.at[pl.ds(SPLIT0, SPLIT1)]],
                              buf.at[pl.ds(SPLIT0, SPLIT1)], sem),
    )

  def start_row(r, buf, pidx, sem):
    off = r * SEQP
    for j in range(NBLK):
      iv = idx_v[pl.ds(off + j * 16, 16)]
      pidx[pl.ds(j * 16, 16)] = iv - jnp.where(iv >= VOC0, VOC0, 0)
    for cp in _row_copies(r, buf, pidx, sem):
      cp.start()

  def wait_buf(r, buf, pidx, sem):
    for cp in _row_copies(r, buf, pidx, sem):
      cp.wait()

  def reduce_row(buf, r):
    init = tuple(jnp.full((16,), -jnp.inf, dtype=jnp.float32)
                 for _ in range(NLANE))
    def blk_body(j, accs):
      accs = list(accs)
      l0 = j * 16
      iv = idx_v[pl.ds(r * SEQP + l0, 16)]
      mv = jnp.where(iv == PAD_IDX, jnp.float32(0), jnp.float32(1))
      hv = jnp.where(iv >= VOC0, EMBED_DIM, 0)
      for u in range(16):
        m = mv[u]
        h = hv[u]
        for c in range(NLANE):
          v = buf[l0 + u, pl.ds(h + c * 16, 16)]
          accs[c] = jnp.maximum(accs[c], v * m)
      return tuple(accs)
    accs = lax.fori_loop(0, NBLK, blk_body, init)
    for c in range(NLANE):
      pooled_v[r, pl.ds(c * 16, 16)] = accs[c]

  start_row(0, rows0, pidx0, sem0)

  def body2(i, carry):
    r = i * 2
    start_row(r + 1, rows1, pidx1, sem1)
    wait_buf(r, rows0, pidx0, sem0)
    reduce_row(rows0, r)

    @pl.when(r + 2 < BPW)
    def _():
      start_row(r + 2, rows0, pidx0, sem0)

    wait_buf(r + 1, rows1, pidx1, sem1)
    reduce_row(rows1, r + 1)
    return carry

  lax.fori_loop(0, BPW // 2, body2, 0)
  pltpu.sync_copy(pooled_v, out_hbm.at[pl.ds(base, BPW)])


_sc_pool = functools.partial(
    pl.kernel,
    out_type=jax.ShapeDtypeStruct((BATCH, EMBED_DIM), jnp.float32),
    mesh=plsc.VectorSubcoreMesh(core_axis_name="c", subcore_axis_name="s",
                                num_cores=NC, num_subcores=NS),
    scratch_types=[
        pltpu.VMEM((BPW * SEQP,), jnp.int32),
        pltpu.VMEM((SEQB, ROWW), jnp.float32),
        pltpu.VMEM((SEQB, ROWW), jnp.float32),
        pltpu.VMEM((SEQB,), jnp.int32),
        pltpu.VMEM((SEQB,), jnp.int32),
        pltpu.VMEM((BPW, EMBED_DIM), jnp.float32),
        pltpu.SemaphoreType.DMA,
        pltpu.SemaphoreType.DMA,
    ],
)(_sc_pool_body)


def _head_body(p_ref, wt_ref, b_ref, o_ref):
  logits = jnp.dot(p_ref[...], wt_ref[...],
                   preferred_element_type=jnp.float32) + b_ref[...]
  mx = jnp.max(logits, axis=1, keepdims=True)
  sh = logits - mx
  lse = jnp.log(jnp.sum(jnp.exp(sh), axis=1, keepdims=True))
  o_ref[...] = sh - lse


_BB = 1024

_head = pl.pallas_call(
    _head_body,
    out_shape=jax.ShapeDtypeStruct((BATCH, NUM_LABELS), jnp.float32),
    grid=(BATCH // _BB,),
    in_specs=[
        pl.BlockSpec((_BB, EMBED_DIM), lambda i: (i, 0)),
        pl.BlockSpec((EMBED_DIM, NUM_LABELS), lambda i: (0, 0)),
        pl.BlockSpec((1, NUM_LABELS), lambda i: (0, 0)),
    ],
    out_specs=pl.BlockSpec((_BB, NUM_LABELS), lambda i: (i, 0)),
)


def kernel(text, sequence_lens, table, W, b):
  del sequence_lens
  ids = jnp.pad(text.astype(jnp.int32), ((0, 0), (0, SEQP - SEQ)),
                constant_values=PAD_IDX).reshape(-1)
  tt = table.T
  table2 = _transpose(tt, tt)
  pooled = _sc_pool(ids, table2)
  return _head(pooled, W.T, b.reshape(1, NUM_LABELS))

# --- scband reference (transcript-rebuilt; emitter-appended) ---
"""Pipeline reference for scband-bo-wclassifier-with-embedding-40922448396690 (READ-ONLY COPY).

The authoritative reference and input builder live on the scoring server;
editing this copy changes nothing except your own understanding.
"""

import jax, jax.numpy as jnp
import numpy as np

VOCAB = 1000000
EMBED_DIM = 64
NUM_LABELS = 50
BATCH = 4096
SEQ = 200
PAD_IDX = 3000

def setup_inputs(seed: int = 0) -> dict:
    key = jax.random.key(seed)
    k1, k2, k3, k4, k5 = jax.random.split(key, 5)
    text = jax.random.randint(k1, (BATCH, SEQ), 0, VOCAB, dtype=jnp.int64 if jax.config.jax_enable_x64 else jnp.int32)
    sequence_lens = jax.random.randint(k2, (BATCH,), 1, SEQ, dtype=jnp.int64 if jax.config.jax_enable_x64 else jnp.int32)
    table = jax.random.normal(k3, (VOCAB, EMBED_DIM), dtype=jnp.float32)
    W = jax.random.normal(k4, (NUM_LABELS, EMBED_DIM), dtype=jnp.float32) * 0.05
    b = jnp.zeros((NUM_LABELS,), dtype=jnp.float32)
    return {"text": text, "sequence_lens": sequence_lens, "table": table, "W": W, "b": b}

def reference(text, sequence_lens, table, W, b):
    # nn.Embedding with padding_idx=3000: row 3000 is zero
    table_p = table.at[PAD_IDX].set(0.0)
    embedded = jnp.take(table_p, text, axis=0)           # [B, L, D]
    # F.max_pool2d(embedded, (L, 1)).squeeze(1) == max over sequence dim
    pooled = jnp.max(embedded, axis=1)                    # [B, D]
    logits = pooled @ W.T + b                             # [B, num_labels]
    return jax.nn.log_softmax(logits, axis=1)

if __name__ == "__main__":
    import jax
    _d = setup_inputs()
    print(jax.jit(kernel)(*tuple(_d.values())))

</pallas_src>

<mosaic_0001>
#map = affine_map<(d0, d1) -> (0)>
#map1 = affine_map<(d0, d1) -> (0, 0)>
module attributes {stable_mosaic.version = 14 : i64} {
  func.func @_sc_pool_body(%arg0: i32, %arg1: i32, %arg2: memref<1048576xi32, #tpu.memory_space<hbm>>, %arg3: memref<503808x128xf32, #tpu.memory_space<hbm>>, %arg4: memref<4096x64xf32, #tpu.memory_space<hbm>>, %arg5: memref<32768xi32, #tpu.memory_space<vmem>>, %arg6: memref<208x128xf32, #tpu.memory_space<vmem>>, %arg7: memref<208x128xf32, #tpu.memory_space<vmem>>, %arg8: memref<208xi32, #tpu.memory_space<vmem>>, %arg9: memref<208xi32, #tpu.memory_space<vmem>>, %arg10: memref<128x64xf32, #tpu.memory_space<vmem>>, %arg11: memref<!tpu.dma_semaphore, #tpu.memory_space<semaphore_mem>>, %arg12: memref<!tpu.dma_semaphore, #tpu.memory_space<semaphore_mem>>) attributes {dimension_semantics = [#tpu.dimension_semantics<core_parallel>, #tpu.dimension_semantics<subcore_parallel>], iteration_bounds = array<i64: 2, 16>, scalar_prefetch = 0 : i64, scratch_operands = 8 : i64, tpu.core_type = #tpu.core_type<sc_vector_subcore>, window_params = [{transform_indices = #map}, {transform_indices = #map1}, {transform_indices = #map1}]} {
    %mul3A = arith.constant 2 : i32
    %mul3A_0 = arith.muli %arg1, %mul3A : i32
    %add3A = arith.addi %mul3A_0, %arg0 : i32
    %mul3A_1 = arith.constant 128 : i32
    %mul3A_2 = arith.muli %add3A, %mul3A_1 : i32
    %mul3A_3 = arith.constant 256 : i32
    %mul3A_4 = arith.muli %mul3A_2, %mul3A_3 : i32
    "tpu.region"() ({
      %run_scoped3A = tpu.sem_alloc : memref<!tpu.dma_semaphore, #tpu.memory_space<semaphore_mem>>
      %dma_start3A_996 = tpu.memref_slice %arg2[%mul3A_4] : memref<1048576xi32, #tpu.memory_space<hbm>> -> memref<32768xi32, #tpu.memory_space<hbm>>
      %dma_start3A_997 = tpu.memref_slice %arg2[%mul3A_4] : memref<1048576xi32, #tpu.memory_space<hbm>> -> memref<32768xi32, #tpu.memory_space<hbm>>
      tpu.enqueue_dma source(%dma_start3A_997 : memref<32768xi32, #tpu.memory_space<hbm>>) target(%arg5 : memref<32768xi32, #tpu.memory_space<vmem>>) target_semaphore(%run_scoped3A : memref<!tpu.dma_semaphore, #tpu.memory_space<semaphore_mem>>)
      %dma_wait3A = tpu.memref_slice %arg2[%mul3A_4] : memref<1048576xi32, #tpu.memory_space<hbm>> -> memref<32768xi32, #tpu.memory_space<hbm>>
      %dma_wait3A_998 = tpu.memref_slice %arg2[%mul3A_4] : memref<1048576xi32, #tpu.memory_space<hbm>> -> memref<32768xi32, #tpu.memory_space<hbm>>
      tpu.wait_dma2 semaphore(%run_scoped3A : memref<!tpu.dma_semaphore, #tpu.memory_space<semaphore_mem>>) src(%dma_wait3A_998 : memref<32768xi32, #tpu.memory_space<hbm>>) dst(%arg5 : memref<32768xi32, #tpu.memory_space<vmem>>)
      tpu.yield
    }) : () -> ()
    %broadcast_in_dim3A = arith.constant 0.000000e+00 : f32
    %broadcast_in_dim3A_5 = vector.broadcast %broadcast_in_dim3A : f32 to vector<16xf32>
    %swap3A = arith.constant 200 : i32
    %swap3A_6 = arith.index_cast %swap3A : i32 to index
    %swap3A_7 = arith.constant 0 : index
    %swap3A_8 = tpu.vector_load %arg6[%swap3A_6, %swap3A_7] {strides = array<i32>} : memref<208x128xf32, #tpu.memory_space<vmem>>, vector<1x16xf32>,
    %swap3A_9 = vector.shape_cast %swap3A_8 : vector<1x16xf32> to vector<16xf32>
    %swap3A_10 = vector.shape_cast %broadcast_in_dim3A_5 : vector<16xf32> to vector<1x16xf32>
    tpu.vector_store %arg6[%swap3A_6, %swap3A_7], %swap3A_10 {strides = array<i32>} : memref<208x128xf32, #tpu.memory_space<vmem>>, vector<1x16xf32>,
    %swap3A_11 = arith.constant 200 : i32
    %swap3A_12 = arith.index_cast %swap3A_11 : i32 to index
    %swap3A_13 = arith.constant 16 : index
    %swap3A_14 = tpu.vector_load %arg6[%swap3A_12, %swap3A_13] {strides = array<i32>} : memref<208x128xf32, #tpu.memory_space<vmem>>, vector<1x16xf32>,
    %swap3A_15 = vector.shape_cast %swap3A_14 : vector<1x16xf32> to vector<16xf32>
    %swap3A_16 = vector.shape_cast %broadcast_in_dim3A_5 : vector<16xf32> to vector<1x16xf32>
    tpu.vector_store %arg6[%swap3A_12, %swap3A_13], %swap3A_16 {strides = array<i32>} : memref<208x128xf32, #tpu.memory_space<vmem>>, vector<1x16xf32>,
    %swap3A_17 = arith.constant 200 : i32
    %swap3A_18 = arith.index_cast %swap3A_17 : i32 to index
    %swap3A_19 = arith.constant 32 : index
    %swap3A_20 = tpu.vector_load %arg6[%swap3A_18, %swap3A_19] {strides = array<i32>} : memref<208x128xf32, #tpu.memory_space<vmem>>, vector<1x16xf32>,
    %swap3A_21 = vector.shape_cast %swap3A_20 : vector<1x16xf32> to vector<16xf32>
    %swap3A_22 = vector.shape_cast %broadcast_in_dim3A_5 : vector<16xf32> to vector<1x16xf32>
    tpu.vector_store %arg6[%swap3A_18, %swap3A_19], %swap3A_22 {strides = array<i32>} : memref<208x128xf32, #tpu.memory_space<vmem>>, vector<1x16xf32>,
    %swap3A_23 = arith.constant 200 : i32
    %swap3A_24 = arith.index_cast %swap3A_23 : i32 to index
    %swap3A_25 = arith.constant 48 : index
    %swap3A_26 = tpu.vector_load %arg6[%swap3A_24, %swap3A_25] {strides = array<i32>} : memref<208x128xf32, #tpu.memory_space<vmem>>, vector<1x16xf32>,
    %swap3A_27 = vector.shape_cast %swap3A_26 : vector<1x16xf32> to vector<16xf32>
    %swap3A_28 = vector.shape_cast %broadcast_in_dim3A_5 : vector<16xf32> to vector<1x16xf32>
    tpu.vector_store %arg6[%swap3A_24, %swap3A_25], %swap3A_28 {strides = array<i32>} : memref<208x128xf32, #tpu.memory_space<vmem>>, vector<1x16xf32>,
    %swap3A_29 = arith.constant 200 : i32
    %swap3A_30 = arith.index_cast %swap3A_29 : i32 to index
    %swap3A_31 = arith.constant 64 : index
    %swap3A_32 = tpu.vector_load %arg6[%swap3A_30, %swap3A_31] {strides = array<i32>} : memref<208x128xf32, #tpu.memory_space<vmem>>, vector<1x16xf32>,
    %swap3A_33 = vector.shape_cast %swap3A_32 : vector<1x16xf32> to vector<16xf32>
    %swap3A_34 = vector.shape_cast %broadcast_in_dim3A_5 : vector<16xf32> to vector<1x16xf32>
    tpu.vector_store %arg6[%swap3A_30, %swap3A_31], %swap3A_34 {strides = array<i32>} : memref<208x128xf32, #tpu.memory_space<vmem>>, vector<1x16xf32>,
    %swap3A_35 = arith.constant 200 : i32
    %swap3A_36 = arith.index_cast %swap3A_35 : i32 to index
    %swap3A_37 = arith.constant 80 : index
    %swap3A_38 = tpu.vector_load %arg6[%swap3A_36, %swap3A_37] {strides = array<i32>} : memref<208x128xf32, #tpu.memory_space<vmem>>, vector<1x16xf32>,
    %swap3A_39 = vector.shape_cast %swap3A_38 : vector<1x16xf32> to vector<16xf32>
    %swap3A_40 = vector.shape_cast %broadcast_in_dim3A_5 : vector<16xf32> to vector<1x16xf32>
    tpu.vector_store %arg6[%swap3A_36, %swap3A_37], %swap3A_40 {strides = array<i32>} : memref<208x128xf32, #tpu.memory_space<vmem>>, vector<1x16xf32>,
    %swap3A_41 = arith.constant 200 : i32
    %swap3A_42 = arith.index_cast %swap3A_41 : i32 to index
    %swap3A_43 = arith.constant 96 : index
    %swap3A_44 = tpu.vector_load %arg6[%swap3A_42, %swap3A_43] {strides = array<i32>} : memref<208x128xf32, #tpu.memory_space<vmem>>, vector<1x16xf32>,
    %swap3A_45 = vector.shape_cast %swap3A_44 : vector<1x16xf32> to vector<16xf32>
    %swap3A_46 = vector.shape_cast %broadcast_in_dim3A_5 : vector<16xf32> to vector<1x16xf32>
    tpu.vector_store %arg6[%swap3A_42, %swap3A_43], %swap3A_46 {strides = array<i32>} : memref<208x128xf32, #tpu.memory_space<vmem>>, vector<1x16xf32>,
    %swap3A_47 = arith.constant 200 : i32
    %swap3A_48 = arith.index_cast %swap3A_47 : i32 to index
    %swap3A_49 = arith.constant 112 : index
    %swap3A_50 = tpu.vector_load %arg6[%swap3A_48, %swap3A_49] {strides = array<i32>} : memref<208x128xf32, #tpu.memory_space<vmem>>, vector<1x16xf32>,
    %swap3A_51 = vector.shape_cast %swap3A_50 : vector<1x16xf32> to vector<16xf32>
    %swap3A_52 = vector.shape_cast %broadcast_in_dim3A_5 : vector<16xf32> to vector<1x16xf32>
    tpu.vector_store %arg6[%swap3A_48, %swap3A_49], %swap3A_52 {strides = array<i32>} : memref<208x128xf32, #tpu.memory_space<vmem>>, vector<1x16xf32>,
    %swap3A_53 = arith.constant 201 : i32
    %swap3A_54 = arith.index_cast %swap3A_53 : i32 to index
    %swap3A_55 = arith.constant 0 : index
    %swap3A_56 = tpu.vector_load %arg6[%swap3A_54, %swap3A_55] {strides = array<i32>} : memref<208x128xf32, #tpu.memory_space<vmem>>, vector<1x16xf32>,
    %swap3A_57 = vector.shape_cast %swap3A_56 : vector<1x16xf32> to vector<16xf32>
    %swap3A_58 = vector.shape_cast %broadcast_in_dim3A_5 : vector<16xf32> to vector<1x16xf32>
    tpu.vector_store %arg6[%swap3A_54, %swap3A_55], %swap3A_58 {strides = array<i32>} : memref<208x128xf32, #tpu.memory_space<vmem>>, vector<1x16xf32>,
    %swap3A_59 = arith.constant 201 : i32
    %swap3A_60 = arith.index_cast %swap3A_59 : i32 to index
    %swap3A_61 = arith.constant 16 : index
    %swap3A_62 = tpu.vector_load %arg6[%swap3A_60, %swap3A_61] {strides = array<i32>} : memref<208x128xf32, #tpu.memory_space<vmem>>, vector<1x16xf32>,
    %swap3A_63 = vector.shape_cast %swap3A_62 : vector<1x16xf32> to vector<16xf32>
    %swap3A_64 = vector.shape_cast %broadcast_in_dim3A_5 : vector<16xf32> to vector<1x16xf32>
    tpu.vector_store %arg6[%swap3A_60, %swap3A_61], %swap3A_64 {strides = array<i32>} : memref<208x128xf32, #tpu.memory_space<vmem>>, vector<1x16xf32>,
    %swap3A_65 = arith.constant 201 : i32
    %swap3A_66 = arith.index_cast %swap3A_65 : i32 to index
    %swap3A_67 = arith.constant 32 : index
    %swap3A_68 = tpu.vector_load %arg6[%swap3A_66, %swap3A_67] {strides = array<i32>} : memref<208x128xf32, #tpu.memory_space<vmem>>, vector<1x16xf32>,
    %swap3A_69 = vector.shape_cast %swap3A_68 : vector<1x16xf32> to vector<16xf32>
    %swap3A_70 = vector.shape_cast %broadcast_in_dim3A_5 : vector<16xf32> to vector<1x16xf32>
    tpu.vector_store %arg6[%swap3A_66, %swap3A_67], %swap3A_70 {strides = array<i32>} : memref<208x128xf32, #tpu.memory_space<vmem>>, vector<1x16xf32>,
    %swap3A_71 = arith.constant 201 : i32
    %swap3A_72 = arith.index_cast %swap3A_71 : i32 to index
    %swap3A_73 = arith.constant 48 : index
    %swap3A_74 = tpu.vector_load %arg6[%swap3A_72, %swap3A_73] {strides = array<i32>} : memref<208x128xf32, #tpu.memory_space<vmem>>, vector<1x16xf32>,
    %swap3A_75 = vector.shape_cast %swap3A_74 : vector<1x16xf32> to vector<16xf32>
    %swap3A_76 = vector.shape_cast %broadcast_in_dim3A_5 : vector<16xf32> to vector<1x16xf32>
    tpu.vector_store %arg6[%swap3A_72, %swap3A_73], %swap3A_76 {strides = array<i32>} : memref<208x128xf32, #tpu.memory_space<vmem>>, vector<1x16xf32>,
    %swap3A_77 = arith.constant 201 : i32
    %swap3A_78 = arith.index_cast %swap3A_77 : i32 to index
    %swap3A_79 = arith.constant 64 : index
    %swap3A_80 = tpu.vector_load %arg6[%swap3A_78, %swap3A_79] {strides = array<i32>} : memref<208x128xf32, #tpu.memory_space<vmem>>, vector<1x16xf32>,
    %swap3A_81 = vector.shape_cast %swap3A_80 : vector<1x16xf32> to vector<16xf32>
    %swap3A_82 = vector.shape_cast %broadcast_in_dim3A_5 : vector<16xf32> to vector<1x16xf32>
    tpu.vector_store %arg6[%swap3A_78, %swap3A_79], %swap3A_82 {strides = array<i32>} : memref<208x128xf32, #tpu.memory_space<vmem>>, vector<1x16xf32>,
    %swap3A_83 = arith.constant 201 : i32
    %swap3A_84 = arith.index_cast %swap3A_83 : i32 to index
    %swap3A_85 = arith.constant 80 : index
    %swap3A_86 = tpu.vector_load %arg6[%swap3A_84, %swap3A_85] {strides = array<i32>} : memref<208x128xf32, #tpu.memory_space<vmem>>, vector<1x16xf32>,
    %swap3A_87 = vector.shape_cast %swap3A_86 : vector<1x16xf32> to vector<16xf32>
    %swap3A_88 = vector.shape_cast %broadcast_in_dim3A_5 : vector<16xf32> to vector<1x16xf32>
    tpu.vector_store %arg6[%swap3A_84, %swap3A_85], %swap3A_88 {strides = array<i32>} : memref<208x128xf32, #tpu.memory_space<vmem>>, vector<1x16xf32>,
    %swap3A_89 = arith.constant 201 : i32
    %swap3A_90 = arith.index_cast %swap3A_89 : i32 to index
    %swap3A_91 = arith.constant 96 : index
    %swap3A_92 = tpu.vector_load %arg6[%swap3A_90, %swap3A_91] {strides = array<i32>} : memref<208x128xf32, #tpu.memory_space<vmem>>, vector<1x16xf32>,
    %swap3A_93 = vector.shape_cast %swap3A_92 : vector<1x16xf32> to vector<16xf32>
    %swap3A_94 = vector.shape_cast %broadcast_in_dim3A_5 : vector<16xf32> to vector<1x16xf32>
    tpu.vector_store %arg6[%swap3A_90, %swap3A_91], %swap3A_94 {strides = array<i32>} : memref<208x128xf32, #tpu.memory_space<vmem>>, vector<1x16xf32>,
    %swap3A_95 = arith.constant 201 : i32
    %swap3A_96 = arith.index_cast %swap3A_95 : i32 to index
    %swap3A_97 = arith.constant 112 : index
    %swap3A_98 = tpu.vector_load %arg6[%swap3A_96, %swap3A_97] {strides = array<i32>} : memref<208x128xf32, #tpu.memory_space<vmem>>, vector<1x16xf32>,
    %swap3A_99 = vector.shape_cast %swap3A_98 : vector<1x16xf32> to vector<16xf32>
    %swap3A_100 = vector.shape_cast %broadcast_in_dim3A_5 : vector<16xf32> to vector<1x16xf32>
    tpu.vector_store %arg6[%swap3A_96, %swap3A_97], %swap3A_100 {strides = array<i32>} : memref<208x128xf32, #tpu.memory_space<vmem>>, vector<1x16xf32>,
    %swap3A_101 = arith.constant 202 : i32
    %swap3A_102 = arith.index_cast %swap3A_101 : i32 to index
    %swap3A_103 = arith.constant 0 : index
    %swap3A_104 = tpu.vector_load %arg6[%swap3A_102, %swap3A_103] {strides = array<i32>} : memref<208x128xf32, #tpu.memory_space<vmem>>, vector<1x16xf32>,
    %swap3A_105 = vector.shape_cast %swap3A_104 : vector<1x16xf32> to vector<16xf32>
    %swap3A_106 = vector.shape_cast %broadcast_in_dim3A_5 : vector<16xf32> to vector<1x16xf32>
    tpu.vector_store %arg6[%swap3A_102, %swap3A_103], %swap3A_106 {strides = array<i32>} : memref<208x128xf32, #tpu.memory_space<vmem>>, vector<1x16xf32>,
    %swap3A_107 = arith.constant 202 : i32
    %swap3A_108 = arith.index_cast %swap3A_107 : i32 to index
    %swap3A_109 = arith.constant 16 : index
    %swap3A_110 = tpu.vector_load %arg6[%swap3A_108, %swap3A_109] {strides = array<i32>} : memref<208x128xf32, #tpu.memory_space<vmem>>, vector<1x16xf32>,
    %swap3A_111 = vector.shape_cast %swap3A_110 : vector<1x16xf32> to vector<16xf32>
    %swap3A_112 = vector.shape_cast %broadcast_in_dim3A_5 : vector<16xf32> to vector<1x16xf32>
    tpu.vector_store %arg6[%swap3A_108, %swap3A_109], %swap3A_112 {strides = array<i32>} : memref<208x128xf32, #tpu.memory_space<vmem>>, vector<1x16xf32>,
    %swap3A_113 = arith.constant 202 : i32
    %swap3A_114 = arith.index_cast %swap3A_113 : i32 to index
    %swap3A_115 = arith.constant 32 : index
    %swap3A_116 = tpu.vector_load %arg6[%swap3A_114, %swap3A_115] {strides = array<i32>} : memref<208x128xf32, #tpu.memory_space<vmem>>, vector<1x16xf32>,
    %swap3A_117 = vector.shape_cast %swap3A_116 : vector<1x16xf32> to vector<16xf32>
    %swap3A_118 = vector.shape_cast %broadcast_in_dim3A_5 : vector<16xf32> to vector<1x16xf32>
    tpu.vector_store %arg6[%swap3A_114, %swap3A_115], %swap3A_118 {strides = array<i32>} : memref<208x128xf32, #tpu.memory_space<vmem>>, vector<1x16xf32>,
    %swap3A_119 = arith.constant 202 : i32
    %swap3A_120 = arith.index_cast %swap3A_119 : i32 to index
    %swap3A_121 = arith.constant 48 : index
    %swap3A_122 = tpu.vector_load %arg6[%swap3A_120, %swap3A_121] {strides = array<i32>} : memref<208x128xf32, #tpu.memory_space<vmem>>, vector<1x16xf32>,
    %swap3A_123 = vector.shape_cast %swap3A_122 : vector<1x16xf32> to vector<16xf32>
    %swap3A_124 = vector.shape_cast %broadcast_in_dim3A_5 : vector<16xf32> to vector<1x16xf32>
    tpu.vector_store %arg6[%swap3A_120, %swap3A_121], %swap3A_124 {strides = array<i32>} : memref<208x128xf32, #tpu.memory_space<vmem>>, vector<1x16xf32>,
    %swap3A_125 = arith.constant 202 : i32
    %swap3A_126 = arith.index_cast %swap3A_125 : i32 to index
    %swap3A_127 = arith.constant 64 : index
    %swap3A_128 = tpu.vector_load %arg6[%swap3A_126, %swap3A_127] {strides = array<i32>} : memref<208x128xf32, #tpu.memory_space<vmem>>, vector<1x16xf32>,
    %swap3A_129 = vector.shape_cast %swap3A_128 : vector<1x16xf32> to vector<16xf32>
    %swap3A_130 = vector.shape_cast %broadcast_in_dim3A_5 : vector<16xf32> to vector<1x16xf32>
    tpu.vector_store %arg6[%swap3A_126, %swap3A_127], %swap3A_130 {strides = array<i32>} : memref<208x128xf32, #tpu.memory_space<vmem>>, vector<1x16xf32>,
    %swap3A_131 = arith.constant 202 : i32
    %swap3A_132 = arith.index_cast %swap3A_131 : i32 to index
    %swap3A_133 = arith.constant 80 : index
    %swap3A_134 = tpu.vector_load %arg6[%swap3A_132, %swap3A_133] {strides = array<i32>} : memref<208x128xf32, #tpu.memory_space<vmem>>, vector<1x16xf32>,
    %swap3A_135 = vector.shape_cast %swap3A_134 : vector<1x16xf32> to vector<16xf32>
    %swap3A_136 = vector.shape_cast %broadcast_in_dim3A_5 : vector<16xf32> to vector<1x16xf32>
    tpu.vector_store %arg6[%swap3A_132, %swap3A_133], %swap3A_136 {strides = array<i32>} : memref<208x128xf32, #tpu.memory_space<vmem>>, vector<1x16xf32>,
    %swap3A_137 = arith.constant 202 : i32
    %swap3A_138 = arith.index_cast %swap3A_137 : i32 to index
    %swap3A_139 = arith.constant 96 : index
    %swap3A_140 = tpu.vector_load %arg6[%swap3A_138, %swap3A_139] {strides = array<i32>} : memref<208x128xf32, #tpu.memory_space<vmem>>, vector<1x16xf32>,
    %swap3A_141 = vector.shape_cast %swap3A_140 : vector<1x16xf32> to vector<16xf32>
    %swap3A_142 = vector.shape_cast %broadcast_in_dim3A_5 : vector<16xf32> to vector<1x16xf32>
    tpu.vector_store %arg6[%swap3A_138, %swap3A_139], %swap3A_142 {strides = array<i32>} : memref<208x128xf32, #tpu.memory_space<vmem>>, vector<1x16xf32>,
    %swap3A_143 = arith.constant 202 : i32
    %swap3A_144 = arith.index_cast %swap3A_143 : i32 to index
    %swap3A_145 = arith.constant 112 : index
    %swap3A_146 = tpu.vector_load %arg6[%swap3A_144, %swap3A_145] {strides = array<i32>} : memref<208x128xf32, #tpu.memory_space<vmem>>, vector<1x16xf32>,
    %swap3A_147 = vector.shape_cast %swap3A_146 : vector<1x16xf32> to vector<16xf32>
    %swap3A_148 = vector.shape_cast %broadcast_in_dim3A_5 : vector<16xf32> to vector<1x16xf32>
    tpu.vector_store %arg6[%swap3A_144, %swap3A_145], %swap3A_148 {strides = array<i32>} : memref<208x128xf32, #tpu.memory_space<vmem>>, vector<1x16xf32>,
    %swap3A_149 = arith.constant 203 : i32
    %swap3A_150 = arith.index_cast %swap3A_149 : i32 to index
    %swap3A_151 = arith.constant 0 : index
    %swap3A_152 = tpu.vector_load %arg6[%swap3A_150, %swap3A_151] {strides = array<i32>} : memref<208x128xf32, #tpu.memory_space<vmem>>, vector<1x16xf32>,
    %swap3A_153 = vector.shape_cast %swap3A_152 : vector<1x16xf32> to vector<16xf32>
    %swap3A_154 = vector.shape_cast %broadcast_in_dim3A_5 : vector<16xf32> to vector<1x16xf32>
    tpu.vector_store %arg6[%swap3A_150, %swap3A_151], %swap3A_154 {strides = array<i32>} : memref<208x128xf32, #tpu.memory_space<vmem>>, vector<1x16xf32>,
    %swap3A_155 = arith.constant 203 : i32
    %swap3A_156 = arith.index_cast %swap3A_155 : i32 to index
    %swap3A_157 = arith.constant 16 : index
    %swap3A_158 = tpu.vector_load %arg6[%swap3A_156, %swap3A_157] {strides = array<i32>} : memref<208x128xf32, #tpu.memory_space<vmem>>, vector<1x16xf32>,
    %swap3A_159 = vector.shape_cast %swap3A_158 : vector<1x16xf32> to vector<16xf32>
    %swap3A_160 = vector.shape_cast %broadcast_in_dim3A_5 : vector<16xf32> to vector<1x16xf32>
    tpu.vector_store %arg6[%swap3A_156, %swap3A_157], %swap3A_160 {strides = array<i32>} : memref<208x128xf32, #tpu.memory_space<vmem>>, vector<1x16xf32>,
    %swap3A_161 = arith.constant 203 : i32
    %swap3A_162 = arith.index_cast %swap3A_161 : i32 to index
    %swap3A_163 = arith.constant 32 : index
    %swap3A_164 = tpu.vector_load %arg6[%swap3A_162, %swap3A_163] {strides = array<i32>} : memref<208x128xf32, #tpu.memory_space<vmem>>, vector<1x16xf32>,
    %swap3A_165 = vector.shape_cast %swap3A_164 : vector<1x16xf32> to vector<16xf32>
    %swap3A_166 = vector.shape_cast %broadcast_in_dim3A_5 : vector<16xf32> to vector<1x16xf32>
    tpu.vector_store %arg6[%swap3A_162, %swap3A_163], %swap3A_166 {strides = array<i32>} : memref<208x128xf32, #tpu.memory_space<vmem>>, vector<1x16xf32>,
    %swap3A_167 = arith.constant 203 : i32
    %swap3A_168 = arith.index_cast %swap3A_167 : i32 to index
    %swap3A_169 = arith.constant 48 : index
    %swap3A_170 = tpu.vector_load %arg6[%swap3A_168, %swap3A_169] {strides = array<i32>} : memref<208x128xf32, #tpu.memory_space<vmem>>, vector<1x16xf32>,
    %swap3A_171 = vector.shape_cast %swap3A_170 : vector<1x16xf32> to vector<16xf32>
    %swap3A_172 = vector.shape_cast %broadcast_in_dim3A_5 : vector<16xf32> to vector<1x16xf32>
    tpu.vector_store %arg6[%swap3A_168, %swap3A_169], %swap3A_172 {strides = array<i32>} : memref<208x128xf32, #tpu.memory_space<vmem>>, vector<1x16xf32>,
    %swap3A_173 = arith.constant 203 : i32
    %swap3A_174 = arith.index_cast %swap3A_173 : i32 to index
    %swap3A_175 = arith.constant 64 : index
    %swap3A_176 = tpu.vector_load %arg6[%swap3A_174, %swap3A_175] {strides = array<i32>} : memref<208x128xf32, #tpu.memory_space<vmem>>, vector<1x16xf32>,
    %swap3A_177 = vector.shape_cast %swap3A_176 : vector<1x16xf32> to vector<16xf32>
    %swap3A_178 = vector.shape_cast %broadcast_in_dim3A_5 : vector<16xf32> to vector<1x16xf32>
    tpu.vector_store %arg6[%swap3A_174, %swap3A_175], %swap3A_178 {strides = array<i32>} : memref<208x128xf32, #tpu.memory_space<vmem>>, vector<1x16xf32>,
    %swap3A_179 = arith.constant 203 : i32
    %swap3A_180 = arith.index_cast %swap3A_179 : i32 to index
    %swap3A_181 = arith.constant 80 : index
    %swap3A_182 = tpu.vector_load %arg6[%swap3A_180, %swap3A_181] {strides = array<i32>} : memref<208x128xf32, #tpu.memory_space<vmem>>, vector<1x16xf32>,
    %swap3A_183 = vector.shape_cast %swap3A_182 : vector<1x16xf32> to vector<16xf32>
    %swap3A_184 = vector.shape_cast %broadcast_in_dim3A_5 : vector<16xf32> to vector<1x16xf32>
    tpu.vector_store %arg6[%swap3A_180, %swap3A_181], %swap3A_184 {strides = array<i32>} : memref<208x128xf32, #tpu.memory_space<vmem>>, vector<1x16xf32>,
    %swap3A_185 = arith.constant 203 : i32
    %swap3A_186 = arith.index_cast %swap3A_185 : i32 to index
    %swap3A_187 = arith.constant 96 : index
    %swap3A_188 = tpu.vector_load %arg6[%swap3A_186, %swap3A_187] {strides = array<i32>} : memref<208x128xf32, #tpu.memory_space<vmem>>, vector<1x16xf32>,
    %swap3A_189 = vector.shape_cast %swap3A_188 : vector<1x16xf32> to vector<16xf32>
    %swap3A_190 = vector.shape_cast %broadcast_in_dim3A_5 : vector<16xf32> to vector<1x16xf32>
    tpu.vector_store %arg6[%swap3A_186, %swap3A_187], %swap3A_190 {strides = array<i32>} : memref<208x128xf32, #tpu.memory_space<vmem>>, vector<1x16xf32>,
    %swap3A_191 = arith.constant 203 : i32
    %swap3A_192 = arith.index_cast %swap3A_191 : i32 to index
    %swap3A_193 = arith.constant 112 : index
    %swap3A_194 = tpu.vector_load %arg6[%swap3A_192, %swap3A_193] {strides = array<i32>} : memref<208x128xf32, #tpu.memory_space<vmem>>, vector<1x16xf32>,
    %swap3A_195 = vector.shape_cast %swap3A_194 : vector<1x16xf32> to vector<16xf32>
    %swap3A_196 = vector.shape_cast %broadcast_in_dim3A_5 : vector<16xf32> to vector<1x16xf32>
    tpu.vector_store %arg6[%swap3A_192, %swap3A_193], %swap3A_196 {strides = array<i32>} : memref<208x128xf32, #tpu.memory_space<vmem>>, vector<1x16xf32>,
    %swap3A_197 = arith.constant 204 : i32
    %swap3A_198 = arith.index_cast %swap3A_197 : i32 to index
    %swap3A_199 = arith.constant 0 : index
    %swap3A_200 = tpu.vector_load %arg6[%swap3A_198, %swap3A_199] {strides = array<i32>} : memref<208x128xf32, #tpu.memory_space<vmem>>, vector<1x16xf32>,
    %swap3A_201 = vector.shape_cast %swap3A_200 : vector<1x16xf32> to vector<16xf32>
    %swap3A_202 = vector.shape_cast %broadcast_in_dim3A_5 : vector<16xf32> to vector<1x16xf32>
    tpu.vector_store %arg6[%swap3A_198, %swap3A_199], %swap3A_202 {strides = array<i32>} : memref<208x128xf32, #tpu.memory_space<vmem>>, vector<1x16xf32>,
    %swap3A_203 = arith.constant 204 : i32
    %swap3A_204 = arith.index_cast %swap3A_203 : i32 to index
    %swap3A_205 = arith.constant 16 : index
    %swap3A_206 = tpu.vector_load %arg6[%swap3A_204, %swap3A_205] {strides = array<i32>} : memref<208x128xf32, #tpu.memory_space<vmem>>, vector<1x16xf32>,
    %swap3A_207 = vector.shape_cast %swap3A_206 : vector<1x16xf32> to vector<16xf32>
    %swap3A_208 = vector.shape_cast %broadcast_in_dim3A_5 : vector<16xf32> to vector<1x16xf32>
    tpu.vector_store %arg6[%swap3A_204, %swap3A_205], %swap3A_208 {strides = array<i32>} : memref<208x128xf32, #tpu.memory_space<vmem>>, vector<1x16xf32>,
    %swap3A_209 = arith.constant 204 : i32
    %swap3A_210 = arith.index_cast %swap3A_209 : i32 to index
    %swap3A_211 = arith.constant 32 : index
    %swap3A_212 = tpu.vector_load %arg6[%swap3A_210, %swap3A_211] {strides = array<i32>} : memref<208x128xf32, #tpu.memory_space<vmem>>, vector<1x16xf32>,
    %swap3A_213 = vector.shape_cast %swap3A_212 : vector<1x16xf32> to vector<16xf32>
    %swap3A_214 = vector.shape_cast %broadcast_in_dim3A_5 : vector<16xf32> to vector<1x16xf32>
    tpu.vector_store %arg6[%swap3A_210, %swap3A_211], %swap3A_214 {strides = array<i32>} : memref<208x128xf32, #tpu.memory_space<vmem>>, vector<1x16xf32>,
    %swap3A_215 = arith.constant 204 : i32
    %swap3A_216 = arith.index_cast %swap3A_215 : i32 to index
    %swap3A_217 = arith.constant 48 : index
    %swap3A_218 = tpu.vector_load %arg6[%swap3A_216, %swap3A_217] {strides = array<i32>} : memref<208x128xf32, #tpu.memory_space<vmem>>, vector<1x16xf32>,
    %swap3A_219 = vector.shape_cast %swap3A_218 : vector<1x16xf32> to vector<16xf32>
    %swap3A_220 = vector.shape_cast %broadcast_in_dim3A_5 : vector<16xf32> to vector<1x16xf32>
    tpu.vector_store %arg6[%swap3A_216, %swap3A_217], %swap3A_220 {strides = array<i32>} : memref<208x128xf32, #tpu.memory_space<vmem>>, vector<1x16xf32>,
    %swap3A_221 = arith.constant 204 : i32
    %swap3A_222 = arith.index_cast %swap3A_221 : i32 to index
    %swap3A_223 = arith.constant 64 : index
    %swap3A_224 = tpu.vector_load %arg6[%swap3A_222, %swap3A_223] {strides = array<i32>} : memref<208x128xf32, #tpu.memory_space<vmem>>, vector<1x16xf32>,
    %swap3A_225 = vector.shape_cast %swap3A_224 : vector<1x16xf32> to vector<16xf32>
    %swap3A_226 = vector.shape_cast %broadcast_in_dim3A_5 : vector<16xf32> to vector<1x16xf32>
    tpu.vector_store %arg6[%swap3A_222, %swap3A_223], %swap3A_226 {strides = array<i32>} : memref<208x128xf32, #tpu.memory_space<vmem>>, vector<1x16xf32>,
    %swap3A_227 = arith.constant 204 : i32
    %swap3A_228 = arith.index_cast %swap3A_227 : i32 to index
    %swap3A_229 = arith.constant 80 : index
    %swap3A_230 = tpu.vector_load %arg6[%swap3A_228, %swap3A_229] {strides = array<i32>} : memref<208x128xf32, #tpu.memory_space<vmem>>, vector<1x16xf32>,
    %swap3A_231 = vector.shape_cast %swap3A_230 : vector<1x16xf32> to vector<16xf32>
    %swap3A_232 = vector.shape_cast %broadcast_in_dim3A_5 : vector<16xf32> to vector<1x16xf32>
    tpu.vector_store %arg6[%swap3A_228, %swap3A_229], %swap3A_232 {strides = array<i32>} : memref<208x128xf32, #tpu.memory_space<vmem>>, vector<1x16xf32>,
    %swap3A_233 = arith.constant 204 : i32
    %swap3A_234 = arith.index_cast %swap3A_233 : i32 to index
    %swap3A_235 = arith.constant 96 : index
    %swap3A_236 = tpu.vector_load %arg6[%swap3A_234, %swap3A_235] {strides = array<i32>} : memref<208x128xf32, #tpu.memory_space<vmem>>, vector<1x16xf32>,
    %swap3A_237 = vector.shape_cast %swap3A_236 : vector<1x16xf32> to vector<16xf32>
    %swap3A_238 = vector.shape_cast %broadcast_in_dim3A_5 : vector<16xf32> to vector<1x16xf32>
    tpu.vector_store %arg6[%swap3A_234, %swap3A_235], %swap3A_238 {strides = array<i32>} : memref<208x128xf32, #tpu.memory_space<vmem>>, vector<1x16xf32>,
    %swap3A_239 = arith.constant 204 : i32
    %swap3A_240 = arith.index_cast %swap3A_239 : i32 to index
    %swap3A_241 = arith.constant 112 : index
    %swap3A_242 = tpu.vector_load %arg6[%swap3A_240, %swap3A_241] {strides = array<i32>} : memref<208x128xf32, #tpu.memory_space<vmem>>, vector<1x16xf32>,
    %swap3A_243 = vector.shape_cast %swap3A_242 : vector<1x16xf32> to vector<16xf32>
    %swap3A_244 = vector.shape_cast %broadcast_in_dim3A_5 : vector<16xf32> to vector<1x16xf32>
    tpu.vector_store %arg6[%swap3A_240, %swap3A_241], %swap3A_244 {strides = array<i32>} : memref<208x128xf32, #tpu.memory_space<vmem>>, vector<1x16xf32>,
    %swap3A_245 = arith.constant 205 : i32
    %swap3A_246 = arith.index_cast %swap3A_245 : i32 to index
    %swap3A_247 = arith.constant 0 : index
    %swap3A_248 = tpu.vector_load %arg6[%swap3A_246, %swap3A_247] {strides = array<i32>} : memref<208x128xf32, #tpu.memory_space<vmem>>, vector<1x16xf32>,
    %swap3A_249 = vector.shape_cast %swap3A_248 : vector<1x16xf32> to vector<16xf32>
    %swap3A_250 = vector.shape_cast %broadcast_in_dim3A_5 : vector<16xf32> to vector<1x16xf32>
    tpu.vector_store %arg6[%swap3A_246, %swap3A_247], %swap3A_250 {strides = array<i32>} : memref<208x128xf32, #tpu.memory_space<vmem>>, vector<1x16xf32>,
    %swap3A_251 = arith.constant 205 : i32
    %swap3A_252 = arith.index_cast %swap3A_251 : i32 to index
    %swap3A_253 = arith.constant 16 : index
    %swap3A_254 = tpu.vector_load %arg6[%swap3A_252, %swap3A_253] {strides = array<i32>} : memref<208x128xf32, #tpu.memory_space<vmem>>, vector<1x16xf32>,
    %swap3A_255 = vector.shape_cast %swap3A_254 : vector<1x16xf32> to vector<16xf32>
    %swap3A_256 = vector.shape_cast %broadcast_in_dim3A_5 : vector<16xf32> to vector<1x16xf32>
    tpu.vector_store %arg6[%swap3A_252, %swap3A_253], %swap3A_256 {strides = array<i32>} : memref<208x128xf32, #tpu.memory_space<vmem>>, vector<1x16xf32>,
    %swap3A_257 = arith.constant 205 : i32
    %swap3A_258 = arith.index_cast %swap3A_257 : i32 to index
    %swap3A_259 = arith.constant 32 : index
    %swap3A_260 = tpu.vector_load %arg6[%swap3A_258, %swap3A_259] {strides = array<i32>} : memref<208x128xf32, #tpu.memory_space<vmem>>, vector<1x16xf32>,
    %swap3A_261 = vector.shape_cast %swap3A_260 : vector<1x16xf32> to vector<16xf32>
    %swap3A_262 = vector.shape_cast %broadcast_in_dim3A_5 : vector<16xf32> to vector<1x16xf32>
    tpu.vector_store %arg6[%swap3A_258, %swap3A_259], %swap3A_262 {strides = array<i32>} : memref<208x128xf32, #tpu.memory_space<vmem>>, vector<1x16xf32>,
    %swap3A_263 = arith.constant 205 : i32
    %swap3A_264 = arith.index_cast %swap3A_263 : i32 to index
    %swap3A_265 = arith.constant 48 : index
    %swap3A_266 = tpu.vector_load %arg6[%swap3A_264, %swap3A_265] {strides = array<i32>} : memref<208x128xf32, #tpu.memory_space<vmem>>, vector<1x16xf32>,
    %swap3A_267 = vector.shape_cast %swap3A_266 : vector<1x16xf32> to vector<16xf32>
    %swap3A_268 = vector.shape_cast %broadcast_in_dim3A_5 : vector<16xf32> to vector<1x16xf32>
    tpu.vector_store %arg6[%swap3A_264, %swap3A_265], %swap3A_268 {strides = array<i32>} : memref<208x128xf32, #tpu.memory_space<vmem>>, vector<1x16xf32>,
    %swap3A_269 = arith.constant 205 : i32
    %swap3A_270 = arith.index_cast %swap3A_269 : i32 to index
    %swap3A_271 = arith.constant 64 : index
    %swap3A_272 = tpu.vector_load %arg6[%swap3A_270, %swap3A_271] {strides = array<i32>} : memref<208x128xf32, #tpu.memory_space<vmem>>, vector<1x16xf32>,
    %swap3A_273 = vector.shape_cast %swap3A_272 : vector<1x16xf32> to vector<16xf32>
    %swap3A_274 = vector.shape_cast %broadcast_in_dim3A_5 : vector<16xf32> to vector<1x16xf32>
    tpu.vector_store %arg6[%swap3A_270, %swap3A_271], %swap3A_274 {strides = array<i32>} : memref<208x128xf32, #tpu.memory_space<vmem>>, vector<1x16xf32>,
    %swap3A_275 = arith.constant 205 : i32
    %swap3A_276 = arith.index_cast %swap3A_275 : i32 to index
    %swap3A_277 = arith.constant 80 : index
    %swap3A_278 = tpu.vector_load %arg6[%swap3A_276, %swap3A_277] {strides = array<i32>} : memref<208x128xf32, #tpu.memory_space<vmem>>, vector<1x16xf32>,
    %swap3A_279 = vector.shape_cast %swap3A_278 : vector<1x16xf32> to vector<16xf32>
    %swap3A_280 = vector.shape_cast %broadcast_in_dim3A_5 : vector<16xf32> to vector<1x16xf32>
    tpu.vector_store %arg6[%swap3A_276, %swap3A_277], %swap3A_280 {strides = array<i32>} : memref<208x128xf32, #tpu.memory_space<vmem>>, vector<1x16xf32>,
    %swap3A_281 = arith.constant 205 : i32
    %swap3A_282 = arith.index_cast %swap3A_281 : i32 to index
    %swap3A_283 = arith.constant 96 : index
    %swap3A_284 = tpu.vector_load %arg6[%swap3A_282, %swap3A_283] {strides = array<i32>} : memref<208x128xf32, #tpu.memory_space<vmem>>, vector<1x16xf32>,
    %swap3A_285 = vector.shape_cast %swap3A_284 : vector<1x16xf32> to vector<16xf32>
    %swap3A_286 = vector.shape_cast %broadcast_in_dim3A_5 : vector<16xf32> to vector<1x16xf32>
    tpu.vector_store %arg6[%swap3A_282, %swap3A_283], %swap3A_286 {strides = array<i32>} : memref<208x128xf32, #tpu.memory_space<vmem>>, vector<1x16xf32>,
    %swap3A_287 = arith.constant 205 : i32
    %swap3A_288 = arith.index_cast %swap3A_287 : i32 to index
    %swap3A_289 = arith.constant 112 : index
    %swap3A_290 = tpu.vector_load %arg6[%swap3A_288, %swap3A_289] {strides = array<i32>} : memref<208x128xf32, #tpu.memory_space<vmem>>, vector<1x16xf32>,
    %swap3A_291 = vector.shape_cast %swap3A_290 : vector<1x16xf32> to vector<16xf32>
    %swap3A_292 = vector.shape_cast %broadcast_in_dim3A_5 : vector<16xf32> to vector<1x16xf32>
    tpu.vector_store %arg6[%swap3A_288, %swap3A_289], %swap3A_292 {strides = array<i32>} : memref<208x128xf32, #tpu.memory_space<vmem>>, vector<1x16xf32>,
    %swap3A_293 = arith.constant 206 : i32
    %swap3A_294 = arith.index_cast %swap3A_293 : i32 to index
    %swap3A_295 = arith.constant 0 : index
    %swap3A_296 = tpu.vector_load %arg6[%swap3A_294, %swap3A_295] {strides = array<i32>} : memref<208x128xf32, #tpu.memory_space<vmem>>, vector<1x16xf32>,
    %swap3A_297 = vector.shape_cast %swap3A_296 : vector<1x16xf32> to vector<16xf32>
    %swap3A_298 = vector.shape_cast %broadcast_in_dim3A_5 : vector<16xf32> to vector<1x16xf32>
    tpu.vector_store %arg6[%swap3A_294, %swap3A_295], %swap3A_298 {strides = array<i32>} : memref<208x128xf32, #tpu.memory_space<vmem>>, vector<1x16xf32>,
    %swap3A_299 = arith.constant 206 : i32
    %swap3A_300 = arith.index_cast %swap3A_299 : i32 to index
    %swap3A_301 = arith.constant 16 : index
    %swap3A_302 = tpu.vector_load %arg6[%swap3A_300, %swap3A_301] {strides = array<i32>} : memref<208x128xf32, #tpu.memory_space<vmem>>, vector<1x16xf32>,
    %swap3A_303 = vector.shape_cast %swap3A_302 : vector<1x16xf32> to vector<16xf32>
    %swap3A_304 = vector.shape_cast %broadcast_in_dim3A_5 : vector<16xf32> to vector<1x16xf32>
    tpu.vector_store %arg6[%swap3A_300, %swap3A_301], %swap3A_304 {strides = array<i32>} : memref<208x128xf32, #tpu.memory_space<vmem>>, vector<1x16xf32>,
    %swap3A_305 = arith.constant 206 : i32
    %swap3A_306 = arith.index_cast %swap3A_305 : i32 to index
    %swap3A_307 = arith.constant 32 : index
    %swap3A_308 = tpu.vector_load %arg6[%swap3A_306, %swap3A_307] {strides = array<i32>} : memref<208x128xf32, #tpu.memory_space<vmem>>, vector<1x16xf32>,
    %swap3A_309 = vector.shape_cast %swap3A_308 : vector<1x16xf32> to vector<16xf32>
    %swap3A_310 = vector.shape_cast %broadcast_in_dim3A_5 : vector<16xf32> to vector<1x16xf32>
    tpu.vector_store %arg6[%swap3A_306, %swap3A_307], %swap3A_310 {strides = array<i32>} : memref<208x128xf32, #tpu.memory_space<vmem>>, vector<1x16xf32>,
    %swap3A_311 = arith.constant 206 : i32
    %swap3A_312 = arith.index_cast %swap3A_311 : i32 to index
    %swap3A_313 = arith.constant 48 : index
    %swap3A_314 = tpu.vector_load %arg6[%swap3A_312, %swap3A_313] {strides = array<i32>} : memref<208x128xf32, #tpu.memory_space<vmem>>, vector<1x16xf32>,
    %swap3A_315 = vector.shape_cast %swap3A_314 : vector<1x16xf32> to vector<16xf32>
    %swap3A_316 = vector.shape_cast %broadcast_in_dim3A_5 : vector<16xf32> to vector<1x16xf32>
    tpu.vector_store %arg6[%swap3A_312, %swap3A_313], %swap3A_316 {strides = array<i32>} : memref<208x128xf32, #tpu.memory_space<vmem>>, vector<1x16xf32>,
    %swap3A_317 = arith.constant 206 : i32
    %swap3A_318 = arith.index_cast %swap3A_317 : i32 to index
    %swap3A_319 = arith.constant 64 : index
    %swap3A_320 = tpu.vector_load %arg6[%swap3A_318, %swap3A_319] {strides = array<i32>} : memref<208x128xf32, #tpu.memory_space<vmem>>, vector<1x16xf32>,
    %swap3A_321 = vector.shape_cast %swap3A_320 : vector<1x16xf32> to vector<16xf32>
    %swap3A_322 = vector.shape_cast %broadcast_in_dim3A_5 : vector<16xf32> to vector<1x16xf32>
    tpu.vector_store %arg6[%swap3A_318, %swap3A_319], %swap3A_322 {strides = array<i32>} : memref<208x128xf32, #tpu.memory_space<vmem>>, vector<1x16xf32>,
    %swap3A_323 = arith.constant 206 : i32
    %swap3A_324 = arith.index_cast %swap3A_323 : i32 to index
    %swap3A_325 = arith.constant 80 : index
    %swap3A_326 = tpu.vector_load %arg6[%swap3A_324, %swap3A_325] {strides = array<i32>} : memref<208x128xf32, #tpu.memory_space<vmem>>, vector<1x16xf32>,
    %swap3A_327 = vector.shape_cast %swap3A_326 : vector<1x16xf32> to vector<16xf32>
    %swap3A_328 = vector.shape_cast %broadcast_in_dim3A_5 : vector<16xf32> to vector<1x16xf32>
    tpu.vector_store %arg6[%swap3A_324, %swap3A_325], %swap3A_328 {strides = array<i32>} : memref<208x128xf32, #tpu.memory_space<vmem>>, vector<1x16xf32>,
    %swap3A_329 = arith.constant 206 : i32
    %swap3A_330 = arith.index_cast %swap3A_329 : i32 to index
    %swap3A_331 = arith.constant 96 : index
    %swap3A_332 = tpu.vector_load %arg6[%swap3A_330, %swap3A_331] {strides = array<i32>} : memref<208x128xf32, #tpu.memory_space<vmem>>, vector<1x16xf32>,
    %swap3A_333 = vector.shape_cast %swap3A_332 : vector<1x16xf32> to vector<16xf32>
    %swap3A_334 = vector.shape_cast %broadcast_in_dim3A_5 : vector<16xf32> to vector<1x16xf32>
    tpu.vector_store %arg6[%swap3A_330, %swap3A_331], %swap3A_334 {strides = array<i32>} : memref<208x128xf32, #tpu.memory_space<vmem>>, vector<1x16xf32>,
    %swap3A_335 = arith.constant 206 : i32
    %swap3A_336 = arith.index_cast %swap3A_335 : i32 to index
    %swap3A_337 = arith.constant 112 : index
    %swap3A_338 = tpu.vector_load %arg6[%swap3A_336, %swap3A_337] {strides = array<i32>} : memref<208x128xf32, #tpu.memory_space<vmem>>, vector<1x16xf32>,
    %swap3A_339 = vector.shape_cast %swap3A_338 : vector<1x16xf32> to vector<16xf32>
    %swap3A_340 = vector.shape_cast %broadcast_in_dim3A_5 : vector<16xf32> to vector<1x16xf32>
    tpu.vector_store %arg6[%swap3A_336, %swap3A_337], %swap3A_340 {strides = array<i32>} : memref<208x128xf32, #tpu.memory_space<vmem>>, vector<1x16xf32>,
    %swap3A_341 = arith.constant 207 : i32
    %swap3A_342 = arith.index_cast %swap3A_341 : i32 to index
    %swap3A_343 = arith.constant 0 : index
    %swap3A_344 = tpu.vector_load %arg6[%swap3A_342, %swap3A_343] {strides = array<i32>} : memref<208x128xf32, #tpu.memory_space<vmem>>, vector<1x16xf32>,
    %swap3A_345 = vector.shape_cast %swap3A_344 : vector<1x16xf32> to vector<16xf32>
    %swap3A_346 = vector.shape_cast %broadcast_in_dim3A_5 : vector<16xf32> to vector<1x16xf32>
    tpu.vector_store %arg6[%swap3A_342, %swap3A_343], %swap3A_346 {strides = array<i32>} : memref<208x128xf32, #tpu.memory_space<vmem>>, vector<1x16xf32>,
    %swap3A_347 = arith.constant 207 : i32
    %swap3A_348 = arith.index_cast %swap3A_347 : i32 to index
    %swap3A_349 = arith.constant 16 : index
    %swap3A_350 = tpu.vector_load %arg6[%swap3A_348, %swap3A_349] {strides = array<i32>} : memref<208x128xf32, #tpu.memory_space<vmem>>, vector<1x16xf32>,
    %swap3A_351 = vector.shape_cast %swap3A_350 : vector<1x16xf32> to vector<16xf32>
    %swap3A_352 = vector.shape_cast %broadcast_in_dim3A_5 : vector<16xf32> to vector<1x16xf32>
    tpu.vector_store %arg6[%swap3A_348, %swap3A_349], %swap3A_352 {strides = array<i32>} : memref<208x128xf32, #tpu.memory_space<vmem>>, vector<1x16xf32>,
    %swap3A_353 = arith.constant 207 : i32
    %swap3A_354 = arith.index_cast %swap3A_353 : i32 to index
    %swap3A_355 = arith.constant 32 : index
    %swap3A_356 = tpu.vector_load %arg6[%swap3A_354, %swap3A_355] {strides = array<i32>} : memref<208x128xf32, #tpu.memory_space<vmem>>, vector<1x16xf32>,
    %swap3A_357 = vector.shape_cast %swap3A_356 : vector<1x16xf32> to vector<16xf32>
    %swap3A_358 = vector.shape_cast %broadcast_in_dim3A_5 : vector<16xf32> to vector<1x16xf32>
    tpu.vector_store %arg6[%swap3A_354, %swap3A_355], %swap3A_358 {strides = array<i32>} : memref<208x128xf32, #tpu.memory_space<vmem>>, vector<1x16xf32>,
    %swap3A_359 = arith.constant 207 : i32
    %swap3A_360 = arith.index_cast %swap3A_359 : i32 to index
    %swap3A_361 = arith.constant 48 : index
    %swap3A_362 = tpu.vector_load %arg6[%swap3A_360, %swap3A_361] {strides = array<i32>} : memref<208x128xf32, #tpu.memory_space<vmem>>, vector<1x16xf32>,
    %swap3A_363 = vector.shape_cast %swap3A_362 : vector<1x16xf32> to vector<16xf32>
    %swap3A_364 = vector.shape_cast %broadcast_in_dim3A_5 : vector<16xf32> to vector<1x16xf32>
    tpu.vector_store %arg6[%swap3A_360, %swap3A_361], %swap3A_364 {strides = array<i32>} : memref<208x128xf32, #tpu.memory_space<vmem>>, vector<1x16xf32>,
    %swap3A_365 = arith.constant 207 : i32
    %swap3A_366 = arith.index_cast %swap3A_365 : i32 to index
    %swap3A_367 = arith.constant 64 : index
    %swap3A_368 = tpu.vector_load %arg6[%swap3A_366, %swap3A_367] {strides = array<i32>} : memref<208x128xf32, #tpu.memory_space<vmem>>, vector<1x16xf32>,
    %swap3A_369 = vector.shape_cast %swap3A_368 : vector<1x16xf32> to vector<16xf32>
    %swap3A_370 = vector.shape_cast %broadcast_in_dim3A_5 : vector<16xf32> to vector<1x16xf32>
    tpu.vector_store %arg6[%swap3A_366, %swap3A_367], %swap3A_370 {strides = array<i32>} : memref<208x128xf32, #tpu.memory_space<vmem>>, vector<1x16xf32>,
    %swap3A_371 = arith.constant 207 : i32
    %swap3A_372 = arith.index_cast %swap3A_371 : i32 to index
    %swap3A_373 = arith.constant 80 : index
    %swap3A_374 = tpu.vector_load %arg6[%swap3A_372, %swap3A_373] {strides = array<i32>} : memref<208x128xf32, #tpu.memory_space<vmem>>, vector<1x16xf32>,
    %swap3A_375 = vector.shape_cast %swap3A_374 : vector<1x16xf32> to vector<16xf32>
    %swap3A_376 = vector.shape_cast %broadcast_in_dim3A_5 : vector<16xf32> to vector<1x16xf32>
    tpu.vector_store %arg6[%swap3A_372, %swap3A_373], %swap3A_376 {strides = array<i32>} : memref<208x128xf32, #tpu.memory_space<vmem>>, vector<1x16xf32>,
    %swap3A_377 = arith.constant 207 : i32
    %swap3A_378 = arith.index_cast %swap3A_377 : i32 to index
    %swap3A_379 = arith.constant 96 : index
    %swap3A_380 = tpu.vector_load %arg6[%swap3A_378, %swap3A_379] {strides = array<i32>} : memref<208x128xf32, #tpu.memory_space<vmem>>, vector<1x16xf32>,
    %swap3A_381 = vector.shape_cast %swap3A_380 : vector<1x16xf32> to vector<16xf32>
    %swap3A_382 = vector.shape_cast %broadcast_in_dim3A_5 : vector<16xf32> to vector<1x16xf32>
    tpu.vector_store %arg6[%swap3A_378, %swap3A_379], %swap3A_382 {strides = array<i32>} : memref<208x128xf32, #tpu.memory_space<vmem>>, vector<1x16xf32>,
    %swap3A_383 = arith.constant 207 : i32
    %swap3A_384 = arith.index_cast %swap3A_383 : i32 to index
    %swap3A_385 = arith.constant 112 : index
    %swap3A_386 = tpu.vector_load %arg6[%swap3A_384, %swap3A_385] {strides = array<i32>} : memref<208x128xf32, #tpu.memory_space<vmem>>, vector<1x16xf32>,
    %swap3A_387 = vector.shape_cast %swap3A_386 : vector<1x16xf32> to vector<16xf32>
    %swap3A_388 = vector.shape_cast %broadcast_in_dim3A_5 : vector<16xf32> to vector<1x16xf32>
    tpu.vector_store %arg6[%swap3A_384, %swap3A_385], %swap3A_388 {strides = array<i32>} : memref<208x128xf32, #tpu.memory_space<vmem>>, vector<1x16xf32>,
    %swap3A_389 = arith.constant 200 : i32
    %swap3A_390 = arith.index_cast %swap3A_389 : i32 to index
    %swap3A_391 = arith.constant 0 : index
    %swap3A_392 = tpu.vector_load %arg7[%swap3A_390, %swap3A_391] {strides = array<i32>} : memref<208x128xf32, #tpu.memory_space<vmem>>, vector<1x16xf32>,
    %swap3A_393 = vector.shape_cast %swap3A_392 : vector<1x16xf32> to vector<16xf32>
    %swap3A_394 = vector.shape_cast %broadcast_in_dim3A_5 : vector<16xf32> to vector<1x16xf32>
    tpu.vector_store %arg7[%swap3A_390, %swap3A_391], %swap3A_394 {strides = array<i32>} : memref<208x128xf32, #tpu.memory_space<vmem>>, vector<1x16xf32>,
    %swap3A_395 = arith.constant 200 : i32
    %swap3A_396 = arith.index_cast %swap3A_395 : i32 to index
    %swap3A_397 = arith.constant 16 : index
    %swap3A_398 = tpu.vector_load %arg7[%swap3A_396, %swap3A_397] {strides = array<i32>} : memref<208x128xf32, #tpu.memory_space<vmem>>, vector<1x16xf32>,
    %swap3A_399 = vector.shape_cast %swap3A_398 : vector<1x16xf32> to vector<16xf32>
    %swap3A_400 = vector.shape_cast %broadcast_in_dim3A_5 : vector<16xf32> to vector<1x16xf32>
    tpu.vector_store %arg7[%swap3A_396, %swap3A_397], %swap3A_400 {strides = array<i32>} : memref<208x128xf32, #tpu.memory_space<vmem>>, vector<1x16xf32>,
    %swap3A_401 = arith.constant 200 : i32
    %swap3A_402 = arith.index_cast %swap3A_401 : i32 to index
    %swap3A_403 = arith.constant 32 : index
    %swap3A_404 = tpu.vector_load %arg7[%swap3A_402, %swap3A_403] {strides = array<i32>} : memref<208x128xf32, #tpu.memory_space<vmem>>, vector<1x16xf32>,
    %swap3A_405 = vector.shape_cast %swap3A_404 : vector<1x16xf32> to vector<16xf32>
    %swap3A_406 = vector.shape_cast %broadcast_in_dim3A_5 : vector<16xf32> to vector<1x16xf32>
    tpu.vector_store %arg7[%swap3A_402, %swap3A_403], %swap3A_406 {strides = array<i32>} : memref<208x128xf32, #tpu.memory_space<vmem>>, vector<1x16xf32>,
    %swap3A_407 = arith.constant 200 : i32
    %swap3A_408 = arith.index_cast %swap3A_407 : i32 to index
    %swap3A_409 = arith.constant 48 : index
    %swap3A_410 = tpu.vector_load %arg7[%swap3A_408, %swap3A_409] {strides = array<i32>} : memref<208x128xf32, #tpu.memory_space<vmem>>, vector<1x16xf32>,
    %swap3A_411 = vector.shape_cast %swap3A_410 : vector<1x16xf32> to vector<16xf32>
    %swap3A_412 = vector.shape_cast %broadcast_in_dim3A_5 : vector<16xf32> to vector<1x16xf32>
    tpu.vector_store %arg7[%swap3A_408, %swap3A_409], %swap3A_412 {strides = array<i32>} : memref<208x128xf32, #tpu.memory_space<vmem>>, vector<1x16xf32>,
    %swap3A_413 = arith.constant 200 : i32
    %swap3A_414 = arith.index_cast %swap3A_413 : i32 to index
    %swap3A_415 = arith.constant 64 : index
    %swap3A_416 = tpu.vector_load %arg7[%swap3A_414, %swap3A_415] {strides = array<i32>} : memref<208x128xf32, #tpu.memory_space<vmem>>, vector<1x16xf32>,
    %swap3A_417 = vector.shape_cast %swap3A_416 : vector<1x16xf32> to vector<16xf32>
    %swap3A_418 = vector.shape_cast %broadcast_in_dim3A_5 : vector<16xf32> to vector<1x16xf32>
    tpu.vector_store %arg7[%swap3A_414, %swap3A_415], %swap3A_418 {strides = array<i32>} : memref<208x128xf32, #tpu.memory_space<vmem>>, vector<1x16xf32>,
    %swap3A_419 = arith.constant 200 : i32
    %swap3A_420 = arith.index_cast %swap3A_419 : i32 to index
    %swap3A_421 = arith.constant 80 : index
    %swap3A_422 = tpu.vector_load %arg7[%swap3A_420, %swap3A_421] {strides = array<i32>} : memref<208x128xf32, #tpu.memory_space<vmem>>, vector<1x16xf32>,
    %swap3A_423 = vector.shape_cast %swap3A_422 : vector<1x16xf32> to vector<16xf32>
    %swap3A_424 = vector.shape_cast %broadcast_in_dim3A_5 : vector<16xf32> to vector<1x16xf32>
    tpu.vector_store %arg7[%swap3A_420, %swap3A_421], %swap3A_424 {strides = array<i32>} : memref<208x128xf32, #tpu.memory_space<vmem>>, vector<1x16xf32>,
    %swap3A_425 = arith.constant 200 : i32
    %swap3A_426 = arith.index_cast %swap3A_425 : i32 to index
    %swap3A_427 = arith.constant 96 : index
    %swap3A_428 = tpu.vector_load %arg7[%swap3A_426, %swap3A_427] {strides = array<i32>} : memref<208x128xf32, #tpu.memory_space<vmem>>, vector<1x16xf32>,
    %swap3A_429 = vector.shape_cast %swap3A_428 : vector<1x16xf32> to vector<16xf32>
    %swap3A_430 = vector.shape_cast %broadcast_in_dim3A_5 : vector<16xf32> to vector<1x16xf32>
    tpu.vector_store %arg7[%swap3A_426, %swap3A_427], %swap3A_430 {strides = array<i32>} : memref<208x128xf32, #tpu.memory_space<vmem>>, vector<1x16xf32>,
    %swap3A_431 = arith.constant 200 : i32
    %swap3A_432 = arith.index_cast %swap3A_431 : i32 to index
    %swap3A_433 = arith.constant 112 : index
    %swap3A_434 = tpu.vector_load %arg7[%swap3A_432, %swap3A_433] {strides = array<i32>} : memref<208x128xf32, #tpu.memory_space<vmem>>, vector<1x16xf32>,
    %swap3A_435 = vector.shape_cast %swap3A_434 : vector<1x16xf32> to vector<16xf32>
    %swap3A_436 = vector.shape_cast %broadcast_in_dim3A_5 : vector<16xf32> to vector<1x16xf32>
    tpu.vector_store %arg7[%swap3A_432, %swap3A_433], %swap3A_436 {strides = array<i32>} : memref<208x128xf32, #tpu.memory_space<vmem>>, vector<1x16xf32>,
    %swap3A_437 = arith.constant 201 : i32
    %swap3A_438 = arith.index_cast %swap3A_437 : i32 to index
    %swap3A_439 = arith.constant 0 : index
    %swap3A_440 = tpu.vector_load %arg7[%swap3A_438, %swap3A_439] {strides = array<i32>} : memref<208x128xf32, #tpu.memory_space<vmem>>, vector<1x16xf32>,
    %swap3A_441 = vector.shape_cast %swap3A_440 : vector<1x16xf32> to vector<16xf32>
    %swap3A_442 = vector.shape_cast %broadcast_in_dim3A_5 : vector<16xf32> to vector<1x16xf32>
    tpu.vector_store %arg7[%swap3A_438, %swap3A_439], %swap3A_442 {strides = array<i32>} : memref<208x128xf32, #tpu.memory_space<vmem>>, vector<1x16xf32>,
    %swap3A_443 = arith.constant 201 : i32
    %swap3A_444 = arith.index_cast %swap3A_443 : i32 to index
    %swap3A_445 = arith.constant 16 : index
    %swap3A_446 = tpu.vector_load %arg7[%swap3A_444, %swap3A_445] {strides = array<i32>} : memref<208x128xf32, #tpu.memory_space<vmem>>, vector<1x16xf32>,
    %swap3A_447 = vector.shape_cast %swap3A_446 : vector<1x16xf32> to vector<16xf32>
    %swap3A_448 = vector.shape_cast %broadcast_in_dim3A_5 : vector<16xf32> to vector<1x16xf32>
    tpu.vector_store %arg7[%swap3A_444, %swap3A_445], %swap3A_448 {strides = array<i32>} : memref<208x128xf32, #tpu.memory_space<vmem>>, vector<1x16xf32>,
    %swap3A_449 = arith.constant 201 : i32
    %swap3A_450 = arith.index_cast %swap3A_449 : i32 to index
    %swap3A_451 = arith.constant 32 : index
    %swap3A_452 = tpu.vector_load %arg7[%swap3A_450, %swap3A_451] {strides = array<i32>} : memref<208x128xf32, #tpu.memory_space<vmem>>, vector<1x16xf32>,
    %swap3A_453 = vector.shape_cast %swap3A_452 : vector<1x16xf32> to vector<16xf32>
    %swap3A_454 = vector.shape_cast %broadcast_in_dim3A_5 : vector<16xf32> to vector<1x16xf32>
    tpu.vector_store %arg7[%swap3A_450, %swap3A_451], %swap3A_454 {strides = array<i32>} : memref<208x128xf32, #tpu.memory_space<vmem>>, vector<1x16xf32>,
    %swap3A_455 = arith.constant 201 : i32
    %swap3A_456 = arith.index_cast %swap3A_455 : i32 to index
    %swap3A_457 = arith.constant 48 : index
    %swap3A_458 = tpu.vector_load %arg7[%swap3A_456, %swap3A_457] {strides = array<i32>} : memref<208x128xf32, #tpu.memory_space<vmem>>, vector<1x16xf32>,
    %swap3A_459 = vector.shape_cast %swap3A_458 : vector<1x16xf32> to vector<16xf32>
    %swap3A_460 = vector.shape_cast %broadcast_in_dim3A_5 : vector<16xf32> to vector<1x16xf32>
    tpu.vector_store %arg7[%swap3A_456, %swap3A_457], %swap3A_460 {strides = array<i32>} : memref<208x128xf32, #tpu.memory_space<vmem>>, vector<1x16xf32>,
    %swap3A_461 = arith.constant 201 : i32
    %swap3A_462 = arith.index_cast %swap3A_461 : i32 to index
    %swap3A_463 = arith.constant 64 : index
    %swap3A_464 = tpu.vector_load %arg7[%swap3A_462, %swap3A_463] {strides = array<i32>} : memref<208x128xf32, #tpu.memory_space<vmem>>, vector<1x16xf32>,
    %swap3A_465 = vector.shape_cast %swap3A_464 : vector<1x16xf32> to vector<16xf32>
    %swap3A_466 = vector.shape_cast %broadcast_in_dim3A_5 : vector<16xf32> to vector<1x16xf32>
    tpu.vector_store %arg7[%swap3A_462, %swap3A_463], %swap3A_466 {strides = array<i32>} : memref<208x128xf32, #tpu.memory_space<vmem>>, vector<1x16xf32>,
    %swap3A_467 = arith.constant 201 : i32
    %swap3A_468 = arith.index_cast %swap3A_467 : i32 to index
    %swap3A_469 = arith.constant 80 : index
    %swap3A_470 = tpu.vector_load %arg7[%swap3A_468, %swap3A_469] {strides = array<i32>} : memref<208x128xf32, #tpu.memory_space<vmem>>, vector<1x16xf32>,
    %swap3A_471 = vector.shape_cast %swap3A_470 : vector<1x16xf32> to vector<16xf32>
    %swap3A_472 = vector.shape_cast %broadcast_in_dim3A_5 : vector<16xf32> to vector<1x16xf32>
    tpu.vector_store %arg7[%swap3A_468, %swap3A_469], %swap3A_472 {strides = array<i32>} : memref<208x128xf32, #tpu.memory_space<vmem>>, vector<1x16xf32>,
    %swap3A_473 = arith.constant 201 : i32
    %swap3A_474 = arith.index_cast %swap3A_473 : i32 to index
    %swap3A_475 = arith.constant 96 : index
    %swap3A_476 = tpu.vector_load %arg7[%swap3A_474, %swap3A_475] {strides = array<i32>} : memref<208x128xf32, #tpu.memory_space<vmem>>, vector<1x16xf32>,
    %swap3A_477 = vector.shape_cast %swap3A_476 : vector<1x16xf32> to vector<16xf32>
    %swap3A_478 = vector.shape_cast %broadcast_in_dim3A_5 : vector<16xf32> to vector<1x16xf32>
    tpu.vector_store %arg7[%swap3A_474, %swap3A_475], %swap3A_478 {strides = array<i32>} : memref<208x128xf32, #tpu.memory_space<vmem>>, vector<1x16xf32>,
    %swap3A_479 = arith.constant 201 : i32
    %swap3A_480 = arith.index_cast %swap3A_479 : i32 to index
    %swap3A_481 = arith.constant 112 : index
    %swap3A_482 = tpu.vector_load %arg7[%swap3A_480, %swap3A_481] {strides = array<i32>} : memref<208x128xf32, #tpu.memory_space<vmem>>, vector<1x16xf32>,
    %swap3A_483 = vector.shape_cast %swap3A_482 : vector<1x16xf32> to vector<16xf32>
    %swap3A_484 = vector.shape_cast %broadcast_in_dim3A_5 : vector<16xf32> to vector<1x16xf32>
    tpu.vector_store %arg7[%swap3A_480, %swap3A_481], %swap3A_484 {strides = array<i32>} : memref<208x128xf32, #tpu.memory_space<vmem>>, vector<1x16xf32>,
    %swap3A_485 = arith.constant 202 : i32
    %swap3A_486 = arith.index_cast %swap3A_485 : i32 to index
    %swap3A_487 = arith.constant 0 : index
    %swap3A_488 = tpu.vector_load %arg7[%swap3A_486, %swap3A_487] {strides = array<i32>} : memref<208x128xf32, #tpu.memory_space<vmem>>, vector<1x16xf32>,
    %swap3A_489 = vector.shape_cast %swap3A_488 : vector<1x16xf32> to vector<16xf32>
    %swap3A_490 = vector.shape_cast %broadcast_in_dim3A_5 : vector<16xf32> to vector<1x16xf32>
    tpu.vector_store %arg7[%swap3A_486, %swap3A_487], %swap3A_490 {strides = array<i32>} : memref<208x128xf32, #tpu.memory_space<vmem>>, vector<1x16xf32>,
    %swap3A_491 = arith.constant 202 : i32
    %swap3A_492 = arith.index_cast %swap3A_491 : i32 to index
    %swap3A_493 = arith.constant 16 : index
    %swap3A_494 = tpu.vector_load %arg7[%swap3A_492, %swap3A_493] {strides = array<i32>} : memref<208x128xf32, #tpu.memory_space<vmem>>, vector<1x16xf32>,
    %swap3A_495 = vector.shape_cast %swap3A_494 : vector<1x16xf32> to vector<16xf32>
    %swap3A_496 = vector.shape_cast %broadcast_in_dim3A_5 : vector<16xf32> to vector<1x16xf32>
    tpu.vector_store %arg7[%swap3A_492, %swap3A_493], %swap3A_496 {strides = array<i32>} : memref<208x128xf32, #tpu.memory_space<vmem>>, vector<1x16xf32>,
    %swap3A_497 = arith.constant 202 : i32
    %swap3A_498 = arith.index_cast %swap3A_497 : i32 to index
    %swap3A_499 = arith.constant 32 : index
    %swap3A_500 = tpu.vector_load %arg7[%swap3A_498, %swap3A_499] {strides = array<i32>} : memref<208x128xf32, #tpu.memory_space<vmem>>, vector<1x16xf32>,
    %swap3A_501 = vector.shape_cast %swap3A_500 : vector<1x16xf32> to vector<16xf32>
    %swap3A_502 = vector.shape_cast %broadcast_in_dim3A_5 : vector<16xf32> to vector<1x16xf32>
    tpu.vector_store %arg7[%swap3A_498, %swap3A_499], %swap3A_502 {strides = array<i32>} : memref<208x128xf32, #tpu.memory_space<vmem>>, vector<1x16xf32>,
    %swap3A_503 = arith.constant 202 : i32
    %swap3A_504 = arith.index_cast %swap3A_503 : i32 to index
    %swap3A_505 = arith.constant 48 : index
    %swap3A_506 = tpu.vector_load %arg7[%swap3A_504, %swap3A_505] {strides = array<i32>} : memref<208x128xf32, #tpu.memory_space<vmem>>, vector<1x16xf32>,
    %swap3A_507 = vector.shape_cast %swap3A_506 : vector<1x16xf32> to vector<16xf32>
    %swap3A_508 = vector.shape_cast %broadcast_in_dim3A_5 : vector<16xf32> to vector<1x16xf32>
    tpu.vector_store %arg7[%swap3A_504, %swap3A_505], %swap3A_508 {strides = array<i32>} : memref<208x128xf32, #tpu.memory_space<vmem>>, vector<1x16xf32>,
    %swap3A_509 = arith.constant 202 : i32
    %swap3A_510 = arith.index_cast %swap3A_509 : i32 to index
    %swap3A_511 = arith.constant 64 : index
    %swap3A_512 = tpu.vector_load %arg7[%swap3A_510, %swap3A_511] {strides = array<i32>} : memref<208x128xf32, #tpu.memory_space<vmem>>, vector<1x16xf32>,
    %swap3A_513 = vector.shape_cast %swap3A_512 : vector<1x16xf32> to vector<16xf32>
    %swap3A_514 = vector.shape_cast %broadcast_in_dim3A_5 : vector<16xf32> to vector<1x16xf32>
    tpu.vector_store %arg7[%swap3A_510, %swap3A_511], %swap3A_514 {strides = array<i32>} : memref<208x128xf32, #tpu.memory_space<vmem>>, vector<1x16xf32>,
    %swap3A_515 = arith.constant 202 : i32
    %swap3A_516 = arith.index_cast %swap3A_515 : i32 to index
    %swap3A_517 = arith.constant 80 : index
    %swap3A_518 = tpu.vector_load %arg7[%swap3A_516, %swap3A_517] {strides = array<i32>} : memref<208x128xf32, #tpu.memory_space<vmem>>, vector<1x16xf32>,
    %swap3A_519 = vector.shape_cast %swap3A_518 : vector<1x16xf32> to vector<16xf32>
    %swap3A_520 = vector.shape_cast %broadcast_in_dim3A_5 : vector<16xf32> to vector<1x16xf32>
    tpu.vector_store %arg7[%swap3A_516, %swap3A_517], %swap3A_520 {strides = array<i32>} : memref<208x128xf32, #tpu.memory_space<vmem>>, vector<1x16xf32>,
    %swap3A_521 = arith.constant 202 : i32
    %swap3A_522 = arith.index_cast %swap3A_521 : i32 to index
    %swap3A_523 = arith.constant 96 : index
    %swap3A_524 = tpu.vector_load %arg7[%swap3A_522, %swap3A_523] {strides = array<i32>} : memref<208x128xf32, #tpu.memory_space<vmem>>, vector<1x16xf32>,
    %swap3A_525 = vector.shape_cast %swap3A_524 : vector<1x16xf32> to vector<16xf32>
    %swap3A_526 = vector.shape_cast %broadcast_in_dim3A_5 : vector<16xf32> to vector<1x16xf32>
    tpu.vector_store %arg7[%swap3A_522, %swap3A_523], %swap3A_526 {strides = array<i32>} : memref<208x128xf32, #tpu.memory_space<vmem>>, vector<1x16xf32>,
    %swap3A_527 = arith.constant 202 : i32
    %swap3A_528 = arith.index_cast %swap3A_527 : i32 to index
    %swap3A_529 = arith.constant 112 : index
    %swap3A_530 = tpu.vector_load %arg7[%swap3A_528, %swap3A_529] {strides = array<i32>} : memref<208x128xf32, #tpu.memory_space<vmem>>, vector<1x16xf32>,
    %swap3A_531 = vector.shape_cast %swap3A_530 : vector<1x16xf32> to vector<16xf32>
    %swap3A_532 = vector.shape_cast %broadcast_in_dim3A_5 : vector<16xf32> to vector<1x16xf32>
    tpu.vector_store %arg7[%swap3A_528, %swap3A_529], %swap3A_532 {strides = array<i32>} : memref<208x128xf32, #tpu.memory_space<vmem>>, vector<1x16xf32>,
    %swap3A_533 = arith.constant 203 : i32
    %swap3A_534 = arith.index_cast %swap3A_533 : i32 to index
    %swap3A_535 = arith.constant 0 : index
    %swap3A_536 = tpu.vector_load %arg7[%swap3A_534, %swap3A_535] {strides = array<i32>} : memref<208x128xf32, #tpu.memory_space<vmem>>, vector<1x16xf32>,
    %swap3A_537 = vector.shape_cast %swap3A_536 : vector<1x16xf32> to vector<16xf32>
    %swap3A_538 = vector.shape_cast %broadcast_in_dim3A_5 : vector<16xf32> to vector<1x16xf32>
    tpu.vector_store %arg7[%swap3A_534, %swap3A_535], %swap3A_538 {strides = array<i32>} : memref<208x128xf32, #tpu.memory_space<vmem>>, vector<1x16xf32>,
    %swap3A_539 = arith.constant 203 : i32
    %swap3A_540 = arith.index_cast %swap3A_539 : i32 to index
    %swap3A_541 = arith.constant 16 : index
    %swap3A_542 = tpu.vector_load %arg7[%swap3A_540, %swap3A_541] {strides = array<i32>} : memref<208x128xf32, #tpu.memory_space<vmem>>, vector<1x16xf32>,
    %swap3A_543 = vector.shape_cast %swap3A_542 : vector<1x16xf32> to vector<16xf32>
    %swap3A_544 = vector.shape_cast %broadcast_in_dim3A_5 : vector<16xf32> to vector<1x16xf32>
    tpu.vector_store %arg7[%swap3A_540, %swap3A_541], %swap3A_544 {strides = array<i32>} : memref<208x128xf32, #tpu.memory_space<vmem>>, vector<1x16xf32>,
    %swap3A_545 = arith.constant 203 : i32
    %swap3A_546 = arith.index_cast %swap3A_545 : i32 to index
    %swap3A_547 = arith.constant 32 : index
    %swap3A_548 = tpu.vector_load %arg7[%swap3A_546, %swap3A_547] {strides = array<i32>} : memref<208x128xf32, #tpu.memory_space<vmem>>, vector<1x16xf32>,
    %swap3A_549 = vector.shape_cast %swap3A_548 : vector<1x16xf32> to vector<16xf32>
    %swap3A_550 = vector.shape_cast %broadcast_in_dim3A_5 : vector<16xf32> to vector<1x16xf32>
    tpu.vector_store %arg7[%swap3A_546, %swap3A_547], %swap3A_550 {strides = array<i32>} : memref<208x128xf32, #tpu.memory_space<vmem>>, vector<1x16xf32>,
    %swap3A_551 = arith.constant 203 : i32
    %swap3A_552 = arith.index_cast %swap3A_551 : i32 to index
    %swap3A_553 = arith.constant 48 : index
    %swap3A_554 = tpu.vector_load %arg7[%swap3A_552, %swap3A_553] {strides = array<i32>} : memref<208x128xf32, #tpu.memory_space<vmem>>, vector<1x16xf32>,
    %swap3A_555 = vector.shape_cast %swap3A_554 : vector<1x16xf32> to vector<16xf32>
    %swap3A_556 = vector.shape_cast %broadcast_in_dim3A_5 : vector<16xf32> to vector<1x16xf32>
    tpu.vector_store %arg7[%swap3A_552, %swap3A_553], %swap3A_556 {strides = array<i32>} : memref<208x128xf32, #tpu.memory_space<vmem>>, vector<1x16xf32>,
    %swap3A_557 = arith.constant 203 : i32
    %swap3A_558 = arith.index_cast %swap3A_557 : i32 to index
    %swap3A_559 = arith.constant 64 : index
    %swap3A_560 = tpu.vector_load %arg7[%swap3A_558, %swap3A_559] {strides = array<i32>} : memref<208x128xf32, #tpu.memory_space<vmem>>, vector<1x16xf32>,
    %swap3A_561 = vector.shape_cast %swap3A_560 : vector<1x16xf32> to vector<16xf32>
    %swap3A_562 = vector.shape_cast %broadcast_in_dim3A_5 : vector<16xf32> to vector<1x16xf32>
    tpu.vector_store %arg7[%swap3A_558, %swap3A_559], %swap3A_562 {strides = array<i32>} : memref<208x128xf32, #tpu.memory_space<vmem>>, vector<1x16xf32>,
    %swap3A_563 = arith.constant 203 : i32
    %swap3A_564 = arith.index_cast %swap3A_563 : i32 to index
    %swap3A_565 = arith.constant 80 : index
    %swap3A_566 = tpu.vector_load %arg7[%swap3A_564, %swap3A_565] {strides = array<i32>} : memref<208x128xf32, #tpu.memory_space<vmem>>, vector<1x16xf32>,
    %swap3A_567 = vector.shape_cast %swap3A_566 : vector<1x16xf32> to vector<16xf32>
    %swap3A_568 = vector.shape_cast %broadcast_in_dim3A_5 : vector<16xf32> to vector<1x16xf32>
    tpu.vector_store %arg7[%swap3A_564, %swap3A_565], %swap3A_568 {strides = array<i32>} : memref<208x128xf32, #tpu.memory_space<vmem>>, vector<1x16xf32>,
    %swap3A_569 = arith.constant 203 : i32
    %swap3A_570 = arith.index_cast %swap3A_569 : i32 to index
    %swap3A_571 = arith.constant 96 : index
    %swap3A_572 = tpu.vector_load %arg7[%swap3A_570, %swap3A_571] {strides = array<i32>} : memref<208x128xf32, #tpu.memory_space<vmem>>, vector<1x16xf32>,
    %swap3A_573 = vector.shape_cast %swap3A_572 : vector<1x16xf32> to vector<16xf32>
    %swap3A_574 = vector.shape_cast %broadcast_in_dim3A_5 : vector<16xf32> to vector<1x16xf32>
    tpu.vector_store %arg7[%swap3A_570, %swap3A_571], %swap3A_574 {strides = array<i32>} : memref<208x128xf32, #tpu.memory_space<vmem>>, vector<1x16xf32>,
    %swap3A_575 = arith.constant 203 : i32
    %swap3A_576 = arith.index_cast %swap3A_575 : i32 to index
    %swap3A_577 = arith.constant 112 : index
    %swap3A_578 = tpu.vector_load %arg7[%swap3A_576, %swap3A_577] {strides = array<i32>} : memref<208x128xf32, #tpu.memory_space<vmem>>, vector<1x16xf32>,
    %swap3A_579 = vector.shape_cast %swap3A_578 : vector<1x16xf32> to vector<16xf32>
    %swap3A_580 = vector.shape_cast %broadcast_in_dim3A_5 : vector<16xf32> to vector<1x16xf32>
    tpu.vector_store %arg7[%swap3A_576, %swap3A_577], %swap3A_580 {strides = array<i32>} : memref<208x128xf32, #tpu.memory_space<vmem>>, vector<1x16xf32>,
    %swap3A_581 = arith.constant 204 : i32
    %swap3A_582 = arith.index_cast %swap3A_581 : i32 to index
    %swap3A_583 = arith.constant 0 : index
    %swap3A_584 = tpu.vector_load %arg7[%swap3A_582, %swap3A_583] {strides = array<i32>} : memref<208x128xf32, #tpu.memory_space<vmem>>, vector<1x16xf32>,
    %swap3A_585 = vector.shape_cast %swap3A_584 : vector<1x16xf32> to vector<16xf32>
    %swap3A_586 = vector.shape_cast %broadcast_in_dim3A_5 : vector<16xf32> to vector<1x16xf32>
    tpu.vector_store %arg7[%swap3A_582, %swap3A_583], %swap3A_586 {strides = array<i32>} : memref<208x128xf32, #tpu.memory_space<vmem>>, vector<1x16xf32>,
    %swap3A_587 = arith.constant 204 : i32
    %swap3A_588 = arith.index_cast %swap3A_587 : i32 to index
    %swap3A_589 = arith.constant 16 : index
    %swap3A_590 = tpu.vector_load %arg7[%swap3A_588, %swap3A_589] {strides = array<i32>} : memref<208x128xf32, #tpu.memory_space<vmem>>, vector<1x16xf32>,
    %swap3A_591 = vector.shape_cast %swap3A_590 : vector<1x16xf32> to vector<16xf32>
    %swap3A_592 = vector.shape_cast %broadcast_in_dim3A_5 : vector<16xf32> to vector<1x16xf32>
    tpu.vector_store %arg7[%swap3A_588, %swap3A_589], %swap3A_592 {strides = array<i32>} : memref<208x128xf32, #tpu.memory_space<vmem>>, vector<1x16xf32>,
    %swap3A_593 = arith.constant 204 : i32
    %swap3A_594 = arith.index_cast %swap3A_593 : i32 to index
    %swap3A_595 = arith.constant 32 : index
    %swap3A_596 = tpu.vector_load %arg7[%swap3A_594, %swap3A_595] {strides = array<i32>} : memref<208x128xf32, #tpu.memory_space<vmem>>, vector<1x16xf32>,
    %swap3A_597 = vector.shape_cast %swap3A_596 : vector<1x16xf32> to vector<16xf32>
    %swap3A_598 = vector.shape_cast %broadcast_in_dim3A_5 : vector<16xf32> to vector<1x16xf32>
    tpu.vector_store %arg7[%swap3A_594, %swap3A_595], %swap3A_598 {strides = array<i32>} : memref<208x128xf32, #tpu.memory_space<vmem>>, vector<1x16xf32>,
    %swap3A_599 = arith.constant 204 : i32
    %swap3A_600 = arith.index_cast %swap3A_599 : i32 to index
    %swap3A_601 = arith.constant 48 : index
    %swap3A_602 = tpu.vector_load %arg7[%swap3A_600, %swap3A_601] {strides = array<i32>} : memref<208x128xf32, #tpu.memory_space<vmem>>, vector<1x16xf32>,
    %swap3A_603 = vector.shape_cast %swap3A_602 : vector<1x16xf32> to vector<16xf32>
    %swap3A_604 = vector.shape_cast %broadcast_in_dim3A_5 : vector<16xf32> to vector<1x16xf32>
    tpu.vector_store %arg7[%swap3A_600, %swap3A_601], %swap3A_604 {strides = array<i32>} : memref<208x128xf32, #tpu.memory_space<vmem>>, vector<1x16xf32>,
    %swap3A_605 = arith.constant 204 : i32
    %swap3A_606 = arith.index_cast %swap3A_605 : i32 to index
    %swap3A_607 = arith.constant 64 : index
    %swap3A_608 = tpu.vector_load %arg7[%swap3A_606, %swap3A_607] {strides = array<i32>} : memref<208x128xf32, #tpu.memory_space<vmem>>, vector<1x16xf32>,
    %swap3A_609 = vector.shape_cast %swap3A_608 : vector<1x16xf32> to vector<16xf32>
    %swap3A_610 = vector.shape_cast %broadcast_in_dim3A_5 : vector<16xf32> to vector<1x16xf32>
    tpu.vector_store %arg7[%swap3A_606, %swap3A_607], %swap3A_610 {strides = array<i32>} : memref<208x128xf32, #tpu.memory_space<vmem>>, vector<1x16xf32>,
    %swap3A_611 = arith.constant 204 : i32
    %swap3A_612 = arith.index_cast %swap3A_611 : i32 to index
    %swap3A_613 = arith.constant 80 : index
    %swap3A_614 = tpu.vector_load %arg7[%swap3A_612, %swap3A_613] {strides = array<i32>} : memref<208x128xf32, #tpu.memory_space<vmem>>, vector<1x16xf32>,
    %swap3A_615 = vector.shape_cast %swap3A_614 : vector<1x16xf32> to vector<16xf32>
    %swap3A_616 = vector.shape_cast %broadcast_in_dim3A_5 : vector<16xf32> to vector<1x16xf32>
    tpu.vector_store %arg7[%swap3A_612, %swap3A_613], %swap3A_616 {strides = array<i32>} : memref<208x128xf32, #tpu.memory_space<vmem>>, vector<1x16xf32>,
    %swap3A_617 = arith.constant 204 : i32
    %swap3A_618 = arith.index_cast %swap3A_617 : i32 to index
    %swap3A_619 = arith.constant 96 : index
    %swap3A_620 = tpu.vector_load %arg7[%swap3A_618, %swap3A_619] {strides = array<i32>} : memref<208x128xf32, #tpu.memory_space<vmem>>, vector<1x16xf32>,
    %swap3A_621 = vector.shape_cast %swap3A_620 : vector<1x16xf32> to vector<16xf32>
    %swap3A_622 = vector.shape_cast %broadcast_in_dim3A_5 : vector<16xf32> to vector<1x16xf32>
    tpu.vector_store %arg7[%swap3A_618, %swap3A_619], %swap3A_622 {strides = array<i32>} : memref<208x128xf32, #tpu.memory_space<vmem>>, vector<1x16xf32>,
    %swap3A_623 = arith.constant 204 : i32
    %swap3A_624 = arith.index_cast %swap3A_623 : i32 to index
    %swap3A_625 = arith.constant 112 : index
    %swap3A_626 = tpu.vector_load %arg7[%swap3A_624, %swap3A_625] {strides = array<i32>} : memref<208x128xf32, #tpu.memory_space<vmem>>, vector<1x16xf32>,
    %swap3A_627 = vector.shape_cast %swap3A_626 : vector<1x16xf32> to vector<16xf32>
    %swap3A_628 = vector.shape_cast %broadcast_in_dim3A_5 : vector<16xf32> to vector<1x16xf32>
    tpu.vector_store %arg7[%swap3A_624, %swap3A_625], %swap3A_628 {strides = array<i32>} : memref<208x128xf32, #tpu.memory_space<vmem>>, vector<1x16xf32>,
    %swap3A_629 = arith.constant 205 : i32
    %swap3A_630 = arith.index_cast %swap3A_629 : i32 to index
    %swap3A_631 = arith.constant 0 : index
    %swap3A_632 = tpu.vector_load %arg7[%swap3A_630, %swap3A_631] {strides = array<i32>} : memref<208x128xf32, #tpu.memory_space<vmem>>, vector<1x16xf32>,
    %swap3A_633 = vector.shape_cast %swap3A_632 : vector<1x16xf32> to vector<16xf32>
    %swap3A_634 = vector.shape_cast %broadcast_in_dim3A_5 : vector<16xf32> to vector<1x16xf32>
    tpu.vector_store %arg7[%swap3A_630, %swap3A_631], %swap3A_634 {strides = array<i32>} : memref<208x128xf32, #tpu.memory_space<vmem>>, vector<1x16xf32>,
    %swap3A_635 = arith.constant 205 : i32
    %swap3A_636 = arith.index_cast %swap3A_635 : i32 to index
    %swap3A_637 = arith.constant 16 : index
    %swap3A_638 = tpu.vector_load %arg7[%swap3A_636, %swap3A_637] {strides = array<i32>} : memref<208x128xf32, #tpu.memory_space<vmem>>, vector<1x16xf32>,
    %swap3A_639 = vector.shape_cast %swap3A_638 : vector<1x16xf32> to vector<16xf32>
    %swap3A_640 = vector.shape_cast %broadcast_in_dim3A_5 : vector<16xf32> to vector<1x16xf32>
    tpu.vector_store %arg7[%swap3A_636, %swap3A_637], %swap3A_640 {strides = array<i32>} : memref<208x128xf32, #tpu.memory_space<vmem>>, vector<1x16xf32>,
    %swap3A_641 = arith.constant 205 : i32
    %swap3A_642 = arith.index_cast %swap3A_641 : i32 to index
    %swap3A_643 = arith.constant 32 : index
    %swap3A_644 = tpu.vector_load %arg7[%swap3A_642, %swap3A_643] {strides = array<i32>} : memref<208x128xf32, #tpu.memory_space<vmem>>, vector<1x16xf32>,
    %swap3A_645 = vector.shape_cast %swap3A_644 : vector<1x16xf32> to vector<16xf32>
    %swap3A_646 = vector.shape_cast %broadcast_in_dim3A_5 : vector<16xf32> to vector<1x16xf32>
    tpu.vector_store %arg7[%swap3A_642, %swap3A_643], %swap3A_646 {strides = array<i32>} : memref<208x128xf32, #tpu.memory_space<vmem>>, vector<1x16xf32>,
    %swap3A_647 = arith.constant 205 : i32
    %swap3A_648 = arith.index_cast %swap3A_647 : i32 to index
    %swap3A_649 = arith.constant 48 : index
    %swap3A_650 = tpu.vector_load %arg7[%swap3A_648, %swap3A_649] {strides = array<i32>} : memref<208x128xf32, #tpu.memory_space<vmem>>, vector<1x16xf32>,
    %swap3A_651 = vector.shape_cast %swap3A_650 : vector<1x16xf32> to vector<16xf32>
    %swap3A_652 = vector.shape_cast %broadcast_in_dim3A_5 : vector<16xf32> to vector<1x16xf32>
    tpu.vector_store %arg7[%swap3A_648, %swap3A_649], %swap3A_652 {strides = array<i32>} : memref<208x128xf32, #tpu.memory_space<vmem>>, vector<1x16xf32>,
    %swap3A_653 = arith.constant 205 : i32
    %swap3A_654 = arith.index_cast %swap3A_653 : i32 to index
    %swap3A_655 = arith.constant 64 : index
    %swap3A_656 = tpu.vector_load %arg7[%swap3A_654, %swap3A_655] {strides = array<i32>} : memref<208x128xf32, #tpu.memory_space<vmem>>, vector<1x16xf32>,
    %swap3A_657 = vector.shape_cast %swap3A_656 : vector<1x16xf32> to vector<16xf32>
    %swap3A_658 = vector.shape_cast %broadcast_in_dim3A_5 : vector<16xf32> to vector<1x16xf32>
    tpu.vector_store %arg7[%swap3A_654, %swap3A_655], %swap3A_658 {strides = array<i32>} : memref<208x128xf32, #tpu.memory_space<vmem>>, vector<1x16xf32>,
    %swap3A_659 = arith.constant 205 : i32
    %swap3A_660 = arith.index_cast %swap3A_659 : i32 to index
    %swap3A_661 = arith.constant 80 : index
    %swap3A_662 = tpu.vector_load %arg7[%swap3A_660, %swap3A_661] {strides = array<i32>} : memref<208x128xf32, #tpu.memory_space<vmem>>, vector<1x16xf32>,
    %swap3A_663 = vector.shape_cast %swap3A_662 : vector<1x16xf32> to vector<16xf32>
    %swap3A_664 = vector.shape_cast %broadcast_in_dim3A_5 : vector<16xf32> to vector<1x16xf32>
    tpu.vector_store %arg7[%swap3A_660, %swap3A_661], %swap3A_664 {strides = array<i32>} : memref<208x128xf32, #tpu.memory_space<vmem>>, vector<1x16xf32>,
    %swap3A_665 = arith.constant 205 : i32
    %swap3A_666 = arith.index_cast %swap3A_665 : i32 to index
    %swap3A_667 = arith.constant 96 : index
    %swap3A_668 = tpu.vector_load %arg7[%swap3A_666, %swap3A_667] {strides = array<i32>} : memref<208x128xf32, #tpu.memory_space<vmem>>, vector<1x16xf32>,
    %swap3A_669 = vector.shape_cast %swap3A_668 : vector<1x16xf32> to vector<16xf32>
    %swap3A_670 = vector.shape_cast %broadcast_in_dim3A_5 : vector<16xf32> to vector<1x16xf32>
    tpu.vector_store %arg7[%swap3A_666, %swap3A_667], %swap3A_670 {strides = array<i32>} : memref<208x128xf32, #tpu.memory_space<vmem>>, vector<1x16xf32>,
    %swap3A_671 = arith.constant 205 : i32
    %swap3A_672 = arith.index_cast %swap3A_671 : i32 to index
    %swap3A_673 = arith.constant 112 : index
    %swap3A_674 = tpu.vector_load %arg7[%swap3A_672, %swap3A_673] {strides = array<i32>} : memref<208x128xf32, #tpu.memory_space<vmem>>, vector<1x16xf32>,
    %swap3A_675 = vector.shape_cast %swap3A_674 : vector<1x16xf32> to vector<16xf32>
    %swap3A_676 = vector.shape_cast %broadcast_in_dim3A_5 : vector<16xf32> to vector<1x16xf32>
    tpu.vector_store %arg7[%swap3A_672, %swap3A_673], %swap3A_676 {strides = array<i32>} : memref<208x128xf32, #tpu.memory_space<vmem>>, vector<1x16xf32>,
    %swap3A_677 = arith.constant 206 : i32
    %swap3A_678 = arith.index_cast %swap3A_677 : i32 to index
    %swap3A_679 = arith.constant 0 : index
    %swap3A_680 = tpu.vector_load %arg7[%swap3A_678, %swap3A_679] {strides = array<i32>} : memref<208x128xf32, #tpu.memory_space<vmem>>, vector<1x16xf32>,
    %swap3A_681 = vector.shape_cast %swap3A_680 : vector<1x16xf32> to vector<16xf32>
    %swap3A_682 = vector.shape_cast %broadcast_in_dim3A_5 : vector<16xf32> to vector<1x16xf32>
    tpu.vector_store %arg7[%swap3A_678, %swap3A_679], %swap3A_682 {strides = array<i32>} : memref<208x128xf32, #tpu.memory_space<vmem>>, vector<1x16xf32>,
    %swap3A_683 = arith.constant 206 : i32
    %swap3A_684 = arith.index_cast %swap3A_683 : i32 to index
    %swap3A_685 = arith.constant 16 : index
    %swap3A_686 = tpu.vector_load %arg7[%swap3A_684, %swap3A_685] {strides = array<i32>} : memref<208x128xf32, #tpu.memory_space<vmem>>, vector<1x16xf32>,
    %swap3A_687 = vector.shape_cast %swap3A_686 : vector<1x16xf32> to vector<16xf32>
    %swap3A_688 = vector.shape_cast %broadcast_in_dim3A_5 : vector<16xf32> to vector<1x16xf32>
    tpu.vector_store %arg7[%swap3A_684, %swap3A_685], %swap3A_688 {strides = array<i32>} : memref<208x128xf32, #tpu.memory_space<vmem>>, vector<1x16xf32>,
    %swap3A_689 = arith.constant 206 : i32
    %swap3A_690 = arith.index_cast %swap3A_689 : i32 to index
    %swap3A_691 = arith.constant 32 : index
    %swap3A_692 = tpu.vector_load %arg7[%swap3A_690, %swap3A_691] {strides = array<i32>} : memref<208x128xf32, #tpu.memory_space<vmem>>, vector<1x16xf32>,
    %swap3A_693 = vector.shape_cast %swap3A_692 : vector<1x16xf32> to vector<16xf32>
    %swap3A_694 = vector.shape_cast %broadcast_in_dim3A_5 : vector<16xf32> to vector<1x16xf32>
    tpu.vector_store %arg7[%swap3A_690, %swap3A_691], %swap3A_694 {strides = array<i32>} : memref<208x128xf32, #tpu.memory_space<vmem>>, vector<1x16xf32>,
    %swap3A_695 = arith.constant 206 : i32
    %swap3A_696 = arith.index_cast %swap3A_695 : i32 to index
    %swap3A_697 = arith.constant 48 : index
    %swap3A_698 = tpu.vector_load %arg7[%swap3A_696, %swap3A_697] {strides = array<i32>} : memref<208x128xf32, #tpu.memory_space<vmem>>, vector<1x16xf32>,
    %swap3A_699 = vector.shape_cast %swap3A_698 : vector<1x16xf32> to vector<16xf32>
    %swap3A_700 = vector.shape_cast %broadcast_in_dim3A_5 : vector<16xf32> to vector<1x16xf32>
    tpu.vector_store %arg7[%swap3A_696, %swap3A_697], %swap3A_700 {strides = array<i32>} : memref<208x128xf32, #tpu.memory_space<vmem>>, vector<1x16xf32>,
    %swap3A_701 = arith.constant 206 : i32
    %swap3A_702 = arith.index_cast %swap3A_701 : i32 to index
    %swap3A_703 = arith.constant 64 : index
    %swap3A_704 = tpu.vector_load %arg7[%swap3A_702, %swap3A_703] {strides = array<i32>} : memref<208x128xf32, #tpu.memory_space<vmem>>, vector<1x16xf32>,
    %swap3A_705 = vector.shape_cast %swap3A_704 : vector<1x16xf32> to vector<16xf32>
    %swap3A_706 = vector.shape_cast %broadcast_in_dim3A_5 : vector<16xf32> to vector<1x16xf32>
    tpu.vector_store %arg7[%swap3A_702, %swap3A_703], %swap3A_706 {strides = array<i32>} : memref<208x128xf32, #tpu.memory_space<vmem>>, vector<1x16xf32>,
    %swap3A_707 = arith.constant 206 : i32
    %swap3A_708 = arith.index_cast %swap3A_707 : i32 to index
    %swap3A_709 = arith.constant 80 : index
    %swap3A_710 = tpu.vector_load %arg7[%swap3A_708, %swap3A_709] {strides = array<i32>} : memref<208x128xf32, #tpu.memory_space<vmem>>, vector<1x16xf32>,
    %swap3A_711 = vector.shape_cast %swap3A_710 : vector<1x16xf32> to vector<16xf32>
    %swap3A_712 = vector.shape_cast %broadcast_in_dim3A_5 : vector<16xf32> to vector<1x16xf32>
    tpu.vector_store %arg7[%swap3A_708, %swap3A_709], %swap3A_712 {strides = array<i32>} : memref<208x128xf32, #tpu.memory_space<vmem>>, vector<1x16xf32>,
    %swap3A_713 = arith.constant 206 : i32
    %swap3A_714 = arith.index_cast %swap3A_713 : i32 to index
    %swap3A_715 = arith.constant 96 : index
    %swap3A_716 = tpu.vector_load %arg7[%swap3A_714, %swap3A_715] {strides = array<i32>} : memref<208x128xf32, #tpu.memory_space<vmem>>, vector<1x16xf32>,
    %swap3A_717 = vector.shape_cast %swap3A_716 : vector<1x16xf32> to vector<16xf32>
    %swap3A_718 = vector.shape_cast %broadcast_in_dim3A_5 : vector<16xf32> to vector<1x16xf32>
    tpu.vector_store %arg7[%swap3A_714, %swap3A_715], %swap3A_718 {strides = array<i32>} : memref<208x128xf32, #tpu.memory_space<vmem>>, vector<1x16xf32>,
    %swap3A_719 = arith.constant 206 : i32
    %swap3A_720 = arith.index_cast %swap3A_719 : i32 to index
    %swap3A_721 = arith.constant 112 : index
    %swap3A_722 = tpu.vector_load %arg7[%swap3A_720, %swap3A_721] {strides = array<i32>} : memref<208x128xf32, #tpu.memory_space<vmem>>, vector<1x16xf32>,
    %swap3A_723 = vector.shape_cast %swap3A_722 : vector<1x16xf32> to vector<16xf32>
    %swap3A_724 = vector.shape_cast %broadcast_in_dim3A_5 : vector<16xf32> to vector<1x16xf32>
    tpu.vector_store %arg7[%swap3A_720, %swap3A_721], %swap3A_724 {strides = array<i32>} : memref<208x128xf32, #tpu.memory_space<vmem>>, vector<1x16xf32>,
    %swap3A_725 = arith.constant 207 : i32
    %swap3A_726 = arith.index_cast %swap3A_725 : i32 to index
    %swap3A_727 = arith.constant 0 : index
    %swap3A_728 = tpu.vector_load %arg7[%swap3A_726, %swap3A_727] {strides = array<i32>} : memref<208x128xf32, #tpu.memory_space<vmem>>, vector<1x16xf32>,
    %swap3A_729 = vector.shape_cast %swap3A_728 : vector<1x16xf32> to vector<16xf32>
    %swap3A_730 = vector.shape_cast %broadcast_in_dim3A_5 : vector<16xf32> to vector<1x16xf32>
    tpu.vector_store %arg7[%swap3A_726, %swap3A_727], %swap3A_730 {strides = array<i32>} : memref<208x128xf32, #tpu.memory_space<vmem>>, vector<1x16xf32>,
    %swap3A_731 = arith.constant 207 : i32
    %swap3A_732 = arith.index_cast %swap3A_731 : i32 to index
    %swap3A_733 = arith.constant 16 : index
    %swap3A_734 = tpu.vector_load %arg7[%swap3A_732, %swap3A_733] {strides = array<i32>} : memref<208x128xf32, #tpu.memory_space<vmem>>, vector<1x16xf32>,
    %swap3A_735 = vector.shape_cast %swap3A_734 : vector<1x16xf32> to vector<16xf32>
    %swap3A_736 = vector.shape_cast %broadcast_in_dim3A_5 : vector<16xf32> to vector<1x16xf32>
    tpu.vector_store %arg7[%swap3A_732, %swap3A_733], %swap3A_736 {strides = array<i32>} : memref<208x128xf32, #tpu.memory_space<vmem>>, vector<1x16xf32>,
    %swap3A_737 = arith.constant 207 : i32
    %swap3A_738 = arith.index_cast %swap3A_737 : i32 to index
    %swap3A_739 = arith.constant 32 : index
    %swap3A_740 = tpu.vector_load %arg7[%swap3A_738, %swap3A_739] {strides = array<i32>} : memref<208x128xf32, #tpu.memory_space<vmem>>, vector<1x16xf32>,
    %swap3A_741 = vector.shape_cast %swap3A_740 : vector<1x16xf32> to vector<16xf32>
    %swap3A_742 = vector.shape_cast %broadcast_in_dim3A_5 : vector<16xf32> to vector<1x16xf32>
    tpu.vector_store %arg7[%swap3A_738, %swap3A_739], %swap3A_742 {strides = array<i32>} : memref<208x128xf32, #tpu.memory_space<vmem>>, vector<1x16xf32>,
    %swap3A_743 = arith.constant 207 : i32
    %swap3A_744 = arith.index_cast %swap3A_743 : i32 to index
    %swap3A_745 = arith.constant 48 : index
    %swap3A_746 = tpu.vector_load %arg7[%swap3A_744, %swap3A_745] {strides = array<i32>} : memref<208x128xf32, #tpu.memory_space<vmem>>, vector<1x16xf32>,
    %swap3A_747 = vector.shape_cast %swap3A_746 : vector<1x16xf32> to vector<16xf32>
    %swap3A_748 = vector.shape_cast %broadcast_in_dim3A_5 : vector<16xf32> to vector<1x16xf32>
    tpu.vector_store %arg7[%swap3A_744, %swap3A_745], %swap3A_748 {strides = array<i32>} : memref<208x128xf32, #tpu.memory_space<vmem>>, vector<1x16xf32>,
    %swap3A_749 = arith.constant 207 : i32
    %swap3A_750 = arith.index_cast %swap3A_749 : i32 to index
    %swap3A_751 = arith.constant 64 : index
    %swap3A_752 = tpu.vector_load %arg7[%swap3A_750, %swap3A_751] {strides = array<i32>} : memref<208x128xf32, #tpu.memory_space<vmem>>, vector<1x16xf32>,
    %swap3A_753 = vector.shape_cast %swap3A_752 : vector<1x16xf32> to vector<16xf32>
    %swap3A_754 = vector.shape_cast %broadcast_in_dim3A_5 : vector<16xf32> to vector<1x16xf32>
    tpu.vector_store %arg7[%swap3A_750, %swap3A_751], %swap3A_754 {strides = array<i32>} : memref<208x128xf32, #tpu.memory_space<vmem>>, vector<1x16xf32>,
    %swap3A_755 = arith.constant 207 : i32
    %swap3A_756 = arith.index_cast %swap3A_755 : i32 to index
    %swap3A_757 = arith.constant 80 : index
    %swap3A_758 = tpu.vector_load %arg7[%swap3A_756, %swap3A_757] {strides = array<i32>} : memref<208x128xf32, #tpu.memory_space<vmem>>, vector<1x16xf32>,
    %swap3A_759 = vector.shape_cast %swap3A_758 : vector<1x16xf32> to vector<16xf32>
    %swap3A_760 = vector.shape_cast %broadcast_in_dim3A_5 : vector<16xf32> to vector<1x16xf32>
    tpu.vector_store %arg7[%swap3A_756, %swap3A_757], %swap3A_760 {strides = array<i32>} : memref<208x128xf32, #tpu.memory_space<vmem>>, vector<1x16xf32>,
    %swap3A_761 = arith.constant 207 : i32
    %swap3A_762 = arith.index_cast %swap3A_761 : i32 to index
    %swap3A_763 = arith.constant 96 : index
    %swap3A_764 = tpu.vector_load %arg7[%swap3A_762, %swap3A_763] {strides = array<i32>} : memref<208x128xf32, #tpu.memory_space<vmem>>, vector<1x16xf32>,
    %swap3A_765 = vector.shape_cast %swap3A_764 : vector<1x16xf32> to vector<16xf32>
    %swap3A_766 = vector.shape_cast %broadcast_in_dim3A_5 : vector<16xf32> to vector<1x16xf32>
    tpu.vector_store %arg7[%swap3A_762, %swap3A_763], %swap3A_766 {strides = array<i32>} : memref<208x128xf32, #tpu.memory_space<vmem>>, vector<1x16xf32>,
    %swap3A_767 = arith.constant 207 : i32
    %swap3A_768 = arith.index_cast %swap3A_767 : i32 to index
    %swap3A_769 = arith.constant 112 : index
    %swap3A_770 = tpu.vector_load %arg7[%swap3A_768, %swap3A_769] {strides = array<i32>} : memref<208x128xf32, #tpu.memory_space<vmem>>, vector<1x16xf32>,
    %swap3A_771 = vector.shape_cast %swap3A_770 : vector<1x16xf32> to vector<16xf32>
    %swap3A_772 = vector.shape_cast %broadcast_in_dim3A_5 : vector<16xf32> to vector<1x16xf32>
    tpu.vector_store %arg7[%swap3A_768, %swap3A_769], %swap3A_772 {strides = array<i32>} : memref<208x128xf32, #tpu.memory_space<vmem>>, vector<1x16xf32>,
    %get3A = arith.constant 0 : index
    %get3A_773 = tpu.vector_load %arg5[%get3A] {strides = array<i32>} : memref<32768xi32, #tpu.memory_space<vmem>>, vector<16xi32>,
    %get3A_774 = vector.shape_cast %get3A_773 : vector<16xi32> to vector<16xi32>
    %ge3A = arith.constant 503808 : i32
    %ge3A_775 = vector.broadcast %ge3A : i32 to vector<16xi32>
    %ge3A_776 = arith.cmpi sge, %get3A_774, %ge3A_775 : vector<16xi32>
    %jit3A = arith.constant 503808 : i32
    %jit3A_777 = arith.constant 0 : i32
    %broadcast_in_dim3A_778 = vector.broadcast %jit3A : i32 to vector<16xi32>
    %broadcast_in_dim3A_779 = vector.broadcast %jit3A_777 : i32 to vector<16xi32>
    %select_n3A = arith.select %ge3A_776, %broadcast_in_dim3A_778, %broadcast_in_dim3A_779 : vector<16xi1>, vector<16xi32>
    %sub3A = arith.subi %get3A_774, %select_n3A : vector<16xi32>
    %swap3A_780 = arith.constant 0 : index
    %swap3A_781 = tpu.vector_load %arg8[%swap3A_780] {strides = array<i32>} : memref<208xi32, #tpu.memory_space<vmem>>, vector<16xi32>,
    %swap3A_782 = vector.shape_cast %swap3A_781 : vector<16xi32> to vector<16xi32>
    %swap3A_783 = vector.shape_cast %sub3A : vector<16xi32> to vector<16xi32>
    tpu.vector_store %arg8[%swap3A_780], %swap3A_783 {strides = array<i32>} : memref<208xi32, #tpu.memory_space<vmem>>, vector<16xi32>,
    %get3A_784 = arith.constant 16 : index
    %get3A_785 = tpu.vector_load %arg5[%get3A_784] {strides = array<i32>} : memref<32768xi32, #tpu.memory_space<vmem>>, vector<16xi32>,
    %get3A_786 = vector.shape_cast %get3A_785 : vector<16xi32> to vector<16xi32>
    %ge3A_787 = arith.constant 503808 : i32
    %ge3A_788 = vector.broadcast %ge3A_787 : i32 to vector<16xi32>
    %ge3A_789 = arith.cmpi sge, %get3A_786, %ge3A_788 : vector<16xi32>
    %jit3A_790 = arith.constant 503808 : i32
    %jit3A_791 = arith.constant 0 : i32
    %broadcast_in_dim3A_792 = vector.broadcast %jit3A_790 : i32 to vector<16xi32>
    %broadcast_in_dim3A_793 = vector.broadcast %jit3A_791 : i32 to vector<16xi32>
    %select_n3A_794 = arith.select %ge3A_789, %broadcast_in_dim3A_792, %broadcast_in_dim3A_793 : vector<16xi1>, vector<16xi32>
    %sub3A_795 = arith.subi %get3A_786, %select_n3A_794 : vector<16xi32>
    %swap3A_796 = arith.constant 16 : index
    %swap3A_797 = tpu.vector_load %arg8[%swap3A_796] {strides = array<i32>} : memref<208xi32, #tpu.memory_space<vmem>>, vector<16xi32>,
    %swap3A_798 = vector.shape_cast %swap3A_797 : vector<16xi32> to vector<16xi32>
    %swap3A_799 = vector.shape_cast %sub3A_795 : vector<16xi32> to vector<16xi32>
    tpu.vector_store %arg8[%swap3A_796], %swap3A_799 {strides = array<i32>} : memref<208xi32, #tpu.memory_space<vmem>>, vector<16xi32>,
    %get3A_800 = arith.constant 32 : index
    %get3A_801 = tpu.vector_load %arg5[%get3A_800] {strides = array<i32>} : memref<32768xi32, #tpu.memory_space<vmem>>, vector<16xi32>,
    %get3A_802 = vector.shape_cast %get3A_801 : vector<16xi32> to vector<16xi32>
    %ge3A_803 = arith.constant 503808 : i32
    %ge3A_804 = vector.broadcast %ge3A_803 : i32 to vector<16xi32>
    %ge3A_805 = arith.cmpi sge, %get3A_802, %ge3A_804 : vector<16xi32>
    %jit3A_806 = arith.constant 503808 : i32
    %jit3A_807 = arith.constant 0 : i32
    %broadcast_in_dim3A_808 = vector.broadcast %jit3A_806 : i32 to vector<16xi32>
    %broadcast_in_dim3A_809 = vector.broadcast %jit3A_807 : i32 to vector<16xi32>
    %select_n3A_810 = arith.select %ge3A_805, %broadcast_in_dim3A_808, %broadcast_in_dim3A_809 : vector<16xi1>, vector<16xi32>
    %sub3A_811 = arith.subi %get3A_802, %select_n3A_810 : vector<16xi32>
    %swap3A_812 = arith.constant 32 : index
    %swap3A_813 = tpu.vector_load %arg8[%swap3A_812] {strides = array<i32>} : memref<208xi32, #tpu.memory_space<vmem>>, vector<16xi32>,
    %swap3A_814 = vector.shape_cast %swap3A_813 : vector<16xi32> to vector<16xi32>
    %swap3A_815 = vector.shape_cast %sub3A_811 : vector<16xi32> to vector<16xi32>
    tpu.vector_store %arg8[%swap3A_812], %swap3A_815 {strides = array<i32>} : memref<208xi32, #tpu.memory_space<vmem>>, vector<16xi32>,
    %get3A_816 = arith.constant 48 : index
    %get3A_817 = tpu.vector_load %arg5[%get3A_816] {strides = array<i32>} : memref<32768xi32, #tpu.memory_space<vmem>>, vector<16xi32>,
    %get3A_818 = vector.shape_cast %get3A_817 : vector<16xi32> to vector<16xi32>
    %ge3A_819 = arith.constant 503808 : i32
    %ge3A_820 = vector.broadcast %ge3A_819 : i32 to vector<16xi32>
    %ge3A_821 = arith.cmpi sge, %get3A_818, %ge3A_820 : vector<16xi32>
    %jit3A_822 = arith.constant 503808 : i32
    %jit3A_823 = arith.constant 0 : i32
    %broadcast_in_dim3A_824 = vector.broadcast %jit3A_822 : i32 to vector<16xi32>
    %broadcast_in_dim3A_825 = vector.broadcast %jit3A_823 : i32 to vector<16xi32>
    %select_n3A_826 = arith.select %ge3A_821, %broadcast_in_dim3A_824, %broadcast_in_dim3A_825 : vector<16xi1>, vector<16xi32>
    %sub3A_827 = arith.subi %get3A_818, %select_n3A_826 : vector<16xi32>
    %swap3A_828 = arith.constant 48 : index
    %swap3A_829 = tpu.vector_load %arg8[%swap3A_828] {strides = array<i32>} : memref<208xi32, #tpu.memory_space<vmem>>, vector<16xi32>,
    %swap3A_830 = vector.shape_cast %swap3A_829 : vector<16xi32> to vector<16xi32>
    %swap3A_831 = vector.shape_cast %sub3A_827 : vector<16xi32> to vector<16xi32>
    tpu.vector_store %arg8[%swap3A_828], %swap3A_831 {strides = array<i32>} : memref<208xi32, #tpu.memory_space<vmem>>, vector<16xi32>,
    %get3A_832 = arith.constant 64 : index
    %get3A_833 = tpu.vector_load %arg5[%get3A_832] {strides = array<i32>} : memref<32768xi32, #tpu.memory_space<vmem>>, vector<16xi32>,
    %get3A_834 = vector.shape_cast %get3A_833 : vector<16xi32> to vector<16xi32>
    %ge3A_835 = arith.constant 503808 : i32
    %ge3A_836 = vector.broadcast %ge3A_835 : i32 to vector<16xi32>
    %ge3A_837 = arith.cmpi sge, %get3A_834, %ge3A_836 : vector<16xi32>
    %jit3A_838 = arith.constant 503808 : i32
    %jit3A_839 = arith.constant 0 : i32
    %broadcast_in_dim3A_840 = vector.broadcast %jit3A_838 : i32 to vector<16xi32>
    %broadcast_in_dim3A_841 = vector.broadcast %jit3A_839 : i32 to vector<16xi32>
    %select_n3A_842 = arith.select %ge3A_837, %broadcast_in_dim3A_840, %broadcast_in_dim3A_841 : vector<16xi1>, vector<16xi32>
    %sub3A_843 = arith.subi %get3A_834, %select_n3A_842 : vector<16xi32>
    %swap3A_844 = arith.constant 64 : index
    %swap3A_845 = tpu.vector_load %arg8[%swap3A_844] {strides = array<i32>} : memref<208xi32, #tpu.memory_space<vmem>>, vector<16xi32>,
    %swap3A_846 = vector.shape_cast %swap3A_845 : vector<16xi32> to vector<16xi32>
    %swap3A_847 = vector.shape_cast %sub3A_843 : vector<16xi32> to vector<16xi32>
    tpu.vector_store %arg8[%swap3A_844], %swap3A_847 {strides = array<i32>} : memref<208xi32, #tpu.memory_space<vmem>>, vector<16xi32>,
    %get3A_848 = arith.constant 80 : index
    %get3A_849 = tpu.vector_load %arg5[%get3A_848] {strides = array<i32>} : memref<32768xi32, #tpu.memory_space<vmem>>, vector<16xi32>,
    %get3A_850 = vector.shape_cast %get3A_849 : vector<16xi32> to vector<16xi32>
    %ge3A_851 = arith.constant 503808 : i32
    %ge3A_852 = vector.broadcast %ge3A_851 : i32 to vector<16xi32>
    %ge3A_853 = arith.cmpi sge, %get3A_850, %ge3A_852 : vector<16xi32>
    %jit3A_854 = arith.constant 503808 : i32
    %jit3A_855 = arith.constant 0 : i32
    %broadcast_in_dim3A_856 = vector.broadcast %jit3A_854 : i32 to vector<16xi32>
    %broadcast_in_dim3A_857 = vector.broadcast %jit3A_855 : i32 to vector<16xi32>
    %select_n3A_858 = arith.select %ge3A_853, %broadcast_in_dim3A_856, %broadcast_in_dim3A_857 : vector<16xi1>, vector<16xi32>
    %sub3A_859 = arith.subi %get3A_850, %select_n3A_858 : vector<16xi32>
    %swap3A_860 = arith.constant 80 : index
    %swap3A_861 = tpu.vector_load %arg8[%swap3A_860] {strides = array<i32>} : memref<208xi32, #tpu.memory_space<vmem>>, vector<16xi32>,
    %swap3A_862 = vector.shape_cast %swap3A_861 : vector<16xi32> to vector<16xi32>
    %swap3A_863 = vector.shape_cast %sub3A_859 : vector<16xi32> to vector<16xi32>
    tpu.vector_store %arg8[%swap3A_860], %swap3A_863 {strides = array<i32>} : memref<208xi32, #tpu.memory_space<vmem>>, vector<16xi32>,
    %get3A_864 = arith.constant 96 : index
    %get3A_865 = tpu.vector_load %arg5[%get3A_864] {strides = array<i32>} : memref<32768xi32, #tpu.memory_space<vmem>>, vector<16xi32>,
    %get3A_866 = vector.shape_cast %get3A_865 : vector<16xi32> to vector<16xi32>
    %ge3A_867 = arith.constant 503808 : i32
    %ge3A_868 = vector.broadcast %ge3A_867 : i32 to vector<16xi32>
    %ge3A_869 = arith.cmpi sge, %get3A_866, %ge3A_868 : vector<16xi32>
    %jit3A_870 = arith.constant 503808 : i32
    %jit3A_871 = arith.constant 0 : i32
    %broadcast_in_dim3A_872 = vector.broadcast %jit3A_870 : i32 to vector<16xi32>
    %broadcast_in_dim3A_873 = vector.broadcast %jit3A_871 : i32 to vector<16xi32>
    %select_n3A_874 = arith.select %ge3A_869, %broadcast_in_dim3A_872, %broadcast_in_dim3A_873 : vector<16xi1>, vector<16xi32>
    %sub3A_875 = arith.subi %get3A_866, %select_n3A_874 : vector<16xi32>
    %swap3A_876 = arith.constant 96 : index
    %swap3A_877 = tpu.vector_load %arg8[%swap3A_876] {strides = array<i32>} : memref<208xi32, #tpu.memory_space<vmem>>, vector<16xi32>,
    %swap3A_878 = vector.shape_cast %swap3A_877 : vector<16xi32> to vector<16xi32>
    %swap3A_879 = vector.shape_cast %sub3A_875 : vector<16xi32> to vector<16xi32>
    tpu.vector_store %arg8[%swap3A_876], %swap3A_879 {strides = array<i32>} : memref<208xi32, #tpu.memory_space<vmem>>, vector<16xi32>,
    %get3A_880 = arith.constant 112 : index
    %get3A_881 = tpu.vector_load %arg5[%get3A_880] {strides = array<i32>} : memref<32768xi32, #tpu.memory_space<vmem>>, vector<16xi32>,
    %get3A_882 = vector.shape_cast %get3A_881 : vector<16xi32> to vector<16xi32>
    %ge3A_883 = arith.constant 503808 : i32
    %ge3A_884 = vector.broadcast %ge3A_883 : i32 to vector<16xi32>
    %ge3A_885 = arith.cmpi sge, %get3A_882, %ge3A_884 : vector<16xi32>
    %jit3A_886 = arith.constant 503808 : i32
    %jit3A_887 = arith.constant 0 : i32
    %broadcast_in_dim3A_888 = vector.broadcast %jit3A_886 : i32 to vector<16xi32>
    %broadcast_in_dim3A_889 = vector.broadcast %jit3A_887 : i32 to vector<16xi32>
    %select_n3A_890 = arith.select %ge3A_885, %broadcast_in_dim3A_888, %broadcast_in_dim3A_889 : vector<16xi1>, vector<16xi32>
    %sub3A_891 = arith.subi %get3A_882, %select_n3A_890 : vector<16xi32>
    %swap3A_892 = arith.constant 112 : index
    %swap3A_893 = tpu.vector_load %arg8[%swap3A_892] {strides = array<i32>} : memref<208xi32, #tpu.memory_space<vmem>>, vector<16xi32>,
    %swap3A_894 = vector.shape_cast %swap3A_893 : vector<16xi32> to vector<16xi32>
    %swap3A_895 = vector.shape_cast %sub3A_891 : vector<16xi32> to vector<16xi32>
    tpu.vector_store %arg8[%swap3A_892], %swap3A_895 {strides = array<i32>} : memref<208xi32, #tpu.memory_space<vmem>>, vector<16xi32>,
    %get3A_896 = arith.constant 128 : index
    %get3A_897 = tpu.vector_load %arg5[%get3A_896] {strides = array<i32>} : memref<32768xi32, #tpu.memory_space<vmem>>, vector<16xi32>,
    %get3A_898 = vector.shape_cast %get3A_897 : vector<16xi32> to vector<16xi32>
    %ge3A_899 = arith.constant 503808 : i32
    %ge3A_900 = vector.broadcast %ge3A_899 : i32 to vector<16xi32>
    %ge3A_901 = arith.cmpi sge, %get3A_898, %ge3A_900 : vector<16xi32>
    %jit3A_902 = arith.constant 503808 : i32
    %jit3A_903 = arith.constant 0 : i32
    %broadcast_in_dim3A_904 = vector.broadcast %jit3A_902 : i32 to vector<16xi32>
    %broadcast_in_dim3A_905 = vector.broadcast %jit3A_903 : i32 to vector<16xi32>
    %select_n3A_906 = arith.select %ge3A_901, %broadcast_in_dim3A_904, %broadcast_in_dim3A_905 : vector<16xi1>, vector<16xi32>
    %sub3A_907 = arith.subi %get3A_898, %select_n3A_906 : vector<16xi32>
    %swap3A_908 = arith.constant 128 : index
    %swap3A_909 = tpu.vector_load %arg8[%swap3A_908] {strides = array<i32>} : memref<208xi32, #tpu.memory_space<vmem>>, vector<16xi32>,
    %swap3A_910 = vector.shape_cast %swap3A_909 : vector<16xi32> to vector<16xi32>
    %swap3A_911 = vector.shape_cast %sub3A_907 : vector<16xi32> to vector<16xi32>
    tpu.vector_store %arg8[%swap3A_908], %swap3A_911 {strides = array<i32>} : memref<208xi32, #tpu.memory_space<vmem>>, vector<16xi32>,
    %get3A_912 = arith.constant 144 : index
    %get3A_913 = tpu.vector_load %arg5[%get3A_912] {strides = array<i32>} : memref<32768xi32, #tpu.memory_space<vmem>>, vector<16xi32>,
    %get3A_914 = vector.shape_cast %get3A_913 : vector<16xi32> to vector<16xi32>
    %ge3A_915 = arith.constant 503808 : i32
    %ge3A_916 = vector.broadcast %ge3A_915 : i32 to vector<16xi32>
    %ge3A_917 = arith.cmpi sge, %get3A_914, %ge3A_916 : vector<16xi32>
    %jit3A_918 = arith.constant 503808 : i32
    %jit3A_919 = arith.constant 0 : i32
    %broadcast_in_dim3A_920 = vector.broadcast %jit3A_918 : i32 to vector<16xi32>
    %broadcast_in_dim3A_921 = vector.broadcast %jit3A_919 : i32 to vector<16xi32>
    %select_n3A_922 = arith.select %ge3A_917, %broadcast_in_dim3A_920, %broadcast_in_dim3A_921 : vector<16xi1>, vector<16xi32>
    %sub3A_923 = arith.subi %get3A_914, %select_n3A_922 : vector<16xi32>
    %swap3A_924 = arith.constant 144 : index
    %swap3A_925 = tpu.vector_load %arg8[%swap3A_924] {strides = array<i32>} : memref<208xi32, #tpu.memory_space<vmem>>, vector<16xi32>,
    %swap3A_926 = vector.shape_cast %swap3A_925 : vector<16xi32> to vector<16xi32>
    %swap3A_927 = vector.shape_cast %sub3A_923 : vector<16xi32> to vector<16xi32>
    tpu.vector_store %arg8[%swap3A_924], %swap3A_927 {strides = array<i32>} : memref<208xi32, #tpu.memory_space<vmem>>, vector<16xi32>,
    %get3A_928 = arith.constant 160 : index
    %get3A_929 = tpu.vector_load %arg5[%get3A_928] {strides = array<i32>} : memref<32768xi32, #tpu.memory_space<vmem>>, vector<16xi32>,
    %get3A_930 = vector.shape_cast %get3A_929 : vector<16xi32> to vector<16xi32>
    %ge3A_931 = arith.constant 503808 : i32
    %ge3A_932 = vector.broadcast %ge3A_931 : i32 to vector<16xi32>
    %ge3A_933 = arith.cmpi sge, %get3A_930, %ge3A_932 : vector<16xi32>
    %jit3A_934 = arith.constant 503808 : i32
    %jit3A_935 = arith.constant 0 : i32
    %broadcast_in_dim3A_936 = vector.broadcast %jit3A_934 : i32 to vector<16xi32>
    %broadcast_in_dim3A_937 = vector.broadcast %jit3A_935 : i32 to vector<16xi32>
    %select_n3A_938 = arith.select %ge3A_933, %broadcast_in_dim3A_936, %broadcast_in_dim3A_937 : vector<16xi1>, vector<16xi32>
    %sub3A_939 = arith.subi %get3A_930, %select_n3A_938 : vector<16xi32>
    %swap3A_940 = arith.constant 160 : index
    %swap3A_941 = tpu.vector_load %arg8[%swap3A_940] {strides = array<i32>} : memref<208xi32, #tpu.memory_space<vmem>>, vector<16xi32>,
    %swap3A_942 = vector.shape_cast %swap3A_941 : vector<16xi32> to vector<16xi32>
    %swap3A_943 = vector.shape_cast %sub3A_939 : vector<16xi32> to vector<16xi32>
    tpu.vector_store %arg8[%swap3A_940], %swap3A_943 {strides = array<i32>} : memref<208xi32, #tpu.memory_space<vmem>>, vector<16xi32>,
    %get3A_944 = arith.constant 176 : index
    %get3A_945 = tpu.vector_load %arg5[%get3A_944] {strides = array<i32>} : memref<32768xi32, #tpu.memory_space<vmem>>, vector<16xi32>,
    %get3A_946 = vector.shape_cast %get3A_945 : vector<16xi32> to vector<16xi32>
    %ge3A_947 = arith.constant 503808 : i32
    %ge3A_948 = vector.broadcast %ge3A_947 : i32 to vector<16xi32>
    %ge3A_949 = arith.cmpi sge, %get3A_946, %ge3A_948 : vector<16xi32>
    %jit3A_950 = arith.constant 503808 : i32
    %jit3A_951 = arith.constant 0 : i32
    %broadcast_in_dim3A_952 = vector.broadcast %jit3A_950 : i32 to vector<16xi32>
    %broadcast_in_dim3A_953 = vector.broadcast %jit3A_951 : i32 to vector<16xi32>
    %select_n3A_954 = arith.select %ge3A_949, %broadcast_in_dim3A_952, %broadcast_in_dim3A_953 : vector<16xi1>, vector<16xi32>
    %sub3A_955 = arith.subi %get3A_946, %select_n3A_954 : vector<16xi32>
    %swap3A_956 = arith.constant 176 : index
    %swap3A_957 = tpu.vector_load %arg8[%swap3A_956] {strides = array<i32>} : memref<208xi32, #tpu.memory_space<vmem>>, vector<16xi32>,
    %swap3A_958 = vector.shape_cast %swap3A_957 : vector<16xi32> to vector<16xi32>
    %swap3A_959 = vector.shape_cast %sub3A_955 : vector<16xi32> to vector<16xi32>
    tpu.vector_store %arg8[%swap3A_956], %swap3A_959 {strides = array<i32>} : memref<208xi32, #tpu.memory_space<vmem>>, vector<16xi32>,
    %get3A_960 = arith.constant 192 : index
    %get3A_961 = tpu.vector_load %arg5[%get3A_960] {strides = array<i32>} : memref<32768xi32, #tpu.memory_space<vmem>>, vector<16xi32>,
    %get3A_962 = vector.shape_cast %get3A_961 : vector<16xi32> to vector<16xi32>
    %ge3A_963 = arith.constant 503808 : i32
    %ge3A_964 = vector.broadcast %ge3A_963 : i32 to vector<16xi32>
    %ge3A_965 = arith.cmpi sge, %get3A_962, %ge3A_964 : vector<16xi32>
    %jit3A_966 = arith.constant 503808 : i32
    %jit3A_967 = arith.constant 0 : i32
    %broadcast_in_dim3A_968 = vector.broadcast %jit3A_966 : i32 to vector<16xi32>
    %broadcast_in_dim3A_969 = vector.broadcast %jit3A_967 : i32 to vector<16xi32>
    %select_n3A_970 = arith.select %ge3A_965, %broadcast_in_dim3A_968, %broadcast_in_dim3A_969 : vector<16xi1>, vector<16xi32>
    %sub3A_971 = arith.subi %get3A_962, %select_n3A_970 : vector<16xi32>
    %swap3A_972 = arith.constant 192 : index
    %swap3A_973 = tpu.vector_load %arg8[%swap3A_972] {strides = array<i32>} : memref<208xi32, #tpu.memory_space<vmem>>, vector<16xi32>,
    %swap3A_974 = vector.shape_cast %swap3A_973 : vector<16xi32> to vector<16xi32>
    %swap3A_975 = vector.shape_cast %sub3A_971 : vector<16xi32> to vector<16xi32>
    tpu.vector_store %arg8[%swap3A_972], %swap3A_975 {strides = array<i32>} : memref<208xi32, #tpu.memory_space<vmem>>, vector<16xi32>,
    %dma_start3A = arith.constant 0 : i32
    %dma_start3A_976 = arith.constant 0 : i32
    %dma_start3A_977 = tpu.memref_slice %arg6[%dma_start3A, %dma_start3A_976] : memref<208x128xf32, #tpu.memory_space<vmem>> -> memref<104x128xf32, #tpu.memory_space<vmem>>
    %dma_start3A_978 = arith.constant 0 : i32
    %dma_start3A_979 = tpu.memref_slice %arg8[%dma_start3A_978] : memref<208xi32, #tpu.memory_space<vmem>> -> memref<104xi32, #tpu.memory_space<vmem>>
    %dma_start3A_980 = arith.constant 0 : i32
    %dma_start3A_981 = arith.constant 0 : i32
    %dma_start3A_982 = tpu.memref_slice %arg3[%dma_start3A_980, %dma_start3A_981] : memref<503808x128xf32, #tpu.memory_space<hbm>> -> memref<503808x128xf32, #tpu.memory_space<hbm>>
    tpu.enqueue_indirect_dma source(%dma_start3A_982 : memref<503808x128xf32, #tpu.memory_space<hbm>>) target(%dma_start3A_977 : memref<104x128xf32, #tpu.memory_space<vmem>>) offsets(%dma_start3A_979 : memref<104xi32, #tpu.memory_space<vmem>>) semaphore(%arg11 : memref<!tpu.dma_semaphore, #tpu.memory_space<semaphore_mem>>)
    %dma_start3A_983 = arith.constant 104 : i32
    %dma_start3A_984 = arith.constant 0 : i32
    %dma_start3A_985 = tpu.memref_slice %arg6[%dma_start3A_983, %dma_start3A_984] : memref<208x128xf32, #tpu.memory_space<vmem>> -> memref<96x128xf32, #tpu.memory_space<vmem>>
    %dma_start3A_986 = arith.constant 104 : i32
    %dma_start3A_987 = tpu.memref_slice %arg8[%dma_start3A_986] : memref<208xi32, #tpu.memory_space<vmem>> -> memref<96xi32, #tpu.memory_space<vmem>>
    %dma_start3A_988 = arith.constant 0 : i32
    %dma_start3A_989 = arith.constant 0 : i32
    %dma_start3A_990 = tpu.memref_slice %arg3[%dma_start3A_988, %dma_start3A_989] : memref<503808x128xf32, #tpu.memory_space<hbm>> -> memref<503808x128xf32, #tpu.memory_space<hbm>>
    tpu.enqueue_indirect_dma source(%dma_start3A_990 : memref<503808x128xf32, #tpu.memory_space<hbm>>) target(%dma_start3A_985 : memref<96x128xf32, #tpu.memory_space<vmem>>) offsets(%dma_start3A_987 : memref<96xi32, #tpu.memory_space<vmem>>) semaphore(%arg11 : memref<!tpu.dma_semaphore, #tpu.memory_space<semaphore_mem>>)
    %scan3A = arith.constant 0 : i32
    %scan3A_991 = arith.constant 0 : i32
    %scan3A_992 = arith.constant 64 : i32
    %scan3A_993 = arith.addi %scan3A_991, %scan3A_992 : i32
    %scan3A_994 = arith.constant 1 : i32
    scf.for %scan3A_996 = %scan3A_991 to %scan3A_993 step %scan3A_994  : i32 {
      %mul3A_997 = arith.constant 2 : i32
      %mul3A_998 = arith.muli %scan3A_996, %mul3A_997 : i32
      %add3A_999 = arith.constant 1 : i32
      %add3A_1000 = arith.addi %mul3A_998, %add3A_999 : i32
      %mul3A_1001 = arith.constant 256 : i32
      %mul3A_1002 = arith.muli %add3A_1000, %mul3A_1001 : i32
      %add3A_1003 = arith.constant 0 : i32
      %add3A_1004 = arith.addi %mul3A_1002, %add3A_1003 : i32
      %get3A_1005 = arith.index_cast %add3A_1004 : i32 to index
      %get3A_1006 = tpu.vector_load %arg5[%get3A_1005] {strides = array<i32>} : memref<32768xi32, #tpu.memory_space<vmem>>, vector<16xi32>,
      %get3A_1007 = vector.shape_cast %get3A_1006 : vector<16xi32> to vector<16xi32>
      %ge3A_1008 = arith.constant 503808 : i32
      %ge3A_1009 = vector.broadcast %ge3A_1008 : i32 to vector<16xi32>
      %ge3A_1010 = arith.cmpi sge, %get3A_1007, %ge3A_1009 : vector<16xi32>
      %jit3A_1011 = arith.constant 503808 : i32
      %jit3A_1012 = arith.constant 0 : i32
      %broadcast_in_dim3A_1013 = vector.broadcast %jit3A_1011 : i32 to vector<16xi32>
      %broadcast_in_dim3A_1014 = vector.broadcast %jit3A_1012 : i32 to vector<16xi32>
      %select_n3A_1015 = arith.select %ge3A_1010, %broadcast_in_dim3A_1013, %broadcast_in_dim3A_1014 : vector<16xi1>, vector<16xi32>
      %sub3A_1016 = arith.subi %get3A_1007, %select_n3A_1015 : vector<16xi32>
      %swap3A_1017 = arith.constant 0 : index
      %swap3A_1018 = tpu.vector_load %arg9[%swap3A_1017] {strides = array<i32>} : memref<208xi32, #tpu.memory_space<vmem>>, vector<16xi32>,
      %swap3A_1019 = vector.shape_cast %swap3A_1018 : vector<16xi32> to vector<16xi32>
      %swap3A_1020 = vector.shape_cast %sub3A_1016 : vector<16xi32> to vector<16xi32>
      tpu.vector_store %arg9[%swap3A_1017], %swap3A_1020 {strides = array<i32>} : memref<208xi32, #tpu.memory_space<vmem>>, vector<16xi32>,
      %add3A_1021 = arith.constant 16 : i32
      %add3A_1022 = arith.addi %mul3A_1002, %add3A_1021 : i32
      %get3A_1023 = arith.index_cast %add3A_1022 : i32 to index
      %get3A_1024 = tpu.vector_load %arg5[%get3A_1023] {strides = array<i32>} : memref<32768xi32, #tpu.memory_space<vmem>>, vector<16xi32>,
      %get3A_1025 = vector.shape_cast %get3A_1024 : vector<16xi32> to vector<16xi32>
      %ge3A_1026 = arith.constant 503808 : i32
      %ge3A_1027 = vector.broadcast %ge3A_1026 : i32 to vector<16xi32>
      %ge3A_1028 = arith.cmpi sge, %get3A_1025, %ge3A_1027 : vector<16xi32>
      %jit3A_1029 = arith.constant 503808 : i32
      %jit3A_1030 = arith.constant 0 : i32
      %broadcast_in_dim3A_1031 = vector.broadcast %jit3A_1029 : i32 to vector<16xi32>
      %broadcast_in_dim3A_1032 = vector.broadcast %jit3A_1030 : i32 to vector<16xi32>
      %select_n3A_1033 = arith.select %ge3A_1028, %broadcast_in_dim3A_1031, %broadcast_in_dim3A_1032 : vector<16xi1>, vector<16xi32>
      %sub3A_1034 = arith.subi %get3A_1025, %select_n3A_1033 : vector<16xi32>
      %swap3A_1035 = arith.constant 16 : index
      %swap3A_1036 = tpu.vector_load %arg9[%swap3A_1035] {strides = array<i32>} : memref<208xi32, #tpu.memory_space<vmem>>, vector<16xi32>,
      %swap3A_1037 = vector.shape_cast %swap3A_1036 : vector<16xi32> to vector<16xi32>
      %swap3A_1038 = vector.shape_cast %sub3A_1034 : vector<16xi32> to vector<16xi32>
      tpu.vector_store %arg9[%swap3A_1035], %swap3A_1038 {strides = array<i32>} : memref<208xi32, #tpu.memory_space<vmem>>, vector<16xi32>,
      %add3A_1039 = arith.constant 32 : i32
      %add3A_1040 = arith.addi %mul3A_1002, %add3A_1039 : i32
      %get3A_1041 = arith.index_cast %add3A_1040 : i32 to index
      %get3A_1042 = tpu.vector_load %arg5[%get3A_1041] {strides = array<i32>} : memref<32768xi32, #tpu.memory_space<vmem>>, vector<16xi32>,
      %get3A_1043 = vector.shape_cast %get3A_1042 : vector<16xi32> to vector<16xi32>
      %ge3A_1044 = arith.constant 503808 : i32
      %ge3A_1045 = vector.broadcast %ge3A_1044 : i32 to vector<16xi32>
      %ge3A_1046 = arith.cmpi sge, %get3A_1043, %ge3A_1045 : vector<16xi32>
      %jit3A_1047 = arith.constant 503808 : i32
      %jit3A_1048 = arith.constant 0 : i32
      %broadcast_in_dim3A_1049 = vector.broadcast %jit3A_1047 : i32 to vector<16xi32>
      %broadcast_in_dim3A_1050 = vector.broadcast %jit3A_1048 : i32 to vector<16xi32>
      %select_n3A_1051 = arith.select %ge3A_1046, %broadcast_in_dim3A_1049, %broadcast_in_dim3A_1050 : vector<16xi1>, vector<16xi32>
      %sub3A_1052 = arith.subi %get3A_1043, %select_n3A_1051 : vector<16xi32>
      %swap3A_1053 = arith.constant 32 : index
      %swap3A_1054 = tpu.vector_load %arg9[%swap3A_1053] {strides = array<i32>} : memref<208xi32, #tpu.memory_space<vmem>>, vector<16xi32>,
      %swap3A_1055 = vector.shape_cast %swap3A_1054 : vector<16xi32> to vector<16xi32>
      %swap3A_1056 = vector.shape_cast %sub3A_1052 : vector<16xi32> to vector<16xi32>
      tpu.vector_store %arg9[%swap3A_1053], %swap3A_1056 {strides = array<i32>} : memref<208xi32, #tpu.memory_space<vmem>>, vector<16xi32>,
      %add3A_1057 = arith.constant 48 : i32
      %add3A_1058 = arith.addi %mul3A_1002, %add3A_1057 : i32
      %get3A_1059 = arith.index_cast %add3A_1058 : i32 to index
      %get3A_1060 = tpu.vector_load %arg5[%get3A_1059] {strides = array<i32>} : memref<32768xi32, #tpu.memory_space<vmem>>, vector<16xi32>,
      %get3A_1061 = vector.shape_cast %get3A_1060 : vector<16xi32> to vector<16xi32>
      %ge3A_1062 = arith.constant 503808 : i32
      %ge3A_1063 = vector.broadcast %ge3A_1062 : i32 to vector<16xi32>
      %ge3A_1064 = arith.cmpi sge, %get3A_1061, %ge3A_1063 : vector<16xi32>
      %jit3A_1065 = arith.constant 503808 : i32
      %jit3A_1066 = arith.constant 0 : i32
      %broadcast_in_dim3A_1067 = vector.broadcast %jit3A_1065 : i32 to vector<16xi32>
      %broadcast_in_dim3A_1068 = vector.broadcast %jit3A_1066 : i32 to vector<16xi32>
      %select_n3A_1069 = arith.select %ge3A_1064, %broadcast_in_dim3A_1067, %broadcast_in_dim3A_1068 : vector<16xi1>, vector<16xi32>
      %sub3A_1070 = arith.subi %get3A_1061, %select_n3A_1069 : vector<16xi32>
      %swap3A_1071 = arith.constant 48 : index
      %swap3A_1072 = tpu.vector_load %arg9[%swap3A_1071] {strides = array<i32>} : memref<208xi32, #tpu.memory_space<vmem>>, vector<16xi32>,
      %swap3A_1073 = vector.shape_cast %swap3A_1072 : vector<16xi32> to vector<16xi32>
      %swap3A_1074 = vector.shape_cast %sub3A_1070 : vector<16xi32> to vector<16xi32>
      tpu.vector_store %arg9[%swap3A_1071], %swap3A_1074 {strides = array<i32>} : memref<208xi32, #tpu.memory_space<vmem>>, vector<16xi32>,
      %add3A_1075 = arith.constant 64 : i32
      %add3A_1076 = arith.addi %mul3A_1002, %add3A_1075 : i32
      %get3A_1077 = arith.index_cast %add3A_1076 : i32 to index
      %get3A_1078 = tpu.vector_load %arg5[%get3A_1077] {strides = array<i32>} : memref<32768xi32, #tpu.memory_space<vmem>>, vector<16xi32>,
      %get3A_1079 = vector.shape_cast %get3A_1078 : vector<16xi32> to vector<16xi32>
      %ge3A_1080 = arith.constant 503808 : i32
      %ge3A_1081 = vector.broadcast %ge3A_1080 : i32 to vector<16xi32>
      %ge3A_1082 = arith.cmpi sge, %get3A_1079, %ge3A_1081 : vector<16xi32>
      %jit3A_1083 = arith.constant 503808 : i32
      %jit3A_1084 = arith.constant 0 : i32
      %broadcast_in_dim3A_1085 = vector.broadcast %jit3A_1083 : i32 to vector<16xi32>
      %broadcast_in_dim3A_1086 = vector.broadcast %jit3A_1084 : i32 to vector<16xi32>
      %select_n3A_1087 = arith.select %ge3A_1082, %broadcast_in_dim3A_1085, %broadcast_in_dim3A_1086 : vector<16xi1>, vector<16xi32>
      %sub3A_1088 = arith.subi %get3A_1079, %select_n3A_1087 : vector<16xi32>
      %swap3A_1089 = arith.constant 64 : index
      %swap3A_1090 = tpu.vector_load %arg9[%swap3A_1089] {strides = array<i32>} : memref<208xi32, #tpu.memory_space<vmem>>, vector<16xi32>,
      %swap3A_1091 = vector.shape_cast %swap3A_1090 : vector<16xi32> to vector<16xi32>
      %swap3A_1092 = vector.shape_cast %sub3A_1088 : vector<16xi32> to vector<16xi32>
      tpu.vector_store %arg9[%swap3A_1089], %swap3A_1092 {strides = array<i32>} : memref<208xi32, #tpu.memory_space<vmem>>, vector<16xi32>,
      %add3A_1093 = arith.constant 80 : i32
      %add3A_1094 = arith.addi %mul3A_1002, %add3A_1093 : i32
      %get3A_1095 = arith.index_cast %add3A_1094 : i32 to index
      %get3A_1096 = tpu.vector_load %arg5[%get3A_1095] {strides = array<i32>} : memref<32768xi32, #tpu.memory_space<vmem>>, vector<16xi32>,
      %get3A_1097 = vector.shape_cast %get3A_1096 : vector<16xi32> to vector<16xi32>
      %ge3A_1098 = arith.constant 503808 : i32
      %ge3A_1099 = vector.broadcast %ge3A_1098 : i32 to vector<16xi32>
      %ge3A_1100 = arith.cmpi sge, %get3A_1097, %ge3A_1099 : vector<16xi32>
      %jit3A_1101 = arith.constant 503808 : i32
      %jit3A_1102 = arith.constant 0 : i32
      %broadcast_in_dim3A_1103 = vector.broadcast %jit3A_1101 : i32 to vector<16xi32>
      %broadcast_in_dim3A_1104 = vector.broadcast %jit3A_1102 : i32 to vector<16xi32>
      %select_n3A_1105 = arith.select %ge3A_1100, %broadcast_in_dim3A_1103, %broadcast_in_dim3A_1104 : vector<16xi1>, vector<16xi32>
      %sub3A_1106 = arith.subi %get3A_1097, %select_n3A_1105 : vector<16xi32>
      %swap3A_1107 = arith.constant 80 : index
      %swap3A_1108 = tpu.vector_load %arg9[%swap3A_1107] {strides = array<i32>} : memref<208xi32, #tpu.memory_space<vmem>>, vector<16xi32>,
      %swap3A_1109 = vector.shape_cast %swap3A_1108 : vector<16xi32> to vector<16xi32>
      %swap3A_1110 = vector.shape_cast %sub3A_1106 : vector<16xi32> to vector<16xi32>
      tpu.vector_store %arg9[%swap3A_1107], %swap3A_1110 {strides = array<i32>} : memref<208xi32, #tpu.memory_space<vmem>>, vector<16xi32>,
      %add3A_1111 = arith.constant 96 : i32
      %add3A_1112 = arith.addi %mul3A_1002, %add3A_1111 : i32
      %get3A_1113 = arith.index_cast %add3A_1112 : i32 to index
      %get3A_1114 = tpu.vector_load %arg5[%get3A_1113] {strides = array<i32>} : memref<32768xi32, #tpu.memory_space<vmem>>, vector<16xi32>,
      %get3A_1115 = vector.shape_cast %get3A_1114 : vector<16xi32> to vector<16xi32>
      %ge3A_1116 = arith.constant 503808 : i32
      %ge3A_1117 = vector.broadcast %ge3A_1116 : i32 to vector<16xi32>
      %ge3A_1118 = arith.cmpi sge, %get3A_1115, %ge3A_1117 : vector<16xi32>
      %jit3A_1119 = arith.constant 503808 : i32
      %jit3A_1120 = arith.constant 0 : i32
      %broadcast_in_dim3A_1121 = vector.broadcast %jit3A_1119 : i32 to vector<16xi32>
      %broadcast_in_dim3A_1122 = vector.broadcast %jit3A_1120 : i32 to vector<16xi32>
      %select_n3A_1123 = arith.select %ge3A_1118, %broadcast_in_dim3A_1121, %broadcast_in_dim3A_1122 : vector<16xi1>, vector<16xi32>
      %sub3A_1124 = arith.subi %get3A_1115, %select_n3A_1123 : vector<16xi32>
      %swap3A_1125 = arith.constant 96 : index
      %swap3A_1126 = tpu.vector_load %arg9[%swap3A_1125] {strides = array<i32>} : memref<208xi32, #tpu.memory_space<vmem>>, vector<16xi32>,
      %swap3A_1127 = vector.shape_cast %swap3A_1126 : vector<16xi32> to vector<16xi32>
      %swap3A_1128 = vector.shape_cast %sub3A_1124 : vector<16xi32> to vector<16xi32>
      tpu.vector_store %arg9[%swap3A_1125], %swap3A_1128 {strides = array<i32>} : memref<208xi32, #tpu.memory_space<vmem>>, vector<16xi32>,
      %add3A_1129 = arith.constant 112 : i32
      %add3A_1130 = arith.addi %mul3A_1002, %add3A_1129 : i32
      %get3A_1131 = arith.index_cast %add3A_1130 : i32 to index
      %get3A_1132 = tpu.vector_load %arg5[%get3A_1131] {strides = array<i32>} : memref<32768xi32, #tpu.memory_space<vmem>>, vector<16xi32>,
      %get3A_1133 = vector.shape_cast %get3A_1132 : vector<16xi32> to vector<16xi32>
      %ge3A_1134 = arith.constant 503808 : i32
      %ge3A_1135 = vector.broadcast %ge3A_1134 : i32 to vector<16xi32>
      %ge3A_1136 = arith.cmpi sge, %get3A_1133, %ge3A_1135 : vector<16xi32>
      %jit3A_1137 = arith.constant 503808 : i32
      %jit3A_1138 = arith.constant 0 : i32
      %broadcast_in_dim3A_1139 = vector.broadcast %jit3A_1137 : i32 to vector<16xi32>
      %broadcast_in_dim3A_1140 = vector.broadcast %jit3A_1138 : i32 to vector<16xi32>
      %select_n3A_1141 = arith.select %ge3A_1136, %broadcast_in_dim3A_1139, %broadcast_in_dim3A_1140 : vector<16xi1>, vector<16xi32>
      %sub3A_1142 = arith.subi %get3A_1133, %select_n3A_1141 : vector<16xi32>
      %swap3A_1143 = arith.constant 112 : index
      %swap3A_1144 = tpu.vector_load %arg9[%swap3A_1143] {strides = array<i32>} : memref<208xi32, #tpu.memory_space<vmem>>, vector<16xi32>,
      %swap3A_1145 = vector.shape_cast %swap3A_1144 : vector<16xi32> to vector<16xi32>
      %swap3A_1146 = vector.shape_cast %sub3A_1142 : vector<16xi32> to vector<16xi32>
      tpu.vector_store %arg9[%swap3A_1143], %swap3A_1146 {strides = array<i32>} : memref<208xi32, #tpu.memory_space<vmem>>, vector<16xi32>,
      %add3A_1147 = arith.constant 128 : i32
      %add3A_1148 = arith.addi %mul3A_1002, %add3A_1147 : i32
      %get3A_1149 = arith.index_cast %add3A_1148 : i32 to index
      %get3A_1150 = tpu.vector_load %arg5[%get3A_1149] {strides = array<i32>} : memref<32768xi32, #tpu.memory_space<vmem>>, vector<16xi32>,
      %get3A_1151 = vector.shape_cast %get3A_1150 : vector<16xi32> to vector<16xi32>
      %ge3A_1152 = arith.constant 503808 : i32
      %ge3A_1153 = vector.broadcast %ge3A_1152 : i32 to vector<16xi32>
      %ge3A_1154 = arith.cmpi sge, %get3A_1151, %ge3A_1153 : vector<16xi32>
      %jit3A_1155 = arith.constant 503808 : i32
      %jit3A_1156 = arith.constant 0 : i32
      %broadcast_in_dim3A_1157 = vector.broadcast %jit3A_1155 : i32 to vector<16xi32>
      %broadcast_in_dim3A_1158 = vector.broadcast %jit3A_1156 : i32 to vector<16xi32>
      %select_n3A_1159 = arith.select %ge3A_1154, %broadcast_in_dim3A_1157, %broadcast_in_dim3A_1158 : vector<16xi1>, vector<16xi32>
      %sub3A_1160 = arith.subi %get3A_1151, %select_n3A_1159 : vector<16xi32>
      %swap3A_1161 = arith.constant 128 : index
      %swap3A_1162 = tpu.vector_load %arg9[%swap3A_1161] {strides = array<i32>} : memref<208xi32, #tpu.memory_space<vmem>>, vector<16xi32>,
      %swap3A_1163 = vector.shape_cast %swap3A_1162 : vector<16xi32> to vector<16xi32>
      %swap3A_1164 = vector.shape_cast %sub3A_1160 : vector<16xi32> to vector<16xi32>
      tpu.vector_store %arg9[%swap3A_1161], %swap3A_1164 {strides = array<i32>} : memref<208xi32, #tpu.memory_space<vmem>>, vector<16xi32>,
      %add3A_1165 = arith.constant 144 : i32
      %add3A_1166 = arith.addi %mul3A_1002, %add3A_1165 : i32
      %get3A_1167 = arith.index_cast %add3A_1166 : i32 to index
      %get3A_1168 = tpu.vector_load %arg5[%get3A_1167] {strides = array<i32>} : memref<32768xi32, #tpu.memory_space<vmem>>, vector<16xi32>,
      %get3A_1169 = vector.shape_cast %get3A_1168 : vector<16xi32> to vector<16xi32>
      %ge3A_1170 = arith.constant 503808 : i32
      %ge3A_1171 = vector.broadcast %ge3A_1170 : i32 to vector<16xi32>
      %ge3A_1172 = arith.cmpi sge, %get3A_1169, %ge3A_1171 : vector<16xi32>
      %jit3A_1173 = arith.constant 503808 : i32
      %jit3A_1174 = arith.constant 0 : i32
      %broadcast_in_dim3A_1175 = vector.broadcast %jit3A_1173 : i32 to vector<16xi32>
      %broadcast_in_dim3A_1176 = vector.broadcast %jit3A_1174 : i32 to vector<16xi32>
      %select_n3A_1177 = arith.select %ge3A_1172, %broadcast_in_dim3A_1175, %broadcast_in_dim3A_1176 : vector<16xi1>, vector<16xi32>
      %sub3A_1178 = arith.subi %get3A_1169, %select_n3A_1177 : vector<16xi32>
      %swap3A_1179 = arith.constant 144 : index
      %swap3A_1180 = tpu.vector_load %arg9[%swap3A_1179] {strides = array<i32>} : memref<208xi32, #tpu.memory_space<vmem>>, vector<16xi32>,
      %swap3A_1181 = vector.shape_cast %swap3A_1180 : vector<16xi32> to vector<16xi32>
      %swap3A_1182 = vector.shape_cast %sub3A_1178 : vector<16xi32> to vector<16xi32>
      tpu.vector_store %arg9[%swap3A_1179], %swap3A_1182 {strides = array<i32>} : memref<208xi32, #tpu.memory_space<vmem>>, vector<16xi32>,
      %add3A_1183 = arith.constant 160 : i32
      %add3A_1184 = arith.addi %mul3A_1002, %add3A_1183 : i32
      %get3A_1185 = arith.index_cast %add3A_1184 : i32 to index
      %get3A_1186 = tpu.vector_load %arg5[%get3A_1185] {strides = array<i32>} : memref<32768xi32, #tpu.memory_space<vmem>>, vector<16xi32>,
      %get3A_1187 = vector.shape_cast %get3A_1186 : vector<16xi32> to vector<16xi32>
      %ge3A_1188 = arith.constant 503808 : i32
      %ge3A_1189 = vector.broadcast %ge3A_1188 : i32 to vector<16xi32>
      %ge3A_1190 = arith.cmpi sge, %get3A_1187, %ge3A_1189 : vector<16xi32>
      %jit3A_1191 = arith.constant 503808 : i32
      %jit3A_1192 = arith.constant 0 : i32
      %broadcast_in_dim3A_1193 = vector.broadcast %jit3A_1191 : i32 to vector<16xi32>
      %broadcast_in_dim3A_1194 = vector.broadcast %jit3A_1192 : i32 to vector<16xi32>
      %select_n3A_1195 = arith.select %ge3A_1190, %broadcast_in_dim3A_1193, %broadcast_in_dim3A_1194 : vector<16xi1>, vector<16xi32>
      %sub3A_1196 = arith.subi %get3A_1187, %select_n3A_1195 : vector<16xi32>
      %swap3A_1197 = arith.constant 160 : index
      %swap3A_1198 = tpu.vector_load %arg9[%swap3A_1197] {strides = array<i32>} : memref<208xi32, #tpu.memory_space<vmem>>, vector<16xi32>,
      %swap3A_1199 = vector.shape_cast %swap3A_1198 : vector<16xi32> to vector<16xi32>
      %swap3A_1200 = vector.shape_cast %sub3A_1196 : vector<16xi32> to vector<16xi32>
      tpu.vector_store %arg9[%swap3A_1197], %swap3A_1200 {strides = array<i32>} : memref<208xi32, #tpu.memory_space<vmem>>, vector<16xi32>,
      %add3A_1201 = arith.constant 176 : i32
      %add3A_1202 = arith.addi %mul3A_1002, %add3A_1201 : i32
      %get3A_1203 = arith.index_cast %add3A_1202 : i32 to index
      %get3A_1204 = tpu.vector_load %arg5[%get3A_1203] {strides = array<i32>} : memref<32768xi32, #tpu.memory_space<vmem>>, vector<16xi32>,
      %get3A_1205 = vector.shape_cast %get3A_1204 : vector<16xi32> to vector<16xi32>
      %ge3A_1206 = arith.constant 503808 : i32
      %ge3A_1207 = vector.broadcast %ge3A_1206 : i32 to vector<16xi32>
      %ge3A_1208 = arith.cmpi sge, %get3A_1205, %ge3A_1207 : vector<16xi32>
      %jit3A_1209 = arith.constant 503808 : i32
      %jit3A_1210 = arith.constant 0 : i32
      %broadcast_in_dim3A_1211 = vector.broadcast %jit3A_1209 : i32 to vector<16xi32>
      %broadcast_in_dim3A_1212 = vector.broadcast %jit3A_1210 : i32 to vector<16xi32>
      %select_n3A_1213 = arith.select %ge3A_1208, %broadcast_in_dim3A_1211, %broadcast_in_dim3A_1212 : vector<16xi1>, vector<16xi32>
      %sub3A_1214 = arith.subi %get3A_1205, %select_n3A_1213 : vector<16xi32>
      %swap3A_1215 = arith.constant 176 : index
      %swap3A_1216 = tpu.vector_load %arg9[%swap3A_1215] {strides = array<i32>} : memref<208xi32, #tpu.memory_space<vmem>>, vector<16xi32>,
      %swap3A_1217 = vector.shape_cast %swap3A_1216 : vector<16xi32> to vector<16xi32>
      %swap3A_1218 = vector.shape_cast %sub3A_1214 : vector<16xi32> to vector<16xi32>
      tpu.vector_store %arg9[%swap3A_1215], %swap3A_1218 {strides = array<i32>} : memref<208xi32, #tpu.memory_space<vmem>>, vector<16xi32>,
      %add3A_1219 = arith.constant 192 : i32
      %add3A_1220 = arith.addi %mul3A_1002, %add3A_1219 : i32
      %get3A_1221 = arith.index_cast %add3A_1220 : i32 to index
      %get3A_1222 = tpu.vector_load %arg5[%get3A_1221] {strides = array<i32>} : memref<32768xi32, #tpu.memory_space<vmem>>, vector<16xi32>,
      %get3A_1223 = vector.shape_cast %get3A_1222 : vector<16xi32> to vector<16xi32>
      %ge3A_1224 = arith.constant 503808 : i32
      %ge3A_1225 = vector.broadcast %ge3A_1224 : i32 to vector<16xi32>
      %ge3A_1226 = arith.cmpi sge, %get3A_1223, %ge3A_1225 : vector<16xi32>
      %jit3A_1227 = arith.constant 503808 : i32
      %jit3A_1228 = arith.constant 0 : i32
      %broadcast_in_dim3A_1229 = vector.broadcast %jit3A_1227 : i32 to vector<16xi32>
      %broadcast_in_dim3A_1230 = vector.broadcast %jit3A_1228 : i32 to vector<16xi32>
      %select_n3A_1231 = arith.select %ge3A_1226, %broadcast_in_dim3A_1229, %broadcast_in_dim3A_1230 : vector<16xi1>, vector<16xi32>
      %sub3A_1232 = arith.subi %get3A_1223, %select_n3A_1231 : vector<16xi32>
      %swap3A_1233 = arith.constant 192 : index
      %swap3A_1234 = tpu.vector_load %arg9[%swap3A_1233] {strides = array<i32>} : memref<208xi32, #tpu.memory_space<vmem>>, vector<16xi32>,
      %swap3A_1235 = vector.shape_cast %swap3A_1234 : vector<16xi32> to vector<16xi32>
      %swap3A_1236 = vector.shape_cast %sub3A_1232 : vector<16xi32> to vector<16xi32>
      tpu.vector_store %arg9[%swap3A_1233], %swap3A_1236 {strides = array<i32>} : memref<208xi32, #tpu.memory_space<vmem>>, vector<16xi32>,
      %dma_start3A_1237 = arith.constant 0 : i32
      %dma_start3A_1238 = arith.constant 0 : i32
      %dma_start3A_1239 = tpu.memref_slice %arg7[%dma_start3A_1237, %dma_start3A_1238] : memref<208x128xf32, #tpu.memory_space<vmem>> -> memref<104x128xf32, #tpu.memory_space<vmem>>
      %dma_start3A_1240 = arith.constant 0 : i32
      %dma_start3A_1241 = tpu.memref_slice %arg9[%dma_start3A_1240] : memref<208xi32, #tpu.memory_space<vmem>> -> memref<104xi32, #tpu.memory_space<vmem>>
      %dma_start3A_1242 = arith.constant 0 : i32
      %dma_start3A_1243 = arith.constant 0 : i32
      %dma_start3A_1244 = tpu.memref_slice %arg3[%dma_start3A_1242, %dma_start3A_1243] : memref<503808x128xf32, #tpu.memory_space<hbm>> -> memref<503808x128xf32, #tpu.memory_space<hbm>>
      tpu.enqueue_indirect_dma source(%dma_start3A_1244 : memref<503808x128xf32, #tpu.memory_space<hbm>>) target(%dma_start3A_1239 : memref<104x128xf32, #tpu.memory_space<vmem>>) offsets(%dma_start3A_1241 : memref<104xi32, #tpu.memory_space<vmem>>) semaphore(%arg12 : memref<!tpu.dma_semaphore, #tpu.memory_space<semaphore_mem>>)
      %dma_start3A_1245 = arith.constant 104 : i32
      %dma_start3A_1246 = arith.constant 0 : i32
      %dma_start3A_1247 = tpu.memref_slice %arg7[%dma_start3A_1245, %dma_start3A_1246] : memref<208x128xf32, #tpu.memory_space<vmem>> -> memref<96x128xf32, #tpu.memory_space<vmem>>
      %dma_start3A_1248 = arith.constant 104 : i32
      %dma_start3A_1249 = tpu.memref_slice %arg9[%dma_start3A_1248] : memref<208xi32, #tpu.memory_space<vmem>> -> memref<96xi32, #tpu.memory_space<vmem>>
      %dma_start3A_1250 = arith.constant 0 : i32
      %dma_start3A_1251 = arith.constant 0 : i32
      %dma_start3A_1252 = tpu.memref_slice %arg3[%dma_start3A_1250, %dma_start3A_1251] : memref<503808x128xf32, #tpu.memory_space<hbm>> -> memref<503808x128xf32, #tpu.memory_space<hbm>>
      tpu.enqueue_indirect_dma source(%dma_start3A_1252 : memref<503808x128xf32, #tpu.memory_space<hbm>>) target(%dma_start3A_1247 : memref<96x128xf32, #tpu.memory_space<vmem>>) offsets(%dma_start3A_1249 : memref<96xi32, #tpu.memory_space<vmem>>) semaphore(%arg12 : memref<!tpu.dma_semaphore, #tpu.memory_space<semaphore_mem>>)
      %dma_wait3A = arith.constant 0 : i32
      %dma_wait3A_1253 = arith.constant 0 : i32
      %dma_wait3A_1254 = tpu.memref_slice %arg6[%dma_wait3A, %dma_wait3A_1253] : memref<208x128xf32, #tpu.memory_space<vmem>> -> memref<104x128xf32, #tpu.memory_space<vmem>>
      %dma_wait3A_1255 = arith.constant 0 : i32
      %dma_wait3A_1256 = tpu.memref_slice %arg8[%dma_wait3A_1255] : memref<208xi32, #tpu.memory_space<vmem>> -> memref<104xi32, #tpu.memory_space<vmem>>
      %dma_wait3A_1257 = arith.constant 0 : i32
      %dma_wait3A_1258 = arith.constant 0 : i32
      %dma_wait3A_1259 = tpu.memref_slice %arg3[%dma_wait3A_1257, %dma_wait3A_1258] : memref<503808x128xf32, #tpu.memory_space<hbm>> -> memref<503808x128xf32, #tpu.memory_space<hbm>>
      tpu.wait_indirect_dma semaphore(%arg11 : memref<!tpu.dma_semaphore, #tpu.memory_space<semaphore_mem>>) src(%dma_wait3A_1259 : memref<503808x128xf32, #tpu.memory_space<hbm>>) dst(%dma_wait3A_1254 : memref<104x128xf32, #tpu.memory_space<vmem>>)
      %dma_wait3A_1260 = arith.constant 104 : i32
      %dma_wait3A_1261 = arith.constant 0 : i32
      %dma_wait3A_1262 = tpu.memref_slice %arg6[%dma_wait3A_1260, %dma_wait3A_1261] : memref<208x128xf32, #tpu.memory_space<vmem>> -> memref<96x128xf32, #tpu.memory_space<vmem>>
      %dma_wait3A_1263 = arith.constant 104 : i32
      %dma_wait3A_1264 = tpu.memref_slice %arg8[%dma_wait3A_1263] : memref<208xi32, #tpu.memory_space<vmem>> -> memref<96xi32, #tpu.memory_space<vmem>>
      %dma_wait3A_1265 = arith.constant 0 : i32
      %dma_wait3A_1266 = arith.constant 0 : i32
      %dma_wait3A_1267 = tpu.memref_slice %arg3[%dma_wait3A_1265, %dma_wait3A_1266] : memref<503808x128xf32, #tpu.memory_space<hbm>> -> memref<503808x128xf32, #tpu.memory_space<hbm>>
      tpu.wait_indirect_dma semaphore(%arg11 : memref<!tpu.dma_semaphore, #tpu.memory_space<semaphore_mem>>) src(%dma_wait3A_1267 : memref<503808x128xf32, #tpu.memory_space<hbm>>) dst(%dma_wait3A_1262 : memref<96x128xf32, #tpu.memory_space<vmem>>)
      %broadcast_in_dim3A_1268 = arith.constant 0xFF800000 : f32
      %broadcast_in_dim3A_1269 = vector.broadcast %broadcast_in_dim3A_1268 : f32 to vector<16xf32>
      %broadcast_in_dim3A_1270 = arith.constant 0xFF800000 : f32
      %broadcast_in_dim3A_1271 = vector.broadcast %broadcast_in_dim3A_1270 : f32 to vector<16xf32>
      %broadcast_in_dim3A_1272 = arith.constant 0xFF800000 : f32
      %broadcast_in_dim3A_1273 = vector.broadcast %broadcast_in_dim3A_1272 : f32 to vector<16xf32>
      %broadcast_in_dim3A_1274 = arith.constant 0xFF800000 : f32
      %broadcast_in_dim3A_1275 = vector.broadcast %broadcast_in_dim3A_1274 : f32 to vector<16xf32>
      %scan3A_1276 = arith.constant 0 : i32
      %scan3A_1277 = arith.constant 13 : i32
      %scan3A_1278 = arith.addi %scan3A_1276, %scan3A_1277 : i32
      %scan3A_1279 = arith.constant 1 : i32
      %scan3A_1280:4 = scf.for %scan3A_1360 = %scan3A_1276 to %scan3A_1278 step %scan3A_1279 iter_args(%scan3A_1361 = %broadcast_in_dim3A_1269, %scan3A_1362 = %broadcast_in_dim3A_1271, %scan3A_1363 = %broadcast_in_dim3A_1273, %scan3A_1364 = %broadcast_in_dim3A_1275) -> (vector<16xf32>, vector<16xf32>, vector<16xf32>, vector<16xf32>)  : i32 {
        %mul3A_1365 = arith.constant 16 : i32
        %mul3A_1366 = arith.muli %scan3A_1360, %mul3A_1365 : i32
        %mul3A_1367 = arith.constant 256 : i32
        %mul3A_1368 = arith.muli %mul3A_998, %mul3A_1367 : i32
        %add3A_1369 = arith.addi %mul3A_1368, %mul3A_1366 : i32
        %get3A_1370 = arith.index_cast %add3A_1369 : i32 to index
        %get3A_1371 = tpu.vector_load %arg5[%get3A_1370] {strides = array<i32>} : memref<32768xi32, #tpu.memory_space<vmem>>, vector<16xi32>,
        %get3A_1372 = vector.shape_cast %get3A_1371 : vector<16xi32> to vector<16xi32>
        %eq3A = arith.constant 3000 : i32
        %eq3A_1373 = vector.broadcast %eq3A : i32 to vector<16xi32>
        %eq3A_1374 = arith.cmpi eq, %get3A_1372, %eq3A_1373 : vector<16xi32>
        %jit3A_1375 = arith.constant 0.000000e+00 : f32
        %jit3A_1376 = arith.constant 1.000000e+00 : f32
        %broadcast_in_dim3A_1377 = vector.broadcast %jit3A_1375 : f32 to vector<16xf32>
        %broadcast_in_dim3A_1378 = vector.broadcast %jit3A_1376 : f32 to vector<16xf32>
        %select_n3A_1379 = arith.select %eq3A_1374, %broadcast_in_dim3A_1377, %broadcast_in_dim3A_1378 : vector<16xi1>, vector<16xf32>
        %ge3A_1380 = arith.constant 503808 : i32
        %ge3A_1381 = vector.broadcast %ge3A_1380 : i32 to vector<16xi32>
        %ge3A_1382 = arith.cmpi sge, %get3A_1372, %ge3A_1381 : vector<16xi32>
        %jit3A_1383 = arith.constant 64 : i32
        %jit3A_1384 = arith.constant 0 : i32
        %broadcast_in_dim3A_1385 = vector.broadcast %jit3A_1383 : i32 to vector<16xi32>
        %broadcast_in_dim3A_1386 = vector.broadcast %jit3A_1384 : i32 to vector<16xi32>
        %select_n3A_1387 = arith.select %ge3A_1382, %broadcast_in_dim3A_1385, %broadcast_in_dim3A_1386 : vector<16xi1>, vector<16xi32>
        %slice3A = vector.extract_strided_slice %select_n3A_1379 {offsets = [0], sizes = [1], strides = [1]} : vector<16xf32> to vector<1xf32>
        %squeeze3A = vector.extract %slice3A[0] : f32 from vector<1xf32>
        %slice3A_1388 = vector.extract_strided_slice %select_n3A_1387 {offsets = [0], sizes = [1], strides = [1]} : vector<16xi32> to vector<1xi32>
        %squeeze3A_1389 = vector.extract %slice3A_1388[0] : i32 from vector<1xi32>
        %add3A_1390 = arith.constant 0 : i32
        %add3A_1391 = arith.addi %mul3A_1366, %add3A_1390 : i32
        %add3A_1392 = arith.constant 0 : i32
        %add3A_1393 = arith.addi %squeeze3A_1389, %add3A_1392 : i32
        %get3A_1394 = arith.index_cast %add3A_1391 : i32 to index
        %get3A_1395 = arith.index_cast %add3A_1393 : i32 to index
        %get3A_1396 = tpu.vector_load %arg6[%get3A_1394, %get3A_1395] {strides = array<i32>} : memref<208x128xf32, #tpu.memory_space<vmem>>, vector<1x16xf32>,
        %get3A_1397 = vector.shape_cast %get3A_1396 : vector<1x16xf32> to vector<16xf32>
        %mul3A_1398 = vector.broadcast %squeeze3A : f32 to vector<16xf32>
        %mul3A_1399 = arith.mulf %get3A_1397, %mul3A_1398 : vector<16xf32>
        %max3A = arith.maximumf %scan3A_1361, %mul3A_1399 : vector<16xf32>
        %add3A_1400 = arith.constant 0 : i32
        %add3A_1401 = arith.addi %mul3A_1366, %add3A_1400 : i32
        %add3A_1402 = arith.constant 16 : i32
        %add3A_1403 = arith.addi %squeeze3A_1389, %add3A_1402 : i32
        %get3A_1404 = arith.index_cast %add3A_1401 : i32 to index
        %get3A_1405 = arith.index_cast %add3A_1403 : i32 to index
        %get3A_1406 = tpu.vector_load %arg6[%get3A_1404, %get3A_1405] {strides = array<i32>} : memref<208x128xf32, #tpu.memory_space<vmem>>, vector<1x16xf32>,
        %get3A_1407 = vector.shape_cast %get3A_1406 : vector<1x16xf32> to vector<16xf32>
        %mul3A_1408 = vector.broadcast %squeeze3A : f32 to vector<16xf32>
        %mul3A_1409 = arith.mulf %get3A_1407, %mul3A_1408 : vector<16xf32>
        %max3A_1410 = arith.maximumf %scan3A_1362, %mul3A_1409 : vector<16xf32>
        %add3A_1411 = arith.constant 0 : i32
        %add3A_1412 = arith.addi %mul3A_1366, %add3A_1411 : i32
        %add3A_1413 = arith.constant 32 : i32
        %add3A_1414 = arith.addi %squeeze3A_1389, %add3A_1413 : i32
        %get3A_1415 = arith.index_cast %add3A_1412 : i32 to index
        %get3A_1416 = arith.index_cast %add3A_1414 : i32 to index
        %get3A_1417 = tpu.vector_load %arg6[%get3A_1415, %get3A_1416] {strides = array<i32>} : memref<208x128xf32, #tpu.memory_space<vmem>>, vector<1x16xf32>,
        %get3A_1418 = vector.shape_cast %get3A_1417 : vector<1x16xf32> to vector<16xf32>
        %mul3A_1419 = vector.broadcast %squeeze3A : f32 to vector<16xf32>
        %mul3A_1420 = arith.mulf %get3A_1418, %mul3A_1419 : vector<16xf32>
        %max3A_1421 = arith.maximumf %scan3A_1363, %mul3A_1420 : vector<16xf32>
        %add3A_1422 = arith.constant 0 : i32
        %add3A_1423 = arith.addi %mul3A_1366, %add3A_1422 : i32
        %add3A_1424 = arith.constant 48 : i32
        %add3A_1425 = arith.addi %squeeze3A_1389, %add3A_1424 : i32
        %get3A_1426 = arith.index_cast %add3A_1423 : i32 to index
        %get3A_1427 = arith.index_cast %add3A_1425 : i32 to index
        %get3A_1428 = tpu.vector_load %arg6[%get3A_1426, %get3A_1427] {strides = array<i32>} : memref<208x128xf32, #tpu.memory_space<vmem>>, vector<1x16xf32>,
        %get3A_1429 = vector.shape_cast %get3A_1428 : vector<1x16xf32> to vector<16xf32>
        %mul3A_1430 = vector.broadcast %squeeze3A : f32 to vector<16xf32>
        %mul3A_1431 = arith.mulf %get3A_1429, %mul3A_1430 : vector<16xf32>
        %max3A_1432 = arith.maximumf %scan3A_1364, %mul3A_1431 : vector<16xf32>
        %slice3A_1433 = vector.extract_strided_slice %select_n3A_1379 {offsets = [1], sizes = [1], strides = [1]} : vector<16xf32> to vector<1xf32>
        %squeeze3A_1434 = vector.extract %slice3A_1433[0] : f32 from vector<1xf32>
        %slice3A_1435 = vector.extract_strided_slice %select_n3A_1387 {offsets = [1], sizes = [1], strides = [1]} : vector<16xi32> to vector<1xi32>
        %squeeze3A_1436 = vector.extract %slice3A_1435[0] : i32 from vector<1xi32>
        %add3A_1437 = arith.constant 1 : i32
        %add3A_1438 = arith.addi %mul3A_1366, %add3A_1437 : i32
        %add3A_1439 = arith.constant 0 : i32
        %add3A_1440 = arith.addi %squeeze3A_1436, %add3A_1439 : i32
        %get3A_1441 = arith.index_cast %add3A_1438 : i32 to index
        %get3A_1442 = arith.index_cast %add3A_1440 : i32 to index
        %get3A_1443 = tpu.vector_load %arg6[%get3A_1441, %get3A_1442] {strides = array<i32>} : memref<208x128xf32, #tpu.memory_space<vmem>>, vector<1x16xf32>,
        %get3A_1444 = vector.shape_cast %get3A_1443 : vector<1x16xf32> to vector<16xf32>
        %mul3A_1445 = vector.broadcast %squeeze3A_1434 : f32 to vector<16xf32>
        %mul3A_1446 = arith.mulf %get3A_1444, %mul3A_1445 : vector<16xf32>
        %max3A_1447 = arith.maximumf %max3A, %mul3A_1446 : vector<16xf32>
        %add3A_1448 = arith.constant 1 : i32
        %add3A_1449 = arith.addi %mul3A_1366, %add3A_1448 : i32
        %add3A_1450 = arith.constant 16 : i32
        %add3A_1451 = arith.addi %squeeze3A_1436, %add3A_1450 : i32
        %get3A_1452 = arith.index_cast %add3A_1449 : i32 to index
        %get3A_1453 = arith.index_cast %add3A_1451 : i32 to index
        %get3A_1454 = tpu.vector_load %arg6[%get3A_1452, %get3A_1453] {strides = array<i32>} : memref<208x128xf32, #tpu.memory_space<vmem>>, vector<1x16xf32>,
        %get3A_1455 = vector.shape_cast %get3A_1454 : vector<1x16xf32> to vector<16xf32>
        %mul3A_1456 = vector.broadcast %squeeze3A_1434 : f32 to vector<16xf32>
        %mul3A_1457 = arith.mulf %get3A_1455, %mul3A_1456 : vector<16xf32>
        %max3A_1458 = arith.maximumf %max3A_1410, %mul3A_1457 : vector<16xf32>
        %add3A_1459 = arith.constant 1 : i32
        %add3A_1460 = arith.addi %mul3A_1366, %add3A_1459 : i32
        %add3A_1461 = arith.constant 32 : i32
        %add3A_1462 = arith.addi %squeeze3A_1436, %add3A_1461 : i32
        %get3A_1463 = arith.index_cast %add3A_1460 : i32 to index
        %get3A_1464 = arith.index_cast %add3A_1462 : i32 to index
        %get3A_1465 = tpu.vector_load %arg6[%get3A_1463, %get3A_1464] {strides = array<i32>} : memref<208x128xf32, #tpu.memory_space<vmem>>, vector<1x16xf32>,
        %get3A_1466 = vector.shape_cast %get3A_1465 : vector<1x16xf32> to vector<16xf32>
        %mul3A_1467 = vector.broadcast %squeeze3A_1434 : f32 to vector<16xf32>
        %mul3A_1468 = arith.mulf %get3A_1466, %mul3A_1467 : vector<16xf32>
        %max3A_1469 = arith.maximumf %max3A_1421, %mul3A_1468 : vector<16xf32>
        %add3A_1470 = arith.constant 1 : i32
        %add3A_1471 = arith.addi %mul3A_1366, %add3A_1470 : i32
        %add3A_1472 = arith.constant 48 : i32
        %add3A_1473 = arith.addi %squeeze3A_1436, %add3A_1472 : i32
        %get3A_1474 = arith.index_cast %add3A_1471 : i32 to index
        %get3A_1475 = arith.index_cast %add3A_1473 : i32 to index
        %get3A_1476 = tpu.vector_load %arg6[%get3A_1474, %get3A_1475] {strides = array<i32>} : memref<208x128xf32, #tpu.memory_space<vmem>>, vector<1x16xf32>,
        %get3A_1477 = vector.shape_cast %get3A_1476 : vector<1x16xf32> to vector<16xf32>
        %mul3A_1478 = vector.broadcast %squeeze3A_1434 : f32 to vector<16xf32>
        %mul3A_1479 = arith.mulf %get3A_1477, %mul3A_1478 : vector<16xf32>
        %max3A_1480 = arith.maximumf %max3A_1432, %mul3A_1479 : vector<16xf32>
        %slice3A_1481 = vector.extract_strided_slice %select_n3A_1379 {offsets = [2], sizes = [1], strides = [1]} : vector<16xf32> to vector<1xf32>
        %squeeze3A_1482 = vector.extract %slice3A_1481[0] : f32 from vector<1xf32>
        %slice3A_1483 = vector.extract_strided_slice %select_n3A_1387 {offsets = [2], sizes = [1], strides = [1]} : vector<16xi32> to vector<1xi32>
        %squeeze3A_1484 = vector.extract %slice3A_1483[0] : i32 from vector<1xi32>
        %add3A_1485 = arith.constant 2 : i32
        %add3A_1486 = arith.addi %mul3A_1366, %add3A_1485 : i32
        %add3A_1487 = arith.constant 0 : i32
        %add3A_1488 = arith.addi %squeeze3A_1484, %add3A_1487 : i32
        %get3A_1489 = arith.index_cast %add3A_1486 : i32 to index
        %get3A_1490 = arith.index_cast %add3A_1488 : i32 to index
        %get3A_1491 = tpu.vector_load %arg6[%get3A_1489, %get3A_1490] {strides = array<i32>} : memref<208x128xf32, #tpu.memory_space<vmem>>, vector<1x16xf32>,
        %get3A_1492 = vector.shape_cast %get3A_1491 : vector<1x16xf32> to vector<16xf32>
        %mul3A_1493 = vector.broadcast %squeeze3A_1482 : f32 to vector<16xf32>
        %mul3A_1494 = arith.mulf %get3A_1492, %mul3A_1493 : vector<16xf32>
        %max3A_1495 = arith.maximumf %max3A_1447, %mul3A_1494 : vector<16xf32>
        %add3A_1496 = arith.constant 2 : i32
        %add3A_1497 = arith.addi %mul3A_1366, %add3A_1496 : i32
        %add3A_1498 = arith.constant 16 : i32
        %add3A_1499 = arith.addi %squeeze3A_1484, %add3A_1498 : i32
        %get3A_1500 = arith.index_cast %add3A_1497 : i32 to index
        %get3A_1501 = arith.index_cast %add3A_1499 : i32 to index
        %get3A_1502 = tpu.vector_load %arg6[%get3A_1500, %get3A_1501] {strides = array<i32>} : memref<208x128xf32, #tpu.memory_space<vmem>>, vector<1x16xf32>,
        %get3A_1503 = vector.shape_cast %get3A_1502 : vector<1x16xf32> to vector<16xf32>
        %mul3A_1504 = vector.broadcast %squeeze3A_1482 : f32 to vector<16xf32>
        %mul3A_1505 = arith.mulf %get3A_1503, %mul3A_1504 : vector<16xf32>
        %max3A_1506 = arith.maximumf %max3A_1458, %mul3A_1505 : vector<16xf32>
        %add3A_1507 = arith.constant 2 : i32
        %add3A_1508 = arith.addi %mul3A_1366, %add3A_1507 : i32
        %add3A_1509 = arith.constant 32 : i32
        %add3A_1510 = arith.addi %squeeze3A_1484, %add3A_1509 : i32
        %get3A_1511 = arith.index_cast %add3A_1508 : i32 to index
        %get3A_1512 = arith.index_cast %add3A_1510 : i32 to index
        %get3A_1513 = tpu.vector_load %arg6[%get3A_1511, %get3A_1512] {strides = array<i32>} : memref<208x128xf32, #tpu.memory_space<vmem>>, vector<1x16xf32>,
        %get3A_1514 = vector.shape_cast %get3A_1513 : vector<1x16xf32> to vector<16xf32>
        %mul3A_1515 = vector.broadcast %squeeze3A_1482 : f32 to vector<16xf32>
        %mul3A_1516 = arith.mulf %get3A_1514, %mul3A_1515 : vector<16xf32>
        %max3A_1517 = arith.maximumf %max3A_1469, %mul3A_1516 : vector<16xf32>
        %add3A_1518 = arith.constant 2 : i32
        %add3A_1519 = arith.addi %mul3A_1366, %add3A_1518 : i32
        %add3A_1520 = arith.constant 48 : i32
        %add3A_1521 = arith.addi %squeeze3A_1484, %add3A_1520 : i32
        %get3A_1522 = arith.index_cast %add3A_1519 : i32 to index
        %get3A_1523 = arith.index_cast %add3A_1521 : i32 to index
        %get3A_1524 = tpu.vector_load %arg6[%get3A_1522, %get3A_1523] {strides = array<i32>} : memref<208x128xf32, #tpu.memory_space<vmem>>, vector<1x16xf32>,
        %get3A_1525 = vector.shape_cast %get3A_1524 : vector<1x16xf32> to vector<16xf32>
        %mul3A_1526 = vector.broadcast %squeeze3A_1482 : f32 to vector<16xf32>
        %mul3A_1527 = arith.mulf %get3A_1525, %mul3A_1526 : vector<16xf32>
        %max3A_1528 = arith.maximumf %max3A_1480, %mul3A_1527 : vector<16xf32>
        %slice3A_1529 = vector.extract_strided_slice %select_n3A_1379 {offsets = [3], sizes = [1], strides = [1]} : vector<16xf32> to vector<1xf32>
        %squeeze3A_1530 = vector.extract %slice3A_1529[0] : f32 from vector<1xf32>
        %slice3A_1531 = vector.extract_strided_slice %select_n3A_1387 {offsets = [3], sizes = [1], strides = [1]} : vector<16xi32> to vector<1xi32>
        %squeeze3A_1532 = vector.extract %slice3A_1531[0] : i32 from vector<1xi32>
        %add3A_1533 = arith.constant 3 : i32
        %add3A_1534 = arith.addi %mul3A_1366, %add3A_1533 : i32
        %add3A_1535 = arith.constant 0 : i32
        %add3A_1536 = arith.addi %squeeze3A_1532, %add3A_1535 : i32
        %get3A_1537 = arith.index_cast %add3A_1534 : i32 to index
        %get3A_1538 = arith.index_cast %add3A_1536 : i32 to index
        %get3A_1539 = tpu.vector_load %arg6[%get3A_1537, %get3A_1538] {strides = array<i32>} : memref<208x128xf32, #tpu.memory_space<vmem>>, vector<1x16xf32>,
        %get3A_1540 = vector.shape_cast %get3A_1539 : vector<1x16xf32> to vector<16xf32>
        %mul3A_1541 = vector.broadcast %squeeze3A_1530 : f32 to vector<16xf32>
        %mul3A_1542 = arith.mulf %get3A_1540, %mul3A_1541 : vector<16xf32>
        %max3A_1543 = arith.maximumf %max3A_1495, %mul3A_1542 : vector<16xf32>
        %add3A_1544 = arith.constant 3 : i32
        %add3A_1545 = arith.addi %mul3A_1366, %add3A_1544 : i32
        %add3A_1546 = arith.constant 16 : i32
        %add3A_1547 = arith.addi %squeeze3A_1532, %add3A_1546 : i32
        %get3A_1548 = arith.index_cast %add3A_1545 : i32 to index
        %get3A_1549 = arith.index_cast %add3A_1547 : i32 to index
        %get3A_1550 = tpu.vector_load %arg6[%get3A_1548, %get3A_1549] {strides = array<i32>} : memref<208x128xf32, #tpu.memory_space<vmem>>, vector<1x16xf32>,
        %get3A_1551 = vector.shape_cast %get3A_1550 : vector<1x16xf32> to vector<16xf32>
        %mul3A_1552 = vector.broadcast %squeeze3A_1530 : f32 to vector<16xf32>
        %mul3A_1553 = arith.mulf %get3A_1551, %mul3A_1552 : vector<16xf32>
        %max3A_1554 = arith.maximumf %max3A_1506, %mul3A_1553 : vector<16xf32>
        %add3A_1555 = arith.constant 3 : i32
        %add3A_1556 = arith.addi %mul3A_1366, %add3A_1555 : i32
        %add3A_1557 = arith.constant 32 : i32
        %add3A_1558 = arith.addi %squeeze3A_1532, %add3A_1557 : i32
        %get3A_1559 = arith.index_cast %add3A_1556 : i32 to index
        %get3A_1560 = arith.index_cast %add3A_1558 : i32 to index
        %get3A_1561 = tpu.vector_load %arg6[%get3A_1559, %get3A_1560] {strides = array<i32>} : memref<208x128xf32, #tpu.memory_space<vmem>>, vector<1x16xf32>,
        %get3A_1562 = vector.shape_cast %get3A_1561 : vector<1x16xf32> to vector<16xf32>
        %mul3A_1563 = vector.broadcast %squeeze3A_1530 : f32 to vector<16xf32>
        %mul3A_1564 = arith.mulf %get3A_1562, %mul3A_1563 : vector<16xf32>
        %max3A_1565 = arith.maximumf %max3A_1517, %mul3A_1564 : vector<16xf32>
        %add3A_1566 = arith.constant 3 : i32
        %add3A_1567 = arith.addi %mul3A_1366, %add3A_1566 : i32
        %add3A_1568 = arith.constant 48 : i32
        %add3A_1569 = arith.addi %squeeze3A_1532, %add3A_1568 : i32
        %get3A_1570 = arith.index_cast %add3A_1567 : i32 to index
        %get3A_1571 = arith.index_cast %add3A_1569 : i32 to index
        %get3A_1572 = tpu.vector_load %arg6[%get3A_1570, %get3A_1571] {strides = array<i32>} : memref<208x128xf32, #tpu.memory_space<vmem>>, vector<1x16xf32>,
        %get3A_1573 = vector.shape_cast %get3A_1572 : vector<1x16xf32> to vector<16xf32>
        %mul3A_1574 = vector.broadcast %squeeze3A_1530 : f32 to vector<16xf32>
        %mul3A_1575 = arith.mulf %get3A_1573, %mul3A_1574 : vector<16xf32>
        %max3A_1576 = arith.maximumf %max3A_1528, %mul3A_1575 : vector<16xf32>
        %slice3A_1577 = vector.extract_strided_slice %select_n3A_1379 {offsets = [4], sizes = [1], strides = [1]} : vector<16xf32> to vector<1xf32>
        %squeeze3A_1578 = vector.extract %slice3A_1577[0] : f32 from vector<1xf32>
        %slice3A_1579 = vector.extract_strided_slice %select_n3A_1387 {offsets = [4], sizes = [1], strides = [1]} : vector<16xi32> to vector<1xi32>
        %squeeze3A_1580 = vector.extract %slice3A_1579[0] : i32 from vector<1xi32>
        %add3A_1581 = arith.constant 4 : i32
        %add3A_1582 = arith.addi %mul3A_1366, %add3A_1581 : i32
        %add3A_1583 = arith.constant 0 : i32
        %add3A_1584 = arith.addi %squeeze3A_1580, %add3A_1583 : i32
        %get3A_1585 = arith.index_cast %add3A_1582 : i32 to index
        %get3A_1586 = arith.index_cast %add3A_1584 : i32 to index
        %get3A_1587 = tpu.vector_load %arg6[%get3A_1585, %get3A_1586] {strides = array<i32>} : memref<208x128xf32, #tpu.memory_space<vmem>>, vector<1x16xf32>,
        %get3A_1588 = vector.shape_cast %get3A_1587 : vector<1x16xf32> to vector<16xf32>
        %mul3A_1589 = vector.broadcast %squeeze3A_1578 : f32 to vector<16xf32>
        %mul3A_1590 = arith.mulf %get3A_1588, %mul3A_1589 : vector<16xf32>
        %max3A_1591 = arith.maximumf %max3A_1543, %mul3A_1590 : vector<16xf32>
        %add3A_1592 = arith.constant 4 : i32
        %add3A_1593 = arith.addi %mul3A_1366, %add3A_1592 : i32
        %add3A_1594 = arith.constant 16 : i32
        %add3A_1595 = arith.addi %squeeze3A_1580, %add3A_1594 : i32
        %get3A_1596 = arith.index_cast %add3A_1593 : i32 to index
        %get3A_1597 = arith.index_cast %add3A_1595 : i32 to index
        %get3A_1598 = tpu.vector_load %arg6[%get3A_1596, %get3A_1597] {strides = array<i32>} : memref<208x128xf32, #tpu.memory_space<vmem>>, vector<1x16xf32>,
        %get3A_1599 = vector.shape_cast %get3A_1598 : vector<1x16xf32> to vector<16xf32>
        %mul3A_1600 = vector.broadcast %squeeze3A_1578 : f32 to vector<16xf32>
        %mul3A_1601 = arith.mulf %get3A_1599, %mul3A_1600 : vector<16xf32>
        %max3A_1602 = arith.maximumf %max3A_1554, %mul3A_1601 : vector<16xf32>
        %add3A_1603 = arith.constant 4 : i32
        %add3A_1604 = arith.addi %mul3A_1366, %add3A_1603 : i32
        %add3A_1605 = arith.constant 32 : i32
        %add3A_1606 = arith.addi %squeeze3A_1580, %add3A_1605 : i32
        %get3A_1607 = arith.index_cast %add3A_1604 : i32 to index
        %get3A_1608 = arith.index_cast %add3A_1606 : i32 to index
        %get3A_1609 = tpu.vector_load %arg6[%get3A_1607, %get3A_1608] {strides = array<i32>} : memref<208x128xf32, #tpu.memory_space<vmem>>, vector<1x16xf32>,
        %get3A_1610 = vector.shape_cast %get3A_1609 : vector<1x16xf32> to vector<16xf32>
        %mul3A_1611 = vector.broadcast %squeeze3A_1578 : f32 to vector<16xf32>
        %mul3A_1612 = arith.mulf %get3A_1610, %mul3A_1611 : vector<16xf32>
        %max3A_1613 = arith.maximumf %max3A_1565, %mul3A_1612 : vector<16xf32>
        %add3A_1614 = arith.constant 4 : i32
        %add3A_1615 = arith.addi %mul3A_1366, %add3A_1614 : i32
        %add3A_1616 = arith.constant 48 : i32
        %add3A_1617 = arith.addi %squeeze3A_1580, %add3A_1616 : i32
        %get3A_1618 = arith.index_cast %add3A_1615 : i32 to index
        %get3A_1619 = arith.index_cast %add3A_1617 : i32 to index
        %get3A_1620 = tpu.vector_load %arg6[%get3A_1618, %get3A_1619] {strides = array<i32>} : memref<208x128xf32, #tpu.memory_space<vmem>>, vector<1x16xf32>,
        %get3A_1621 = vector.shape_cast %get3A_1620 : vector<1x16xf32> to vector<16xf32>
        %mul3A_1622 = vector.broadcast %squeeze3A_1578 : f32 to vector<16xf32>
        %mul3A_1623 = arith.mulf %get3A_1621, %mul3A_1622 : vector<16xf32>
        %max3A_1624 = arith.maximumf %max3A_1576, %mul3A_1623 : vector<16xf32>
        %slice3A_1625 = vector.extract_strided_slice %select_n3A_1379 {offsets = [5], sizes = [1], strides = [1]} : vector<16xf32> to vector<1xf32>
        %squeeze3A_1626 = vector.extract %slice3A_1625[0] : f32 from vector<1xf32>
        %slice3A_1627 = vector.extract_strided_slice %select_n3A_1387 {offsets = [5], sizes = [1], strides = [1]} : vector<16xi32> to vector<1xi32>
        %squeeze3A_1628 = vector.extract %slice3A_1627[0] : i32 from vector<1xi32>
        %add3A_1629 = arith.constant 5 : i32
        %add3A_1630 = arith.addi %mul3A_1366, %add3A_1629 : i32
        %add3A_1631 = arith.constant 0 : i32
        %add3A_1632 = arith.addi %squeeze3A_1628, %add3A_1631 : i32
        %get3A_1633 = arith.index_cast %add3A_1630 : i32 to index
        %get3A_1634 = arith.index_cast %add3A_1632 : i32 to index
        %get3A_1635 = tpu.vector_load %arg6[%get3A_1633, %get3A_1634] {strides = array<i32>} : memref<208x128xf32, #tpu.memory_space<vmem>>, vector<1x16xf32>,
        %get3A_1636 = vector.shape_cast %get3A_1635 : vector<1x16xf32> to vector<16xf32>
        %mul3A_1637 = vector.broadcast %squeeze3A_1626 : f32 to vector<16xf32>
        %mul3A_1638 = arith.mulf %get3A_1636, %mul3A_1637 : vector<16xf32>
        %max3A_1639 = arith.maximumf %max3A_1591, %mul3A_1638 : vector<16xf32>
        %add3A_1640 = arith.constant 5 : i32
        %add3A_1641 = arith.addi %mul3A_1366, %add3A_1640 : i32
        %add3A_1642 = arith.constant 16 : i32
        %add3A_1643 = arith.addi %squeeze3A_1628, %add3A_1642 : i32
        %get3A_1644 = arith.index_cast %add3A_1641 : i32 to index
        %get3A_1645 = arith.index_cast %add3A_1643 : i32 to index
        %get3A_1646 = tpu.vector_load %arg6[%get3A_1644, %get3A_1645] {strides = array<i32>} : memref<208x128xf32, #tpu.memory_space<vmem>>, vector<1x16xf32>,
        %get3A_1647 = vector.shape_cast %get3A_1646 : vector<1x16xf32> to vector<16xf32>
        %mul3A_1648 = vector.broadcast %squeeze3A_1626 : f32 to vector<16xf32>
        %mul3A_1649 = arith.mulf %get3A_1647, %mul3A_1648 : vector<16xf32>
        %max3A_1650 = arith.maximumf %max3A_1602, %mul3A_1649 : vector<16xf32>
        %add3A_1651 = arith.constant 5 : i32
        %add3A_1652 = arith.addi %mul3A_1366, %add3A_1651 : i32
        %add3A_1653 = arith.constant 32 : i32
        %add3A_1654 = arith.addi %squeeze3A_1628, %add3A_1653 : i32
        %get3A_1655 = arith.index_cast %add3A_1652 : i32 to index
        %get3A_1656 = arith.index_cast %add3A_1654 : i32 to index
        %get3A_1657 = tpu.vector_load %arg6[%get3A_1655, %get3A_1656] {strides = array<i32>} : memref<208x128xf32, #tpu.memory_space<vmem>>, vector<1x16xf32>,
        %get3A_1658 = vector.shape_cast %get3A_1657 : vector<1x16xf32> to vector<16xf32>
        %mul3A_1659 = vector.broadcast %squeeze3A_1626 : f32 to vector<16xf32>
        %mul3A_1660 = arith.mulf %get3A_1658, %mul3A_1659 : vector<16xf32>
        %max3A_1661 = arith.maximumf %max3A_1613, %mul3A_1660 : vector<16xf32>
        %add3A_1662 = arith.constant 5 : i32
        %add3A_1663 = arith.addi %mul3A_1366, %add3A_1662 : i32
        %add3A_1664 = arith.constant 48 : i32
        %add3A_1665 = arith.addi %squeeze3A_1628, %add3A_1664 : i32
        %get3A_1666 = arith.index_cast %add3A_1663 : i32 to index
        %get3A_1667 = arith.index_cast %add3A_1665 : i32 to index
        %get3A_1668 = tpu.vector_load %arg6[%get3A_1666, %get3A_1667] {strides = array<i32>} : memref<208x128xf32, #tpu.memory_space<vmem>>, vector<1x16xf32>,
        %get3A_1669 = vector.shape_cast %get3A_1668 : vector<1x16xf32> to vector<16xf32>
        %mul3A_1670 = vector.broadcast %squeeze3A_1626 : f32 to vector<16xf32>
        %mul3A_1671 = arith.mulf %get3A_1669, %mul3A_1670 : vector<16xf32>
        %max3A_1672 = arith.maximumf %max3A_1624, %mul3A_1671 : vector<16xf32>
        %slice3A_1673 = vector.extract_strided_slice %select_n3A_1379 {offsets = [6], sizes = [1], strides = [1]} : vector<16xf32> to vector<1xf32>
        %squeeze3A_1674 = vector.extract %slice3A_1673[0] : f32 from vector<1xf32>
        %slice3A_1675 = vector.extract_strided_slice %select_n3A_1387 {offsets = [6], sizes = [1], strides = [1]} : vector<16xi32> to vector<1xi32>
        %squeeze3A_1676 = vector.extract %slice3A_1675[0] : i32 from vector<1xi32>
        %add3A_1677 = arith.constant 6 : i32
        %add3A_1678 = arith.addi %mul3A_1366, %add3A_1677 : i32
        %add3A_1679 = arith.constant 0 : i32
        %add3A_1680 = arith.addi %squeeze3A_1676, %add3A_1679 : i32
        %get3A_1681 = arith.index_cast %add3A_1678 : i32 to index
        %get3A_1682 = arith.index_cast %add3A_1680 : i32 to index
        %get3A_1683 = tpu.vector_load %arg6[%get3A_1681, %get3A_1682] {strides = array<i32>} : memref<208x128xf32, #tpu.memory_space<vmem>>, vector<1x16xf32>,
        %get3A_1684 = vector.shape_cast %get3A_1683 : vector<1x16xf32> to vector<16xf32>
        %mul3A_1685 = vector.broadcast %squeeze3A_1674 : f32 to vector<16xf32>
        %mul3A_1686 = arith.mulf %get3A_1684, %mul3A_1685 : vector<16xf32>
        %max3A_1687 = arith.maximumf %max3A_1639, %mul3A_1686 : vector<16xf32>
        %add3A_1688 = arith.constant 6 : i32
        %add3A_1689 = arith.addi %mul3A_1366, %add3A_1688 : i32
        %add3A_1690 = arith.constant 16 : i32
        %add3A_1691 = arith.addi %squeeze3A_1676, %add3A_1690 : i32
        %get3A_1692 = arith.index_cast %add3A_1689 : i32 to index
        %get3A_1693 = arith.index_cast %add3A_1691 : i32 to index
        %get3A_1694 = tpu.vector_load %arg6[%get3A_1692, %get3A_1693] {strides = array<i32>} : memref<208x128xf32, #tpu.memory_space<vmem>>, vector<1x16xf32>,
        %get3A_1695 = vector.shape_cast %get3A_1694 : vector<1x16xf32> to vector<16xf32>
        %mul3A_1696 = vector.broadcast %squeeze3A_1674 : f32 to vector<16xf32>
        %mul3A_1697 = arith.mulf %get3A_1695, %mul3A_1696 : vector<16xf32>
        %max3A_1698 = arith.maximumf %max3A_1650, %mul3A_1697 : vector<16xf32>
        %add3A_1699 = arith.constant 6 : i32
        %add3A_1700 = arith.addi %mul3A_1366, %add3A_1699 : i32
        %add3A_1701 = arith.constant 32 : i32
        %add3A_1702 = arith.addi %squeeze3A_1676, %add3A_1701 : i32
        %get3A_1703 = arith.index_cast %add3A_1700 : i32 to index
        %get3A_1704 = arith.index_cast %add3A_1702 : i32 to index
        %get3A_1705 = tpu.vector_load %arg6[%get3A_1703, %get3A_1704] {strides = array<i32>} : memref<208x128xf32, #tpu.memory_space<vmem>>, vector<1x16xf32>,
        %get3A_1706 = vector.shape_cast %get3A_1705 : vector<1x16xf32> to vector<16xf32>
        %mul3A_1707 = vector.broadcast %squeeze3A_1674 : f32 to vector<16xf32>
        %mul3A_1708 = arith.mulf %get3A_1706, %mul3A_1707 : vector<16xf32>
        %max3A_1709 = arith.maximumf %max3A_1661, %mul3A_1708 : vector<16xf32>
        %add3A_1710 = arith.constant 6 : i32
        %add3A_1711 = arith.addi %mul3A_1366, %add3A_1710 : i32
        %add3A_1712 = arith.constant 48 : i32
        %add3A_1713 = arith.addi %squeeze3A_1676, %add3A_1712 : i32
        %get3A_1714 = arith.index_cast %add3A_1711 : i32 to index
        %get3A_1715 = arith.index_cast %add3A_1713 : i32 to index
        %get3A_1716 = tpu.vector_load %arg6[%get3A_1714, %get3A_1715] {strides = array<i32>} : memref<208x128xf32, #tpu.memory_space<vmem>>, vector<1x16xf32>,
        %get3A_1717 = vector.shape_cast %get3A_1716 : vector<1x16xf32> to vector<16xf32>
        %mul3A_1718 = vector.broadcast %squeeze3A_1674 : f32 to vector<16xf32>
        %mul3A_1719 = arith.mulf %get3A_1717, %mul3A_1718 : vector<16xf32>
        %max3A_1720 = arith.maximumf %max3A_1672, %mul3A_1719 : vector<16xf32>
        %slice3A_1721 = vector.extract_strided_slice %select_n3A_1379 {offsets = [7], sizes = [1], strides = [1]} : vector<16xf32> to vector<1xf32>
        %squeeze3A_1722 = vector.extract %slice3A_1721[0] : f32 from vector<1xf32>
        %slice3A_1723 = vector.extract_strided_slice %select_n3A_1387 {offsets = [7], sizes = [1], strides = [1]} : vector<16xi32> to vector<1xi32>
        %squeeze3A_1724 = vector.extract %slice3A_1723[0] : i32 from vector<1xi32>
        %add3A_1725 = arith.constant 7 : i32
        %add3A_1726 = arith.addi %mul3A_1366, %add3A_1725 : i32
        %add3A_1727 = arith.constant 0 : i32
        %add3A_1728 = arith.addi %squeeze3A_1724, %add3A_1727 : i32
        %get3A_1729 = arith.index_cast %add3A_1726 : i32 to index
        %get3A_1730 = arith.index_cast %add3A_1728 : i32 to index
        %get3A_1731 = tpu.vector_load %arg6[%get3A_1729, %get3A_1730] {strides = array<i32>} : memref<208x128xf32, #tpu.memory_space<vmem>>, vector<1x16xf32>,
        %get3A_1732 = vector.shape_cast %get3A_1731 : vector<1x16xf32> to vector<16xf32>
        %mul3A_1733 = vector.broadcast %squeeze3A_1722 : f32 to vector<16xf32>
        %mul3A_1734 = arith.mulf %get3A_1732, %mul3A_1733 : vector<16xf32>
        %max3A_1735 = arith.maximumf %max3A_1687, %mul3A_1734 : vector<16xf32>
        %add3A_1736 = arith.constant 7 : i32
        %add3A_1737 = arith.addi %mul3A_1366, %add3A_1736 : i32
        %add3A_1738 = arith.constant 16 : i32
        %add3A_1739 = arith.addi %squeeze3A_1724, %add3A_1738 : i32
        %get3A_1740 = arith.index_cast %add3A_1737 : i32 to index
        %get3A_1741 = arith.index_cast %add3A_1739 : i32 to index
        %get3A_1742 = tpu.vector_load %arg6[%get3A_1740, %get3A_1741] {strides = array<i32>} : memref<208x128xf32, #tpu.memory_space<vmem>>, vector<1x16xf32>,
        %get3A_1743 = vector.shape_cast %get3A_1742 : vector<1x16xf32> to vector<16xf32>
        %mul3A_1744 = vector.broadcast %squeeze3A_1722 : f32 to vector<16xf32>
        %mul3A_1745 = arith.mulf %get3A_1743, %mul3A_1744 : vector<16xf32>
        %max3A_1746 = arith.maximumf %max3A_1698, %mul3A_1745 : vector<16xf32>
        %add3A_1747 = arith.constant 7 : i32
        %add3A_1748 = arith.addi %mul3A_1366, %add3A_1747 : i32
        %add3A_1749 = arith.constant 32 : i32
        %add3A_1750 = arith.addi %squeeze3A_1724, %add3A_1749 : i32
        %get3A_1751 = arith.index_cast %add3A_1748 : i32 to index
        %get3A_1752 = arith.index_cast %add3A_1750 : i32 to index
        %get3A_1753 = tpu.vector_load %arg6[%get3A_1751, %get3A_1752] {strides = array<i32>} : memref<208x128xf32, #tpu.memory_space<vmem>>, vector<1x16xf32>,
        %get3A_1754 = vector.shape_cast %get3A_1753 : vector<1x16xf32> to vector<16xf32>
        %mul3A_1755 = vector.broadcast %squeeze3A_1722 : f32 to vector<16xf32>
        %mul3A_1756 = arith.mulf %get3A_1754, %mul3A_1755 : vector<16xf32>
        %max3A_1757 = arith.maximumf %max3A_1709, %mul3A_1756 : vector<16xf32>
        %add3A_1758 = arith.constant 7 : i32
        %add3A_1759 = arith.addi %mul3A_1366, %add3A_1758 : i32
        %add3A_1760 = arith.constant 48 : i32
        %add3A_1761 = arith.addi %squeeze3A_1724, %add3A_1760 : i32
        %get3A_1762 = arith.index_cast %add3A_1759 : i32 to index
        %get3A_1763 = arith.index_cast %add3A_1761 : i32 to index
        %get3A_1764 = tpu.vector_load %arg6[%get3A_1762, %get3A_1763] {strides = array<i32>} : memref<208x128xf32, #tpu.memory_space<vmem>>, vector<1x16xf32>,
        %get3A_1765 = vector.shape_cast %get3A_1764 : vector<1x16xf32> to vector<16xf32>
        %mul3A_1766 = vector.broadcast %squeeze3A_1722 : f32 to vector<16xf32>
        %mul3A_1767 = arith.mulf %get3A_1765, %mul3A_1766 : vector<16xf32>
        %max3A_1768 = arith.maximumf %max3A_1720, %mul3A_1767 : vector<16xf32>
        %slice3A_1769 = vector.extract_strided_slice %select_n3A_1379 {offsets = [8], sizes = [1], strides = [1]} : vector<16xf32> to vector<1xf32>
        %squeeze3A_1770 = vector.extract %slice3A_1769[0] : f32 from vector<1xf32>
        %slice3A_1771 = vector.extract_strided_slice %select_n3A_1387 {offsets = [8], sizes = [1], strides = [1]} : vector<16xi32> to vector<1xi32>
        %squeeze3A_1772 = vector.extract %slice3A_1771[0] : i32 from vector<1xi32>
        %add3A_1773 = arith.constant 8 : i32
        %add3A_1774 = arith.addi %mul3A_1366, %add3A_1773 : i32
        %add3A_1775 = arith.constant 0 : i32
        %add3A_1776 = arith.addi %squeeze3A_1772, %add3A_1775 : i32
        %get3A_1777 = arith.index_cast %add3A_1774 : i32 to index
        %get3A_1778 = arith.index_cast %add3A_1776 : i32 to index
        %get3A_1779 = tpu.vector_load %arg6[%get3A_1777, %get3A_1778] {strides = array<i32>} : memref<208x128xf32, #tpu.memory_space<vmem>>, vector<1x16xf32>,
        %get3A_1780 = vector.shape_cast %get3A_1779 : vector<1x16xf32> to vector<16xf32>
        %mul3A_1781 = vector.broadcast %squeeze3A_1770 : f32 to vector<16xf32>
        %mul3A_1782 = arith.mulf %get3A_1780, %mul3A_1781 : vector<16xf32>
        %max3A_1783 = arith.maximumf %max3A_1735, %mul3A_1782 : vector<16xf32>
        %add3A_1784 = arith.constant 8 : i32
        %add3A_1785 = arith.addi %mul3A_1366, %add3A_1784 : i32
        %add3A_1786 = arith.constant 16 : i32
        %add3A_1787 = arith.addi %squeeze3A_1772, %add3A_1786 : i32
        %get3A_1788 = arith.index_cast %add3A_1785 : i32 to index
        %get3A_1789 = arith.index_cast %add3A_1787 : i32 to index
        %get3A_1790 = tpu.vector_load %arg6[%get3A_1788, %get3A_1789] {strides = array<i32>} : memref<208x128xf32, #tpu.memory_space<vmem>>, vector<1x16xf32>,
        %get3A_1791 = vector.shape_cast %get3A_1790 : vector<1x16xf32> to vector<16xf32>
        %mul3A_1792 = vector.broadcast %squeeze3A_1770 : f32 to vector<16xf32>
        %mul3A_1793 = arith.mulf %get3A_1791, %mul3A_1792 : vector<16xf32>
        %max3A_1794 = arith.maximumf %max3A_1746, %mul3A_1793 : vector<16xf32>
        %add3A_1795 = arith.constant 8 : i32
        %add3A_1796 = arith.addi %mul3A_1366, %add3A_1795 : i32
        %add3A_1797 = arith.constant 32 : i32
        %add3A_1798 = arith.addi %squeeze3A_1772, %add3A_1797 : i32
        %get3A_1799 = arith.index_cast %add3A_1796 : i32 to index
        %get3A_1800 = arith.index_cast %add3A_1798 : i32 to index
        %get3A_1801 = tpu.vector_load %arg6[%get3A_1799, %get3A_1800] {strides = array<i32>} : memref<208x128xf32, #tpu.memory_space<vmem>>, vector<1x16xf32>,
        %get3A_1802 = vector.shape_cast %get3A_1801 : vector<1x16xf32> to vector<16xf32>
        %mul3A_1803 = vector.broadcast %squeeze3A_1770 : f32 to vector<16xf32>
        %mul3A_1804 = arith.mulf %get3A_1802, %mul3A_1803 : vector<16xf32>
        %max3A_1805 = arith.maximumf %max3A_1757, %mul3A_1804 : vector<16xf32>
        %add3A_1806 = arith.constant 8 : i32
        %add3A_1807 = arith.addi %mul3A_1366, %add3A_1806 : i32
        %add3A_1808 = arith.constant 48 : i32
        %add3A_1809 = arith.addi %squeeze3A_1772, %add3A_1808 : i32
        %get3A_1810 = arith.index_cast %add3A_1807 : i32 to index
        %get3A_1811 = arith.index_cast %add3A_1809 : i32 to index
        %get3A_1812 = tpu.vector_load %arg6[%get3A_1810, %get3A_1811] {strides = array<i32>} : memref<208x128xf32, #tpu.memory_space<vmem>>, vector<1x16xf32>,
        %get3A_1813 = vector.shape_cast %get3A_1812 : vector<1x16xf32> to vector<16xf32>
        %mul3A_1814 = vector.broadcast %squeeze3A_1770 : f32 to vector<16xf32>
        %mul3A_1815 = arith.mulf %get3A_1813, %mul3A_1814 : vector<16xf32>
        %max3A_1816 = arith.maximumf %max3A_1768, %mul3A_1815 : vector<16xf32>
        %slice3A_1817 = vector.extract_strided_slice %select_n3A_1379 {offsets = [9], sizes = [1], strides = [1]} : vector<16xf32> to vector<1xf32>
        %squeeze3A_1818 = vector.extract %slice3A_1817[0] : f32 from vector<1xf32>
        %slice3A_1819 = vector.extract_strided_slice %select_n3A_1387 {offsets = [9], sizes = [1], strides = [1]} : vector<16xi32> to vector<1xi32>
        %squeeze3A_1820 = vector.extract %slice3A_1819[0] : i32 from vector<1xi32>
        %add3A_1821 = arith.constant 9 : i32
        %add3A_1822 = arith.addi %mul3A_1366, %add3A_1821 : i32
        %add3A_1823 = arith.constant 0 : i32
        %add3A_1824 = arith.addi %squeeze3A_1820, %add3A_1823 : i32
        %get3A_1825 = arith.index_cast %add3A_1822 : i32 to index
        %get3A_1826 = arith.index_cast %add3A_1824 : i32 to index
        %get3A_1827 = tpu.vector_load %arg6[%get3A_1825, %get3A_1826] {strides = array<i32>} : memref<208x128xf32, #tpu.memory_space<vmem>>, vector<1x16xf32>,
        %get3A_1828 = vector.shape_cast %get3A_1827 : vector<1x16xf32> to vector<16xf32>
        %mul3A_1829 = vector.broadcast %squeeze3A_1818 : f32 to vector<16xf32>
        %mul3A_1830 = arith.mulf %get3A_1828, %mul3A_1829 : vector<16xf32>
        %max3A_1831 = arith.maximumf %max3A_1783, %mul3A_1830 : vector<16xf32>
        %add3A_1832 = arith.constant 9 : i32
        %add3A_1833 = arith.addi %mul3A_1366, %add3A_1832 : i32
        %add3A_1834 = arith.constant 16 : i32
        %add3A_1835 = arith.addi %squeeze3A_1820, %add3A_1834 : i32
        %get3A_1836 = arith.index_cast %add3A_1833 : i32 to index
        %get3A_1837 = arith.index_cast %add3A_1835 : i32 to index
        %get3A_1838 = tpu.vector_load %arg6[%get3A_1836, %get3A_1837] {strides = array<i32>} : memref<208x128xf32, #tpu.memory_space<vmem>>, vector<1x16xf32>,
        %get3A_1839 = vector.shape_cast %get3A_1838 : vector<1x16xf32> to vector<16xf32>
        %mul3A_1840 = vector.broadcast %squeeze3A_1818 : f32 to vector<16xf32>
        %mul3A_1841 = arith.mulf %get3A_1839, %mul3A_1840 : vector<16xf32>
        %max3A_1842 = arith.maximumf %max3A_1794, %mul3A_1841 : vector<16xf32>
        %add3A_1843 = arith.constant 9 : i32
        %add3A_1844 = arith.addi %mul3A_1366, %add3A_1843 : i32
        %add3A_1845 = arith.constant 32 : i32
        %add3A_1846 = arith.addi %squeeze3A_1820, %add3A_1845 : i32
        %get3A_1847 = arith.index_cast %add3A_1844 : i32 to index
        %get3A_1848 = arith.index_cast %add3A_1846 : i32 to index
        %get3A_1849 = tpu.vector_load %arg6[%get3A_1847, %get3A_1848] {strides = array<i32>} : memref<208x128xf32, #tpu.memory_space<vmem>>, vector<1x16xf32>,
        %get3A_1850 = vector.shape_cast %get3A_1849 : vector<1x16xf32> to vector<16xf32>
        %mul3A_1851 = vector.broadcast %squeeze3A_1818 : f32 to vector<16xf32>
        %mul3A_1852 = arith.mulf %get3A_1850, %mul3A_1851 : vector<16xf32>
        %max3A_1853 = arith.maximumf %max3A_1805, %mul3A_1852 : vector<16xf32>
        %add3A_1854 = arith.constant 9 : i32
        %add3A_1855 = arith.addi %mul3A_1366, %add3A_1854 : i32
        %add3A_1856 = arith.constant 48 : i32
        %add3A_1857 = arith.addi %squeeze3A_1820, %add3A_1856 : i32
        %get3A_1858 = arith.index_cast %add3A_1855 : i32 to index
        %get3A_1859 = arith.index_cast %add3A_1857 : i32 to index
        %get3A_1860 = tpu.vector_load %arg6[%get3A_1858, %get3A_1859] {strides = array<i32>} : memref<208x128xf32, #tpu.memory_space<vmem>>, vector<1x16xf32>,
        %get3A_1861 = vector.shape_cast %get3A_1860 : vector<1x16xf32> to vector<16xf32>
        %mul3A_1862 = vector.broadcast %squeeze3A_1818 : f32 to vector<16xf32>
        %mul3A_1863 = arith.mulf %get3A_1861, %mul3A_1862 : vector<16xf32>
        %max3A_1864 = arith.maximumf %max3A_1816, %mul3A_1863 : vector<16xf32>
        %slice3A_1865 = vector.extract_strided_slice %select_n3A_1379 {offsets = [10], sizes = [1], strides = [1]} : vector<16xf32> to vector<1xf32>
        %squeeze3A_1866 = vector.extract %slice3A_1865[0] : f32 from vector<1xf32>
        %slice3A_1867 = vector.extract_strided_slice %select_n3A_1387 {offsets = [10], sizes = [1], strides = [1]} : vector<16xi32> to vector<1xi32>
        %squeeze3A_1868 = vector.extract %slice3A_1867[0] : i32 from vector<1xi32>
        %add3A_1869 = arith.constant 10 : i32
        %add3A_1870 = arith.addi %mul3A_1366, %add3A_1869 : i32
        %add3A_1871 = arith.constant 0 : i32
        %add3A_1872 = arith.addi %squeeze3A_1868, %add3A_1871 : i32
        %get3A_1873 = arith.index_cast %add3A_1870 : i32 to index
        %get3A_1874 = arith.index_cast %add3A_1872 : i32 to index
        %get3A_1875 = tpu.vector_load %arg6[%get3A_1873, %get3A_1874] {strides = array<i32>} : memref<208x128xf32, #tpu.memory_space<vmem>>, vector<1x16xf32>,
        %get3A_1876 = vector.shape_cast %get3A_1875 : vector<1x16xf32> to vector<16xf32>
        %mul3A_1877 = vector.broadcast %squeeze3A_1866 : f32 to vector<16xf32>
        %mul3A_1878 = arith.mulf %get3A_1876, %mul3A_1877 : vector<16xf32>
        %max3A_1879 = arith.maximumf %max3A_1831, %mul3A_1878 : vector<16xf32>
        %add3A_1880 = arith.constant 10 : i32
        %add3A_1881 = arith.addi %mul3A_1366, %add3A_1880 : i32
        %add3A_1882 = arith.constant 16 : i32
        %add3A_1883 = arith.addi %squeeze3A_1868, %add3A_1882 : i32
        %get3A_1884 = arith.index_cast %add3A_1881 : i32 to index
        %get3A_1885 = arith.index_cast %add3A_1883 : i32 to index
        %get3A_1886 = tpu.vector_load %arg6[%get3A_1884, %get3A_1885] {strides = array<i32>} : memref<208x128xf32, #tpu.memory_space<vmem>>, vector<1x16xf32>,
        %get3A_1887 = vector.shape_cast %get3A_1886 : vector<1x16xf32> to vector<16xf32>
        %mul3A_1888 = vector.broadcast %squeeze3A_1866 : f32 to vector<16xf32>
        %mul3A_1889 = arith.mulf %get3A_1887, %mul3A_1888 : vector<16xf32>
        %max3A_1890 = arith.maximumf %max3A_1842, %mul3A_1889 : vector<16xf32>
        %add3A_1891 = arith.constant 10 : i32
        %add3A_1892 = arith.addi %mul3A_1366, %add3A_1891 : i32
        %add3A_1893 = arith.constant 32 : i32
        %add3A_1894 = arith.addi %squeeze3A_1868, %add3A_1893 : i32
        %get3A_1895 = arith.index_cast %add3A_1892 : i32 to index
        %get3A_1896 = arith.index_cast %add3A_1894 : i32 to index
        %get3A_1897 = tpu.vector_load %arg6[%get3A_1895, %get3A_1896] {strides = array<i32>} : memref<208x128xf32, #tpu.memory_space<vmem>>, vector<1x16xf32>,
        %get3A_1898 = vector.shape_cast %get3A_1897 : vector<1x16xf32> to vector<16xf32>
        %mul3A_1899 = vector.broadcast %squeeze3A_1866 : f32 to vector<16xf32>
        %mul3A_1900 = arith.mulf %get3A_1898, %mul3A_1899 : vector<16xf32>
        %max3A_1901 = arith.maximumf %max3A_1853, %mul3A_1900 : vector<16xf32>
        %add3A_1902 = arith.constant 10 : i32
        %add3A_1903 = arith.addi %mul3A_1366, %add3A_1902 : i32
        %add3A_1904 = arith.constant 48 : i32
        %add3A_1905 = arith.addi %squeeze3A_1868, %add3A_1904 : i32
        %get3A_1906 = arith.index_cast %add3A_1903 : i32 to index
        %get3A_1907 = arith.index_cast %add3A_1905 : i32 to index
        %get3A_1908 = tpu.vector_load %arg6[%get3A_1906, %get3A_1907] {strides = array<i32>} : memref<208x128xf32, #tpu.memory_space<vmem>>, vector<1x16xf32>,
        %get3A_1909 = vector.shape_cast %get3A_1908 : vector<1x16xf32> to vector<16xf32>
        %mul3A_1910 = vector.broadcast %squeeze3A_1866 : f32 to vector<16xf32>
        %mul3A_1911 = arith.mulf %get3A_1909, %mul3A_1910 : vector<16xf32>
        %max3A_1912 = arith.maximumf %max3A_1864, %mul3A_1911 : vector<16xf32>
        %slice3A_1913 = vector.extract_strided_slice %select_n3A_1379 {offsets = [11], sizes = [1], strides = [1]} : vector<16xf32> to vector<1xf32>
        %squeeze3A_1914 = vector.extract %slice3A_1913[0] : f32 from vector<1xf32>
        %slice3A_1915 = vector.extract_strided_slice %select_n3A_1387 {offsets = [11], sizes = [1], strides = [1]} : vector<16xi32> to vector<1xi32>
        %squeeze3A_1916 = vector.extract %slice3A_1915[0] : i32 from vector<1xi32>
        %add3A_1917 = arith.constant 11 : i32
        %add3A_1918 = arith.addi %mul3A_1366, %add3A_1917 : i32
        %add3A_1919 = arith.constant 0 : i32
        %add3A_1920 = arith.addi %squeeze3A_1916, %add3A_1919 : i32
        %get3A_1921 = arith.index_cast %add3A_1918 : i32 to index
        %get3A_1922 = arith.index_cast %add3A_1920 : i32 to index
        %get3A_1923 = tpu.vector_load %arg6[%get3A_1921, %get3A_1922] {strides = array<i32>} : memref<208x128xf32, #tpu.memory_space<vmem>>, vector<1x16xf32>,
        %get3A_1924 = vector.shape_cast %get3A_1923 : vector<1x16xf32> to vector<16xf32>
        %mul3A_1925 = vector.broadcast %squeeze3A_1914 : f32 to vector<16xf32>
        %mul3A_1926 = arith.mulf %get3A_1924, %mul3A_1925 : vector<16xf32>
        %max3A_1927 = arith.maximumf %max3A_1879, %mul3A_1926 : vector<16xf32>
        %add3A_1928 = arith.constant 11 : i32
        %add3A_1929 = arith.addi %mul3A_1366, %add3A_1928 : i32
        %add3A_1930 = arith.constant 16 : i32
        %add3A_1931 = arith.addi %squeeze3A_1916, %add3A_1930 : i32
        %get3A_1932 = arith.index_cast %add3A_1929 : i32 to index
        %get3A_1933 = arith.index_cast %add3A_1931 : i32 to index
        %get3A_1934 = tpu.vector_load %arg6[%get3A_1932, %get3A_1933] {strides = array<i32>} : memref<208x128xf32, #tpu.memory_space<vmem>>, vector<1x16xf32>,
        %get3A_1935 = vector.shape_cast %get3A_1934 : vector<1x16xf32> to vector<16xf32>
        %mul3A_1936 = vector.broadcast %squeeze3A_1914 : f32 to vector<16xf32>
        %mul3A_1937 = arith.mulf %get3A_1935, %mul3A_1936 : vector<16xf32>
        %max3A_1938 = arith.maximumf %max3A_1890, %mul3A_1937 : vector<16xf32>
        %add3A_1939 = arith.constant 11 : i32
        %add3A_1940 = arith.addi %mul3A_1366, %add3A_1939 : i32
        %add3A_1941 = arith.constant 32 : i32
        %add3A_1942 = arith.addi %squeeze3A_1916, %add3A_1941 : i32
        %get3A_1943 = arith.index_cast %add3A_1940 : i32 to index
        %get3A_1944 = arith.index_cast %add3A_1942 : i32 to index
        %get3A_1945 = tpu.vector_load %arg6[%get3A_1943, %get3A_1944] {strides = array<i32>} : memref<208x128xf32, #tpu.memory_space<vmem>>, vector<1x16xf32>,
        %get3A_1946 = vector.shape_cast %get3A_1945 : vector<1x16xf32> to vector<16xf32>
        %mul3A_1947 = vector.broadcast %squeeze3A_1914 : f32 to vector<16xf32>
        %mul3A_1948 = arith.mulf %get3A_1946, %mul3A_1947 : vector<16xf32>
        %max3A_1949 = arith.maximumf %max3A_1901, %mul3A_1948 : vector<16xf32>
        %add3A_1950 = arith.constant 11 : i32
        %add3A_1951 = arith.addi %mul3A_1366, %add3A_1950 : i32
        %add3A_1952 = arith.constant 48 : i32
        %add3A_1953 = arith.addi %squeeze3A_1916, %add3A_1952 : i32
        %get3A_1954 = arith.index_cast %add3A_1951 : i32 to index
        %get3A_1955 = arith.index_cast %add3A_1953 : i32 to index
        %get3A_1956 = tpu.vector_load %arg6[%get3A_1954, %get3A_1955] {strides = array<i32>} : memref<208x128xf32, #tpu.memory_space<vmem>>, vector<1x16xf32>,
        %get3A_1957 = vector.shape_cast %get3A_1956 : vector<1x16xf32> to vector<16xf32>
        %mul3A_1958 = vector.broadcast %squeeze3A_1914 : f32 to vector<16xf32>
        %mul3A_1959 = arith.mulf %get3A_1957, %mul3A_1958 : vector<16xf32>
        %max3A_1960 = arith.maximumf %max3A_1912, %mul3A_1959 : vector<16xf32>
        %slice3A_1961 = vector.extract_strided_slice %select_n3A_1379 {offsets = [12], sizes = [1], strides = [1]} : vector<16xf32> to vector<1xf32>
        %squeeze3A_1962 = vector.extract %slice3A_1961[0] : f32 from vector<1xf32>
        %slice3A_1963 = vector.extract_strided_slice %select_n3A_1387 {offsets = [12], sizes = [1], strides = [1]} : vector<16xi32> to vector<1xi32>
        %squeeze3A_1964 = vector.extract %slice3A_1963[0] : i32 from vector<1xi32>
        %add3A_1965 = arith.constant 12 : i32
        %add3A_1966 = arith.addi %mul3A_1366, %add3A_1965 : i32
        %add3A_1967 = arith.constant 0 : i32
        %add3A_1968 = arith.addi %squeeze3A_1964, %add3A_1967 : i32
        %get3A_1969 = arith.index_cast %add3A_1966 : i32 to index
        %get3A_1970 = arith.index_cast %add3A_1968 : i32 to index
        %get3A_1971 = tpu.vector_load %arg6[%get3A_1969, %get3A_1970] {strides = array<i32>} : memref<208x128xf32, #tpu.memory_space<vmem>>, vector<1x16xf32>,
        %get3A_1972 = vector.shape_cast %get3A_1971 : vector<1x16xf32> to vector<16xf32>
        %mul3A_1973 = vector.broadcast %squeeze3A_1962 : f32 to vector<16xf32>
        %mul3A_1974 = arith.mulf %get3A_1972, %mul3A_1973 : vector<16xf32>
        %max3A_1975 = arith.maximumf %max3A_1927, %mul3A_1974 : vector<16xf32>
        %add3A_1976 = arith.constant 12 : i32
        %add3A_1977 = arith.addi %mul3A_1366, %add3A_1976 : i32
        %add3A_1978 = arith.constant 16 : i32
        %add3A_1979 = arith.addi %squeeze3A_1964, %add3A_1978 : i32
        %get3A_1980 = arith.index_cast %add3A_1977 : i32 to index
        %get3A_1981 = arith.index_cast %add3A_1979 : i32 to index
        %get3A_1982 = tpu.vector_load %arg6[%get3A_1980, %get3A_1981] {strides = array<i32>} : memref<208x128xf32, #tpu.memory_space<vmem>>, vector<1x16xf32>,
        %get3A_1983 = vector.shape_cast %get3A_1982 : vector<1x16xf32> to vector<16xf32>
        %mul3A_1984 = vector.broadcast %squeeze3A_1962 : f32 to vector<16xf32>
        %mul3A_1985 = arith.mulf %get3A_1983, %mul3A_1984 : vector<16xf32>
        %max3A_1986 = arith.maximumf %max3A_1938, %mul3A_1985 : vector<16xf32>
        %add3A_1987 = arith.constant 12 : i32
        %add3A_1988 = arith.addi %mul3A_1366, %add3A_1987 : i32
        %add3A_1989 = arith.constant 32 : i32
        %add3A_1990 = arith.addi %squeeze3A_1964, %add3A_1989 : i32
        %get3A_1991 = arith.index_cast %add3A_1988 : i32 to index
        %get3A_1992 = arith.index_cast %add3A_1990 : i32 to index
        %get3A_1993 = tpu.vector_load %arg6[%get3A_1991, %get3A_1992] {strides = array<i32>} : memref<208x128xf32, #tpu.memory_space<vmem>>, vector<1x16xf32>,
        %get3A_1994 = vector.shape_cast %get3A_1993 : vector<1x16xf32> to vector<16xf32>
        %mul3A_1995 = vector.broadcast %squeeze3A_1962 : f32 to vector<16xf32>
        %mul3A_1996 = arith.mulf %get3A_1994, %mul3A_1995 : vector<16xf32>
        %max3A_1997 = arith.maximumf %max3A_1949, %mul3A_1996 : vector<16xf32>
        %add3A_1998 = arith.constant 12 : i32
        %add3A_1999 = arith.addi %mul3A_1366, %add3A_1998 : i32
        %add3A_2000 = arith.constant 48 : i32
        %add3A_2001 = arith.addi %squeeze3A_1964, %add3A_2000 : i32
        %get3A_2002 = arith.index_cast %add3A_1999 : i32 to index
        %get3A_2003 = arith.index_cast %add3A_2001 : i32 to index
        %get3A_2004 = tpu.vector_load %arg6[%get3A_2002, %get3A_2003] {strides = array<i32>} : memref<208x128xf32, #tpu.memory_space<vmem>>, vector<1x16xf32>,
        %get3A_2005 = vector.shape_cast %get3A_2004 : vector<1x16xf32> to vector<16xf32>
        %mul3A_2006 = vector.broadcast %squeeze3A_1962 : f32 to vector<16xf32>
        %mul3A_2007 = arith.mulf %get3A_2005, %mul3A_2006 : vector<16xf32>
        %max3A_2008 = arith.maximumf %max3A_1960, %mul3A_2007 : vector<16xf32>
        %slice3A_2009 = vector.extract_strided_slice %select_n3A_1379 {offsets = [13], sizes = [1], strides = [1]} : vector<16xf32> to vector<1xf32>
        %squeeze3A_2010 = vector.extract %slice3A_2009[0] : f32 from vector<1xf32>
        %slice3A_2011 = vector.extract_strided_slice %select_n3A_1387 {offsets = [13], sizes = [1], strides = [1]} : vector<16xi32> to vector<1xi32>
        %squeeze3A_2012 = vector.extract %slice3A_2011[0] : i32 from vector<1xi32>
        %add3A_2013 = arith.constant 13 : i32
        %add3A_2014 = arith.addi %mul3A_1366, %add3A_2013 : i32
        %add3A_2015 = arith.constant 0 : i32
        %add3A_2016 = arith.addi %squeeze3A_2012, %add3A_2015 : i32
        %get3A_2017 = arith.index_cast %add3A_2014 : i32 to index
        %get3A_2018 = arith.index_cast %add3A_2016 : i32 to index
        %get3A_2019 = tpu.vector_load %arg6[%get3A_2017, %get3A_2018] {strides = array<i32>} : memref<208x128xf32, #tpu.memory_space<vmem>>, vector<1x16xf32>,
        %get3A_2020 = vector.shape_cast %get3A_2019 : vector<1x16xf32> to vector<16xf32>
        %mul3A_2021 = vector.broadcast %squeeze3A_2010 : f32 to vector<16xf32>
        %mul3A_2022 = arith.mulf %get3A_2020, %mul3A_2021 : vector<16xf32>
        %max3A_2023 = arith.maximumf %max3A_1975, %mul3A_2022 : vector<16xf32>
        %add3A_2024 = arith.constant 13 : i32
        %add3A_2025 = arith.addi %mul3A_1366, %add3A_2024 : i32
        %add3A_2026 = arith.constant 16 : i32
        %add3A_2027 = arith.addi %squeeze3A_2012, %add3A_2026 : i32
        %get3A_2028 = arith.index_cast %add3A_2025 : i32 to index
        %get3A_2029 = arith.index_cast %add3A_2027 : i32 to index
        %get3A_2030 = tpu.vector_load %arg6[%get3A_2028, %get3A_2029] {strides = array<i32>} : memref<208x128xf32, #tpu.memory_space<vmem>>, vector<1x16xf32>,
        %get3A_2031 = vector.shape_cast %get3A_2030 : vector<1x16xf32> to vector<16xf32>
        %mul3A_2032 = vector.broadcast %squeeze3A_2010 : f32 to vector<16xf32>
        %mul3A_2033 = arith.mulf %get3A_2031, %mul3A_2032 : vector<16xf32>
        %max3A_2034 = arith.maximumf %max3A_1986, %mul3A_2033 : vector<16xf32>
        %add3A_2035 = arith.constant 13 : i32
        %add3A_2036 = arith.addi %mul3A_1366, %add3A_2035 : i32
        %add3A_2037 = arith.constant 32 : i32
        %add3A_2038 = arith.addi %squeeze3A_2012, %add3A_2037 : i32
        %get3A_2039 = arith.index_cast %add3A_2036 : i32 to index
        %get3A_2040 = arith.index_cast %add3A_2038 : i32 to index
        %get3A_2041 = tpu.vector_load %arg6[%get3A_2039, %get3A_2040] {strides = array<i32>} : memref<208x128xf32, #tpu.memory_space<vmem>>, vector<1x16xf32>,
        %get3A_2042 = vector.shape_cast %get3A_2041 : vector<1x16xf32> to vector<16xf32>
        %mul3A_2043 = vector.broadcast %squeeze3A_2010 : f32 to vector<16xf32>
        %mul3A_2044 = arith.mulf %get3A_2042, %mul3A_2043 : vector<16xf32>
        %max3A_2045 = arith.maximumf %max3A_1997, %mul3A_2044 : vector<16xf32>
        %add3A_2046 = arith.constant 13 : i32
        %add3A_2047 = arith.addi %mul3A_1366, %add3A_2046 : i32
        %add3A_2048 = arith.constant 48 : i32
        %add3A_2049 = arith.addi %squeeze3A_2012, %add3A_2048 : i32
        %get3A_2050 = arith.index_cast %add3A_2047 : i32 to index
        %get3A_2051 = arith.index_cast %add3A_2049 : i32 to index
        %get3A_2052 = tpu.vector_load %arg6[%get3A_2050, %get3A_2051] {strides = array<i32>} : memref<208x128xf32, #tpu.memory_space<vmem>>, vector<1x16xf32>,
        %get3A_2053 = vector.shape_cast %get3A_2052 : vector<1x16xf32> to vector<16xf32>
        %mul3A_2054 = vector.broadcast %squeeze3A_2010 : f32 to vector<16xf32>
        %mul3A_2055 = arith.mulf %get3A_2053, %mul3A_2054 : vector<16xf32>
        %max3A_2056 = arith.maximumf %max3A_2008, %mul3A_2055 : vector<16xf32>
        %slice3A_2057 = vector.extract_strided_slice %select_n3A_1379 {offsets = [14], sizes = [1], strides = [1]} : vector<16xf32> to vector<1xf32>
        %squeeze3A_2058 = vector.extract %slice3A_2057[0] : f32 from vector<1xf32>
        %slice3A_2059 = vector.extract_strided_slice %select_n3A_1387 {offsets = [14], sizes = [1], strides = [1]} : vector<16xi32> to vector<1xi32>
        %squeeze3A_2060 = vector.extract %slice3A_2059[0] : i32 from vector<1xi32>
        %add3A_2061 = arith.constant 14 : i32
        %add3A_2062 = arith.addi %mul3A_1366, %add3A_2061 : i32
        %add3A_2063 = arith.constant 0 : i32
        %add3A_2064 = arith.addi %squeeze3A_2060, %add3A_2063 : i32
        %get3A_2065 = arith.index_cast %add3A_2062 : i32 to index
        %get3A_2066 = arith.index_cast %add3A_2064 : i32 to index
        %get3A_2067 = tpu.vector_load %arg6[%get3A_2065, %get3A_2066] {strides = array<i32>} : memref<208x128xf32, #tpu.memory_space<vmem>>, vector<1x16xf32>,
        %get3A_2068 = vector.shape_cast %get3A_2067 : vector<1x16xf32> to vector<16xf32>
        %mul3A_2069 = vector.broadcast %squeeze3A_2058 : f32 to vector<16xf32>
        %mul3A_2070 = arith.mulf %get3A_2068, %mul3A_2069 : vector<16xf32>
        %max3A_2071 = arith.maximumf %max3A_2023, %mul3A_2070 : vector<16xf32>
        %add3A_2072 = arith.constant 14 : i32
        %add3A_2073 = arith.addi %mul3A_1366, %add3A_2072 : i32
        %add3A_2074 = arith.constant 16 : i32
        %add3A_2075 = arith.addi %squeeze3A_2060, %add3A_2074 : i32
        %get3A_2076 = arith.index_cast %add3A_2073 : i32 to index
        %get3A_2077 = arith.index_cast %add3A_2075 : i32 to index
        %get3A_2078 = tpu.vector_load %arg6[%get3A_2076, %get3A_2077] {strides = array<i32>} : memref<208x128xf32, #tpu.memory_space<vmem>>, vector<1x16xf32>,
        %get3A_2079 = vector.shape_cast %get3A_2078 : vector<1x16xf32> to vector<16xf32>
        %mul3A_2080 = vector.broadcast %squeeze3A_2058 : f32 to vector<16xf32>
        %mul3A_2081 = arith.mulf %get3A_2079, %mul3A_2080 : vector<16xf32>
        %max3A_2082 = arith.maximumf %max3A_2034, %mul3A_2081 : vector<16xf32>
        %add3A_2083 = arith.constant 14 : i32
        %add3A_2084 = arith.addi %mul3A_1366, %add3A_2083 : i32
        %add3A_2085 = arith.constant 32 : i32
        %add3A_2086 = arith.addi %squeeze3A_2060, %add3A_2085 : i32
        %get3A_2087 = arith.index_cast %add3A_2084 : i32 to index
        %get3A_2088 = arith.index_cast %add3A_2086 : i32 to index
        %get3A_2089 = tpu.vector_load %arg6[%get3A_2087, %get3A_2088] {strides = array<i32>} : memref<208x128xf32, #tpu.memory_space<vmem>>, vector<1x16xf32>,
        %get3A_2090 = vector.shape_cast %get3A_2089 : vector<1x16xf32> to vector<16xf32>
        %mul3A_2091 = vector.broadcast %squeeze3A_2058 : f32 to vector<16xf32>
        %mul3A_2092 = arith.mulf %get3A_2090, %mul3A_2091 : vector<16xf32>
        %max3A_2093 = arith.maximumf %max3A_2045, %mul3A_2092 : vector<16xf32>
        %add3A_2094 = arith.constant 14 : i32
        %add3A_2095 = arith.addi %mul3A_1366, %add3A_2094 : i32
        %add3A_2096 = arith.constant 48 : i32
        %add3A_2097 = arith.addi %squeeze3A_2060, %add3A_2096 : i32
        %get3A_2098 = arith.index_cast %add3A_2095 : i32 to index
        %get3A_2099 = arith.index_cast %add3A_2097 : i32 to index
        %get3A_2100 = tpu.vector_load %arg6[%get3A_2098, %get3A_2099] {strides = array<i32>} : memref<208x128xf32, #tpu.memory_space<vmem>>, vector<1x16xf32>,
        %get3A_2101 = vector.shape_cast %get3A_2100 : vector<1x16xf32> to vector<16xf32>
        %mul3A_2102 = vector.broadcast %squeeze3A_2058 : f32 to vector<16xf32>
        %mul3A_2103 = arith.mulf %get3A_2101, %mul3A_2102 : vector<16xf32>
        %max3A_2104 = arith.maximumf %max3A_2056, %mul3A_2103 : vector<16xf32>
        %slice3A_2105 = vector.extract_strided_slice %select_n3A_1379 {offsets = [15], sizes = [1], strides = [1]} : vector<16xf32> to vector<1xf32>
        %squeeze3A_2106 = vector.extract %slice3A_2105[0] : f32 from vector<1xf32>
        %slice3A_2107 = vector.extract_strided_slice %select_n3A_1387 {offsets = [15], sizes = [1], strides = [1]} : vector<16xi32> to vector<1xi32>
        %squeeze3A_2108 = vector.extract %slice3A_2107[0] : i32 from vector<1xi32>
        %add3A_2109 = arith.constant 15 : i32
        %add3A_2110 = arith.addi %mul3A_1366, %add3A_2109 : i32
        %add3A_2111 = arith.constant 0 : i32
        %add3A_2112 = arith.addi %squeeze3A_2108, %add3A_2111 : i32
        %get3A_2113 = arith.index_cast %add3A_2110 : i32 to index
        %get3A_2114 = arith.index_cast %add3A_2112 : i32 to index
        %get3A_2115 = tpu.vector_load %arg6[%get3A_2113, %get3A_2114] {strides = array<i32>} : memref<208x128xf32, #tpu.memory_space<vmem>>, vector<1x16xf32>,
        %get3A_2116 = vector.shape_cast %get3A_2115 : vector<1x16xf32> to vector<16xf32>
        %mul3A_2117 = vector.broadcast %squeeze3A_2106 : f32 to vector<16xf32>
        %mul3A_2118 = arith.mulf %get3A_2116, %mul3A_2117 : vector<16xf32>
        %max3A_2119 = arith.maximumf %max3A_2071, %mul3A_2118 : vector<16xf32>
        %add3A_2120 = arith.constant 15 : i32
        %add3A_2121 = arith.addi %mul3A_1366, %add3A_2120 : i32
        %add3A_2122 = arith.constant 16 : i32
        %add3A_2123 = arith.addi %squeeze3A_2108, %add3A_2122 : i32
        %get3A_2124 = arith.index_cast %add3A_2121 : i32 to index
        %get3A_2125 = arith.index_cast %add3A_2123 : i32 to index
        %get3A_2126 = tpu.vector_load %arg6[%get3A_2124, %get3A_2125] {strides = array<i32>} : memref<208x128xf32, #tpu.memory_space<vmem>>, vector<1x16xf32>,
        %get3A_2127 = vector.shape_cast %get3A_2126 : vector<1x16xf32> to vector<16xf32>
        %mul3A_2128 = vector.broadcast %squeeze3A_2106 : f32 to vector<16xf32>
        %mul3A_2129 = arith.mulf %get3A_2127, %mul3A_2128 : vector<16xf32>
        %max3A_2130 = arith.maximumf %max3A_2082, %mul3A_2129 : vector<16xf32>
        %add3A_2131 = arith.constant 15 : i32
        %add3A_2132 = arith.addi %mul3A_1366, %add3A_2131 : i32
        %add3A_2133 = arith.constant 32 : i32
        %add3A_2134 = arith.addi %squeeze3A_2108, %add3A_2133 : i32
        %get3A_2135 = arith.index_cast %add3A_2132 : i32 to index
        %get3A_2136 = arith.index_cast %add3A_2134 : i32 to index
        %get3A_2137 = tpu.vector_load %arg6[%get3A_2135, %get3A_2136] {strides = array<i32>} : memref<208x128xf32, #tpu.memory_space<vmem>>, vector<1x16xf32>,
        %get3A_2138 = vector.shape_cast %get3A_2137 : vector<1x16xf32> to vector<16xf32>
        %mul3A_2139 = vector.broadcast %squeeze3A_2106 : f32 to vector<16xf32>
        %mul3A_2140 = arith.mulf %get3A_2138, %mul3A_2139 : vector<16xf32>
        %max3A_2141 = arith.maximumf %max3A_2093, %mul3A_2140 : vector<16xf32>
        %add3A_2142 = arith.constant 15 : i32
        %add3A_2143 = arith.addi %mul3A_1366, %add3A_2142 : i32
        %add3A_2144 = arith.constant 48 : i32
        %add3A_2145 = arith.addi %squeeze3A_2108, %add3A_2144 : i32
        %get3A_2146 = arith.index_cast %add3A_2143 : i32 to index
        %get3A_2147 = arith.index_cast %add3A_2145 : i32 to index
        %get3A_2148 = tpu.vector_load %arg6[%get3A_2146, %get3A_2147] {strides = array<i32>} : memref<208x128xf32, #tpu.memory_space<vmem>>, vector<1x16xf32>,
        %get3A_2149 = vector.shape_cast %get3A_2148 : vector<1x16xf32> to vector<16xf32>
        %mul3A_2150 = vector.broadcast %squeeze3A_2106 : f32 to vector<16xf32>
        %mul3A_2151 = arith.mulf %get3A_2149, %mul3A_2150 : vector<16xf32>
        %max3A_2152 = arith.maximumf %max3A_2104, %mul3A_2151 : vector<16xf32>
        scf.yield %max3A_2119, %max3A_2130, %max3A_2141, %max3A_2152 : vector<16xf32>, vector<16xf32>, vector<16xf32>, vector<16xf32>
      }
      %scan3A_1281 = arith.constant 13 : i32
      %swap3A_1282 = arith.index_cast %mul3A_998 : i32 to index
      %swap3A_1283 = arith.constant 0 : index
      %swap3A_1284 = tpu.vector_load %arg10[%swap3A_1282, %swap3A_1283] {strides = array<i32>} : memref<128x64xf32, #tpu.memory_space<vmem>>, vector<1x16xf32>,
      %swap3A_1285 = vector.shape_cast %swap3A_1284 : vector<1x16xf32> to vector<16xf32>
      %swap3A_1286 = vector.shape_cast %scan3A_1280#0 : vector<16xf32> to vector<1x16xf32>
      tpu.vector_store %arg10[%swap3A_1282, %swap3A_1283], %swap3A_1286 {strides = array<i32>} : memref<128x64xf32, #tpu.memory_space<vmem>>, vector<1x16xf32>,
      %swap3A_1287 = arith.index_cast %mul3A_998 : i32 to index
      %swap3A_1288 = arith.constant 16 : index
      %swap3A_1289 = tpu.vector_load %arg10[%swap3A_1287, %swap3A_1288] {strides = array<i32>} : memref<128x64xf32, #tpu.memory_space<vmem>>, vector<1x16xf32>,
      %swap3A_1290 = vector.shape_cast %swap3A_1289 : vector<1x16xf32> to vector<16xf32>
      %swap3A_1291 = vector.shape_cast %scan3A_1280#1 : vector<16xf32> to vector<1x16xf32>
      tpu.vector_store %arg10[%swap3A_1287, %swap3A_1288], %swap3A_1291 {strides = array<i32>} : memref<128x64xf32, #tpu.memory_space<vmem>>, vector<1x16xf32>,
      %swap3A_1292 = arith.index_cast %mul3A_998 : i32 to index
      %swap3A_1293 = arith.constant 32 : index
      %swap3A_1294 = tpu.vector_load %arg10[%swap3A_1292, %swap3A_1293] {strides = array<i32>} : memref<128x64xf32, #tpu.memory_space<vmem>>, vector<1x16xf32>,
      %swap3A_1295 = vector.shape_cast %swap3A_1294 : vector<1x16xf32> to vector<16xf32>
      %swap3A_1296 = vector.shape_cast %scan3A_1280#2 : vector<16xf32> to vector<1x16xf32>
      tpu.vector_store %arg10[%swap3A_1292, %swap3A_1293], %swap3A_1296 {strides = array<i32>} : memref<128x64xf32, #tpu.memory_space<vmem>>, vector<1x16xf32>,
      %swap3A_1297 = arith.index_cast %mul3A_998 : i32 to index
      %swap3A_1298 = arith.constant 48 : index
      %swap3A_1299 = tpu.vector_load %arg10[%swap3A_1297, %swap3A_1298] {strides = array<i32>} : memref<128x64xf32, #tpu.memory_space<vmem>>, vector<1x16xf32>,
      %swap3A_1300 = vector.shape_cast %swap3A_1299 : vector<1x16xf32> to vector<16xf32>
      %swap3A_1301 = vector.shape_cast %scan3A_1280#3 : vector<16xf32> to vector<1x16xf32>
      tpu.vector_store %arg10[%swap3A_1297, %swap3A_1298], %swap3A_1301 {strides = array<i32>} : memref<128x64xf32, #tpu.memory_space<vmem>>, vector<1x16xf32>,
      %add3A_1302 = arith.constant 2 : i32
      %add3A_1303 = arith.addi %mul3A_998, %add3A_1302 : i32
      %lt3A = arith.constant 128 : i32
      %lt3A_1304 = arith.cmpi slt, %add3A_1303, %lt3A : i32
      %convert_element_type3A = arith.extui %lt3A_1304 : i1 to i32
      %cond3A = arith.constant 0 : i32
      %cond3A_1305 = arith.cmpi ne, %convert_element_type3A, %cond3A : i32
      scf.if %cond3A_1305 {
        %add3A_1360 = arith.constant 2 : i32
        %add3A_1361 = arith.addi %mul3A_998, %add3A_1360 : i32
        %mul3A_1362 = arith.constant 256 : i32
        %mul3A_1363 = arith.muli %add3A_1361, %mul3A_1362 : i32
        %add3A_1364 = arith.constant 0 : i32
        %add3A_1365 = arith.addi %mul3A_1363, %add3A_1364 : i32
        %get3A_1366 = arith.index_cast %add3A_1365 : i32 to index
        %get3A_1367 = tpu.vector_load %arg5[%get3A_1366] {strides = array<i32>} : memref<32768xi32, #tpu.memory_space<vmem>>, vector<16xi32>,
        %get3A_1368 = vector.shape_cast %get3A_1367 : vector<16xi32> to vector<16xi32>
        %ge3A_1369 = arith.constant 503808 : i32
        %ge3A_1370 = vector.broadcast %ge3A_1369 : i32 to vector<16xi32>
        %ge3A_1371 = arith.cmpi sge, %get3A_1368, %ge3A_1370 : vector<16xi32>
        %jit3A_1372 = arith.constant 503808 : i32
        %jit3A_1373 = arith.constant 0 : i32
        %broadcast_in_dim3A_1374 = vector.broadcast %jit3A_1372 : i32 to vector<16xi32>
        %broadcast_in_dim3A_1375 = vector.broadcast %jit3A_1373 : i32 to vector<16xi32>
        %select_n3A_1376 = arith.select %ge3A_1371, %broadcast_in_dim3A_1374, %broadcast_in_dim3A_1375 : vector<16xi1>, vector<16xi32>
        %sub3A_1377 = arith.subi %get3A_1368, %select_n3A_1376 : vector<16xi32>
        %swap3A_1378 = arith.constant 0 : index
        %swap3A_1379 = tpu.vector_load %arg8[%swap3A_1378] {strides = array<i32>} : memref<208xi32, #tpu.memory_space<vmem>>, vector<16xi32>,
        %swap3A_1380 = vector.shape_cast %swap3A_1379 : vector<16xi32> to vector<16xi32>
        %swap3A_1381 = vector.shape_cast %sub3A_1377 : vector<16xi32> to vector<16xi32>
        tpu.vector_store %arg8[%swap3A_1378], %swap3A_1381 {strides = array<i32>} : memref<208xi32, #tpu.memory_space<vmem>>, vector<16xi32>,
        %add3A_1382 = arith.constant 16 : i32
        %add3A_1383 = arith.addi %mul3A_1363, %add3A_1382 : i32
        %get3A_1384 = arith.index_cast %add3A_1383 : i32 to index
        %get3A_1385 = tpu.vector_load %arg5[%get3A_1384] {strides = array<i32>} : memref<32768xi32, #tpu.memory_space<vmem>>, vector<16xi32>,
        %get3A_1386 = vector.shape_cast %get3A_1385 : vector<16xi32> to vector<16xi32>
        %ge3A_1387 = arith.constant 503808 : i32
        %ge3A_1388 = vector.broadcast %ge3A_1387 : i32 to vector<16xi32>
        %ge3A_1389 = arith.cmpi sge, %get3A_1386, %ge3A_1388 : vector<16xi32>
        %jit3A_1390 = arith.constant 503808 : i32
        %jit3A_1391 = arith.constant 0 : i32
        %broadcast_in_dim3A_1392 = vector.broadcast %jit3A_1390 : i32 to vector<16xi32>
        %broadcast_in_dim3A_1393 = vector.broadcast %jit3A_1391 : i32 to vector<16xi32>
        %select_n3A_1394 = arith.select %ge3A_1389, %broadcast_in_dim3A_1392, %broadcast_in_dim3A_1393 : vector<16xi1>, vector<16xi32>
        %sub3A_1395 = arith.subi %get3A_1386, %select_n3A_1394 : vector<16xi32>
        %swap3A_1396 = arith.constant 16 : index
        %swap3A_1397 = tpu.vector_load %arg8[%swap3A_1396] {strides = array<i32>} : memref<208xi32, #tpu.memory_space<vmem>>, vector<16xi32>,
        %swap3A_1398 = vector.shape_cast %swap3A_1397 : vector<16xi32> to vector<16xi32>
        %swap3A_1399 = vector.shape_cast %sub3A_1395 : vector<16xi32> to vector<16xi32>
        tpu.vector_store %arg8[%swap3A_1396], %swap3A_1399 {strides = array<i32>} : memref<208xi32, #tpu.memory_space<vmem>>, vector<16xi32>,
        %add3A_1400 = arith.constant 32 : i32
        %add3A_1401 = arith.addi %mul3A_1363, %add3A_1400 : i32
        %get3A_1402 = arith.index_cast %add3A_1401 : i32 to index
        %get3A_1403 = tpu.vector_load %arg5[%get3A_1402] {strides = array<i32>} : memref<32768xi32, #tpu.memory_space<vmem>>, vector<16xi32>,
        %get3A_1404 = vector.shape_cast %get3A_1403 : vector<16xi32> to vector<16xi32>
        %ge3A_1405 = arith.constant 503808 : i32
        %ge3A_1406 = vector.broadcast %ge3A_1405 : i32 to vector<16xi32>
        %ge3A_1407 = arith.cmpi sge, %get3A_1404, %ge3A_1406 : vector<16xi32>
        %jit3A_1408 = arith.constant 503808 : i32
        %jit3A_1409 = arith.constant 0 : i32
        %broadcast_in_dim3A_1410 = vector.broadcast %jit3A_1408 : i32 to vector<16xi32>
        %broadcast_in_dim3A_1411 = vector.broadcast %jit3A_1409 : i32 to vector<16xi32>
        %select_n3A_1412 = arith.select %ge3A_1407, %broadcast_in_dim3A_1410, %broadcast_in_dim3A_1411 : vector<16xi1>, vector<16xi32>
        %sub3A_1413 = arith.subi %get3A_1404, %select_n3A_1412 : vector<16xi32>
        %swap3A_1414 = arith.constant 32 : index
        %swap3A_1415 = tpu.vector_load %arg8[%swap3A_1414] {strides = array<i32>} : memref<208xi32, #tpu.memory_space<vmem>>, vector<16xi32>,
        %swap3A_1416 = vector.shape_cast %swap3A_1415 : vector<16xi32> to vector<16xi32>
        %swap3A_1417 = vector.shape_cast %sub3A_1413 : vector<16xi32> to vector<16xi32>
        tpu.vector_store %arg8[%swap3A_1414], %swap3A_1417 {strides = array<i32>} : memref<208xi32, #tpu.memory_space<vmem>>, vector<16xi32>,
        %add3A_1418 = arith.constant 48 : i32
        %add3A_1419 = arith.addi %mul3A_1363, %add3A_1418 : i32
        %get3A_1420 = arith.index_cast %add3A_1419 : i32 to index
        %get3A_1421 = tpu.vector_load %arg5[%get3A_1420] {strides = array<i32>} : memref<32768xi32, #tpu.memory_space<vmem>>, vector<16xi32>,
        %get3A_1422 = vector.shape_cast %get3A_1421 : vector<16xi32> to vector<16xi32>
        %ge3A_1423 = arith.constant 503808 : i32
        %ge3A_1424 = vector.broadcast %ge3A_1423 : i32 to vector<16xi32>
        %ge3A_1425 = arith.cmpi sge, %get3A_1422, %ge3A_1424 : vector<16xi32>
        %jit3A_1426 = arith.constant 503808 : i32
        %jit3A_1427 = arith.constant 0 : i32
        %broadcast_in_dim3A_1428 = vector.broadcast %jit3A_1426 : i32 to vector<16xi32>
        %broadcast_in_dim3A_1429 = vector.broadcast %jit3A_1427 : i32 to vector<16xi32>
        %select_n3A_1430 = arith.select %ge3A_1425, %broadcast_in_dim3A_1428, %broadcast_in_dim3A_1429 : vector<16xi1>, vector<16xi32>
        %sub3A_1431 = arith.subi %get3A_1422, %select_n3A_1430 : vector<16xi32>
        %swap3A_1432 = arith.constant 48 : index
        %swap3A_1433 = tpu.vector_load %arg8[%swap3A_1432] {strides = array<i32>} : memref<208xi32, #tpu.memory_space<vmem>>, vector<16xi32>,
        %swap3A_1434 = vector.shape_cast %swap3A_1433 : vector<16xi32> to vector<16xi32>
        %swap3A_1435 = vector.shape_cast %sub3A_1431 : vector<16xi32> to vector<16xi32>
        tpu.vector_store %arg8[%swap3A_1432], %swap3A_1435 {strides = array<i32>} : memref<208xi32, #tpu.memory_space<vmem>>, vector<16xi32>,
        %add3A_1436 = arith.constant 64 : i32
        %add3A_1437 = arith.addi %mul3A_1363, %add3A_1436 : i32
        %get3A_1438 = arith.index_cast %add3A_1437 : i32 to index
        %get3A_1439 = tpu.vector_load %arg5[%get3A_1438] {strides = array<i32>} : memref<32768xi32, #tpu.memory_space<vmem>>, vector<16xi32>,
        %get3A_1440 = vector.shape_cast %get3A_1439 : vector<16xi32> to vector<16xi32>
        %ge3A_1441 = arith.constant 503808 : i32
        %ge3A_1442 = vector.broadcast %ge3A_1441 : i32 to vector<16xi32>
        %ge3A_1443 = arith.cmpi sge, %get3A_1440, %ge3A_1442 : vector<16xi32>
        %jit3A_1444 = arith.constant 503808 : i32
        %jit3A_1445 = arith.constant 0 : i32
        %broadcast_in_dim3A_1446 = vector.broadcast %jit3A_1444 : i32 to vector<16xi32>
        %broadcast_in_dim3A_1447 = vector.broadcast %jit3A_1445 : i32 to vector<16xi32>
        %select_n3A_1448 = arith.select %ge3A_1443, %broadcast_in_dim3A_1446, %broadcast_in_dim3A_1447 : vector<16xi1>, vector<16xi32>
        %sub3A_1449 = arith.subi %get3A_1440, %select_n3A_1448 : vector<16xi32>
        %swap3A_1450 = arith.constant 64 : index
        %swap3A_1451 = tpu.vector_load %arg8[%swap3A_1450] {strides = array<i32>} : memref<208xi32, #tpu.memory_space<vmem>>, vector<16xi32>,
        %swap3A_1452 = vector.shape_cast %swap3A_1451 : vector<16xi32> to vector<16xi32>
        %swap3A_1453 = vector.shape_cast %sub3A_1449 : vector<16xi32> to vector<16xi32>
        tpu.vector_store %arg8[%swap3A_1450], %swap3A_1453 {strides = array<i32>} : memref<208xi32, #tpu.memory_space<vmem>>, vector<16xi32>,
        %add3A_1454 = arith.constant 80 : i32
        %add3A_1455 = arith.addi %mul3A_1363, %add3A_1454 : i32
        %get3A_1456 = arith.index_cast %add3A_1455 : i32 to index
        %get3A_1457 = tpu.vector_load %arg5[%get3A_1456] {strides = array<i32>} : memref<32768xi32, #tpu.memory_space<vmem>>, vector<16xi32>,
        %get3A_1458 = vector.shape_cast %get3A_1457 : vector<16xi32> to vector<16xi32>
        %ge3A_1459 = arith.constant 503808 : i32
        %ge3A_1460 = vector.broadcast %ge3A_1459 : i32 to vector<16xi32>
        %ge3A_1461 = arith.cmpi sge, %get3A_1458, %ge3A_1460 : vector<16xi32>
        %jit3A_1462 = arith.constant 503808 : i32
        %jit3A_1463 = arith.constant 0 : i32
        %broadcast_in_dim3A_1464 = vector.broadcast %jit3A_1462 : i32 to vector<16xi32>
        %broadcast_in_dim3A_1465 = vector.broadcast %jit3A_1463 : i32 to vector<16xi32>
        %select_n3A_1466 = arith.select %ge3A_1461, %broadcast_in_dim3A_1464, %broadcast_in_dim3A_1465 : vector<16xi1>, vector<16xi32>
        %sub3A_1467 = arith.subi %get3A_1458, %select_n3A_1466 : vector<16xi32>
        %swap3A_1468 = arith.constant 80 : index
        %swap3A_1469 = tpu.vector_load %arg8[%swap3A_1468] {strides = array<i32>} : memref<208xi32, #tpu.memory_space<vmem>>, vector<16xi32>,
        %swap3A_1470 = vector.shape_cast %swap3A_1469 : vector<16xi32> to vector<16xi32>
        %swap3A_1471 = vector.shape_cast %sub3A_1467 : vector<16xi32> to vector<16xi32>
        tpu.vector_store %arg8[%swap3A_1468], %swap3A_1471 {strides = array<i32>} : memref<208xi32, #tpu.memory_space<vmem>>, vector<16xi32>,
        %add3A_1472 = arith.constant 96 : i32
        %add3A_1473 = arith.addi %mul3A_1363, %add3A_1472 : i32
        %get3A_1474 = arith.index_cast %add3A_1473 : i32 to index
        %get3A_1475 = tpu.vector_load %arg5[%get3A_1474] {strides = array<i32>} : memref<32768xi32, #tpu.memory_space<vmem>>, vector<16xi32>,
        %get3A_1476 = vector.shape_cast %get3A_1475 : vector<16xi32> to vector<16xi32>
        %ge3A_1477 = arith.constant 503808 : i32
        %ge3A_1478 = vector.broadcast %ge3A_1477 : i32 to vector<16xi32>
        %ge3A_1479 = arith.cmpi sge, %get3A_1476, %ge3A_1478 : vector<16xi32>
        %jit3A_1480 = arith.constant 503808 : i32
        %jit3A_1481 = arith.constant 0 : i32
        %broadcast_in_dim3A_1482 = vector.broadcast %jit3A_1480 : i32 to vector<16xi32>
        %broadcast_in_dim3A_1483 = vector.broadcast %jit3A_1481 : i32 to vector<16xi32>
        %select_n3A_1484 = arith.select %ge3A_1479, %broadcast_in_dim3A_1482, %broadcast_in_dim3A_1483 : vector<16xi1>, vector<16xi32>
        %sub3A_1485 = arith.subi %get3A_1476, %select_n3A_1484 : vector<16xi32>
        %swap3A_1486 = arith.constant 96 : index
        %swap3A_1487 = tpu.vector_load %arg8[%swap3A_1486] {strides = array<i32>} : memref<208xi32, #tpu.memory_space<vmem>>, vector<16xi32>,
        %swap3A_1488 = vector.shape_cast %swap3A_1487 : vector<16xi32> to vector<16xi32>
        %swap3A_1489 = vector.shape_cast %sub3A_1485 : vector<16xi32> to vector<16xi32>
        tpu.vector_store %arg8[%swap3A_1486], %swap3A_1489 {strides = array<i32>} : memref<208xi32, #tpu.memory_space<vmem>>, vector<16xi32>,
        %add3A_1490 = arith.constant 112 : i32
        %add3A_1491 = arith.addi %mul3A_1363, %add3A_1490 : i32
        %get3A_1492 = arith.index_cast %add3A_1491 : i32 to index
        %get3A_1493 = tpu.vector_load %arg5[%get3A_1492] {strides = array<i32>} : memref<32768xi32, #tpu.memory_space<vmem>>, vector<16xi32>,
        %get3A_1494 = vector.shape_cast %get3A_1493 : vector<16xi32> to vector<16xi32>
        %ge3A_1495 = arith.constant 503808 : i32
        %ge3A_1496 = vector.broadcast %ge3A_1495 : i32 to vector<16xi32>
        %ge3A_1497 = arith.cmpi sge, %get3A_1494, %ge3A_1496 : vector<16xi32>
        %jit3A_1498 = arith.constant 503808 : i32
        %jit3A_1499 = arith.constant 0 : i32
        %broadcast_in_dim3A_1500 = vector.broadcast %jit3A_1498 : i32 to vector<16xi32>
        %broadcast_in_dim3A_1501 = vector.broadcast %jit3A_1499 : i32 to vector<16xi32>
        %select_n3A_1502 = arith.select %ge3A_1497, %broadcast_in_dim3A_1500, %broadcast_in_dim3A_1501 : vector<16xi1>, vector<16xi32>
        %sub3A_1503 = arith.subi %get3A_1494, %select_n3A_1502 : vector<16xi32>
        %swap3A_1504 = arith.constant 112 : index
        %swap3A_1505 = tpu.vector_load %arg8[%swap3A_1504] {strides = array<i32>} : memref<208xi32, #tpu.memory_space<vmem>>, vector<16xi32>,
        %swap3A_1506 = vector.shape_cast %swap3A_1505 : vector<16xi32> to vector<16xi32>
        %swap3A_1507 = vector.shape_cast %sub3A_1503 : vector<16xi32> to vector<16xi32>
        tpu.vector_store %arg8[%swap3A_1504], %swap3A_1507 {strides = array<i32>} : memref<208xi32, #tpu.memory_space<vmem>>, vector<16xi32>,
        %add3A_1508 = arith.constant 128 : i32
        %add3A_1509 = arith.addi %mul3A_1363, %add3A_1508 : i32
        %get3A_1510 = arith.index_cast %add3A_1509 : i32 to index
        %get3A_1511 = tpu.vector_load %arg5[%get3A_1510] {strides = array<i32>} : memref<32768xi32, #tpu.memory_space<vmem>>, vector<16xi32>,
        %get3A_1512 = vector.shape_cast %get3A_1511 : vector<16xi32> to vector<16xi32>
        %ge3A_1513 = arith.constant 503808 : i32
        %ge3A_1514 = vector.broadcast %ge3A_1513 : i32 to vector<16xi32>
        %ge3A_1515 = arith.cmpi sge, %get3A_1512, %ge3A_1514 : vector<16xi32>
        %jit3A_1516 = arith.constant 503808 : i32
        %jit3A_1517 = arith.constant 0 : i32
        %broadcast_in_dim3A_1518 = vector.broadcast %jit3A_1516 : i32 to vector<16xi32>
        %broadcast_in_dim3A_1519 = vector.broadcast %jit3A_1517 : i32 to vector<16xi32>
        %select_n3A_1520 = arith.select %ge3A_1515, %broadcast_in_dim3A_1518, %broadcast_in_dim3A_1519 : vector<16xi1>, vector<16xi32>
        %sub3A_1521 = arith.subi %get3A_1512, %select_n3A_1520 : vector<16xi32>
        %swap3A_1522 = arith.constant 128 : index
        %swap3A_1523 = tpu.vector_load %arg8[%swap3A_1522] {strides = array<i32>} : memref<208xi32, #tpu.memory_space<vmem>>, vector<16xi32>,
        %swap3A_1524 = vector.shape_cast %swap3A_1523 : vector<16xi32> to vector<16xi32>
        %swap3A_1525 = vector.shape_cast %sub3A_1521 : vector<16xi32> to vector<16xi32>
        tpu.vector_store %arg8[%swap3A_1522], %swap3A_1525 {strides = array<i32>} : memref<208xi32, #tpu.memory_space<vmem>>, vector<16xi32>,
        %add3A_1526 = arith.constant 144 : i32
        %add3A_1527 = arith.addi %mul3A_1363, %add3A_1526 : i32
        %get3A_1528 = arith.index_cast %add3A_1527 : i32 to index
        %get3A_1529 = tpu.vector_load %arg5[%get3A_1528] {strides = array<i32>} : memref<32768xi32, #tpu.memory_space<vmem>>, vector<16xi32>,
        %get3A_1530 = vector.shape_cast %get3A_1529 : vector<16xi32> to vector<16xi32>
        %ge3A_1531 = arith.constant 503808 : i32
        %ge3A_1532 = vector.broadcast %ge3A_1531 : i32 to vector<16xi32>
        %ge3A_1533 = arith.cmpi sge, %get3A_1530, %ge3A_1532 : vector<16xi32>
        %jit3A_1534 = arith.constant 503808 : i32
        %jit3A_1535 = arith.constant 0 : i32
        %broadcast_in_dim3A_1536 = vector.broadcast %jit3A_1534 : i32 to vector<16xi32>
        %broadcast_in_dim3A_1537 = vector.broadcast %jit3A_1535 : i32 to vector<16xi32>
        %select_n3A_1538 = arith.select %ge3A_1533, %broadcast_in_dim3A_1536, %broadcast_in_dim3A_1537 : vector<16xi1>, vector<16xi32>
        %sub3A_1539 = arith.subi %get3A_1530, %select_n3A_1538 : vector<16xi32>
        %swap3A_1540 = arith.constant 144 : index
        %swap3A_1541 = tpu.vector_load %arg8[%swap3A_1540] {strides = array<i32>} : memref<208xi32, #tpu.memory_space<vmem>>, vector<16xi32>,
        %swap3A_1542 = vector.shape_cast %swap3A_1541 : vector<16xi32> to vector<16xi32>
        %swap3A_1543 = vector.shape_cast %sub3A_1539 : vector<16xi32> to vector<16xi32>
        tpu.vector_store %arg8[%swap3A_1540], %swap3A_1543 {strides = array<i32>} : memref<208xi32, #tpu.memory_space<vmem>>, vector<16xi32>,
        %add3A_1544 = arith.constant 160 : i32
        %add3A_1545 = arith.addi %mul3A_1363, %add3A_1544 : i32
        %get3A_1546 = arith.index_cast %add3A_1545 : i32 to index
        %get3A_1547 = tpu.vector_load %arg5[%get3A_1546] {strides = array<i32>} : memref<32768xi32, #tpu.memory_space<vmem>>, vector<16xi32>,
        %get3A_1548 = vector.shape_cast %get3A_1547 : vector<16xi32> to vector<16xi32>
        %ge3A_1549 = arith.constant 503808 : i32
        %ge3A_1550 = vector.broadcast %ge3A_1549 : i32 to vector<16xi32>
        %ge3A_1551 = arith.cmpi sge, %get3A_1548, %ge3A_1550 : vector<16xi32>
        %jit3A_1552 = arith.constant 503808 : i32
        %jit3A_1553 = arith.constant 0 : i32
        %broadcast_in_dim3A_1554 = vector.broadcast %jit3A_1552 : i32 to vector<16xi32>
        %broadcast_in_dim3A_1555 = vector.broadcast %jit3A_1553 : i32 to vector<16xi32>
        %select_n3A_1556 = arith.select %ge3A_1551, %broadcast_in_dim3A_1554, %broadcast_in_dim3A_1555 : vector<16xi1>, vector<16xi32>
        %sub3A_1557 = arith.subi %get3A_1548, %select_n3A_1556 : vector<16xi32>
        %swap3A_1558 = arith.constant 160 : index
        %swap3A_1559 = tpu.vector_load %arg8[%swap3A_1558] {strides = array<i32>} : memref<208xi32, #tpu.memory_space<vmem>>, vector<16xi32>,
        %swap3A_1560 = vector.shape_cast %swap3A_1559 : vector<16xi32> to vector<16xi32>
        %swap3A_1561 = vector.shape_cast %sub3A_1557 : vector<16xi32> to vector<16xi32>
        tpu.vector_store %arg8[%swap3A_1558], %swap3A_1561 {strides = array<i32>} : memref<208xi32, #tpu.memory_space<vmem>>, vector<16xi32>,
        %add3A_1562 = arith.constant 176 : i32
        %add3A_1563 = arith.addi %mul3A_1363, %add3A_1562 : i32
        %get3A_1564 = arith.index_cast %add3A_1563 : i32 to index
        %get3A_1565 = tpu.vector_load %arg5[%get3A_1564] {strides = array<i32>} : memref<32768xi32, #tpu.memory_space<vmem>>, vector<16xi32>,
        %get3A_1566 = vector.shape_cast %get3A_1565 : vector<16xi32> to vector<16xi32>
        %ge3A_1567 = arith.constant 503808 : i32
        %ge3A_1568 = vector.broadcast %ge3A_1567 : i32 to vector<16xi32>
        %ge3A_1569 = arith.cmpi sge, %get3A_1566, %ge3A_1568 : vector<16xi32>
        %jit3A_1570 = arith.constant 503808 : i32
        %jit3A_1571 = arith.constant 0 : i32
        %broadcast_in_dim3A_1572 = vector.broadcast %jit3A_1570 : i32 to vector<16xi32>
        %broadcast_in_dim3A_1573 = vector.broadcast %jit3A_1571 : i32 to vector<16xi32>
        %select_n3A_1574 = arith.select %ge3A_1569, %broadcast_in_dim3A_1572, %broadcast_in_dim3A_1573 : vector<16xi1>, vector<16xi32>
        %sub3A_1575 = arith.subi %get3A_1566, %select_n3A_1574 : vector<16xi32>
        %swap3A_1576 = arith.constant 176 : index
        %swap3A_1577 = tpu.vector_load %arg8[%swap3A_1576] {strides = array<i32>} : memref<208xi32, #tpu.memory_space<vmem>>, vector<16xi32>,
        %swap3A_1578 = vector.shape_cast %swap3A_1577 : vector<16xi32> to vector<16xi32>
        %swap3A_1579 = vector.shape_cast %sub3A_1575 : vector<16xi32> to vector<16xi32>
        tpu.vector_store %arg8[%swap3A_1576], %swap3A_1579 {strides = array<i32>} : memref<208xi32, #tpu.memory_space<vmem>>, vector<16xi32>,
        %add3A_1580 = arith.constant 192 : i32
        %add3A_1581 = arith.addi %mul3A_1363, %add3A_1580 : i32
        %get3A_1582 = arith.index_cast %add3A_1581 : i32 to index
        %get3A_1583 = tpu.vector_load %arg5[%get3A_1582] {strides = array<i32>} : memref<32768xi32, #tpu.memory_space<vmem>>, vector<16xi32>,
        %get3A_1584 = vector.shape_cast %get3A_1583 : vector<16xi32> to vector<16xi32>
        %ge3A_1585 = arith.constant 503808 : i32
        %ge3A_1586 = vector.broadcast %ge3A_1585 : i32 to vector<16xi32>
        %ge3A_1587 = arith.cmpi sge, %get3A_1584, %ge3A_1586 : vector<16xi32>
        %jit3A_1588 = arith.constant 503808 : i32
        %jit3A_1589 = arith.constant 0 : i32
        %broadcast_in_dim3A_1590 = vector.broadcast %jit3A_1588 : i32 to vector<16xi32>
        %broadcast_in_dim3A_1591 = vector.broadcast %jit3A_1589 : i32 to vector<16xi32>
        %select_n3A_1592 = arith.select %ge3A_1587, %broadcast_in_dim3A_1590, %broadcast_in_dim3A_1591 : vector<16xi1>, vector<16xi32>
        %sub3A_1593 = arith.subi %get3A_1584, %select_n3A_1592 : vector<16xi32>
        %swap3A_1594 = arith.constant 192 : index
        %swap3A_1595 = tpu.vector_load %arg8[%swap3A_1594] {strides = array<i32>} : memref<208xi32, #tpu.memory_space<vmem>>, vector<16xi32>,
        %swap3A_1596 = vector.shape_cast %swap3A_1595 : vector<16xi32> to vector<16xi32>
        %swap3A_1597 = vector.shape_cast %sub3A_1593 : vector<16xi32> to vector<16xi32>
        tpu.vector_store %arg8[%swap3A_1594], %swap3A_1597 {strides = array<i32>} : memref<208xi32, #tpu.memory_space<vmem>>, vector<16xi32>,
        %dma_start3A_1598 = arith.constant 0 : i32
        %dma_start3A_1599 = arith.constant 0 : i32
        %dma_start3A_1600 = tpu.memref_slice %arg6[%dma_start3A_1598, %dma_start3A_1599] : memref<208x128xf32, #tpu.memory_space<vmem>> -> memref<104x128xf32, #tpu.memory_space<vmem>>
        %dma_start3A_1601 = arith.constant 0 : i32
        %dma_start3A_1602 = tpu.memref_slice %arg8[%dma_start3A_1601] : memref<208xi32, #tpu.memory_space<vmem>> -> memref<104xi32, #tpu.memory_space<vmem>>
        %dma_start3A_1603 = arith.constant 0 : i32
        %dma_start3A_1604 = arith.constant 0 : i32
        %dma_start3A_1605 = tpu.memref_slice %arg3[%dma_start3A_1603, %dma_start3A_1604] : memref<503808x128xf32, #tpu.memory_space<hbm>> -> memref<503808x128xf32, #tpu.memory_space<hbm>>
        tpu.enqueue_indirect_dma source(%dma_start3A_1605 : memref<503808x128xf32, #tpu.memory_space<hbm>>) target(%dma_start3A_1600 : memref<104x128xf32, #tpu.memory_space<vmem>>) offsets(%dma_start3A_1602 : memref<104xi32, #tpu.memory_space<vmem>>) semaphore(%arg11 : memref<!tpu.dma_semaphore, #tpu.memory_space<semaphore_mem>>)
        %dma_start3A_1606 = arith.constant 104 : i32
        %dma_start3A_1607 = arith.constant 0 : i32
        %dma_start3A_1608 = tpu.memref_slice %arg6[%dma_start3A_1606, %dma_start3A_1607] : memref<208x128xf32, #tpu.memory_space<vmem>> -> memref<96x128xf32, #tpu.memory_space<vmem>>
        %dma_start3A_1609 = arith.constant 104 : i32
        %dma_start3A_1610 = tpu.memref_slice %arg8[%dma_start3A_1609] : memref<208xi32, #tpu.memory_space<vmem>> -> memref<96xi32, #tpu.memory_space<vmem>>
        %dma_start3A_1611 = arith.constant 0 : i32
        %dma_start3A_1612 = arith.constant 0 : i32
        %dma_start3A_1613 = tpu.memref_slice %arg3[%dma_start3A_1611, %dma_start3A_1612] : memref<503808x128xf32, #tpu.memory_space<hbm>> -> memref<503808x128xf32, #tpu.memory_space<hbm>>
        tpu.enqueue_indirect_dma source(%dma_start3A_1613 : memref<503808x128xf32, #tpu.memory_space<hbm>>) target(%dma_start3A_1608 : memref<96x128xf32, #tpu.memory_space<vmem>>) offsets(%dma_start3A_1610 : memref<96xi32, #tpu.memory_space<vmem>>) semaphore(%arg11 : memref<!tpu.dma_semaphore, #tpu.memory_space<semaphore_mem>>)
      } else {
      }
      %add3A_1306 = arith.constant 1 : i32
      %add3A_1307 = arith.addi %mul3A_998, %add3A_1306 : i32
      %dma_wait3A_1308 = arith.constant 0 : i32
      %dma_wait3A_1309 = arith.constant 0 : i32
      %dma_wait3A_1310 = tpu.memref_slice %arg7[%dma_wait3A_1308, %dma_wait3A_1309] : memref<208x128xf32, #tpu.memory_space<vmem>> -> memref<104x128xf32, #tpu.memory_space<vmem>>
      %dma_wait3A_1311 = arith.constant 0 : i32
      %dma_wait3A_1312 = tpu.memref_slice %arg9[%dma_wait3A_1311] : memref<208xi32, #tpu.memory_space<vmem>> -> memref<104xi32, #tpu.memory_space<vmem>>
      %dma_wait3A_1313 = arith.constant 0 : i32
      %dma_wait3A_1314 = arith.constant 0 : i32
      %dma_wait3A_1315 = tpu.memref_slice %arg3[%dma_wait3A_1313, %dma_wait3A_1314] : memref<503808x128xf32, #tpu.memory_space<hbm>> -> memref<503808x128xf32, #tpu.memory_space<hbm>>
      tpu.wait_indirect_dma semaphore(%arg12 : memref<!tpu.dma_semaphore, #tpu.memory_space<semaphore_mem>>) src(%dma_wait3A_1315 : memref<503808x128xf32, #tpu.memory_space<hbm>>) dst(%dma_wait3A_1310 : memref<104x128xf32, #tpu.memory_space<vmem>>)
      %dma_wait3A_1316 = arith.constant 104 : i32
      %dma_wait3A_1317 = arith.constant 0 : i32
      %dma_wait3A_1318 = tpu.memref_slice %arg7[%dma_wait3A_1316, %dma_wait3A_1317] : memref<208x128xf32, #tpu.memory_space<vmem>> -> memref<96x128xf32, #tpu.memory_space<vmem>>
      %dma_wait3A_1319 = arith.constant 104 : i32
      %dma_wait3A_1320 = tpu.memref_slice %arg9[%dma_wait3A_1319] : memref<208xi32, #tpu.memory_space<vmem>> -> memref<96xi32, #tpu.memory_space<vmem>>
      %dma_wait3A_1321 = arith.constant 0 : i32
      %dma_wait3A_1322 = arith.constant 0 : i32
      %dma_wait3A_1323 = tpu.memref_slice %arg3[%dma_wait3A_1321, %dma_wait3A_1322] : memref<503808x128xf32, #tpu.memory_space<hbm>> -> memref<503808x128xf32, #tpu.memory_space<hbm>>
      tpu.wait_indirect_dma semaphore(%arg12 : memref<!tpu.dma_semaphore, #tpu.memory_space<semaphore_mem>>) src(%dma_wait3A_1323 : memref<503808x128xf32, #tpu.memory_space<hbm>>) dst(%dma_wait3A_1318 : memref<96x128xf32, #tpu.memory_space<vmem>>)
      %add3A_1324 = arith.constant 1 : i32
      %add3A_1325 = arith.addi %mul3A_998, %add3A_1324 : i32
      %broadcast_in_dim3A_1326 = arith.constant 0xFF800000 : f32
      %broadcast_in_dim3A_1327 = vector.broadcast %broadcast_in_dim3A_1326 : f32 to vector<16xf32>
      %broadcast_in_dim3A_1328 = arith.constant 0xFF800000 : f32
      %broadcast_in_dim3A_1329 = vector.broadcast %broadcast_in_dim3A_1328 : f32 to vector<16xf32>
      %broadcast_in_dim3A_1330 = arith.constant 0xFF800000 : f32
      %broadcast_in_dim3A_1331 = vector.broadcast %broadcast_in_dim3A_1330 : f32 to vector<16xf32>
      %broadcast_in_dim3A_1332 = arith.constant 0xFF800000 : f32
      %broadcast_in_dim3A_1333 = vector.broadcast %broadcast_in_dim3A_1332 : f32 to vector<16xf32>
      %scan3A_1334 = arith.constant 0 : i32
      %scan3A_1335 = arith.constant 13 : i32
      %scan3A_1336 = arith.addi %scan3A_1334, %scan3A_1335 : i32
      %scan3A_1337 = arith.constant 1 : i32
      %scan3A_1338:4 = scf.for %scan3A_1360 = %scan3A_1334 to %scan3A_1336 step %scan3A_1337 iter_args(%scan3A_1361 = %broadcast_in_dim3A_1327, %scan3A_1362 = %broadcast_in_dim3A_1329, %scan3A_1363 = %broadcast_in_dim3A_1331, %scan3A_1364 = %broadcast_in_dim3A_1333) -> (vector<16xf32>, vector<16xf32>, vector<16xf32>, vector<16xf32>)  : i32 {
        %mul3A_1365 = arith.constant 16 : i32
        %mul3A_1366 = arith.muli %scan3A_1360, %mul3A_1365 : i32
        %mul3A_1367 = arith.constant 256 : i32
        %mul3A_1368 = arith.muli %add3A_1325, %mul3A_1367 : i32
        %add3A_1369 = arith.addi %mul3A_1368, %mul3A_1366 : i32
        %get3A_1370 = arith.index_cast %add3A_1369 : i32 to index
        %get3A_1371 = tpu.vector_load %arg5[%get3A_1370] {strides = array<i32>} : memref<32768xi32, #tpu.memory_space<vmem>>, vector<16xi32>,
        %get3A_1372 = vector.shape_cast %get3A_1371 : vector<16xi32> to vector<16xi32>
        %eq3A = arith.constant 3000 : i32
        %eq3A_1373 = vector.broadcast %eq3A : i32 to vector<16xi32>
        %eq3A_1374 = arith.cmpi eq, %get3A_1372, %eq3A_1373 : vector<16xi32>
        %jit3A_1375 = arith.constant 0.000000e+00 : f32
        %jit3A_1376 = arith.constant 1.000000e+00 : f32
        %broadcast_in_dim3A_1377 = vector.broadcast %jit3A_1375 : f32 to vector<16xf32>
        %broadcast_in_dim3A_1378 = vector.broadcast %jit3A_1376 : f32 to vector<16xf32>
        %select_n3A_1379 = arith.select %eq3A_1374, %broadcast_in_dim3A_1377, %broadcast_in_dim3A_1378 : vector<16xi1>, vector<16xf32>
        %ge3A_1380 = arith.constant 503808 : i32
        %ge3A_1381 = vector.broadcast %ge3A_1380 : i32 to vector<16xi32>
        %ge3A_1382 = arith.cmpi sge, %get3A_1372, %ge3A_1381 : vector<16xi32>
        %jit3A_1383 = arith.constant 64 : i32
        %jit3A_1384 = arith.constant 0 : i32
        %broadcast_in_dim3A_1385 = vector.broadcast %jit3A_1383 : i32 to vector<16xi32>
        %broadcast_in_dim3A_1386 = vector.broadcast %jit3A_1384 : i32 to vector<16xi32>
        %select_n3A_1387 = arith.select %ge3A_1382, %broadcast_in_dim3A_1385, %broadcast_in_dim3A_1386 : vector<16xi1>, vector<16xi32>
        %slice3A = vector.extract_strided_slice %select_n3A_1379 {offsets = [0], sizes = [1], strides = [1]} : vector<16xf32> to vector<1xf32>
        %squeeze3A = vector.extract %slice3A[0] : f32 from vector<1xf32>
        %slice3A_1388 = vector.extract_strided_slice %select_n3A_1387 {offsets = [0], sizes = [1], strides = [1]} : vector<16xi32> to vector<1xi32>
        %squeeze3A_1389 = vector.extract %slice3A_1388[0] : i32 from vector<1xi32>
        %add3A_1390 = arith.constant 0 : i32
        %add3A_1391 = arith.addi %mul3A_1366, %add3A_1390 : i32
        %add3A_1392 = arith.constant 0 : i32
        %add3A_1393 = arith.addi %squeeze3A_1389, %add3A_1392 : i32
        %get3A_1394 = arith.index_cast %add3A_1391 : i32 to index
        %get3A_1395 = arith.index_cast %add3A_1393 : i32 to index
        %get3A_1396 = tpu.vector_load %arg7[%get3A_1394, %get3A_1395] {strides = array<i32>} : memref<208x128xf32, #tpu.memory_space<vmem>>, vector<1x16xf32>,
        %get3A_1397 = vector.shape_cast %get3A_1396 : vector<1x16xf32> to vector<16xf32>
        %mul3A_1398 = vector.broadcast %squeeze3A : f32 to vector<16xf32>
        %mul3A_1399 = arith.mulf %get3A_1397, %mul3A_1398 : vector<16xf32>
        %max3A = arith.maximumf %scan3A_1361, %mul3A_1399 : vector<16xf32>
        %add3A_1400 = arith.constant 0 : i32
        %add3A_1401 = arith.addi %mul3A_1366, %add3A_1400 : i32
        %add3A_1402 = arith.constant 16 : i32
        %add3A_1403 = arith.addi %squeeze3A_1389, %add3A_1402 : i32
        %get3A_1404 = arith.index_cast %add3A_1401 : i32 to index
        %get3A_1405 = arith.index_cast %add3A_1403 : i32 to index
        %get3A_1406 = tpu.vector_load %arg7[%get3A_1404, %get3A_1405] {strides = array<i32>} : memref<208x128xf32, #tpu.memory_space<vmem>>, vector<1x16xf32>,
        %get3A_1407 = vector.shape_cast %get3A_1406 : vector<1x16xf32> to vector<16xf32>
        %mul3A_1408 = vector.broadcast %squeeze3A : f32 to vector<16xf32>
        %mul3A_1409 = arith.mulf %get3A_1407, %mul3A_1408 : vector<16xf32>
        %max3A_1410 = arith.maximumf %scan3A_1362, %mul3A_1409 : vector<16xf32>
        %add3A_1411 = arith.constant 0 : i32
        %add3A_1412 = arith.addi %mul3A_1366, %add3A_1411 : i32
        %add3A_1413 = arith.constant 32 : i32
        %add3A_1414 = arith.addi %squeeze3A_1389, %add3A_1413 : i32
        %get3A_1415 = arith.index_cast %add3A_1412 : i32 to index
        %get3A_1416 = arith.index_cast %add3A_1414 : i32 to index
        %get3A_1417 = tpu.vector_load %arg7[%get3A_1415, %get3A_1416] {strides = array<i32>} : memref<208x128xf32, #tpu.memory_space<vmem>>, vector<1x16xf32>,
        %get3A_1418 = vector.shape_cast %get3A_1417 : vector<1x16xf32> to vector<16xf32>
        %mul3A_1419 = vector.broadcast %squeeze3A : f32 to vector<16xf32>
        %mul3A_1420 = arith.mulf %get3A_1418, %mul3A_1419 : vector<16xf32>
        %max3A_1421 = arith.maximumf %scan3A_1363, %mul3A_1420 : vector<16xf32>
        %add3A_1422 = arith.constant 0 : i32
        %add3A_1423 = arith.addi %mul3A_1366, %add3A_1422 : i32
        %add3A_1424 = arith.constant 48 : i32
        %add3A_1425 = arith.addi %squeeze3A_1389, %add3A_1424 : i32
        %get3A_1426 = arith.index_cast %add3A_1423 : i32 to index
        %get3A_1427 = arith.index_cast %add3A_1425 : i32 to index
        %get3A_1428 = tpu.vector_load %arg7[%get3A_1426, %get3A_1427] {strides = array<i32>} : memref<208x128xf32, #tpu.memory_space<vmem>>, vector<1x16xf32>,
        %get3A_1429 = vector.shape_cast %get3A_1428 : vector<1x16xf32> to vector<16xf32>
        %mul3A_1430 = vector.broadcast %squeeze3A : f32 to vector<16xf32>
        %mul3A_1431 = arith.mulf %get3A_1429, %mul3A_1430 : vector<16xf32>
        %max3A_1432 = arith.maximumf %scan3A_1364, %mul3A_1431 : vector<16xf32>
        %slice3A_1433 = vector.extract_strided_slice %select_n3A_1379 {offsets = [1], sizes = [1], strides = [1]} : vector<16xf32> to vector<1xf32>
        %squeeze3A_1434 = vector.extract %slice3A_1433[0] : f32 from vector<1xf32>
        %slice3A_1435 = vector.extract_strided_slice %select_n3A_1387 {offsets = [1], sizes = [1], strides = [1]} : vector<16xi32> to vector<1xi32>
        %squeeze3A_1436 = vector.extract %slice3A_1435[0] : i32 from vector<1xi32>
        %add3A_1437 = arith.constant 1 : i32
        %add3A_1438 = arith.addi %mul3A_1366, %add3A_1437 : i32
        %add3A_1439 = arith.constant 0 : i32
        %add3A_1440 = arith.addi %squeeze3A_1436, %add3A_1439 : i32
        %get3A_1441 = arith.index_cast %add3A_1438 : i32 to index
        %get3A_1442 = arith.index_cast %add3A_1440 : i32 to index
        %get3A_1443 = tpu.vector_load %arg7[%get3A_1441, %get3A_1442] {strides = array<i32>} : memref<208x128xf32, #tpu.memory_space<vmem>>, vector<1x16xf32>,
        %get3A_1444 = vector.shape_cast %get3A_1443 : vector<1x16xf32> to vector<16xf32>
        %mul3A_1445 = vector.broadcast %squeeze3A_1434 : f32 to vector<16xf32>
        %mul3A_1446 = arith.mulf %get3A_1444, %mul3A_1445 : vector<16xf32>
        %max3A_1447 = arith.maximumf %max3A, %mul3A_1446 : vector<16xf32>
        %add3A_1448 = arith.constant 1 : i32
        %add3A_1449 = arith.addi %mul3A_1366, %add3A_1448 : i32
        %add3A_1450 = arith.constant 16 : i32
        %add3A_1451 = arith.addi %squeeze3A_1436, %add3A_1450 : i32
        %get3A_1452 = arith.index_cast %add3A_1449 : i32 to index
        %get3A_1453 = arith.index_cast %add3A_1451 : i32 to index
        %get3A_1454 = tpu.vector_load %arg7[%get3A_1452, %get3A_1453] {strides = array<i32>} : memref<208x128xf32, #tpu.memory_space<vmem>>, vector<1x16xf32>,
        %get3A_1455 = vector.shape_cast %get3A_1454 : vector<1x16xf32> to vector<16xf32>
        %mul3A_1456 = vector.broadcast %squeeze3A_1434 : f32 to vector<16xf32>
        %mul3A_1457 = arith.mulf %get3A_1455, %mul3A_1456 : vector<16xf32>
        %max3A_1458 = arith.maximumf %max3A_1410, %mul3A_1457 : vector<16xf32>
        %add3A_1459 = arith.constant 1 : i32
        %add3A_1460 = arith.addi %mul3A_1366, %add3A_1459 : i32
        %add3A_1461 = arith.constant 32 : i32
        %add3A_1462 = arith.addi %squeeze3A_1436, %add3A_1461 : i32
        %get3A_1463 = arith.index_cast %add3A_1460 : i32 to index
        %get3A_1464 = arith.index_cast %add3A_1462 : i32 to index
        %get3A_1465 = tpu.vector_load %arg7[%get3A_1463, %get3A_1464] {strides = array<i32>} : memref<208x128xf32, #tpu.memory_space<vmem>>, vector<1x16xf32>,
        %get3A_1466 = vector.shape_cast %get3A_1465 : vector<1x16xf32> to vector<16xf32>
        %mul3A_1467 = vector.broadcast %squeeze3A_1434 : f32 to vector<16xf32>
        %mul3A_1468 = arith.mulf %get3A_1466, %mul3A_1467 : vector<16xf32>
        %max3A_1469 = arith.maximumf %max3A_1421, %mul3A_1468 : vector<16xf32>
        %add3A_1470 = arith.constant 1 : i32
        %add3A_1471 = arith.addi %mul3A_1366, %add3A_1470 : i32
        %add3A_1472 = arith.constant 48 : i32
        %add3A_1473 = arith.addi %squeeze3A_1436, %add3A_1472 : i32
        %get3A_1474 = arith.index_cast %add3A_1471 : i32 to index
        %get3A_1475 = arith.index_cast %add3A_1473 : i32 to index
        %get3A_1476 = tpu.vector_load %arg7[%get3A_1474, %get3A_1475] {strides = array<i32>} : memref<208x128xf32, #tpu.memory_space<vmem>>, vector<1x16xf32>,
        %get3A_1477 = vector.shape_cast %get3A_1476 : vector<1x16xf32> to vector<16xf32>
        %mul3A_1478 = vector.broadcast %squeeze3A_1434 : f32 to vector<16xf32>
        %mul3A_1479 = arith.mulf %get3A_1477, %mul3A_1478 : vector<16xf32>
        %max3A_1480 = arith.maximumf %max3A_1432, %mul3A_1479 : vector<16xf32>
        %slice3A_1481 = vector.extract_strided_slice %select_n3A_1379 {offsets = [2], sizes = [1], strides = [1]} : vector<16xf32> to vector<1xf32>
        %squeeze3A_1482 = vector.extract %slice3A_1481[0] : f32 from vector<1xf32>
        %slice3A_1483 = vector.extract_strided_slice %select_n3A_1387 {offsets = [2], sizes = [1], strides = [1]} : vector<16xi32> to vector<1xi32>
        %squeeze3A_1484 = vector.extract %slice3A_1483[0] : i32 from vector<1xi32>
        %add3A_1485 = arith.constant 2 : i32
        %add3A_1486 = arith.addi %mul3A_1366, %add3A_1485 : i32
        %add3A_1487 = arith.constant 0 : i32
        %add3A_1488 = arith.addi %squeeze3A_1484, %add3A_1487 : i32
        %get3A_1489 = arith.index_cast %add3A_1486 : i32 to index
        %get3A_1490 = arith.index_cast %add3A_1488 : i32 to index
        %get3A_1491 = tpu.vector_load %arg7[%get3A_1489, %get3A_1490] {strides = array<i32>} : memref<208x128xf32, #tpu.memory_space<vmem>>, vector<1x16xf32>,
        %get3A_1492 = vector.shape_cast %get3A_1491 : vector<1x16xf32> to vector<16xf32>
        %mul3A_1493 = vector.broadcast %squeeze3A_1482 : f32 to vector<16xf32>
        %mul3A_1494 = arith.mulf %get3A_1492, %mul3A_1493 : vector<16xf32>
        %max3A_1495 = arith.maximumf %max3A_1447, %mul3A_1494 : vector<16xf32>
        %add3A_1496 = arith.constant 2 : i32
        %add3A_1497 = arith.addi %mul3A_1366, %add3A_1496 : i32
        %add3A_1498 = arith.constant 16 : i32
        %add3A_1499 = arith.addi %squeeze3A_1484, %add3A_1498 : i32
        %get3A_1500 = arith.index_cast %add3A_1497 : i32 to index
        %get3A_1501 = arith.index_cast %add3A_1499 : i32 to index
        %get3A_1502 = tpu.vector_load %arg7[%get3A_1500, %get3A_1501] {strides = array<i32>} : memref<208x128xf32, #tpu.memory_space<vmem>>, vector<1x16xf32>,
        %get3A_1503 = vector.shape_cast %get3A_1502 : vector<1x16xf32> to vector<16xf32>
        %mul3A_1504 = vector.broadcast %squeeze3A_1482 : f32 to vector<16xf32>
        %mul3A_1505 = arith.mulf %get3A_1503, %mul3A_1504 : vector<16xf32>
        %max3A_1506 = arith.maximumf %max3A_1458, %mul3A_1505 : vector<16xf32>
        %add3A_1507 = arith.constant 2 : i32
        %add3A_1508 = arith.addi %mul3A_1366, %add3A_1507 : i32
        %add3A_1509 = arith.constant 32 : i32
        %add3A_1510 = arith.addi %squeeze3A_1484, %add3A_1509 : i32
        %get3A_1511 = arith.index_cast %add3A_1508 : i32 to index
        %get3A_1512 = arith.index_cast %add3A_1510 : i32 to index
        %get3A_1513 = tpu.vector_load %arg7[%get3A_1511, %get3A_1512] {strides = array<i32>} : memref<208x128xf32, #tpu.memory_space<vmem>>, vector<1x16xf32>,
        %get3A_1514 = vector.shape_cast %get3A_1513 : vector<1x16xf32> to vector<16xf32>
        %mul3A_1515 = vector.broadcast %squeeze3A_1482 : f32 to vector<16xf32>
        %mul3A_1516 = arith.mulf %get3A_1514, %mul3A_1515 : vector<16xf32>
        %max3A_1517 = arith.maximumf %max3A_1469, %mul3A_1516 : vector<16xf32>
        %add3A_1518 = arith.constant 2 : i32
        %add3A_1519 = arith.addi %mul3A_1366, %add3A_1518 : i32
        %add3A_1520 = arith.constant 48 : i32
        %add3A_1521 = arith.addi %squeeze3A_1484, %add3A_1520 : i32
        %get3A_1522 = arith.index_cast %add3A_1519 : i32 to index
        %get3A_1523 = arith.index_cast %add3A_1521 : i32 to index
        %get3A_1524 = tpu.vector_load %arg7[%get3A_1522, %get3A_1523] {strides = array<i32>} : memref<208x128xf32, #tpu.memory_space<vmem>>, vector<1x16xf32>,
        %get3A_1525 = vector.shape_cast %get3A_1524 : vector<1x16xf32> to vector<16xf32>
        %mul3A_1526 = vector.broadcast %squeeze3A_1482 : f32 to vector<16xf32>
        %mul3A_1527 = arith.mulf %get3A_1525, %mul3A_1526 : vector<16xf32>
        %max3A_1528 = arith.maximumf %max3A_1480, %mul3A_1527 : vector<16xf32>
        %slice3A_1529 = vector.extract_strided_slice %select_n3A_1379 {offsets = [3], sizes = [1], strides = [1]} : vector<16xf32> to vector<1xf32>
        %squeeze3A_1530 = vector.extract %slice3A_1529[0] : f32 from vector<1xf32>
        %slice3A_1531 = vector.extract_strided_slice %select_n3A_1387 {offsets = [3], sizes = [1], strides = [1]} : vector<16xi32> to vector<1xi32>
        %squeeze3A_1532 = vector.extract %slice3A_1531[0] : i32 from vector<1xi32>
        %add3A_1533 = arith.constant 3 : i32
        %add3A_1534 = arith.addi %mul3A_1366, %add3A_1533 : i32
        %add3A_1535 = arith.constant 0 : i32
        %add3A_1536 = arith.addi %squeeze3A_1532, %add3A_1535 : i32
        %get3A_1537 = arith.index_cast %add3A_1534 : i32 to index
        %get3A_1538 = arith.index_cast %add3A_1536 : i32 to index
        %get3A_1539 = tpu.vector_load %arg7[%get3A_1537, %get3A_1538] {strides = array<i32>} : memref<208x128xf32, #tpu.memory_space<vmem>>, vector<1x16xf32>,
        %get3A_1540 = vector.shape_cast %get3A_1539 : vector<1x16xf32> to vector<16xf32>
        %mul3A_1541 = vector.broadcast %squeeze3A_1530 : f32 to vector<16xf32>
        %mul3A_1542 = arith.mulf %get3A_1540, %mul3A_1541 : vector<16xf32>
        %max3A_1543 = arith.maximumf %max3A_1495, %mul3A_1542 : vector<16xf32>
        %add3A_1544 = arith.constant 3 : i32
        %add3A_1545 = arith.addi %mul3A_1366, %add3A_1544 : i32
        %add3A_1546 = arith.constant 16 : i32
        %add3A_1547 = arith.addi %squeeze3A_1532, %add3A_1546 : i32
        %get3A_1548 = arith.index_cast %add3A_1545 : i32 to index
        %get3A_1549 = arith.index_cast %add3A_1547 : i32 to index
        %get3A_1550 = tpu.vector_load %arg7[%get3A_1548, %get3A_1549] {strides = array<i32>} : memref<208x128xf32, #tpu.memory_space<vmem>>, vector<1x16xf32>,
        %get3A_1551 = vector.shape_cast %get3A_1550 : vector<1x16xf32> to vector<16xf32>
        %mul3A_1552 = vector.broadcast %squeeze3A_1530 : f32 to vector<16xf32>
        %mul3A_1553 = arith.mulf %get3A_1551, %mul3A_1552 : vector<16xf32>
        %max3A_1554 = arith.maximumf %max3A_1506, %mul3A_1553 : vector<16xf32>
        %add3A_1555 = arith.constant 3 : i32
        %add3A_1556 = arith.addi %mul3A_1366, %add3A_1555 : i32
        %add3A_1557 = arith.constant 32 : i32
        %add3A_1558 = arith.addi %squeeze3A_1532, %add3A_1557 : i32
        %get3A_1559 = arith.index_cast %add3A_1556 : i32 to index
        %get3A_1560 = arith.index_cast %add3A_1558 : i32 to index
        %get3A_1561 = tpu.vector_load %arg7[%get3A_1559, %get3A_1560] {strides = array<i32>} : memref<208x128xf32, #tpu.memory_space<vmem>>, vector<1x16xf32>,
        %get3A_1562 = vector.shape_cast %get3A_1561 : vector<1x16xf32> to vector<16xf32>
        %mul3A_1563 = vector.broadcast %squeeze3A_1530 : f32 to vector<16xf32>
        %mul3A_1564 = arith.mulf %get3A_1562, %mul3A_1563 : vector<16xf32>
        %max3A_1565 = arith.maximumf %max3A_1517, %mul3A_1564 : vector<16xf32>
        %add3A_1566 = arith.constant 3 : i32
        %add3A_1567 = arith.addi %mul3A_1366, %add3A_1566 : i32
        %add3A_1568 = arith.constant 48 : i32
        %add3A_1569 = arith.addi %squeeze3A_1532, %add3A_1568 : i32
        %get3A_1570 = arith.index_cast %add3A_1567 : i32 to index
        %get3A_1571 = arith.index_cast %add3A_1569 : i32 to index
        %get3A_1572 = tpu.vector_load %arg7[%get3A_1570, %get3A_1571] {strides = array<i32>} : memref<208x128xf32, #tpu.memory_space<vmem>>, vector<1x16xf32>,
        %get3A_1573 = vector.shape_cast %get3A_1572 : vector<1x16xf32> to vector<16xf32>
        %mul3A_1574 = vector.broadcast %squeeze3A_1530 : f32 to vector<16xf32>
        %mul3A_1575 = arith.mulf %get3A_1573, %mul3A_1574 : vector<16xf32>
        %max3A_1576 = arith.maximumf %max3A_1528, %mul3A_1575 : vector<16xf32>
        %slice3A_1577 = vector.extract_strided_slice %select_n3A_1379 {offsets = [4], sizes = [1], strides = [1]} : vector<16xf32> to vector<1xf32>
        %squeeze3A_1578 = vector.extract %slice3A_1577[0] : f32 from vector<1xf32>
        %slice3A_1579 = vector.extract_strided_slice %select_n3A_1387 {offsets = [4], sizes = [1], strides = [1]} : vector<16xi32> to vector<1xi32>
        %squeeze3A_1580 = vector.extract %slice3A_1579[0] : i32 from vector<1xi32>
        %add3A_1581 = arith.constant 4 : i32
        %add3A_1582 = arith.addi %mul3A_1366, %add3A_1581 : i32
        %add3A_1583 = arith.constant 0 : i32
        %add3A_1584 = arith.addi %squeeze3A_1580, %add3A_1583 : i32
        %get3A_1585 = arith.index_cast %add3A_1582 : i32 to index
        %get3A_1586 = arith.index_cast %add3A_1584 : i32 to index
        %get3A_1587 = tpu.vector_load %arg7[%get3A_1585, %get3A_1586] {strides = array<i32>} : memref<208x128xf32, #tpu.memory_space<vmem>>, vector<1x16xf32>,
        %get3A_1588 = vector.shape_cast %get3A_1587 : vector<1x16xf32> to vector<16xf32>
        %mul3A_1589 = vector.broadcast %squeeze3A_1578 : f32 to vector<16xf32>
        %mul3A_1590 = arith.mulf %get3A_1588, %mul3A_1589 : vector<16xf32>
        %max3A_1591 = arith.maximumf %max3A_1543, %mul3A_1590 : vector<16xf32>
        %add3A_1592 = arith.constant 4 : i32
        %add3A_1593 = arith.addi %mul3A_1366, %add3A_1592 : i32
        %add3A_1594 = arith.constant 16 : i32
        %add3A_1595 = arith.addi %squeeze3A_1580, %add3A_1594 : i32
        %get3A_1596 = arith.index_cast %add3A_1593 : i32 to index
        %get3A_1597 = arith.index_cast %add3A_1595 : i32 to index
        %get3A_1598 = tpu.vector_load %arg7[%get3A_1596, %get3A_1597] {strides = array<i32>} : memref<208x128xf32, #tpu.memory_space<vmem>>, vector<1x16xf32>,
        %get3A_1599 = vector.shape_cast %get3A_1598 : vector<1x16xf32> to vector<16xf32>
        %mul3A_1600 = vector.broadcast %squeeze3A_1578 : f32 to vector<16xf32>
        %mul3A_1601 = arith.mulf %get3A_1599, %mul3A_1600 : vector<16xf32>
        %max3A_1602 = arith.maximumf %max3A_1554, %mul3A_1601 : vector<16xf32>
        %add3A_1603 = arith.constant 4 : i32
        %add3A_1604 = arith.addi %mul3A_1366, %add3A_1603 : i32
        %add3A_1605 = arith.constant 32 : i32
        %add3A_1606 = arith.addi %squeeze3A_1580, %add3A_1605 : i32
        %get3A_1607 = arith.index_cast %add3A_1604 : i32 to index
        %get3A_1608 = arith.index_cast %add3A_1606 : i32 to index
        %get3A_1609 = tpu.vector_load %arg7[%get3A_1607, %get3A_1608] {strides = array<i32>} : memref<208x128xf32, #tpu.memory_space<vmem>>, vector<1x16xf32>,
        %get3A_1610 = vector.shape_cast %get3A_1609 : vector<1x16xf32> to vector<16xf32>
        %mul3A_1611 = vector.broadcast %squeeze3A_1578 : f32 to vector<16xf32>
        %mul3A_1612 = arith.mulf %get3A_1610, %mul3A_1611 : vector<16xf32>
        %max3A_1613 = arith.maximumf %max3A_1565, %mul3A_1612 : vector<16xf32>
        %add3A_1614 = arith.constant 4 : i32
        %add3A_1615 = arith.addi %mul3A_1366, %add3A_1614 : i32
        %add3A_1616 = arith.constant 48 : i32
        %add3A_1617 = arith.addi %squeeze3A_1580, %add3A_1616 : i32
        %get3A_1618 = arith.index_cast %add3A_1615 : i32 to index
        %get3A_1619 = arith.index_cast %add3A_1617 : i32 to index
        %get3A_1620 = tpu.vector_load %arg7[%get3A_1618, %get3A_1619] {strides = array<i32>} : memref<208x128xf32, #tpu.memory_space<vmem>>, vector<1x16xf32>,
        %get3A_1621 = vector.shape_cast %get3A_1620 : vector<1x16xf32> to vector<16xf32>
        %mul3A_1622 = vector.broadcast %squeeze3A_1578 : f32 to vector<16xf32>
        %mul3A_1623 = arith.mulf %get3A_1621, %mul3A_1622 : vector<16xf32>
        %max3A_1624 = arith.maximumf %max3A_1576, %mul3A_1623 : vector<16xf32>
        %slice3A_1625 = vector.extract_strided_slice %select_n3A_1379 {offsets = [5], sizes = [1], strides = [1]} : vector<16xf32> to vector<1xf32>
        %squeeze3A_1626 = vector.extract %slice3A_1625[0] : f32 from vector<1xf32>
        %slice3A_1627 = vector.extract_strided_slice %select_n3A_1387 {offsets = [5], sizes = [1], strides = [1]} : vector<16xi32> to vector<1xi32>
        %squeeze3A_1628 = vector.extract %slice3A_1627[0] : i32 from vector<1xi32>
        %add3A_1629 = arith.constant 5 : i32
        %add3A_1630 = arith.addi %mul3A_1366, %add3A_1629 : i32
        %add3A_1631 = arith.constant 0 : i32
        %add3A_1632 = arith.addi %squeeze3A_1628, %add3A_1631 : i32
        %get3A_1633 = arith.index_cast %add3A_1630 : i32 to index
        %get3A_1634 = arith.index_cast %add3A_1632 : i32 to index
        %get3A_1635 = tpu.vector_load %arg7[%get3A_1633, %get3A_1634] {strides = array<i32>} : memref<208x128xf32, #tpu.memory_space<vmem>>, vector<1x16xf32>,
        %get3A_1636 = vector.shape_cast %get3A_1635 : vector<1x16xf32> to vector<16xf32>
        %mul3A_1637 = vector.broadcast %squeeze3A_1626 : f32 to vector<16xf32>
        %mul3A_1638 = arith.mulf %get3A_1636, %mul3A_1637 : vector<16xf32>
        %max3A_1639 = arith.maximumf %max3A_1591, %mul3A_1638 : vector<16xf32>
        %add3A_1640 = arith.constant 5 : i32
        %add3A_1641 = arith.addi %mul3A_1366, %add3A_1640 : i32
        %add3A_1642 = arith.constant 16 : i32
        %add3A_1643 = arith.addi %squeeze3A_1628, %add3A_1642 : i32
        %get3A_1644 = arith.index_cast %add3A_1641 : i32 to index
        %get3A_1645 = arith.index_cast %add3A_1643 : i32 to index
        %get3A_1646 = tpu.vector_load %arg7[%get3A_1644, %get3A_1645] {strides = array<i32>} : memref<208x128xf32, #tpu.memory_space<vmem>>, vector<1x16xf32>,
        %get3A_1647 = vector.shape_cast %get3A_1646 : vector<1x16xf32> to vector<16xf32>
        %mul3A_1648 = vector.broadcast %squeeze3A_1626 : f32 to vector<16xf32>
        %mul3A_1649 = arith.mulf %get3A_1647, %mul3A_1648 : vector<16xf32>
        %max3A_1650 = arith.maximumf %max3A_1602, %mul3A_1649 : vector<16xf32>
        %add3A_1651 = arith.constant 5 : i32
        %add3A_1652 = arith.addi %mul3A_1366, %add3A_1651 : i32
        %add3A_1653 = arith.constant 32 : i32
        %add3A_1654 = arith.addi %squeeze3A_1628, %add3A_1653 : i32
        %get3A_1655 = arith.index_cast %add3A_1652 : i32 to index
        %get3A_1656 = arith.index_cast %add3A_1654 : i32 to index
        %get3A_1657 = tpu.vector_load %arg7[%get3A_1655, %get3A_1656] {strides = array<i32>} : memref<208x128xf32, #tpu.memory_space<vmem>>, vector<1x16xf32>,
        %get3A_1658 = vector.shape_cast %get3A_1657 : vector<1x16xf32> to vector<16xf32>
        %mul3A_1659 = vector.broadcast %squeeze3A_1626 : f32 to vector<16xf32>
        %mul3A_1660 = arith.mulf %get3A_1658, %mul3A_1659 : vector<16xf32>
        %max3A_1661 = arith.maximumf %max3A_1613, %mul3A_1660 : vector<16xf32>
        %add3A_1662 = arith.constant 5 : i32
        %add3A_1663 = arith.addi %mul3A_1366, %add3A_1662 : i32
        %add3A_1664 = arith.constant 48 : i32
        %add3A_1665 = arith.addi %squeeze3A_1628, %add3A_1664 : i32
        %get3A_1666 = arith.index_cast %add3A_1663 : i32 to index
        %get3A_1667 = arith.index_cast %add3A_1665 : i32 to index
        %get3A_1668 = tpu.vector_load %arg7[%get3A_1666, %get3A_1667] {strides = array<i32>} : memref<208x128xf32, #tpu.memory_space<vmem>>, vector<1x16xf32>,
        %get3A_1669 = vector.shape_cast %get3A_1668 : vector<1x16xf32> to vector<16xf32>
        %mul3A_1670 = vector.broadcast %squeeze3A_1626 : f32 to vector<16xf32>
        %mul3A_1671 = arith.mulf %get3A_1669, %mul3A_1670 : vector<16xf32>
        %max3A_1672 = arith.maximumf %max3A_1624, %mul3A_1671 : vector<16xf32>
        %slice3A_1673 = vector.extract_strided_slice %select_n3A_1379 {offsets = [6], sizes = [1], strides = [1]} : vector<16xf32> to vector<1xf32>
        %squeeze3A_1674 = vector.extract %slice3A_1673[0] : f32 from vector<1xf32>
        %slice3A_1675 = vector.extract_strided_slice %select_n3A_1387 {offsets = [6], sizes = [1], strides = [1]} : vector<16xi32> to vector<1xi32>
        %squeeze3A_1676 = vector.extract %slice3A_1675[0] : i32 from vector<1xi32>
        %add3A_1677 = arith.constant 6 : i32
        %add3A_1678 = arith.addi %mul3A_1366, %add3A_1677 : i32
        %add3A_1679 = arith.constant 0 : i32
        %add3A_1680 = arith.addi %squeeze3A_1676, %add3A_1679 : i32
        %get3A_1681 = arith.index_cast %add3A_1678 : i32 to index
        %get3A_1682 = arith.index_cast %add3A_1680 : i32 to index
        %get3A_1683 = tpu.vector_load %arg7[%get3A_1681, %get3A_1682] {strides = array<i32>} : memref<208x128xf32, #tpu.memory_space<vmem>>, vector<1x16xf32>,
        %get3A_1684 = vector.shape_cast %get3A_1683 : vector<1x16xf32> to vector<16xf32>
        %mul3A_1685 = vector.broadcast %squeeze3A_1674 : f32 to vector<16xf32>
        %mul3A_1686 = arith.mulf %get3A_1684, %mul3A_1685 : vector<16xf32>
        %max3A_1687 = arith.maximumf %max3A_1639, %mul3A_1686 : vector<16xf32>
        %add3A_1688 = arith.constant 6 : i32
        %add3A_1689 = arith.addi %mul3A_1366, %add3A_1688 : i32
        %add3A_1690 = arith.constant 16 : i32
        %add3A_1691 = arith.addi %squeeze3A_1676, %add3A_1690 : i32
        %get3A_1692 = arith.index_cast %add3A_1689 : i32 to index
        %get3A_1693 = arith.index_cast %add3A_1691 : i32 to index
        %get3A_1694 = tpu.vector_load %arg7[%get3A_1692, %get3A_1693] {strides = array<i32>} : memref<208x128xf32, #tpu.memory_space<vmem>>, vector<1x16xf32>,
        %get3A_1695 = vector.shape_cast %get3A_1694 : vector<1x16xf32> to vector<16xf32>
        %mul3A_1696 = vector.broadcast %squeeze3A_1674 : f32 to vector<16xf32>
        %mul3A_1697 = arith.mulf %get3A_1695, %mul3A_1696 : vector<16xf32>
        %max3A_1698 = arith.maximumf %max3A_1650, %mul3A_1697 : vector<16xf32>
        %add3A_1699 = arith.constant 6 : i32
        %add3A_1700 = arith.addi %mul3A_1366, %add3A_1699 : i32
        %add3A_1701 = arith.constant 32 : i32
        %add3A_1702 = arith.addi %squeeze3A_1676, %add3A_1701 : i32
        %get3A_1703 = arith.index_cast %add3A_1700 : i32 to index
        %get3A_1704 = arith.index_cast %add3A_1702 : i32 to index
        %get3A_1705 = tpu.vector_load %arg7[%get3A_1703, %get3A_1704] {strides = array<i32>} : memref<208x128xf32, #tpu.memory_space<vmem>>, vector<1x16xf32>,
        %get3A_1706 = vector.shape_cast %get3A_1705 : vector<1x16xf32> to vector<16xf32>
        %mul3A_1707 = vector.broadcast %squeeze3A_1674 : f32 to vector<16xf32>
        %mul3A_1708 = arith.mulf %get3A_1706, %mul3A_1707 : vector<16xf32>
        %max3A_1709 = arith.maximumf %max3A_1661, %mul3A_1708 : vector<16xf32>
        %add3A_1710 = arith.constant 6 : i32
        %add3A_1711 = arith.addi %mul3A_1366, %add3A_1710 : i32
        %add3A_1712 = arith.constant 48 : i32
        %add3A_1713 = arith.addi %squeeze3A_1676, %add3A_1712 : i32
        %get3A_1714 = arith.index_cast %add3A_1711 : i32 to index
        %get3A_1715 = arith.index_cast %add3A_1713 : i32 to index
        %get3A_1716 = tpu.vector_load %arg7[%get3A_1714, %get3A_1715] {strides = array<i32>} : memref<208x128xf32, #tpu.memory_space<vmem>>, vector<1x16xf32>,
        %get3A_1717 = vector.shape_cast %get3A_1716 : vector<1x16xf32> to vector<16xf32>
        %mul3A_1718 = vector.broadcast %squeeze3A_1674 : f32 to vector<16xf32>
        %mul3A_1719 = arith.mulf %get3A_1717, %mul3A_1718 : vector<16xf32>
        %max3A_1720 = arith.maximumf %max3A_1672, %mul3A_1719 : vector<16xf32>
        %slice3A_1721 = vector.extract_strided_slice %select_n3A_1379 {offsets = [7], sizes = [1], strides = [1]} : vector<16xf32> to vector<1xf32>
        %squeeze3A_1722 = vector.extract %slice3A_1721[0] : f32 from vector<1xf32>
        %slice3A_1723 = vector.extract_strided_slice %select_n3A_1387 {offsets = [7], sizes = [1], strides = [1]} : vector<16xi32> to vector<1xi32>
        %squeeze3A_1724 = vector.extract %slice3A_1723[0] : i32 from vector<1xi32>
        %add3A_1725 = arith.constant 7 : i32
        %add3A_1726 = arith.addi %mul3A_1366, %add3A_1725 : i32
        %add3A_1727 = arith.constant 0 : i32
        %add3A_1728 = arith.addi %squeeze3A_1724, %add3A_1727 : i32
        %get3A_1729 = arith.index_cast %add3A_1726 : i32 to index
        %get3A_1730 = arith.index_cast %add3A_1728 : i32 to index
        %get3A_1731 = tpu.vector_load %arg7[%get3A_1729, %get3A_1730] {strides = array<i32>} : memref<208x128xf32, #tpu.memory_space<vmem>>, vector<1x16xf32>,
        %get3A_1732 = vector.shape_cast %get3A_1731 : vector<1x16xf32> to vector<16xf32>
        %mul3A_1733 = vector.broadcast %squeeze3A_1722 : f32 to vector<16xf32>
        %mul3A_1734 = arith.mulf %get3A_1732, %mul3A_1733 : vector<16xf32>
        %max3A_1735 = arith.maximumf %max3A_1687, %mul3A_1734 : vector<16xf32>
        %add3A_1736 = arith.constant 7 : i32
        %add3A_1737 = arith.addi %mul3A_1366, %add3A_1736 : i32
        %add3A_1738 = arith.constant 16 : i32
        %add3A_1739 = arith.addi %squeeze3A_1724, %add3A_1738 : i32
        %get3A_1740 = arith.index_cast %add3A_1737 : i32 to index
        %get3A_1741 = arith.index_cast %add3A_1739 : i32 to index
        %get3A_1742 = tpu.vector_load %arg7[%get3A_1740, %get3A_1741] {strides = array<i32>} : memref<208x128xf32, #tpu.memory_space<vmem>>, vector<1x16xf32>,
        %get3A_1743 = vector.shape_cast %get3A_1742 : vector<1x16xf32> to vector<16xf32>
        %mul3A_1744 = vector.broadcast %squeeze3A_1722 : f32 to vector<16xf32>
        %mul3A_1745 = arith.mulf %get3A_1743, %mul3A_1744 : vector<16xf32>
        %max3A_1746 = arith.maximumf %max3A_1698, %mul3A_1745 : vector<16xf32>
        %add3A_1747 = arith.constant 7 : i32
        %add3A_1748 = arith.addi %mul3A_1366, %add3A_1747 : i32
        %add3A_1749 = arith.constant 32 : i32
        %add3A_1750 = arith.addi %squeeze3A_1724, %add3A_1749 : i32
        %get3A_1751 = arith.index_cast %add3A_1748 : i32 to index
        %get3A_1752 = arith.index_cast %add3A_1750 : i32 to index
        %get3A_1753 = tpu.vector_load %arg7[%get3A_1751, %get3A_1752] {strides = array<i32>} : memref<208x128xf32, #tpu.memory_space<vmem>>, vector<1x16xf32>,
        %get3A_1754 = vector.shape_cast %get3A_1753 : vector<1x16xf32> to vector<16xf32>
        %mul3A_1755 = vector.broadcast %squeeze3A_1722 : f32 to vector<16xf32>
        %mul3A_1756 = arith.mulf %get3A_1754, %mul3A_1755 : vector<16xf32>
        %max3A_1757 = arith.maximumf %max3A_1709, %mul3A_1756 : vector<16xf32>
        %add3A_1758 = arith.constant 7 : i32
        %add3A_1759 = arith.addi %mul3A_1366, %add3A_1758 : i32
        %add3A_1760 = arith.constant 48 : i32
        %add3A_1761 = arith.addi %squeeze3A_1724, %add3A_1760 : i32
        %get3A_1762 = arith.index_cast %add3A_1759 : i32 to index
        %get3A_1763 = arith.index_cast %add3A_1761 : i32 to index
        %get3A_1764 = tpu.vector_load %arg7[%get3A_1762, %get3A_1763] {strides = array<i32>} : memref<208x128xf32, #tpu.memory_space<vmem>>, vector<1x16xf32>,
        %get3A_1765 = vector.shape_cast %get3A_1764 : vector<1x16xf32> to vector<16xf32>
        %mul3A_1766 = vector.broadcast %squeeze3A_1722 : f32 to vector<16xf32>
        %mul3A_1767 = arith.mulf %get3A_1765, %mul3A_1766 : vector<16xf32>
        %max3A_1768 = arith.maximumf %max3A_1720, %mul3A_1767 : vector<16xf32>
        %slice3A_1769 = vector.extract_strided_slice %select_n3A_1379 {offsets = [8], sizes = [1], strides = [1]} : vector<16xf32> to vector<1xf32>
        %squeeze3A_1770 = vector.extract %slice3A_1769[0] : f32 from vector<1xf32>
        %slice3A_1771 = vector.extract_strided_slice %select_n3A_1387 {offsets = [8], sizes = [1], strides = [1]} : vector<16xi32> to vector<1xi32>
        %squeeze3A_1772 = vector.extract %slice3A_1771[0] : i32 from vector<1xi32>
        %add3A_1773 = arith.constant 8 : i32
        %add3A_1774 = arith.addi %mul3A_1366, %add3A_1773 : i32
        %add3A_1775 = arith.constant 0 : i32
        %add3A_1776 = arith.addi %squeeze3A_1772, %add3A_1775 : i32
        %get3A_1777 = arith.index_cast %add3A_1774 : i32 to index
        %get3A_1778 = arith.index_cast %add3A_1776 : i32 to index
        %get3A_1779 = tpu.vector_load %arg7[%get3A_1777, %get3A_1778] {strides = array<i32>} : memref<208x128xf32, #tpu.memory_space<vmem>>, vector<1x16xf32>,
        %get3A_1780 = vector.shape_cast %get3A_1779 : vector<1x16xf32> to vector<16xf32>
        %mul3A_1781 = vector.broadcast %squeeze3A_1770 : f32 to vector<16xf32>
        %mul3A_1782 = arith.mulf %get3A_1780, %mul3A_1781 : vector<16xf32>
        %max3A_1783 = arith.maximumf %max3A_1735, %mul3A_1782 : vector<16xf32>
        %add3A_1784 = arith.constant 8 : i32
        %add3A_1785 = arith.addi %mul3A_1366, %add3A_1784 : i32
        %add3A_1786 = arith.constant 16 : i32
        %add3A_1787 = arith.addi %squeeze3A_1772, %add3A_1786 : i32
        %get3A_1788 = arith.index_cast %add3A_1785 : i32 to index
        %get3A_1789 = arith.index_cast %add3A_1787 : i32 to index
        %get3A_1790 = tpu.vector_load %arg7[%get3A_1788, %get3A_1789] {strides = array<i32>} : memref<208x128xf32, #tpu.memory_space<vmem>>, vector<1x16xf32>,
        %get3A_1791 = vector.shape_cast %get3A_1790 : vector<1x16xf32> to vector<16xf32>
        %mul3A_1792 = vector.broadcast %squeeze3A_1770 : f32 to vector<16xf32>
        %mul3A_1793 = arith.mulf %get3A_1791, %mul3A_1792 : vector<16xf32>
        %max3A_1794 = arith.maximumf %max3A_1746, %mul3A_1793 : vector<16xf32>
        %add3A_1795 = arith.constant 8 : i32
        %add3A_1796 = arith.addi %mul3A_1366, %add3A_1795 : i32
        %add3A_1797 = arith.constant 32 : i32
        %add3A_1798 = arith.addi %squeeze3A_1772, %add3A_1797 : i32
        %get3A_1799 = arith.index_cast %add3A_1796 : i32 to index
        %get3A_1800 = arith.index_cast %add3A_1798 : i32 to index
        %get3A_1801 = tpu.vector_load %arg7[%get3A_1799, %get3A_1800] {strides = array<i32>} : memref<208x128xf32, #tpu.memory_space<vmem>>, vector<1x16xf32>,
        %get3A_1802 = vector.shape_cast %get3A_1801 : vector<1x16xf32> to vector<16xf32>
        %mul3A_1803 = vector.broadcast %squeeze3A_1770 : f32 to vector<16xf32>
        %mul3A_1804 = arith.mulf %get3A_1802, %mul3A_1803 : vector<16xf32>
        %max3A_1805 = arith.maximumf %max3A_1757, %mul3A_1804 : vector<16xf32>
        %add3A_1806 = arith.constant 8 : i32
        %add3A_1807 = arith.addi %mul3A_1366, %add3A_1806 : i32
        %add3A_1808 = arith.constant 48 : i32
        %add3A_1809 = arith.addi %squeeze3A_1772, %add3A_1808 : i32
        %get3A_1810 = arith.index_cast %add3A_1807 : i32 to index
        %get3A_1811 = arith.index_cast %add3A_1809 : i32 to index
        %get3A_1812 = tpu.vector_load %arg7[%get3A_1810, %get3A_1811] {strides = array<i32>} : memref<208x128xf32, #tpu.memory_space<vmem>>, vector<1x16xf32>,
        %get3A_1813 = vector.shape_cast %get3A_1812 : vector<1x16xf32> to vector<16xf32>
        %mul3A_1814 = vector.broadcast %squeeze3A_1770 : f32 to vector<16xf32>
        %mul3A_1815 = arith.mulf %get3A_1813, %mul3A_1814 : vector<16xf32>
        %max3A_1816 = arith.maximumf %max3A_1768, %mul3A_1815 : vector<16xf32>
        %slice3A_1817 = vector.extract_strided_slice %select_n3A_1379 {offsets = [9], sizes = [1], strides = [1]} : vector<16xf32> to vector<1xf32>
        %squeeze3A_1818 = vector.extract %slice3A_1817[0] : f32 from vector<1xf32>
        %slice3A_1819 = vector.extract_strided_slice %select_n3A_1387 {offsets = [9], sizes = [1], strides = [1]} : vector<16xi32> to vector<1xi32>
        %squeeze3A_1820 = vector.extract %slice3A_1819[0] : i32 from vector<1xi32>
        %add3A_1821 = arith.constant 9 : i32
        %add3A_1822 = arith.addi %mul3A_1366, %add3A_1821 : i32
        %add3A_1823 = arith.constant 0 : i32
        %add3A_1824 = arith.addi %squeeze3A_1820, %add3A_1823 : i32
        %get3A_1825 = arith.index_cast %add3A_1822 : i32 to index
        %get3A_1826 = arith.index_cast %add3A_1824 : i32 to index
        %get3A_1827 = tpu.vector_load %arg7[%get3A_1825, %get3A_1826] {strides = array<i32>} : memref<208x128xf32, #tpu.memory_space<vmem>>, vector<1x16xf32>,
        %get3A_1828 = vector.shape_cast %get3A_1827 : vector<1x16xf32> to vector<16xf32>
        %mul3A_1829 = vector.broadcast %squeeze3A_1818 : f32 to vector<16xf32>
        %mul3A_1830 = arith.mulf %get3A_1828, %mul3A_1829 : vector<16xf32>
        %max3A_1831 = arith.maximumf %max3A_1783, %mul3A_1830 : vector<16xf32>
        %add3A_1832 = arith.constant 9 : i32
        %add3A_1833 = arith.addi %mul3A_1366, %add3A_1832 : i32
        %add3A_1834 = arith.constant 16 : i32
        %add3A_1835 = arith.addi %squeeze3A_1820, %add3A_1834 : i32
        %get3A_1836 = arith.index_cast %add3A_1833 : i32 to index
        %get3A_1837 = arith.index_cast %add3A_1835 : i32 to index
        %get3A_1838 = tpu.vector_load %arg7[%get3A_1836, %get3A_1837] {strides = array<i32>} : memref<208x128xf32, #tpu.memory_space<vmem>>, vector<1x16xf32>,
        %get3A_1839 = vector.shape_cast %get3A_1838 : vector<1x16xf32> to vector<16xf32>
        %mul3A_1840 = vector.broadcast %squeeze3A_1818 : f32 to vector<16xf32>
        %mul3A_1841 = arith.mulf %get3A_1839, %mul3A_1840 : vector<16xf32>
        %max3A_1842 = arith.maximumf %max3A_1794, %mul3A_1841 : vector<16xf32>
        %add3A_1843 = arith.constant 9 : i32
        %add3A_1844 = arith.addi %mul3A_1366, %add3A_1843 : i32
        %add3A_1845 = arith.constant 32 : i32
        %add3A_1846 = arith.addi %squeeze3A_1820, %add3A_1845 : i32
        %get3A_1847 = arith.index_cast %add3A_1844 : i32 to index
        %get3A_1848 = arith.index_cast %add3A_1846 : i32 to index
        %get3A_1849 = tpu.vector_load %arg7[%get3A_1847, %get3A_1848] {strides = array<i32>} : memref<208x128xf32, #tpu.memory_space<vmem>>, vector<1x16xf32>,
        %get3A_1850 = vector.shape_cast %get3A_1849 : vector<1x16xf32> to vector<16xf32>
        %mul3A_1851 = vector.broadcast %squeeze3A_1818 : f32 to vector<16xf32>
        %mul3A_1852 = arith.mulf %get3A_1850, %mul3A_1851 : vector<16xf32>
        %max3A_1853 = arith.maximumf %max3A_1805, %mul3A_1852 : vector<16xf32>
        %add3A_1854 = arith.constant 9 : i32
        %add3A_1855 = arith.addi %mul3A_1366, %add3A_1854 : i32
        %add3A_1856 = arith.constant 48 : i32
        %add3A_1857 = arith.addi %squeeze3A_1820, %add3A_1856 : i32
        %get3A_1858 = arith.index_cast %add3A_1855 : i32 to index
        %get3A_1859 = arith.index_cast %add3A_1857 : i32 to index
        %get3A_1860 = tpu.vector_load %arg7[%get3A_1858, %get3A_1859] {strides = array<i32>} : memref<208x128xf32, #tpu.memory_space<vmem>>, vector<1x16xf32>,
        %get3A_1861 = vector.shape_cast %get3A_1860 : vector<1x16xf32> to vector<16xf32>
        %mul3A_1862 = vector.broadcast %squeeze3A_1818 : f32 to vector<16xf32>
        %mul3A_1863 = arith.mulf %get3A_1861, %mul3A_1862 : vector<16xf32>
        %max3A_1864 = arith.maximumf %max3A_1816, %mul3A_1863 : vector<16xf32>
        %slice3A_1865 = vector.extract_strided_slice %select_n3A_1379 {offsets = [10], sizes = [1], strides = [1]} : vector<16xf32> to vector<1xf32>
        %squeeze3A_1866 = vector.extract %slice3A_1865[0] : f32 from vector<1xf32>
        %slice3A_1867 = vector.extract_strided_slice %select_n3A_1387 {offsets = [10], sizes = [1], strides = [1]} : vector<16xi32> to vector<1xi32>
        %squeeze3A_1868 = vector.extract %slice3A_1867[0] : i32 from vector<1xi32>
        %add3A_1869 = arith.constant 10 : i32
        %add3A_1870 = arith.addi %mul3A_1366, %add3A_1869 : i32
        %add3A_1871 = arith.constant 0 : i32
        %add3A_1872 = arith.addi %squeeze3A_1868, %add3A_1871 : i32
        %get3A_1873 = arith.index_cast %add3A_1870 : i32 to index
        %get3A_1874 = arith.index_cast %add3A_1872 : i32 to index
        %get3A_1875 = tpu.vector_load %arg7[%get3A_1873, %get3A_1874] {strides = array<i32>} : memref<208x128xf32, #tpu.memory_space<vmem>>, vector<1x16xf32>,
        %get3A_1876 = vector.shape_cast %get3A_1875 : vector<1x16xf32> to vector<16xf32>
        %mul3A_1877 = vector.broadcast %squeeze3A_1866 : f32 to vector<16xf32>
        %mul3A_1878 = arith.mulf %get3A_1876, %mul3A_1877 : vector<16xf32>
        %max3A_1879 = arith.maximumf %max3A_1831, %mul3A_1878 : vector<16xf32>
        %add3A_1880 = arith.constant 10 : i32
        %add3A_1881 = arith.addi %mul3A_1366, %add3A_1880 : i32
        %add3A_1882 = arith.constant 16 : i32
        %add3A_1883 = arith.addi %squeeze3A_1868, %add3A_1882 : i32
        %get3A_1884 = arith.index_cast %add3A_1881 : i32 to index
        %get3A_1885 = arith.index_cast %add3A_1883 : i32 to index
        %get3A_1886 = tpu.vector_load %arg7[%get3A_1884, %get3A_1885] {strides = array<i32>} : memref<208x128xf32, #tpu.memory_space<vmem>>, vector<1x16xf32>,
        %get3A_1887 = vector.shape_cast %get3A_1886 : vector<1x16xf32> to vector<16xf32>
        %mul3A_1888 = vector.broadcast %squeeze3A_1866 : f32 to vector<16xf32>
        %mul3A_1889 = arith.mulf %get3A_1887, %mul3A_1888 : vector<16xf32>
        %max3A_1890 = arith.maximumf %max3A_1842, %mul3A_1889 : vector<16xf32>
        %add3A_1891 = arith.constant 10 : i32
        %add3A_1892 = arith.addi %mul3A_1366, %add3A_1891 : i32
        %add3A_1893 = arith.constant 32 : i32
        %add3A_1894 = arith.addi %squeeze3A_1868, %add3A_1893 : i32
        %get3A_1895 = arith.index_cast %add3A_1892 : i32 to index
        %get3A_1896 = arith.index_cast %add3A_1894 : i32 to index
        %get3A_1897 = tpu.vector_load %arg7[%get3A_1895, %get3A_1896] {strides = array<i32>} : memref<208x128xf32, #tpu.memory_space<vmem>>, vector<1x16xf32>,
        %get3A_1898 = vector.shape_cast %get3A_1897 : vector<1x16xf32> to vector<16xf32>
        %mul3A_1899 = vector.broadcast %squeeze3A_1866 : f32 to vector<16xf32>
        %mul3A_1900 = arith.mulf %get3A_1898, %mul3A_1899 : vector<16xf32>
        %max3A_1901 = arith.maximumf %max3A_1853, %mul3A_1900 : vector<16xf32>
        %add3A_1902 = arith.constant 10 : i32
        %add3A_1903 = arith.addi %mul3A_1366, %add3A_1902 : i32
        %add3A_1904 = arith.constant 48 : i32
        %add3A_1905 = arith.addi %squeeze3A_1868, %add3A_1904 : i32
        %get3A_1906 = arith.index_cast %add3A_1903 : i32 to index
        %get3A_1907 = arith.index_cast %add3A_1905 : i32 to index
        %get3A_1908 = tpu.vector_load %arg7[%get3A_1906, %get3A_1907] {strides = array<i32>} : memref<208x128xf32, #tpu.memory_space<vmem>>, vector<1x16xf32>,
        %get3A_1909 = vector.shape_cast %get3A_1908 : vector<1x16xf32> to vector<16xf32>
        %mul3A_1910 = vector.broadcast %squeeze3A_1866 : f32 to vector<16xf32>
        %mul3A_1911 = arith.mulf %get3A_1909, %mul3A_1910 : vector<16xf32>
        %max3A_1912 = arith.maximumf %max3A_1864, %mul3A_1911 : vector<16xf32>
        %slice3A_1913 = vector.extract_strided_slice %select_n3A_1379 {offsets = [11], sizes = [1], strides = [1]} : vector<16xf32> to vector<1xf32>
        %squeeze3A_1914 = vector.extract %slice3A_1913[0] : f32 from vector<1xf32>
        %slice3A_1915 = vector.extract_strided_slice %select_n3A_1387 {offsets = [11], sizes = [1], strides = [1]} : vector<16xi32> to vector<1xi32>
        %squeeze3A_1916 = vector.extract %slice3A_1915[0] : i32 from vector<1xi32>
        %add3A_1917 = arith.constant 11 : i32
        %add3A_1918 = arith.addi %mul3A_1366, %add3A_1917 : i32
        %add3A_1919 = arith.constant 0 : i32
        %add3A_1920 = arith.addi %squeeze3A_1916, %add3A_1919 : i32
        %get3A_1921 = arith.index_cast %add3A_1918 : i32 to index
        %get3A_1922 = arith.index_cast %add3A_1920 : i32 to index
        %get3A_1923 = tpu.vector_load %arg7[%get3A_1921, %get3A_1922] {strides = array<i32>} : memref<208x128xf32, #tpu.memory_space<vmem>>, vector<1x16xf32>,
        %get3A_1924 = vector.shape_cast %get3A_1923 : vector<1x16xf32> to vector<16xf32>
        %mul3A_1925 = vector.broadcast %squeeze3A_1914 : f32 to vector<16xf32>
        %mul3A_1926 = arith.mulf %get3A_1924, %mul3A_1925 : vector<16xf32>
        %max3A_1927 = arith.maximumf %max3A_1879, %mul3A_1926 : vector<16xf32>
        %add3A_1928 = arith.constant 11 : i32
        %add3A_1929 = arith.addi %mul3A_1366, %add3A_1928 : i32
        %add3A_1930 = arith.constant 16 : i32
        %add3A_1931 = arith.addi %squeeze3A_1916, %add3A_1930 : i32
        %get3A_1932 = arith.index_cast %add3A_1929 : i32 to index
        %get3A_1933 = arith.index_cast %add3A_1931 : i32 to index
        %get3A_1934 = tpu.vector_load %arg7[%get3A_1932, %get3A_1933] {strides = array<i32>} : memref<208x128xf32, #tpu.memory_space<vmem>>, vector<1x16xf32>,
        %get3A_1935 = vector.shape_cast %get3A_1934 : vector<1x16xf32> to vector<16xf32>
        %mul3A_1936 = vector.broadcast %squeeze3A_1914 : f32 to vector<16xf32>
        %mul3A_1937 = arith.mulf %get3A_1935, %mul3A_1936 : vector<16xf32>
        %max3A_1938 = arith.maximumf %max3A_1890, %mul3A_1937 : vector<16xf32>
        %add3A_1939 = arith.constant 11 : i32
        %add3A_1940 = arith.addi %mul3A_1366, %add3A_1939 : i32
        %add3A_1941 = arith.constant 32 : i32
        %add3A_1942 = arith.addi %squeeze3A_1916, %add3A_1941 : i32
        %get3A_1943 = arith.index_cast %add3A_1940 : i32 to index
        %get3A_1944 = arith.index_cast %add3A_1942 : i32 to index
        %get3A_1945 = tpu.vector_load %arg7[%get3A_1943, %get3A_1944] {strides = array<i32>} : memref<208x128xf32, #tpu.memory_space<vmem>>, vector<1x16xf32>,
        %get3A_1946 = vector.shape_cast %get3A_1945 : vector<1x16xf32> to vector<16xf32>
        %mul3A_1947 = vector.broadcast %squeeze3A_1914 : f32 to vector<16xf32>
        %mul3A_1948 = arith.mulf %get3A_1946, %mul3A_1947 : vector<16xf32>
        %max3A_1949 = arith.maximumf %max3A_1901, %mul3A_1948 : vector<16xf32>
        %add3A_1950 = arith.constant 11 : i32
        %add3A_1951 = arith.addi %mul3A_1366, %add3A_1950 : i32
        %add3A_1952 = arith.constant 48 : i32
        %add3A_1953 = arith.addi %squeeze3A_1916, %add3A_1952 : i32
        %get3A_1954 = arith.index_cast %add3A_1951 : i32 to index
        %get3A_1955 = arith.index_cast %add3A_1953 : i32 to index
        %get3A_1956 = tpu.vector_load %arg7[%get3A_1954, %get3A_1955] {strides = array<i32>} : memref<208x128xf32, #tpu.memory_space<vmem>>, vector<1x16xf32>,
        %get3A_1957 = vector.shape_cast %get3A_1956 : vector<1x16xf32> to vector<16xf32>
        %mul3A_1958 = vector.broadcast %squeeze3A_1914 : f32 to vector<16xf32>
        %mul3A_1959 = arith.mulf %get3A_1957, %mul3A_1958 : vector<16xf32>
        %max3A_1960 = arith.maximumf %max3A_1912, %mul3A_1959 : vector<16xf32>
        %slice3A_1961 = vector.extract_strided_slice %select_n3A_1379 {offsets = [12], sizes = [1], strides = [1]} : vector<16xf32> to vector<1xf32>
        %squeeze3A_1962 = vector.extract %slice3A_1961[0] : f32 from vector<1xf32>
        %slice3A_1963 = vector.extract_strided_slice %select_n3A_1387 {offsets = [12], sizes = [1], strides = [1]} : vector<16xi32> to vector<1xi32>
        %squeeze3A_1964 = vector.extract %slice3A_1963[0] : i32 from vector<1xi32>
        %add3A_1965 = arith.constant 12 : i32
        %add3A_1966 = arith.addi %mul3A_1366, %add3A_1965 : i32
        %add3A_1967 = arith.constant 0 : i32
        %add3A_1968 = arith.addi %squeeze3A_1964, %add3A_1967 : i32
        %get3A_1969 = arith.index_cast %add3A_1966 : i32 to index
        %get3A_1970 = arith.index_cast %add3A_1968 : i32 to index
        %get3A_1971 = tpu.vector_load %arg7[%get3A_1969, %get3A_1970] {strides = array<i32>} : memref<208x128xf32, #tpu.memory_space<vmem>>, vector<1x16xf32>,
        %get3A_1972 = vector.shape_cast %get3A_1971 : vector<1x16xf32> to vector<16xf32>
        %mul3A_1973 = vector.broadcast %squeeze3A_1962 : f32 to vector<16xf32>
        %mul3A_1974 = arith.mulf %get3A_1972, %mul3A_1973 : vector<16xf32>
        %max3A_1975 = arith.maximumf %max3A_1927, %mul3A_1974 : vector<16xf32>
        %add3A_1976 = arith.constant 12 : i32
        %add3A_1977 = arith.addi %mul3A_1366, %add3A_1976 : i32
        %add3A_1978 = arith.constant 16 : i32
        %add3A_1979 = arith.addi %squeeze3A_1964, %add3A_1978 : i32
        %get3A_1980 = arith.index_cast %add3A_1977 : i32 to index
        %get3A_1981 = arith.index_cast %add3A_1979 : i32 to index
        %get3A_1982 = tpu.vector_load %arg7[%get3A_1980, %get3A_1981] {strides = array<i32>} : memref<208x128xf32, #tpu.memory_space<vmem>>, vector<1x16xf32>,
        %get3A_1983 = vector.shape_cast %get3A_1982 : vector<1x16xf32> to vector<16xf32>
        %mul3A_1984 = vector.broadcast %squeeze3A_1962 : f32 to vector<16xf32>
        %mul3A_1985 = arith.mulf %get3A_1983, %mul3A_1984 : vector<16xf32>
        %max3A_1986 = arith.maximumf %max3A_1938, %mul3A_1985 : vector<16xf32>
        %add3A_1987 = arith.constant 12 : i32
        %add3A_1988 = arith.addi %mul3A_1366, %add3A_1987 : i32
        %add3A_1989 = arith.constant 32 : i32
        %add3A_1990 = arith.addi %squeeze3A_1964, %add3A_1989 : i32
        %get3A_1991 = arith.index_cast %add3A_1988 : i32 to index
        %get3A_1992 = arith.index_cast %add3A_1990 : i32 to index
        %get3A_1993 = tpu.vector_load %arg7[%get3A_1991, %get3A_1992] {strides = array<i32>} : memref<208x128xf32, #tpu.memory_space<vmem>>, vector<1x16xf32>,
        %get3A_1994 = vector.shape_cast %get3A_1993 : vector<1x16xf32> to vector<16xf32>
        %mul3A_1995 = vector.broadcast %squeeze3A_1962 : f32 to vector<16xf32>
        %mul3A_1996 = arith.mulf %get3A_1994, %mul3A_1995 : vector<16xf32>
        %max3A_1997 = arith.maximumf %max3A_1949, %mul3A_1996 : vector<16xf32>
        %add3A_1998 = arith.constant 12 : i32
        %add3A_1999 = arith.addi %mul3A_1366, %add3A_1998 : i32
        %add3A_2000 = arith.constant 48 : i32
        %add3A_2001 = arith.addi %squeeze3A_1964, %add3A_2000 : i32
        %get3A_2002 = arith.index_cast %add3A_1999 : i32 to index
        %get3A_2003 = arith.index_cast %add3A_2001 : i32 to index
        %get3A_2004 = tpu.vector_load %arg7[%get3A_2002, %get3A_2003] {strides = array<i32>} : memref<208x128xf32, #tpu.memory_space<vmem>>, vector<1x16xf32>,
        %get3A_2005 = vector.shape_cast %get3A_2004 : vector<1x16xf32> to vector<16xf32>
        %mul3A_2006 = vector.broadcast %squeeze3A_1962 : f32 to vector<16xf32>
        %mul3A_2007 = arith.mulf %get3A_2005, %mul3A_2006 : vector<16xf32>
        %max3A_2008 = arith.maximumf %max3A_1960, %mul3A_2007 : vector<16xf32>
        %slice3A_2009 = vector.extract_strided_slice %select_n3A_1379 {offsets = [13], sizes = [1], strides = [1]} : vector<16xf32> to vector<1xf32>
        %squeeze3A_2010 = vector.extract %slice3A_2009[0] : f32 from vector<1xf32>
        %slice3A_2011 = vector.extract_strided_slice %select_n3A_1387 {offsets = [13], sizes = [1], strides = [1]} : vector<16xi32> to vector<1xi32>
        %squeeze3A_2012 = vector.extract %slice3A_2011[0] : i32 from vector<1xi32>
        %add3A_2013 = arith.constant 13 : i32
        %add3A_2014 = arith.addi %mul3A_1366, %add3A_2013 : i32
        %add3A_2015 = arith.constant 0 : i32
        %add3A_2016 = arith.addi %squeeze3A_2012, %add3A_2015 : i32
        %get3A_2017 = arith.index_cast %add3A_2014 : i32 to index
        %get3A_2018 = arith.index_cast %add3A_2016 : i32 to index
        %get3A_2019 = tpu.vector_load %arg7[%get3A_2017, %get3A_2018] {strides = array<i32>} : memref<208x128xf32, #tpu.memory_space<vmem>>, vector<1x16xf32>,
        %get3A_2020 = vector.shape_cast %get3A_2019 : vector<1x16xf32> to vector<16xf32>
        %mul3A_2021 = vector.broadcast %squeeze3A_2010 : f32 to vector<16xf32>
        %mul3A_2022 = arith.mulf %get3A_2020, %mul3A_2021 : vector<16xf32>
        %max3A_2023 = arith.maximumf %max3A_1975, %mul3A_2022 : vector<16xf32>
        %add3A_2024 = arith.constant 13 : i32
        %add3A_2025 = arith.addi %mul3A_1366, %add3A_2024 : i32
        %add3A_2026 = arith.constant 16 : i32
        %add3A_2027 = arith.addi %squeeze3A_2012, %add3A_2026 : i32
        %get3A_2028 = arith.index_cast %add3A_2025 : i32 to index
        %get3A_2029 = arith.index_cast %add3A_2027 : i32 to index
        %get3A_2030 = tpu.vector_load %arg7[%get3A_2028, %get3A_2029] {strides = array<i32>} : memref<208x128xf32, #tpu.memory_space<vmem>>, vector<1x16xf32>,
        %get3A_2031 = vector.shape_cast %get3A_2030 : vector<1x16xf32> to vector<16xf32>
        %mul3A_2032 = vector.broadcast %squeeze3A_2010 : f32 to vector<16xf32>
        %mul3A_2033 = arith.mulf %get3A_2031, %mul3A_2032 : vector<16xf32>
        %max3A_2034 = arith.maximumf %max3A_1986, %mul3A_2033 : vector<16xf32>
        %add3A_2035 = arith.constant 13 : i32
        %add3A_2036 = arith.addi %mul3A_1366, %add3A_2035 : i32
        %add3A_2037 = arith.constant 32 : i32
        %add3A_2038 = arith.addi %squeeze3A_2012, %add3A_2037 : i32
        %get3A_2039 = arith.index_cast %add3A_2036 : i32 to index
        %get3A_2040 = arith.index_cast %add3A_2038 : i32 to index
        %get3A_2041 = tpu.vector_load %arg7[%get3A_2039, %get3A_2040] {strides = array<i32>} : memref<208x128xf32, #tpu.memory_space<vmem>>, vector<1x16xf32>,
        %get3A_2042 = vector.shape_cast %get3A_2041 : vector<1x16xf32> to vector<16xf32>
        %mul3A_2043 = vector.broadcast %squeeze3A_2010 : f32 to vector<16xf32>
        %mul3A_2044 = arith.mulf %get3A_2042, %mul3A_2043 : vector<16xf32>
        %max3A_2045 = arith.maximumf %max3A_1997, %mul3A_2044 : vector<16xf32>
        %add3A_2046 = arith.constant 13 : i32
        %add3A_2047 = arith.addi %mul3A_1366, %add3A_2046 : i32
        %add3A_2048 = arith.constant 48 : i32
        %add3A_2049 = arith.addi %squeeze3A_2012, %add3A_2048 : i32
        %get3A_2050 = arith.index_cast %add3A_2047 : i32 to index
        %get3A_2051 = arith.index_cast %add3A_2049 : i32 to index
        %get3A_2052 = tpu.vector_load %arg7[%get3A_2050, %get3A_2051] {strides = array<i32>} : memref<208x128xf32, #tpu.memory_space<vmem>>, vector<1x16xf32>,
        %get3A_2053 = vector.shape_cast %get3A_2052 : vector<1x16xf32> to vector<16xf32>
        %mul3A_2054 = vector.broadcast %squeeze3A_2010 : f32 to vector<16xf32>
        %mul3A_2055 = arith.mulf %get3A_2053, %mul3A_2054 : vector<16xf32>
        %max3A_2056 = arith.maximumf %max3A_2008, %mul3A_2055 : vector<16xf32>
        %slice3A_2057 = vector.extract_strided_slice %select_n3A_1379 {offsets = [14], sizes = [1], strides = [1]} : vector<16xf32> to vector<1xf32>
        %squeeze3A_2058 = vector.extract %slice3A_2057[0] : f32 from vector<1xf32>
        %slice3A_2059 = vector.extract_strided_slice %select_n3A_1387 {offsets = [14], sizes = [1], strides = [1]} : vector<16xi32> to vector<1xi32>
        %squeeze3A_2060 = vector.extract %slice3A_2059[0] : i32 from vector<1xi32>
        %add3A_2061 = arith.constant 14 : i32
        %add3A_2062 = arith.addi %mul3A_1366, %add3A_2061 : i32
        %add3A_2063 = arith.constant 0 : i32
        %add3A_2064 = arith.addi %squeeze3A_2060, %add3A_2063 : i32
        %get3A_2065 = arith.index_cast %add3A_2062 : i32 to index
        %get3A_2066 = arith.index_cast %add3A_2064 : i32 to index
        %get3A_2067 = tpu.vector_load %arg7[%get3A_2065, %get3A_2066] {strides = array<i32>} : memref<208x128xf32, #tpu.memory_space<vmem>>, vector<1x16xf32>,
        %get3A_2068 = vector.shape_cast %get3A_2067 : vector<1x16xf32> to vector<16xf32>
        %mul3A_2069 = vector.broadcast %squeeze3A_2058 : f32 to vector<16xf32>
        %mul3A_2070 = arith.mulf %get3A_2068, %mul3A_2069 : vector<16xf32>
        %max3A_2071 = arith.maximumf %max3A_2023, %mul3A_2070 : vector<16xf32>
        %add3A_2072 = arith.constant 14 : i32
        %add3A_2073 = arith.addi %mul3A_1366, %add3A_2072 : i32
        %add3A_2074 = arith.constant 16 : i32
        %add3A_2075 = arith.addi %squeeze3A_2060, %add3A_2074 : i32
        %get3A_2076 = arith.index_cast %add3A_2073 : i32 to index
        %get3A_2077 = arith.index_cast %add3A_2075 : i32 to index
        %get3A_2078 = tpu.vector_load %arg7[%get3A_2076, %get3A_2077] {strides = array<i32>} : memref<208x128xf32, #tpu.memory_space<vmem>>, vector<1x16xf32>,
        %get3A_2079 = vector.shape_cast %get3A_2078 : vector<1x16xf32> to vector<16xf32>
        %mul3A_2080 = vector.broadcast %squeeze3A_2058 : f32 to vector<16xf32>
        %mul3A_2081 = arith.mulf %get3A_2079, %mul3A_2080 : vector<16xf32>
        %max3A_2082 = arith.maximumf %max3A_2034, %mul3A_2081 : vector<16xf32>
        %add3A_2083 = arith.constant 14 : i32
        %add3A_2084 = arith.addi %mul3A_1366, %add3A_2083 : i32
        %add3A_2085 = arith.constant 32 : i32
        %add3A_2086 = arith.addi %squeeze3A_2060, %add3A_2085 : i32
        %get3A_2087 = arith.index_cast %add3A_2084 : i32 to index
        %get3A_2088 = arith.index_cast %add3A_2086 : i32 to index
        %get3A_2089 = tpu.vector_load %arg7[%get3A_2087, %get3A_2088] {strides = array<i32>} : memref<208x128xf32, #tpu.memory_space<vmem>>, vector<1x16xf32>,
        %get3A_2090 = vector.shape_cast %get3A_2089 : vector<1x16xf32> to vector<16xf32>
        %mul3A_2091 = vector.broadcast %squeeze3A_2058 : f32 to vector<16xf32>
        %mul3A_2092 = arith.mulf %get3A_2090, %mul3A_2091 : vector<16xf32>
        %max3A_2093 = arith.maximumf %max3A_2045, %mul3A_2092 : vector<16xf32>
        %add3A_2094 = arith.constant 14 : i32
        %add3A_2095 = arith.addi %mul3A_1366, %add3A_2094 : i32
        %add3A_2096 = arith.constant 48 : i32
        %add3A_2097 = arith.addi %squeeze3A_2060, %add3A_2096 : i32
        %get3A_2098 = arith.index_cast %add3A_2095 : i32 to index
        %get3A_2099 = arith.index_cast %add3A_2097 : i32 to index
        %get3A_2100 = tpu.vector_load %arg7[%get3A_2098, %get3A_2099] {strides = array<i32>} : memref<208x128xf32, #tpu.memory_space<vmem>>, vector<1x16xf32>,
        %get3A_2101 = vector.shape_cast %get3A_2100 : vector<1x16xf32> to vector<16xf32>
        %mul3A_2102 = vector.broadcast %squeeze3A_2058 : f32 to vector<16xf32>
        %mul3A_2103 = arith.mulf %get3A_2101, %mul3A_2102 : vector<16xf32>
        %max3A_2104 = arith.maximumf %max3A_2056, %mul3A_2103 : vector<16xf32>
        %slice3A_2105 = vector.extract_strided_slice %select_n3A_1379 {offsets = [15], sizes = [1], strides = [1]} : vector<16xf32> to vector<1xf32>
        %squeeze3A_2106 = vector.extract %slice3A_2105[0] : f32 from vector<1xf32>
        %slice3A_2107 = vector.extract_strided_slice %select_n3A_1387 {offsets = [15], sizes = [1], strides = [1]} : vector<16xi32> to vector<1xi32>
        %squeeze3A_2108 = vector.extract %slice3A_2107[0] : i32 from vector<1xi32>
        %add3A_2109 = arith.constant 15 : i32
        %add3A_2110 = arith.addi %mul3A_1366, %add3A_2109 : i32
        %add3A_2111 = arith.constant 0 : i32
        %add3A_2112 = arith.addi %squeeze3A_2108, %add3A_2111 : i32
        %get3A_2113 = arith.index_cast %add3A_2110 : i32 to index
        %get3A_2114 = arith.index_cast %add3A_2112 : i32 to index
        %get3A_2115 = tpu.vector_load %arg7[%get3A_2113, %get3A_2114] {strides = array<i32>} : memref<208x128xf32, #tpu.memory_space<vmem>>, vector<1x16xf32>,
        %get3A_2116 = vector.shape_cast %get3A_2115 : vector<1x16xf32> to vector<16xf32>
        %mul3A_2117 = vector.broadcast %squeeze3A_2106 : f32 to vector<16xf32>
        %mul3A_2118 = arith.mulf %get3A_2116, %mul3A_2117 : vector<16xf32>
        %max3A_2119 = arith.maximumf %max3A_2071, %mul3A_2118 : vector<16xf32>
        %add3A_2120 = arith.constant 15 : i32
        %add3A_2121 = arith.addi %mul3A_1366, %add3A_2120 : i32
        %add3A_2122 = arith.constant 16 : i32
        %add3A_2123 = arith.addi %squeeze3A_2108, %add3A_2122 : i32
        %get3A_2124 = arith.index_cast %add3A_2121 : i32 to index
        %get3A_2125 = arith.index_cast %add3A_2123 : i32 to index
        %get3A_2126 = tpu.vector_load %arg7[%get3A_2124, %get3A_2125] {strides = array<i32>} : memref<208x128xf32, #tpu.memory_space<vmem>>, vector<1x16xf32>,
        %get3A_2127 = vector.shape_cast %get3A_2126 : vector<1x16xf32> to vector<16xf32>
        %mul3A_2128 = vector.broadcast %squeeze3A_2106 : f32 to vector<16xf32>
        %mul3A_2129 = arith.mulf %get3A_2127, %mul3A_2128 : vector<16xf32>
        %max3A_2130 = arith.maximumf %max3A_2082, %mul3A_2129 : vector<16xf32>
        %add3A_2131 = arith.constant 15 : i32
        %add3A_2132 = arith.addi %mul3A_1366, %add3A_2131 : i32
        %add3A_2133 = arith.constant 32 : i32
        %add3A_2134 = arith.addi %squeeze3A_2108, %add3A_2133 : i32
        %get3A_2135 = arith.index_cast %add3A_2132 : i32 to index
        %get3A_2136 = arith.index_cast %add3A_2134 : i32 to index
        %get3A_2137 = tpu.vector_load %arg7[%get3A_2135, %get3A_2136] {strides = array<i32>} : memref<208x128xf32, #tpu.memory_space<vmem>>, vector<1x16xf32>,
        %get3A_2138 = vector.shape_cast %get3A_2137 : vector<1x16xf32> to vector<16xf32>
        %mul3A_2139 = vector.broadcast %squeeze3A_2106 : f32 to vector<16xf32>
        %mul3A_2140 = arith.mulf %get3A_2138, %mul3A_2139 : vector<16xf32>
        %max3A_2141 = arith.maximumf %max3A_2093, %mul3A_2140 : vector<16xf32>
        %add3A_2142 = arith.constant 15 : i32
        %add3A_2143 = arith.addi %mul3A_1366, %add3A_2142 : i32
        %add3A_2144 = arith.constant 48 : i32
        %add3A_2145 = arith.addi %squeeze3A_2108, %add3A_2144 : i32
        %get3A_2146 = arith.index_cast %add3A_2143 : i32 to index
        %get3A_2147 = arith.index_cast %add3A_2145 : i32 to index
        %get3A_2148 = tpu.vector_load %arg7[%get3A_2146, %get3A_2147] {strides = array<i32>} : memref<208x128xf32, #tpu.memory_space<vmem>>, vector<1x16xf32>,
        %get3A_2149 = vector.shape_cast %get3A_2148 : vector<1x16xf32> to vector<16xf32>
        %mul3A_2150 = vector.broadcast %squeeze3A_2106 : f32 to vector<16xf32>
        %mul3A_2151 = arith.mulf %get3A_2149, %mul3A_2150 : vector<16xf32>
        %max3A_2152 = arith.maximumf %max3A_2104, %mul3A_2151 : vector<16xf32>
        scf.yield %max3A_2119, %max3A_2130, %max3A_2141, %max3A_2152 : vector<16xf32>, vector<16xf32>, vector<16xf32>, vector<16xf32>
      }
      %scan3A_1339 = arith.constant 13 : i32
      %swap3A_1340 = arith.index_cast %add3A_1325 : i32 to index
      %swap3A_1341 = arith.constant 0 : index
      %swap3A_1342 = tpu.vector_load %arg10[%swap3A_1340, %swap3A_1341] {strides = array<i32>} : memref<128x64xf32, #tpu.memory_space<vmem>>, vector<1x16xf32>,
      %swap3A_1343 = vector.shape_cast %swap3A_1342 : vector<1x16xf32> to vector<16xf32>
      %swap3A_1344 = vector.shape_cast %scan3A_1338#0 : vector<16xf32> to vector<1x16xf32>
      tpu.vector_store %arg10[%swap3A_1340, %swap3A_1341], %swap3A_1344 {strides = array<i32>} : memref<128x64xf32, #tpu.memory_space<vmem>>, vector<1x16xf32>,
      %swap3A_1345 = arith.index_cast %add3A_1325 : i32 to index
      %swap3A_1346 = arith.constant 16 : index
      %swap3A_1347 = tpu.vector_load %arg10[%swap3A_1345, %swap3A_1346] {strides = array<i32>} : memref<128x64xf32, #tpu.memory_space<vmem>>, vector<1x16xf32>,
      %swap3A_1348 = vector.shape_cast %swap3A_1347 : vector<1x16xf32> to vector<16xf32>
      %swap3A_1349 = vector.shape_cast %scan3A_1338#1 : vector<16xf32> to vector<1x16xf32>
      tpu.vector_store %arg10[%swap3A_1345, %swap3A_1346], %swap3A_1349 {strides = array<i32>} : memref<128x64xf32, #tpu.memory_space<vmem>>, vector<1x16xf32>,
      %swap3A_1350 = arith.index_cast %add3A_1325 : i32 to index
      %swap3A_1351 = arith.constant 32 : index
      %swap3A_1352 = tpu.vector_load %arg10[%swap3A_1350, %swap3A_1351] {strides = array<i32>} : memref<128x64xf32, #tpu.memory_space<vmem>>, vector<1x16xf32>,
      %swap3A_1353 = vector.shape_cast %swap3A_1352 : vector<1x16xf32> to vector<16xf32>
      %swap3A_1354 = vector.shape_cast %scan3A_1338#2 : vector<16xf32> to vector<1x16xf32>
      tpu.vector_store %arg10[%swap3A_1350, %swap3A_1351], %swap3A_1354 {strides = array<i32>} : memref<128x64xf32, #tpu.memory_space<vmem>>, vector<1x16xf32>,
      %swap3A_1355 = arith.index_cast %add3A_1325 : i32 to index
      %swap3A_1356 = arith.constant 48 : index
      %swap3A_1357 = tpu.vector_load %arg10[%swap3A_1355, %swap3A_1356] {strides = array<i32>} : memref<128x64xf32, #tpu.memory_space<vmem>>, vector<1x16xf32>,
      %swap3A_1358 = vector.shape_cast %swap3A_1357 : vector<1x16xf32> to vector<16xf32>
      %swap3A_1359 = vector.shape_cast %scan3A_1338#3 : vector<16xf32> to vector<1x16xf32>
      tpu.vector_store %arg10[%swap3A_1355, %swap3A_1356], %swap3A_1359 {strides = array<i32>} : memref<128x64xf32, #tpu.memory_space<vmem>>, vector<1x16xf32>,
    }
    %scan3A_995 = arith.constant 64 : i32
    "tpu.region"() ({
      %run_scoped3A = tpu.sem_alloc : memref<!tpu.dma_semaphore, #tpu.memory_space<semaphore_mem>>
      %dma_start3A_996 = arith.constant 0 : i32
      %dma_start3A_997 = tpu.memref_slice %arg4[%mul3A_2, %dma_start3A_996] : memref<4096x64xf32, #tpu.memory_space<hbm>> -> memref<128x64xf32, #tpu.memory_space<hbm>>
      %dma_start3A_998 = arith.constant 0 : i32
      %dma_start3A_999 = tpu.memref_slice %arg4[%mul3A_2, %dma_start3A_998] : memref<4096x64xf32, #tpu.memory_space<hbm>> -> memref<128x64xf32, #tpu.memory_space<hbm>>
      tpu.enqueue_dma source(%arg10 : memref<128x64xf32, #tpu.memory_space<vmem>>) target(%dma_start3A_999 : memref<128x64xf32, #tpu.memory_space<hbm>>) target_semaphore(%run_scoped3A : memref<!tpu.dma_semaphore, #tpu.memory_space<semaphore_mem>>)
      %dma_wait3A = arith.constant 0 : i32
      %dma_wait3A_1000 = tpu.memref_slice %arg4[%mul3A_2, %dma_wait3A] : memref<4096x64xf32, #tpu.memory_space<hbm>> -> memref<128x64xf32, #tpu.memory_space<hbm>>
      %dma_wait3A_1001 = arith.constant 0 : i32
      %dma_wait3A_1002 = tpu.memref_slice %arg4[%mul3A_2, %dma_wait3A_1001] : memref<4096x64xf32, #tpu.memory_space<hbm>> -> memref<128x64xf32, #tpu.memory_space<hbm>>
      tpu.wait_dma2 semaphore(%run_scoped3A : memref<!tpu.dma_semaphore, #tpu.memory_space<semaphore_mem>>) src(%arg10 : memref<128x64xf32, #tpu.memory_space<vmem>>) dst(%dma_wait3A_1002 : memref<128x64xf32, #tpu.memory_space<hbm>>)
      tpu.yield
    }) : () -> ()
    return
  }
}

module attributes {stable_mosaic.version = 14 : i64} {
  func.func @_tr_body(%arg0: i32, %arg1: memref<64x4096xf32, #tpu.memory_space<vmem>>, %arg2: memref<64x4096xf32, #tpu.memory_space<vmem>>, %arg3: memref<4096x128xf32, #tpu.memory_space<vmem>>) attributes {dimension_semantics = [#tpu.dimension_semantics<arbitrary>], iteration_bounds = array<i64: 123>, scalar_prefetch = 0 : i64, scratch_operands = 0 : i64, tpu.core_type = #tpu.core_type<tc>, window_params = [{transform_indices = @transform_0, window_bounds = array<i64: 64, 4096>}, {transform_indices = @transform_1, window_bounds = array<i64: 64, 4096>}, {transform_indices = @transform_2, window_bounds = array<i64: 4096, 128>}]} {
    %get3A = arith.constant 0 : index
    %get3A_0 = arith.constant 0 : index
    %get3A_1 = vector.load %arg1[%get3A, %get3A_0] : memref<64x4096xf32, #tpu.memory_space<vmem>>, vector<64x4096xf32>
    %transpose3A = tpu.transpose %get3A_1, [1, 0] : vector<64x4096xf32> -> vector<4096x64xf32>
    %swap3A = arith.constant 0 : index
    %swap3A_2 = arith.constant 0 : index
    %swap3A_3 = vector.load %arg3[%swap3A, %swap3A_2] : memref<4096x128xf32, #tpu.memory_space<vmem>>, vector<4096x64xf32>
    tpu.vector_store %arg3[%swap3A, %swap3A_2], %transpose3A {strides = array<i32>} : memref<4096x128xf32, #tpu.memory_space<vmem>>, vector<4096x64xf32>,
    %get3A_4 = arith.constant 0 : index
    %get3A_5 = arith.constant 0 : index
    %get3A_6 = vector.load %arg2[%get3A_4, %get3A_5] : memref<64x4096xf32, #tpu.memory_space<vmem>>, vector<64x4096xf32>
    %transpose3A_7 = tpu.transpose %get3A_6, [1, 0] : vector<64x4096xf32> -> vector<4096x64xf32>
    %swap3A_8 = arith.constant 0 : index
    %swap3A_9 = arith.constant 64 : index
    %swap3A_10 = vector.load %arg3[%swap3A_8, %swap3A_9] : memref<4096x128xf32, #tpu.memory_space<vmem>>, vector<4096x64xf32>
    tpu.vector_store %arg3[%swap3A_8, %swap3A_9], %transpose3A_7 {strides = array<i32>} : memref<4096x128xf32, #tpu.memory_space<vmem>>, vector<4096x64xf32>,
    return
  }
  func.func @transform_0(%arg0: i32) -> (i32, i32) {
    %c0_i32 = arith.constant 0 : i32
    %c0_i32_0 = arith.constant 0 : i32
    return %c0_i32, %arg0 : i32, i32
  }
  func.func @transform_1(%arg0: i32) -> (i32, i32) {
    %add3A = arith.constant 123 : i32
    %add3A_0 = arith.addi %add3A, %arg0 : i32
    %min3A = arith.constant 244 : i32
    %min3A_1 = arith.minsi %add3A_0, %min3A : i32
    %c0_i32 = arith.constant 0 : i32
    %c0_i32_2 = arith.constant 0 : i32
    return %c0_i32, %min3A_1 : i32, i32
  }
  func.func @transform_2(%arg0: i32) -> (i32, i32) {
    %c0_i32 = arith.constant 0 : i32
    %c0_i32_0 = arith.constant 0 : i32
    return %arg0, %c0_i32 : i32, i32
  }
}

module attributes {stable_mosaic.version = 14 : i64} {
  func.func @_head_body(%arg0: i32, %arg1: memref<1024x64xf32, #tpu.memory_space<vmem>>, %arg2: memref<64x50xf32, #tpu.memory_space<vmem>>, %arg3: memref<1x50xf32, #tpu.memory_space<vmem>>, %arg4: memref<1024x50xf32, #tpu.memory_space<vmem>>) attributes {dimension_semantics = [#tpu.dimension_semantics<arbitrary>], iteration_bounds = array<i64: 4>, scalar_prefetch = 0 : i64, scratch_operands = 0 : i64, tpu.core_type = #tpu.core_type<tc>, window_params = [{transform_indices = @transform_0, window_bounds = array<i64: 1024, 64>}, {pipeline_mode = #tpu.pipeline_mode<synchronous>, transform_indices = @transform_1, window_bounds = array<i64: 64, 50>}, {pipeline_mode = #tpu.pipeline_mode<synchronous>, transform_indices = @transform_2, window_bounds = array<i64: 1, 50>}, {transform_indices = @transform_3, window_bounds = array<i64: 1024, 50>}]} {
    %get3A = arith.constant 0 : index
    %get3A_0 = arith.constant 0 : index
    %get3A_1 = vector.load %arg1[%get3A, %get3A_0] : memref<1024x64xf32, #tpu.memory_space<vmem>>, vector<1024x64xf32>
    %get3A_2 = arith.constant 0 : index
    %get3A_3 = arith.constant 0 : index
    %get3A_4 = vector.load %arg2[%get3A_2, %get3A_3] : memref<64x50xf32, #tpu.memory_space<vmem>>, vector<64x50xf32>
    %dot_general3A = arith.constant dense<0.000000e+00> : vector<1024x50xf32>
    %dot_general3A_5 = tpu.matmul %get3A_1, %get3A_4, %dot_general3A {dimension_numbers = #tpu.dot_dimension_numbers<[1], [0], [0], [1], [0, 0, 1, 1], [], []>, transpose_lhs_hint = false} : vector<1024x64xf32>, vector<64x50xf32>, vector<1024x50xf32> -> vector<1024x50xf32>
    %get3A_6 = arith.constant 0 : index
    %get3A_7 = arith.constant 0 : index
    %get3A_8 = vector.load %arg3[%get3A_6, %get3A_7] : memref<1x50xf32, #tpu.memory_space<vmem>>, vector<1x50xf32>
    %add3A = vector.broadcast %get3A_8 : vector<1x50xf32> to vector<1024x50xf32>
    %add3A_9 = arith.addf %dot_general3A_5, %add3A : vector<1024x50xf32>
    %reduce_max3A = arith.constant dense<0xFF800000> : vector<1024xf32>
    %reduce_max3A_10 = vector.multi_reduction <maximumf>, %add3A_9, %reduce_max3A [1] : vector<1024x50xf32> to vector<1024xf32>
    %broadcast_in_dim3A = vector.shape_cast %reduce_max3A_10 : vector<1024xf32> to vector<1024x1xf32>
    %sub3A = vector.broadcast %broadcast_in_dim3A : vector<1024x1xf32> to vector<1024x50xf32>
    %sub3A_11 = arith.subf %add3A_9, %sub3A : vector<1024x50xf32>
    %exp3A = math.exp %sub3A_11 : vector<1024x50xf32>
    %reduce_sum3A = arith.constant dense<0.000000e+00> : vector<1024xf32>
    %reduce_sum3A_12 = vector.multi_reduction <add>, %exp3A, %reduce_sum3A [1] : vector<1024x50xf32> to vector<1024xf32>
    %broadcast_in_dim3A_13 = vector.shape_cast %reduce_sum3A_12 : vector<1024xf32> to vector<1024x1xf32>
    %log3A = math.log %broadcast_in_dim3A_13 : vector<1024x1xf32>
    %sub3A_14 = vector.broadcast %log3A : vector<1024x1xf32> to vector<1024x50xf32>
    %sub3A_15 = arith.subf %sub3A_11, %sub3A_14 : vector<1024x50xf32>
    %swap3A = arith.constant 0 : index
    %swap3A_16 = arith.constant 0 : index
    %swap3A_17 = vector.load %arg4[%swap3A, %swap3A_16] : memref<1024x50xf32, #tpu.memory_space<vmem>>, vector<1024x50xf32>
    tpu.vector_store %arg4[%swap3A, %swap3A_16], %sub3A_15 {strides = array<i32>} : memref<1024x50xf32, #tpu.memory_space<vmem>>, vector<1024x50xf32>,
    return
  }
  func.func @transform_0(%arg0: i32) -> (i32, i32) {
    %c0_i32 = arith.constant 0 : i32
    %c0_i32_0 = arith.constant 0 : i32
    return %arg0, %c0_i32 : i32, i32
  }
  func.func @transform_1(%arg0: i32) -> (i32, i32) {
    %c0_i32 = arith.constant 0 : i32
    %c0_i32_0 = arith.constant 0 : i32
    %c0_i32_1 = arith.constant 0 : i32
    return %c0_i32, %c0_i32_0 : i32, i32
  }
  func.func @transform_2(%arg0: i32) -> (i32, i32) {
    %c0_i32 = arith.constant 0 : i32
    %c0_i32_0 = arith.constant 0 : i32
    %c0_i32_1 = arith.constant 0 : i32
    return %c0_i32, %c0_i32_0 : i32, i32
  }
  func.func @transform_3(%arg0: i32) -> (i32, i32) {
    %c0_i32 = arith.constant 0 : i32
    %c0_i32_0 = arith.constant 0 : i32
    return %arg0, %c0_i32 : i32, i32
  }
}

</mosaic_0001>

<sc_bundles>
// kernel: kernel.5.cloned.1.call-start
scs
__scs_entry_jumppad:
0x0: {  	(pc) =	sbr.rel $0x88, $3  }
0x1: {  	(tag) =	ssettag $0x0;
	lr =	simm.s32 $0x1  }
0x2: {  	[smem:$0x3F9D] =	sst lr;
	_ =	strace $0xD0000000  }
0x3: {  	_ = 	snop  }
0x4: {  	_ = 	snop  }
0x5: {  	_ = 	snop  }
0x6: {  	_ = 	snop  }
0x7: {  	_ = 	snop  }
__scs_overlays_trampoline_lowered:
0x8: {  	[smem:$0x3FAC] =	sst s0  }
0x9: {  	[smem:$0x3FAD] =	sst s1  }
0xa: {  	[smem:$0x3FAE] =	sst s2  }
0xb: {  	[smem:$0x3FAF] =	sst s3  }
0xc: {  	[smem:$0x3FB0] =	sst s4  }
0xd: {  	[smem:$0x3FB1] =	sst s5  }
0xe: {  	[smem:$0x3FB2] =	sst s6  }
0xf: {  	[smem:$0x3FB3] =	sst s7  }
0x10: {  	[smem:$0x3FB4] =	sst s8  }
0x11: {  	[smem:$0x3FB5] =	sst s9;
	s0 =	simm.s32 @!p0 $0x0  }
0x12: {  	s1 =	sld [smem:$0x3F9B];
	s0 =	simm.s32 @p0 $0x1  }
0x13: {  	[smem:$0x3FB6] =	sst s0;
	s0 =	simm.s32 @!p1 $0x0  }
0x14: {  	s2 =	sld [smem:$0x3F9A];
	s0 =	simm.s32 @p1 $0x1  }
0x15: {  	[smem:$0x3FB7] =	sst s0;
	s0 =	simm.s32 @!p2 $0x0  }
0x16: {  	s3 =	sld [smem:$0x3FDB];
	s0 =	simm.s32 @p2 $0x1  }
0x17: {  	s4 =	simm.s32 $0x1BF5;
	[smem:$0x3FB9] =	sst s0  }
0x18: {  	s0 =	sld [smem:$0x3F9C];
	_ =	swait.ge [sflag:s4], $0x0  }
0x19: {  	s7 =	sld [smem:$0x3F9D]  }
0x1a: {  	s8 =	sadd.s32 $0xFFFFE003, lr  }
0x1b: {  	s9 =	sadd.s32 $0xFFFFFEF7, lr;
	s5 =	simm.s32 $0xFFFFFFFF;
	p2 =	slt.u32 s8, $0xFFFFF086  }
0x1c: {  	p1 =	slt.u32 s9, $0xF7A;
	s5 =	simm.s32 @!p2 $0x0  }
0x1d: {  	s5 =	simm.s32 @p1 $0x1;
	p0 =	seq.s32 s7, s2  }
0x1e: {  	s7 =	smul.u32 @!p0 $0xF7A, s2;
	p2 =	seq.s32 @!p0 s5, $0x0  }
0x1f: {  	s9 =	smul.u32 $0xF7A, s1;
	s8 =	simm.s32 @!p0 $0x1BF5;
	p2 =	por !p2, p0  }
0x20: {  	[sflag:s8] =	ssyncset.s32 @!p0 $0xFFFFF086;
	s6 =	sadd.s32 @!p0 s3, s7;
	s7 =	simm.s32 @!p0 $0x108  }
0x21: {  	s3 =	sadd.s32 s3, s9;
	s6 =	sadd.s32 @!p0 $0x88, s6;
	s7 =	simm.s32 @p2 $0x1082  }
0x22: {  	[simem:s7], [sflag:s8] =	dma.local @!p0 [hbm:s6], $0xF7A  }
0x23: {  	s9 =	sor.u32 $0xD0000000, s2;
	s6 =	simm.s32 $0x108;
	_ =	swait.ge @!p0 [sflag:s8], $0x0  }
0x24: {  	s3 =	sadd.s32 $0x88, s3;
	s6 =	simm.s32 @!p1 $0x1082;
	[sflag:s4] =	ssyncset.s32 $0xFFFFF086  }
0x25: {  	[simem:s6], [sflag:s4] =	dma.local [hbm:s3], $0xF7A  }
0x26: {  	[smem:$0x3F9D] =	sst s1;
	(tag) =	ssettag s2;
	_ =	strace s9  }
0x27: {  	s1 =	sld [smem:$0x3FAD]  }
0x28: {  	s2 =	sld [smem:$0x3FAE]  }
0x29: {  	s4 =	sld [smem:$0x3FB0]  }
0x2a: {  	p0 =	seq.s32 s5, $0x0;
	s5 =	sld [smem:$0x3FB1]  }
0x2b: {  	s6 =	sld [smem:$0x3FB2]  }
0x2c: {  	s7 =	sld [smem:$0x3FB3]  }
0x2d: {  	s3 =	simm.s32 $0x108;
	s8 =	sld [smem:$0x3FB4]  }
0x2e: {  	s3 =	simm.s32 @!p0 $0x1082;
	s9 =	sld [smem:$0x3FB5]  }
0x2f: {  	lr =	sadd.s32 s0, s3;
	s0 =	sld [smem:$0x3FAC]  }
0x30: {  	s3 =	sld [smem:$0x3FAF]  }
0x31: {  	[smem:$0x3FB8] =	sst s10  }
0x32: {  	s10 =	sld [smem:$0x3FB6];
	_ =	sdelay $0x3  }
0x33: {  	p0 =	seq.s32 s10, $0x1;
	s10 =	sld [smem:$0x3FB8];
	_ =	sdelay $0x3  }
0x34: {  	[smem:$0x3FB8] =	sst s10  }
0x35: {  	s10 =	sld [smem:$0x3FB7];
	_ =	sdelay $0x3  }
0x36: {  	p1 =	seq.s32 s10, $0x1;
	s10 =	sld [smem:$0x3FB8];
	_ =	sdelay $0x3  }
0x37: {  	[smem:$0x3FB8] =	sst s10  }
0x38: {  	s10 =	sld [smem:$0x3FB9]  }
0x39: {  	_ = 	snop;
	(pc) =	sbr.ind lr, $3  }
0x3a: {  	_ = 	snop  }
0x3b: {  	_ = 	snop  }
0x3c: {  	p2 =	seq.s32 s10, $0x1;
	s10 =	sld [smem:$0x3FB8]  }
0x3d: {  	_ =	shalt  }
0x3e: {  	_ =	shalt  }
0x3f: {  	_ =	shalt  }
0x40: {  	_ =	shalt  }
0x41: {  	_ =	shalt  }
0x42: {  	_ =	shalt  }
0x43: {  	_ =	shalt  }
0x44: {  	_ =	shalt  }
0x45: {  	_ =	shalt  }
0x46: {  	_ =	shalt  }
0x47: {  	_ =	shalt  }
0x48: {  	_ =	shalt  }
0x49: {  	_ =	shalt  }
0x4a: {  	_ =	shalt  }
0x4b: {  	_ =	shalt  }
0x4c: {  	_ =	shalt  }
0x4d: {  	_ =	shalt  }
0x4e: {  	_ =	shalt  }
0x4f: {  	_ =	shalt  }
0x50: {  	_ =	shalt  }
0x51: {  	_ =	shalt  }
0x52: {  	_ =	shalt  }
0x53: {  	_ =	shalt  }
0x54: {  	_ =	shalt  }
0x55: {  	_ =	shalt  }
0x56: {  	_ =	shalt  }
0x57: {  	_ =	shalt  }
0x58: {  	_ =	shalt  }
0x59: {  	_ =	shalt  }
0x5a: {  	_ =	shalt  }
0x5b: {  	_ =	shalt  }
0x5c: {  	_ =	shalt  }
0x5d: {  	_ =	shalt  }
0x5e: {  	_ =	shalt  }
0x5f: {  	_ =	shalt  }
0x60: {  	_ =	shalt  }
0x61: {  	_ =	shalt  }
0x62: {  	_ =	shalt  }
0x63: {  	_ =	shalt  }
0x64: {  	_ =	shalt  }
0x65: {  	_ =	shalt  }
0x66: {  	_ =	shalt  }
0x67: {  	_ =	shalt  }
0x68: {  	_ =	shalt  }
0x69: {  	_ =	shalt  }
0x6a: {  	_ =	shalt  }
0x6b: {  	_ =	shalt  }
0x6c: {  	_ =	shalt  }
0x6d: {  	_ =	shalt  }
0x6e: {  	_ =	shalt  }
0x6f: {  	_ =	shalt  }
0x70: {  	_ =	shalt  }
0x71: {  	_ =	shalt  }
0x72: {  	_ =	shalt  }
0x73: {  	_ =	shalt  }
0x74: {  	_ =	shalt  }
0x75: {  	_ =	shalt  }
0x76: {  	_ =	shalt  }
0x77: {  	_ =	shalt  }
0x78: {  	_ =	shalt  }
0x79: {  	_ =	shalt  }
0x7a: {  	_ =	shalt  }
0x7b: {  	_ =	shalt  }
0x7c: {  	_ =	shalt  }
0x7d: {  	_ =	shalt  }
0x7e: {  	_ =	shalt  }
0x7f: {  	_ =	shalt  }
0x80: {  	_ =	shalt  }
0x81: {  	_ =	shalt  }
0x82: {  	_ =	shalt  }
0x83: {  	_ =	shalt  }
0x84: {  	_ =	shalt  }
0x85: {  	_ =	shalt  }
0x86: {  	_ =	shalt  }
0x87: {  	_ =	shalt  }
.Lfunc_end0:
.L_simem_size_0:
called_computation_lowered:
.L_overlay_start_0:
0x88: {  	s2 =	sld [smem:$0x3FD9]  }
0x89: {  	s3 =	sld [smem:$0x3FFE];
	_ =	sdelay $0x1  }
0x8a: {  	s1 =	srdreg.scid  }
0x8b: {  	s0 =	sand.u32 $0x1, s1  }
0x8c: {  	s16 =	sshll.u32 s0, $0xA;
	s2 =	sadd.s32 s3, s2  }
0x8d: {  	s2 =	sadd.s32 s2, s16  }
0x8e: {  	[smem:$0x3FC4] =	sst s2  }
0x8f: {  	_ = 	snop  }
0x90: {  	(tm) =	ssettm $0x1  }
0x91: {  	s17 =	sld [smem:$0x3FFB];
	_ =	sdelay $0x3  }
0x92: {  	_ =	strace s17  }
0x93: {  	s2 =	sld [smem:$0x3FFC];
	_ =	sdelay $0x3  }
0x94: {  	_ =	strace s2  }
0x95: {  	s2 =	sld [smem:$0x3FFD];
	_ =	sdelay $0x3  }
0x96: {  	_ =	strace s2  }
0x97: {  	_ =	strace $0x8FFFFFFF  }
0x98: {  	s18 =	sld [smem:$0x3FDB];
	_ =	sdelay $0x1  }
0x99: {  	s19 =	simm.s32 $_scs_section_size  }
0x9a: {  	s4 =	simm.s32 $_size__tile_overlayer_lowered;
	s5 =	simm.s32 $_tile_overlayer_lowered  }
0x9b: {  	s22 =	simm.s32 $0x1BFF;
	s21 =	sshll.u32 s5, $0x1;
	s2 =	sadd.s32 s19, s18  }
0x9c: {  	s6 =	simm.s32 $0x0;
	s20 =	sshll.u32 s4, $0x1;
	s4 =	sadd.s32 s21, s2  }
0x9d: {  	[timem:s6], [sflag:s22] =	dma.local [hbm:s4], s20  }
0x9e: {  	_ =	swait.ge [sflag:s22], s20  }
0x9f: {  	s3 =	ssub.s32 $0x0, s20;
	[sflag:s22] =	ssyncset.done $0x0  }
0xa0: {  	[sflag:s22] =	ssyncadd.s32 s3;
	_ =	sdelay $0x1  }
0xa1: {  	s23 =	simm.s32 $0x1B8B  }
0xa2: {  	_ =	swait.ge [sflag:s23], $0x1  }
0xa3: {  	[sflag:s23] =	ssyncset.done $0x0  }
0xa4: {  	s25 =	simm.s32 $0x1B8E;
	s24 =	sld [smem:$0x3FFE];
	[sflag:s23] =	ssyncadd.s32 $0xFFFFFFFF  }
0xa5: {  	s26 =	simm.s32 $execute0_lowered;
	[smem:$0x3FD2] =	sst s25  }
0xa6: {  	s4 =	sshll.u32 s26, $0x1;
	_ =	strace $0x80000046;
	[dreg:$0x1] =	wrdreg $0xFFFFFFFF  }
0xa7: {  	s28 =	simm.s32 $_size_execute0_lowered;
	s2 =	sadd.s32 s2, s4;
	[dreg:$0x0] =	wrdreg $0x0  }
0xa8: {  	s4 =	sshll.u32 s28, $0x1;
	[dreg:$0x2] =	wrdreg s2  }
0xa9: {  	[dreg:$0x3] =	wrdreg s4  }
0xaa: {  	[dreg:$0x4] =	wrdreg $0xC0  }
0xab: {  	_ =	task [dreg:s6], $0x5FFFF  }
0xac: {  	[dreg:$0x1] =	wrdreg $0xFFFFFFFF  }
0xad: {  	[dreg:$0x0] =	wrdreg $0x60  }
0xae: {  	[dreg:$0x2] =	wrdreg s24  }
0xaf: {  	[dreg:$0x3] =	wrdreg $0x9  }
0xb0: {  	_ =	task.clear_ibuf [dreg:s6], $0x4FFFF;
	_ =	strace $0x90000046  }
0xb1: {  	s29 =	simm.s32 $0x9;
	_ =	strace $0x80000048  }
0xb2: {  	_ =	swait.ge [sflag:s29], $0x1  }
0xb3: {  	[sflag:s29] =	ssyncadd.s32 $0xFFFFFFFF  }
0xb4: {  	_ =	strace $0x90000048  }
0xb5: {  	_ =	sfence  }
0xb6: {  	s30 =	sld [smem:$0x0];
	_ =	sdelay $0x2  }
0xb7: {  	s31 =	sshll.u32 s1, $0xD;
	s1 =	sshrl.u32 s1, $0x2  }
0xb8: {  	s3 =	sand.u32 $0x4000, s31;
	s1 =	sadd.s32 s1, s30  }
0xb9: {  	s0 =	sor.u32 s3, s0;
	s1 =	sshll.u32 s1, $0x11  }
0xba: {  	s0 =	sor.u32 s1, s0  }
0xbb: {  	s0 =	sadd.s32 $0x8F2B, s0  }
0xbc: {  	[sflag:s0] =	ssyncadd.remote.s32 $0x1  }
0xbd: {  	_ =	sfence.sel $0xFFFF  }
0xbe: {  	[dreg:$0x0] =	wrdreg $0xFFFFFFFF;
	(pc) =	sbr.abs _section_cstart, $3  }
0xbf: {  	[dreg:$0x1] =	wrdreg $0xFFFFFFFF  }
0xc0: {  	_ =	task.clear_ibuf [dreg:s6], $0x2FFFF;
	_ =	strace $0x9FFFFFFF  }
0xc1: {  	(tm) =	ssettm $0x7FFFFFFF  }
tec
execute0_lowered:
.L_overlay_start_1:
0x0: {  	(tag) =	ssettag $0x1  }
0x1: {  	s0 =	rddreg [dreg:$0x0];
	s1 =	srdreg.scid  }
0x2: {  	s2 =	stileid.u32;
	s6 =	simm.s32 $0x0;
	s8 =	simm.s32 $0x68  }
0x3: {  	s11 =	simm.s32 $0x60;
	s12 =	simm.s32 $0x15068;
	s13 =	simm.s32 $0xB400  }
0x4: {  	s14 =	simm.s32 $0x15100;
	s15 =	simm.s32 $0xE800;
	s16 =	simm.s32 $0x15168  }
0x5: {  	s17 =	simm.s32 $0x11C00;
	s1 =	sand.u32 $0x1, s1;
	s2 =	sshll.u32 s2, $0x1  }
0x6: {  	s18 =	simm.s32 $0x1;
	[smem:$0x7FF] =	sst s6;
	s2 =	sor.u32 s1, s2  }
0x7: {  	_ =	strace $0x80000047;
	s1 =	ssub.s32 $0x2, s1;
	s3 =	sshll.u32 s2, $0xC  }
0x8: {  	s2 =	sshll.u32 s2, $0xB;
	s5 =	sshrl.u32 s1, $0x1;
	s4 =	sadd.s32 s3, s0  }
0x9: {  	s3 =	sadd.s32 $0x20A00, s0;
	s0 =	sadd.s32 s2, s0;
	s30 =	sadd.s32 $0xA00, s4  }
0xa: {  	s1 =	ssub.s32 s1, s5;
	s0 =	sadd.s32 $0x7D0A00, s0;
	[dreg:$0x2] =	wrdreg s30  }
0xb: {  	v0 =	vimm.f32 $0.0e+00;
	s19 =	simm.s32 $0x2;
	s31 =	smax.u32 s1, $0x1;
	[dreg:$0x3] =	wrdreg s0  }
0xc: {  	v1 =	vimm.s32 $0xFFF85000;
	v2 =	vimm.f32 $1.000000000e+00;
	v3 =	vimm.s32 $0x0;
	s2 =	simm.s32 $0x0;
	s1 =	simm.s32 $0x3;
	[dreg:$0x4] =	wrdreg s31  }
.LBB2_1:
0xd: {  	[dreg:$0x5] =	wrdreg s2  }
0xe: {  	s0 =	rddreg [dreg:$0x2]  }
0xf: {  	[tilespmem:s6], [sflag:$0x3] =	stream.linear.gather [hbm4b:s0+s6], $0x8000, $0x38;
	[tilespmem:$0x19200] =	vst v63  }
0x10: {  	_ =	swait.ge [sflag:s1], $0x8000  }
0x11: {  	[sflag:s1] =	ssyncset.done $0x0  }
0x12: {  	[sflag:s1] =	ssyncadd.s32 $0xFFFF8000  }
0x13: {  	[tilespmem:$0xE400] =	vst v0  }
0x14: {  	[tilespmem:$0xE410] =	vst v0  }
0x15: {  	[tilespmem:$0xE420] =	vst v0  }
0x16: {  	[tilespmem:$0xE430] =	vst v0  }
0x17: {  	[tilespmem:$0xE440] =	vst v0  }
0x18: {  	[tilespmem:$0xE450] =	vst v0  }
0x19: {  	[tilespmem:$0xE460] =	vst v0  }
0x1a: {  	[tilespmem:$0xE470] =	vst v0  }
0x1b: {  	[tilespmem:$0xE480] =	vst v0  }
0x1c: {  	[tilespmem:$0xE490] =	vst v0  }
0x1d: {  	[tilespmem:$0xE4A0] =	vst v0  }
0x1e: {  	[tilespmem:$0xE4B0] =	vst v0  }
0x1f: {  	[tilespmem:$0xE4C0] =	vst v0  }
0x20: {  	[tilespmem:$0xE4D0] =	vst v0  }
0x21: {  	[tilespmem:$0xE4E0] =	vst v0  }
0x22: {  	[tilespmem:$0xE4F0] =	vst v0  }
0x23: {  	[tilespmem:$0xE500] =	vst v0  }
0x24: {  	[tilespmem:$0xE510] =	vst v0  }
0x25: {  	[tilespmem:$0xE520] =	vst v0  }
0x26: {  	[tilespmem:$0xE530] =	vst v0  }
0x27: {  	[tilespmem:$0xE540] =	vst v0  }
0x28: {  	[tilespmem:$0xE550] =	vst v0  }
0x29: {  	[tilespmem:$0xE560] =	vst v0  }
0x2a: {  	[tilespmem:$0xE570] =	vst v0  }
0x2b: {  	[tilespmem:$0xE580] =	vst v0  }
0x2c: {  	[tilespmem:$0xE590] =	vst v0  }
0x2d: {  	[tilespmem:$0xE5A0] =	vst v0  }
0x2e: {  	[tilespmem:$0xE5B0] =	vst v0  }
0x2f: {  	[tilespmem:$0xE5C0] =	vst v0  }
0x30: {  	[tilespmem:$0xE5D0] =	vst v0  }
0x31: {  	[tilespmem:$0xE5E0] =	vst v0  }
0x32: {  	[tilespmem:$0xE5F0] =	vst v0  }
0x33: {  	[tilespmem:$0xE600] =	vst v0  }
0x34: {  	[tilespmem:$0xE610] =	vst v0  }
0x35: {  	[tilespmem:$0xE620] =	vst v0  }
0x36: {  	[tilespmem:$0xE630] =	vst v0  }
0x37: {  	[tilespmem:$0xE640] =	vst v0  }
0x38: {  	[tilespmem:$0xE650] =	vst v0  }
0x39: {  	[tilespmem:$0xE660] =	vst v0  }
0x3a: {  	[tilespmem:$0xE670] =	vst v0  }
0x3b: {  	[tilespmem:$0xE680] =	vst v0  }
0x3c: {  	[tilespmem:$0xE690] =	vst v0  }
0x3d: {  	[tilespmem:$0xE6A0] =	vst v0  }
0x3e: {  	[tilespmem:$0xE6B0] =	vst v0  }
0x3f: {  	[tilespmem:$0xE6C0] =	vst v0  }
0x40: {  	[tilespmem:$0xE6D0] =	vst v0  }
0x41: {  	[tilespmem:$0xE6E0] =	vst v0  }
0x42: {  	[tilespmem:$0xE6F0] =	vst v0  }
0x43: {  	[tilespmem:$0xE700] =	vst v0  }
0x44: {  	[tilespmem:$0xE710] =	vst v0  }
0x45: {  	[tilespmem:$0xE720] =	vst v0  }
0x46: {  	[tilespmem:$0xE730] =	vst v0  }
0x47: {  	[tilespmem:$0xE740] =	vst v0  }
0x48: {  	[tilespmem:$0xE750] =	vst v0  }
0x49: {  	[tilespmem:$0xE760] =	vst v0  }
0x4a: {  	[tilespmem:$0xE770] =	vst v0  }
0x4b: {  	[tilespmem:$0xE780] =	vst v0  }
0x4c: {  	[tilespmem:$0xE790] =	vst v0  }
0x4d: {  	[tilespmem:$0xE7A0] =	vst v0  }
0x4e: {  	[tilespmem:$0xE7B0] =	vst v0  }
0x4f: {  	[tilespmem:$0xE7C0] =	vst v0  }
0x50: {  	[tilespmem:$0xE7D0] =	vst v0  }
0x51: {  	[tilespmem:$0xE7E0] =	vst v0  }
0x52: {  	[tilespmem:$0xE7F0] =	vst v0  }
0x53: {  	[tilespmem:$0x14C00] =	vst v0  }
0x54: {  	[tilespmem:$0x14C10] =	vst v0  }
0x55: {  	[tilespmem:$0x14C20] =	vst v0  }
0x56: {  	[tilespmem:$0x14C30] =	vst v0  }
0x57: {  	[tilespmem:$0x14C40] =	vst v0  }
0x58: {  	[tilespmem:$0x14C50] =	vst v0  }
0x59: {  	[tilespmem:$0x14C60] =	vst v0  }
0x5a: {  	[tilespmem:$0x14C70] =	vst v0  }
0x5b: {  	[tilespmem:$0x14C80] =	vst v0  }
0x5c: {  	[tilespmem:$0x14C90] =	vst v0  }
0x5d: {  	[tilespmem:$0x14CA0] =	vst v0  }
0x5e: {  	[tilespmem:$0x14CB0] =	vst v0  }
0x5f: {  	[tilespmem:$0x14CC0] =	vst v0  }
0x60: {  	[tilespmem:$0x14CD0] =	vst v0  }
0x61: {  	[tilespmem:$0x14CE0] =	vst v0  }
0x62: {  	[tilespmem:$0x14CF0] =	vst v0  }
0x63: {  	[tilespmem:$0x14D00] =	vst v0  }
0x64: {  	[tilespmem:$0x14D10] =	vst v0  }
0x65: {  	[tilespmem:$0x14D20] =	vst v0  }
0x66: {  	[tilespmem:$0x14D30] =	vst v0  }
0x67: {  	[tilespmem:$0x14D40] =	vst v0  }
0x68: {  	[tilespmem:$0x14D50] =	vst v0  }
0x69: {  	[tilespmem:$0x14D60] =	vst v0  }
0x6a: {  	[tilespmem:$0x14D70] =	vst v0  }
0x6b: {  	[tilespmem:$0x14D80] =	vst v0  }
0x6c: {  	[tilespmem:$0x14D90] =	vst v0  }
0x6d: {  	[tilespmem:$0x14DA0] =	vst v0  }
0x6e: {  	[tilespmem:$0x14DB0] =	vst v0  }
0x6f: {  	[tilespmem:$0x14DC0] =	vst v0  }
0x70: {  	[tilespmem:$0x14DD0] =	vst v0  }
0x71: {  	[tilespmem:$0x14DE0] =	vst v0  }
0x72: {  	[tilespmem:$0x14DF0] =	vst v0  }
0x73: {  	[tilespmem:$0x14E00] =	vst v0  }
0x74: {  	[tilespmem:$0x14E10] =	vst v0  }
0x75: {  	[tilespmem:$0x14E20] =	vst v0  }
0x76: {  	[tilespmem:$0x14E30] =	vst v0  }
0x77: {  	[tilespmem:$0x14E40] =	vst v0  }
0x78: {  	[tilespmem:$0x14E50] =	vst v0  }
0x79: {  	v4 =	vld [tilespmem:$0x0];
	[tilespmem:$0x14E60] =	vst v0  }
0x7a: {  	[tilespmem:$0x14E70] =	vst v0  }
0x7b: {  	v5 =	vld [tilespmem:$0x10];
	[tilespmem:$0x14E80] =	vst v0  }
0x7c: {  	[tilespmem:$0x14E90] =	vst v0  }
0x7d: {  	v6 =	vld [tilespmem:$0x20];
	[tilespmem:$0x14EA0] =	vst v0  }
0x7e: {  	[tilespmem:$0x14EB0] =	vst v0;
	vm0 =	vlt.s32 v4, $0x7B000  }
0x7f: {  	[tilespmem:$0x14EC0] =	vst v0;
	v7 =	vsel vm0, $0x0, v1  }
0x80: {  	[tilespmem:$0x14ED0] =	vst v0;
	vm4 =	vlt.s32 v5, $0x7B000;
	v4 =	vadd.s32 v4, v7  }
0x81: {  	[tilespmem:$0x15000] =	vst v4;
	v4 =	vsel vm4, $0x0, v1  }
0x82: {  	[tilespmem:$0x14EE0] =	vst v0;
	vm5 =	vlt.s32 v6, $0x7B000;
	v4 =	vadd.s32 v5, v4  }
0x83: {  	v5 =	vsel vm5, $0x0, v1;
	[tilespmem:$0x15010] =	vst v4;
	v4 =	vld [tilespmem:$0x40]  }
0x84: {  	[tilespmem:$0x14EF0] =	vst v0;
	v5 =	vadd.s32 v6, v5  }
0x85: {  	[tilespmem:$0x15020] =	vst v5;
	v5 =	vld [tilespmem:$0x50]  }
0x86: {  	[tilespmem:$0x14F00] =	vst v0  }
0x87: {  	[tilespmem:$0x14F10] =	vst v0  }
0x88: {  	[tilespmem:$0x14F20] =	vst v0;
	vm7 =	vlt.s32 v4, $0x7B000  }
0x89: {  	[tilespmem:$0x14F30] =	vst v0;
	v54 =	vsel vm7, $0x0, v1  }
0x8a: {  	[tilespmem:$0x14F40] =	vst v0;
	vm8 =	vlt.s32 v5, $0x7B000;
	v4 =	vadd.s32 v4, v54  }
0x8b: {  	v56 =	vsel vm8, $0x0, v1;
	[tilespmem:$0x15040] =	vst v4;
	v4 =	vld [tilespmem:$0x70]  }
0x8c: {  	[tilespmem:$0x14F50] =	vst v0;
	v5 =	vadd.s32 v5, v56  }
0x8d: {  	[tilespmem:$0x15050] =	vst v5;
	v5 =	vld [tilespmem:$0x80]  }
0x8e: {  	[tilespmem:$0x14F60] =	vst v0  }
0x8f: {  	[tilespmem:$0x14F70] =	vst v0  }
0x90: {  	[tilespmem:$0x14F80] =	vst v0;
	vm10 =	vlt.s32 v4, $0x7B000  }
0x91: {  	[tilespmem:$0x14F90] =	vst v0;
	v58 =	vsel vm10, $0x0, v1  }
0x92: {  	v52 =	vld [tilespmem:$0x30];
	[tilespmem:$0x14FA0] =	vst v0;
	vm11 =	vlt.s32 v5, $0x7B000;
	v4 =	vadd.s32 v4, v58  }
0x93: {  	v60 =	vsel vm11, $0x0, v1;
	[tilespmem:$0x15070] =	vst v4;
	v4 =	vld [tilespmem:$0xA0]  }
0x94: {  	v55 =	vld [tilespmem:$0x60];
	[tilespmem:$0x14FB0] =	vst v0;
	v5 =	vadd.s32 v5, v60  }
0x95: {  	[tilespmem:$0x15080] =	vst v5;
	v5 =	vld [tilespmem:$0xB0]  }
0x96: {  	v59 =	vld [tilespmem:$0x90];
	[tilespmem:$0x14FC0] =	vst v0  }
0x97: {  	v63 =	vld [tilespmem:$0xC0];
	[tilespmem:$0x14FD0] =	vst v0;
	vm6 =	vlt.s32 v52, $0x7B000  }
0x98: {  	[tilespmem:$0x14FE0] =	vst v0;
	v53 =	vsel vm6, $0x0, v1;
	vm13 =	vlt.s32 v4, $0x7B000  }
0x99: {  	[tilespmem:$0x14FF0] =	vst v0;
	vm9 =	vlt.s32 v55, $0x7B000;
	v6 =	vadd.s32 v52, v53;
	v62 =	vsel vm13, $0x0, v1  }
0x9a: {  	v57 =	vsel vm9, $0x0, v1;
	[tilespmem:$0x15030] =	vst v6;
	vm14 =	vlt.s32 v5, $0x7B000;
	v4 =	vadd.s32 v4, v62  }
0x9b: {  	vm12 =	vlt.s32 v59, $0x7B000;
	v6 =	vadd.s32 v55, v57;
	[tilespmem:$0x150A0] =	vst v4;
	v4 =	vsel vm14, $0x0, v1  }
0x9c: {  	vm15 =	vlt.s32 v63, $0x7B000;
	v61 =	vsel vm12, $0x0, v1;
	[tilespmem:$0x15060] =	vst v6;
	v4 =	vadd.s32 v5, v4  }
0x9d: {  	v6 =	vadd.s32 v59, v61;
	[tilespmem:$0x150B0] =	vst v4;
	v4 =	vsel vm15, $0x0, v1  }
0x9e: {  	[tilespmem:$0x15090] =	vst v6;
	v4 =	vadd.s32 v63, v4  }
0x9f: {  	s30 =	simm.s32 $0x15000;
	s31 =	simm.s32 $0x8000;
	[tilespmem:$0x150C0] =	vst v4  }
0xa0: {  	[tilespmem:s31], [sflag:$0x1] =	stream.indirect.gather [hbm4b:s3+s8], $0x80, s30, s8, $0xb8;
	[tilespmem:$0x19200] =	vst v63  }
0xa1: {  	s22 =	simm.s32 $0x0  }
0xa2: {  	[tilespmem:s13], [sflag:$0x1] =	stream.indirect.gather [hbm4b:s3+s11], $0x80, s12, s11, $0xb8;
	[tilespmem:$0x19200] =	vst v63  }
.LBB2_2:
0xa3: {  	s23 =	sshllo.u32 s22, $0x1  }
0xa4: {  	s0 =	sshll.u32 s23, $0x8  }
0xa5: {  	s24 =	sand.u32 $0x3FFFFF00, s0  }
0xa6: {  	v4 =	vld [tilespmem:s24+$0x0];
	_ =	sdelay $0x4  }
0xa7: {  	vm0 =	vlt.s32 v4, $0x7B000  }
0xa8: {  	v5 =	vsel vm0, $0x0, v1  }
0xa9: {  	v4 =	vadd.s32 v4, v5  }
0xaa: {  	[tilespmem:$0x15100] =	vst v4  }
0xab: {  	v4 =	vld [tilespmem:s24+$0x10];
	_ =	sdelay $0x4  }
0xac: {  	vm14 =	vlt.s32 v4, $0x7B000  }
0xad: {  	v5 =	vsel vm14, $0x0, v1  }
0xae: {  	v4 =	vadd.s32 v4, v5  }
0xaf: {  	[tilespmem:$0x15110] =	vst v4  }
0xb0: {  	v4 =	vld [tilespmem:s24+$0x20];
	_ =	sdelay $0x4  }
0xb1: {  	vm15 =	vlt.s32 v4, $0x7B000  }
0xb2: {  	v5 =	vsel vm15, $0x0, v1  }
0xb3: {  	v4 =	vadd.s32 v4, v5  }
0xb4: {  	[tilespmem:$0x15120] =	vst v4  }
0xb5: {  	v4 =	vld [tilespmem:s24+$0x30];
	_ =	sdelay $0x4  }
0xb6: {  	vm4 =	vlt.s32 v4, $0x7B000  }
0xb7: {  	v5 =	vsel vm4, $0x0, v1  }
0xb8: {  	v4 =	vadd.s32 v4, v5  }
0xb9: {  	[tilespmem:$0x15130] =	vst v4  }
0xba: {  	v4 =	vld [tilespmem:s24+$0x40];
	_ =	sdelay $0x4  }
0xbb: {  	vm5 =	vlt.s32 v4, $0x7B000  }
0xbc: {  	v5 =	vsel vm5, $0x0, v1  }
0xbd: {  	v4 =	vadd.s32 v4, v5  }
0xbe: {  	[tilespmem:$0x15140] =	vst v4  }
0xbf: {  	v4 =	vld [tilespmem:s24+$0x50];
	_ =	sdelay $0x4  }
0xc0: {  	vm6 =	vlt.s32 v4, $0x7B000  }
0xc1: {  	v5 =	vsel vm6, $0x0, v1  }
0xc2: {  	v4 =	vadd.s32 v4, v5  }
0xc3: {  	[tilespmem:$0x15150] =	vst v4  }
0xc4: {  	v4 =	vld [tilespmem:s24+$0x60];
	_ =	sdelay $0x4  }
0xc5: {  	vm7 =	vlt.s32 v4, $0x7B000  }
0xc6: {  	v5 =	vsel vm7, $0x0, v1  }
0xc7: {  	v4 =	vadd.s32 v4, v5  }
0xc8: {  	[tilespmem:$0x15160] =	vst v4  }
0xc9: {  	v4 =	vld [tilespmem:s24+$0x70];
	_ =	sdelay $0x4  }
0xca: {  	vm8 =	vlt.s32 v4, $0x7B000  }
0xcb: {  	v5 =	vsel vm8, $0x0, v1  }
0xcc: {  	v4 =	vadd.s32 v4, v5  }
0xcd: {  	[tilespmem:$0x15170] =	vst v4  }
0xce: {  	v4 =	vld [tilespmem:s24+$0x80];
	_ =	sdelay $0x4  }
0xcf: {  	vm9 =	vlt.s32 v4, $0x7B000  }
0xd0: {  	v5 =	vsel vm9, $0x0, v1  }
0xd1: {  	v4 =	vadd.s32 v4, v5  }
0xd2: {  	[tilespmem:$0x15180] =	vst v4  }
0xd3: {  	v4 =	vld [tilespmem:s24+$0x90];
	_ =	sdelay $0x4  }
0xd4: {  	vm10 =	vlt.s32 v4, $0x7B000  }
0xd5: {  	v5 =	vsel vm10, $0x0, v1  }
0xd6: {  	v4 =	vadd.s32 v4, v5  }
0xd7: {  	[tilespmem:$0x15190] =	vst v4  }
0xd8: {  	v4 =	vld [tilespmem:s24+$0xA0];
	_ =	sdelay $0x4  }
0xd9: {  	vm11 =	vlt.s32 v4, $0x7B000  }
0xda: {  	v5 =	vsel vm11, $0x0, v1  }
0xdb: {  	v4 =	vadd.s32 v4, v5  }
0xdc: {  	[tilespmem:$0x151A0] =	vst v4  }
0xdd: {  	v4 =	vld [tilespmem:s24+$0xB0];
	_ =	sdelay $0x4  }
0xde: {  	vm12 =	vlt.s32 v4, $0x7B000  }
0xdf: {  	v5 =	vsel vm12, $0x0, v1  }
0xe0: {  	v4 =	vadd.s32 v4, v5  }
0xe1: {  	[tilespmem:$0x151B0] =	vst v4  }
0xe2: {  	v4 =	vld [tilespmem:s24+$0xC0];
	_ =	sdelay $0x4  }
0xe3: {  	vm13 =	vlt.s32 v4, $0x7B000  }
0xe4: {  	v5 =	vsel vm13, $0x0, v1  }
0xe5: {  	v4 =	vadd.s32 v4, v5  }
0xe6: {  	[tilespmem:$0x151C0] =	vst v4  }
0xe7: {  	[tilespmem:s15], [sflag:$0x2] =	stream.indirect.gather [hbm4b:s3+s8], $0x80, s14, s8, $0xb8;
	[tilespmem:$0x19200] =	vst v63  }
0xe8: {  	_ = 	snop  }
0xe9: {  	[tilespmem:s17], [sflag:$0x2] =	stream.indirect.gather [hbm4b:s3+s11], $0x80, s16, s11, $0xb8;
	[tilespmem:$0x19200] =	vst v63  }
0xea: {  	_ =	swait.ge [sflag:s18], $0x3400  }
0xeb: {  	[sflag:s18] =	ssyncset.done $0x0  }
0xec: {  	s7 =	sshll.u32 s22, $0x9;
	s1 =	simm.s32 $0x0;
	[sflag:s18] =	ssyncadd.s32 $0xFFFFCC00  }
0xed: {  	s25 =	sand.u32 $0x3FFFFE00, s7;
	s9 =	sand.u32 $0x80, s1;
	_ =	swait.ge [sflag:s18], $0x3000  }
0xee: {  	s1 =	sand.u32 $0x70, s1;
	s0 =	sadd.s32 s9, s25;
	[sflag:s18] =	ssyncset.done $0x0  }
0xef: {  	s0 =	sadd.s32 s1, s0;
	[sflag:s18] =	ssyncadd.s32 $0xFFFFD000  }
0xf0: {  	v6 =	vld [tilespmem:s0+$0x0];
	_ =	sdelay $0x4  }
0xf1: {  	vm14 =	vgt.s32 v6, $0x7AFFF  }
0xf2: {  	s10 =	simm.s32 $0x0;
	v4 =	vsel vm14, $0x40, v3  }
0xf3: {  	v20 =	vadd.s32 s10, v4  }
0xf4: {  	(v2sf) =	vpush v20, $0xF  }
0xf5: {  	(v2sf) =	vpush v20, $0xD  }
0xf6: {  	(v2sf) =	vpush v20, $0xB  }
0xf7: {  	(v2sf) =	vpush v20, $0x1;
	_ =	sdelay $0x3  }
0xf8: {  	(v2sf) =	vpush v20, $0xC;
	_ =	sdelay $0x1  }
0xf9: {  	(v2sf) =	vpush v20, $0xA  }
0xfa: {  	(v2sf) =	vpush v20, $0x9  }
0xfb: {  	(v2sf) =	vpush v20, $0x8;
	_ =	sdelay $0x1  }
0xfc: {  	(v2sf) =	vpush v20, $0x7  }
0xfd: {  	(v2sf) =	vpush v20, $0x3  }
0xfe: {  	s26 =	spop (v2sf)  }
0xff: {  	v7 =	vld [tilespmem:s26+$0x8780];
	s28 =	spop (v2sf)  }
0x100: {  	v11 =	vld [tilespmem:s28+$0x86A0];
	s31 =	spop (v2sf)  }
0x101: {  	(v2sf) =	vpush v20, $0x5;
	v5 =	vld [tilespmem:s31+$0x8590];
	s7 =	spop (v2sf)  }
0x102: {  	(v2sf) =	vpush v20, $0x2;
	v10 =	vld [tilespmem:s7+$0x8090]  }
0x103: {  	v24 =	vld [tilespmem:s7+$0x80B0]  }
0x104: {  	(v2sf) =	vpush v20, $0x4;
	v22 =	vld [tilespmem:s7+$0x8080]  }
0x105: {  	(v2sf) =	vpush v20, $0x0;
	s29 =	spop (v2sf);
	v30 =	vld [tilespmem:s7+$0x80A0]  }
0x106: {  	v13 =	vld [tilespmem:s29+$0x8610]  }
0x107: {  	s30 =	spop (v2sf);
	v4 =	vld [tilespmem:s29+$0x8600]  }
0x108: {  	v12 =	vld [tilespmem:s30+$0x8510];
	s0 =	spop (v2sf)  }
0x109: {  	v35 =	vld [tilespmem:s0+$0x8490];
	s4 =	spop (v2sf)  }
0x10a: {  	v8 =	vld [tilespmem:s4+$0x8400]  }
0x10b: {  	s2 =	spop (v2sf);
	v37 =	vld [tilespmem:s4+$0x8410]  }
0x10c: {  	s9 =	spop (v2sf);
	v14 =	vld [tilespmem:s2+$0x8380]  }
0x10d: {  	v27 =	vld [tilespmem:s9+$0x8190]  }
0x10e: {  	v45 =	vld [tilespmem:s9+$0x8180]  }
0x10f: {  	(v2sf) =	vpush v20, $0x6;
	v50 =	vld [tilespmem:s9+$0x81B0]  }
0x110: {  	vm15 =	veq.s32 v6, $0xBB8;
	s20 =	spop (v2sf);
	v47 =	vld [tilespmem:s9+$0x81A0]  }
0x111: {  	v16 =	vsel vm15, $0x0, v2;
	s5 =	spop (v2sf);
	v17 =	vld [tilespmem:s20+$0x82A0]  }
0x112: {  	v15 =	vbroadcast v16, $0x9;
	v6 =	vbroadcast v16, $0xC;
	v18 =	vld [tilespmem:s5+$0x8110]  }
0x113: {  	v26 =	vbroadcast v16, $0x5;
	v9 =	vbroadcast v16, $0xE;
	v31 =	vld [tilespmem:s5+$0x8100];
	s6 =	spop (v2sf)  }
0x114: {  	v39 =	vbroadcast v16, $0x0;
	v36 =	vbroadcast v16, $0x1;
	v34 =	vld [tilespmem:s5+$0x8120];
	s21 =	spop (v2sf)  }
0x115: {  	v23 =	vbroadcast v16, $0x2;
	v19 =	vbroadcast v16, $0x7;
	v33 =	vld [tilespmem:s21+$0x8000]  }
0x116: {  	v48 =	vmul.f32 v10, v36;
	v22 =	vmul.f32 v22, v36;
	v21 =	vld [tilespmem:s20+$0x8280]  }
0x117: {  	v44 =	vmul.f32 v30, v36;
	v24 =	vmul.f32 v24, v36;
	v28 =	vld [tilespmem:s21+$0x8020]  }
0x118: {  	v36 =	vbroadcast v16, $0x4;
	v35 =	vmul.f32 v35, v15;
	v38 =	vld [tilespmem:s21+$0x8030]  }
0x119: {  	v31 =	vmul.f32 v31, v23;
	v32 =	vmul.f32 v18, v23;
	v43 =	vld [tilespmem:s21+$0x8010]  }
0x11a: {  	v46 =	vimm.f32 $-Inf;
	v41 =	vld [tilespmem:s6+$0x8220];
	v42 =	vmul.f32 v34, v23;
	v10 =	vmul.f32 v39, v33  }
0x11b: {  	(v2sf) =	vpush v20, $0xE;
	v49 =	vld [tilespmem:s6+$0x8200];
	v18 =	vmul.f32 v14, v19;
	v14 =	vbroadcast v16, $0xD  }
0x11c: {  	v29 =	vld [tilespmem:s20+$0x82B0];
	v40 =	vmul.f32 v39, v28;
	v63 =	vmax.f32 v46, v10;
	v10 =	vbroadcast v16, $0xF  }
0x11d: {  	v25 =	vld [tilespmem:s6+$0x8210];
	v30 =	vmax.f32 v63, v22;
	v22 =	vmul.f32 v21, v26;
	v21 =	vmul.f32 v38, v39  }
0x11e: {  	s7 =	spop (v2sf);
	v28 =	vld [tilespmem:s2+$0x8390];
	v39 =	vmul.f32 v39, v43;
	v38 =	vmax.f32 v30, v31;
	v7 =	vmul.f32 v7, v10  }
0x11f: {  	v33 =	vld [tilespmem:s7+$0x8310];
	v30 =	vmul.f32 v17, v26;
	v17 =	vmax.f32 v46, v40;
	v40 =	vmul.f32 v41, v36  }
0x120: {  	v43 =	vld [tilespmem:s20+$0x8290];
	v41 =	vmul.f32 v49, v36;
	v21 =	vmax.f32 v46, v21;
	v17 =	vmax.f32 v17, v44  }
0x121: {  	v31 =	vld [tilespmem:s2+$0x83A0];
	v44 =	vbroadcast v16, $0x3;
	v39 =	vmax.f32 v46, v39;
	v34 =	vmax.f32 v21, v24  }
0x122: {  	v46 =	vld [tilespmem:s7+$0x8320];
	v21 =	vbroadcast v16, $0x8;
	v42 =	vmax.f32 v17, v42;
	v17 =	vbroadcast v16, $0xA  }
0x123: {  	v24 =	vld [tilespmem:s0+$0x8480];
	v49 =	vmax.f32 v39, v48;
	v39 =	vbroadcast v16, $0x6;
	v45 =	vmul.f32 v45, v44  }
0x124: {  	s1 =	simm.s32 $0x2000;
	s20 =	simm.s32 $0x10;
	v48 =	vld [tilespmem:s7+$0x8330];
	v20 =	vmul.f32 v37, v21;
	v37 =	vmul.f32 v50, v44  }
.LBB2_3:
0x125: {  	s9 =	sand.u32 $0x80, s20  }
0x126: {  	p0 =	sne.s32 s1, $0x18000;
	v50 =	vld [tilespmem:s5+$0x8130];
	v27 =	vmul.f32 v27, v44;
	v44 =	vmul.f32 v47, v44;
	s5 =	smov.u32 s1;
	s1 =	sadd.s32 $0x2000, s1  }
0x127: {  	s21 =	sand.u32 $0x70, s20;
	v47 =	vmul.f32 v25, v36;
	v29 =	vmul.f32 v29, v26;
	s9 =	sadd.s32 s9, s25;
	v51 =	vld [tilespmem:s4+$0x8420]  }
0x128: {  	v32 =	vmax.f32 v49, v32;
	v38 =	vmax.f32 v38, v45;
	s9 =	sadd.s32 s21, s9;
	v42 =	vmax.f32 v42, v44;
	v44 =	vld [tilespmem:s6+$0x8230]  }
0x129: {  	v27 =	vmax.f32 v32, v27;
	v26 =	vmul.f32 v43, v26;
	v25 =	vld [tilespmem:s9+$0x0];
	v32 =	vmul.f32 v46, v39  }
0x12a: {  	v33 =	vmul.f32 v33, v39;
	v27 =	vmax.f32 v27, v47;
	v43 =	vld [tilespmem:s7+$0x8300];
	v45 =	vmul.f32 v48, v39  }
0x12b: {  	v40 =	vmax.f32 v42, v40;
	v26 =	vmax.f32 v27, v26;
	v27 =	vmul.f32 v28, v19;
	v28 =	vld [tilespmem:s4+$0x8430]  }
0x12c: {  	v38 =	vmax.f32 v38, v41;
	v42 =	vmul.f32 v50, v23;
	v23 =	vmax.f32 v26, v33;
	v26 =	vld [tilespmem:s28+$0x8690]  }
0x12d: {  	v27 =	vmax.f32 v23, v27;
	v23 =	vmul.f32 v13, v6;
	v33 =	vmul.f32 v44, v36;
	v36 =	vld [tilespmem:s2+$0x83B0]  }
0x12e: {  	v30 =	vmax.f32 v40, v30;
	v13 =	vmax.f32 v34, v42;
	vm0 =	vgt.s32 v25, $0x7AFFF;
	v34 =	vld [tilespmem:s0+$0x84A0]  }
0x12f: {  	s2 =	sshra.s32 s5, $0x2;
	v27 =	vmax.f32 v27, v20;
	v40 =	vsel vm0, $0x40, v3;
	v39 =	vmul.f32 v43, v39;
	v41 =	vld [tilespmem:s28+$0x8680]  }
0x130: {  	v13 =	vmax.f32 v13, v37;
	v27 =	vmax.f32 v27, v35;
	v20 =	vadd.s32 s2, v40;
	v35 =	vld [tilespmem:s30+$0x8520]  }
0x131: {  	v31 =	vmul.f32 v31, v19;
	v40 =	vmul.f32 v11, v14;
	(v2sf) =	vpush v20, $0xF;
	v37 =	vld [tilespmem:s29+$0x8620]  }
0x132: {  	v16 =	vbroadcast v16, $0xB;
	v26 =	vmul.f32 v26, v14;
	(v2sf) =	vpush v20, $0xD;
	v11 =	vld [tilespmem:s0+$0x84B0];
	s0 =	spop (v2sf)  }
0x133: {  	v28 =	vmul.f32 v28, v21;
	v19 =	vmul.f32 v36, v19;
	(v2sf) =	vpush v20, $0xB;
	v36 =	vld [tilespmem:s26+$0x8790]  }
0x134: {  	v22 =	vmax.f32 v38, v22;
	v38 =	vmul.f32 v51, v21;
	(v2sf) =	vpush v20, $0x1;
	v42 =	vld [tilespmem:s31+$0x8580]  }
0x135: {  	v12 =	vmul.f32 v12, v17;
	(v2sf) =	vpush v20, $0xC;
	v35 =	vmul.f32 v35, v17;
	v43 =	vld [tilespmem:s0+$0x8700]  }
0x136: {  	v22 =	vmax.f32 v22, v39;
	v34 =	vmul.f32 v34, v15;
	(v2sf) =	vpush v20, $0xA;
	v39 =	vld [tilespmem:s31+$0x85A0]  }
0x137: {  	v41 =	vmul.f32 v41, v14;
	(v2sf) =	vpush v20, $0x9;
	v44 =	vmul.f32 v11, v15;
	v11 =	vld [tilespmem:s30+$0x8530]  }
0x138: {  	v18 =	vmax.f32 v22, v18;
	v15 =	vmul.f32 v24, v15;
	(v2sf) =	vpush v20, $0x8;
	v22 =	vld [tilespmem:s0+$0x8710]  }
0x139: {  	v13 =	vmax.f32 v13, v33;
	v33 =	vmul.f32 v36, v10;
	(v2sf) =	vpush v20, $0x7;
	v24 =	vld [tilespmem:s31+$0x85B0]  }
0x13a: {  	v5 =	vmul.f32 v5, v16;
	v30 =	vmax.f32 v30, v32;
	(v2sf) =	vpush v20, $0x3;
	v32 =	vld [tilespmem:s0+$0x8720]  }
0x13b: {  	v8 =	vmul.f32 v8, v21;
	(v2sf) =	vpush v20, $0x5;
	v36 =	vmul.f32 v39, v16;
	v21 =	vld [tilespmem:s28+$0x86B0]  }
0x13c: {  	v12 =	vmax.f32 v27, v12;
	v27 =	vmul.f32 v42, v16;
	(v2sf) =	vpush v20, $0x2;
	v39 =	vld [tilespmem:s26+$0x87A0]  }
0x13d: {  	v30 =	vmax.f32 v30, v31;
	v8 =	vmax.f32 v18, v8;
	v18 =	vld [tilespmem:s29+$0x8630];
	v22 =	vmul.f32 v22, v9  }
0x13e: {  	v30 =	vmax.f32 v30, v38;
	v15 =	vmax.f32 v8, v15;
	(v2sf) =	vpush v20, $0x4;
	v8 =	vld [tilespmem:s0+$0x8730]  }
0x13f: {  	v42 =	vmax.f32 v12, v5;
	v38 =	vmul.f32 v11, v17;
	(v2sf) =	vpush v20, $0x0;
	v31 =	vld [tilespmem:s30+$0x8500]  }
0x140: {  	v5 =	vmax.f32 v13, v29;
	v12 =	vmax.f32 v30, v34;
	v14 =	vmul.f32 v21, v14;
	v29 =	vld [tilespmem:s26+$0x87B0];
	s26 =	spop (v2sf)  }
0x141: {  	v30 =	vmul.f32 v37, v6;
	v13 =	vmax.f32 v5, v45;
	v32 =	vmul.f32 v32, v9;
	v21 =	vld [tilespmem:s26+$0x8780];
	s28 =	spop (v2sf)  }
0x142: {  	v12 =	vmax.f32 v12, v35;
	v16 =	vmul.f32 v24, v16;
	v24 =	vmul.f32 v43, v9;
	v11 =	vld [tilespmem:s28+$0x86A0];
	s31 =	spop (v2sf)  }
0x143: {  	v13 =	vmax.f32 v13, v19;
	v19 =	vmul.f32 v4, v6;
	v5 =	vld [tilespmem:s31+$0x8590];
	s7 =	spop (v2sf);
	v9 =	vmul.f32 v8, v9  }
0x144: {  	v4 =	vmax.f32 v13, v28;
	v6 =	vmul.f32 v18, v6;
	v8 =	vmax.f32 v12, v36;
	v34 =	vld [tilespmem:s7+$0x8090];
	s29 =	spop (v2sf)  }
0x145: {  	v4 =	vmax.f32 v4, v44;
	v18 =	vmul.f32 v39, v10;
	v8 =	vmax.f32 v8, v30;
	v13 =	vld [tilespmem:s29+$0x8610];
	s30 =	spop (v2sf)  }
0x146: {  	v4 =	vmax.f32 v4, v38;
	v17 =	vmul.f32 v31, v17;
	v28 =	vmax.f32 v8, v40;
	v12 =	vld [tilespmem:s30+$0x8510];
	s0 =	spop (v2sf)  }
0x147: {  	vm0 =	veq.s32 v25, $0xBB8;
	v4 =	vmax.f32 v4, v16;
	v10 =	vmul.f32 v29, v10;
	v35 =	vld [tilespmem:s0+$0x8490];
	s4 =	spop (v2sf)  }
0x148: {  	v16 =	vsel vm0, $0x0, v2;
	v4 =	vmax.f32 v4, v6;
	v15 =	vmax.f32 v15, v17;
	v8 =	vld [tilespmem:s4+$0x8400];
	s2 =	spop (v2sf)  }
0x149: {  	v14 =	vmax.f32 v4, v14;
	v6 =	vmax.f32 v15, v27;
	v15 =	vmax.f32 v28, v32;
	v37 =	vld [tilespmem:s4+$0x8410];
	s9 =	spop (v2sf)  }
0x14a: {  	v17 =	vmax.f32 v42, v23;
	v6 =	vmax.f32 v6, v19;
	v31 =	vmax.f32 v15, v18;
	v4 =	vld [tilespmem:s29+$0x8600];
	s21 =	spop (v2sf)  }
0x14b: {  	v9 =	vmax.f32 v14, v9;
	v15 =	vmax.f32 v17, v26;
	v6 =	vmax.f32 v6, v41;
	v18 =	vld [tilespmem:s2+$0x8380];
	s5 =	spop (v2sf)  }
0x14c: {  	v14 =	vmax.f32 v15, v22;
	v6 =	vmax.f32 v6, v24;
	v17 =	vld [tilespmem:s21+$0x82A0];
	(v2sf) =	vpush v20, $0x6  }
0x14d: {  	v39 =	vmax.f32 v14, v33;
	v24 =	vmax.f32 v9, v10;
	v7 =	vmax.f32 v6, v7;
	v22 =	vld [tilespmem:s5+$0x8110];
	s6 =	spop (v2sf)  }
0x14e: {  	v30 =	vld [tilespmem:s21+$0x8280];
	s10 =	spop (v2sf)  }
0x14f: {  	v25 =	vld [tilespmem:s6+$0x8210]  }
0x150: {  	v27 =	vld [tilespmem:s9+$0x8190]  }
0x151: {  	v10 =	vld [tilespmem:s10+$0x8020]  }
0x152: {  	v14 =	vld [tilespmem:s5+$0x8100]  }
0x153: {  	v36 =	vld [tilespmem:s7+$0x80B0]  }
0x154: {  	v15 =	vbroadcast v16, $0x9;
	v6 =	vbroadcast v16, $0xC;
	v28 =	vld [tilespmem:s7+$0x8080]  }
0x155: {  	v26 =	vbroadcast v16, $0x5;
	v9 =	vbroadcast v16, $0xE;
	v33 =	vld [tilespmem:s10+$0x8000]  }
0x156: {  	v40 =	vbroadcast v16, $0x1;
	v41 =	vbroadcast v16, $0x0;
	v38 =	vld [tilespmem:s5+$0x8120]  }
0x157: {  	v23 =	vbroadcast v16, $0x2;
	v19 =	vbroadcast v16, $0x7;
	v29 =	vld [tilespmem:s21+$0x82B0]  }
0x158: {  	v48 =	vmul.f32 v34, v40;
	v42 =	vmul.f32 v41, v10;
	v34 =	vld [tilespmem:s7+$0x80A0]  }
0x159: {  	v32 =	vmul.f32 v22, v23;
	v44 =	vmul.f32 v14, v23;
	v43 =	vld [tilespmem:s10+$0x8030]  }
0x15a: {  	v22 =	vmul.f32 v28, v40;
	v10 =	vmul.f32 v41, v33;
	v45 =	vld [tilespmem:s6+$0x8220]  }
0x15b: {  	v18 =	vmul.f32 v18, v19;
	v46 =	vmul.f32 v38, v23;
	v28 =	vld [tilespmem:s2+$0x8390];
	s7 =	spop (v2sf)  }
0x15c: {  	v14 =	vbroadcast v16, $0xD;
	v7 =	vmax.f32 v7, v10;
	v33 =	vld [tilespmem:s7+$0x8310];
	v10 =	vbroadcast v16, $0xF  }
0x15d: {  	v49 =	vld [tilespmem:s10+$0x8010];
	v7 =	vmax.f32 v7, v22;
	v34 =	vmul.f32 v34, v40;
	v22 =	vmul.f32 v30, v26  }
0x15e: {  	v43 =	vmul.f32 v43, v41;
	v38 =	vmax.f32 v7, v44;
	v50 =	vld [tilespmem:s9+$0x8180];
	v7 =	vmul.f32 v21, v10  }
0x15f: {  	v30 =	vmul.f32 v17, v26;
	v21 =	vmul.f32 v36, v40;
	v51 =	vld [tilespmem:s6+$0x8200]  }
0x160: {  	v17 =	vmax.f32 v31, v42;
	v36 =	vbroadcast v16, $0x4;
	v24 =	vmax.f32 v24, v43;
	v52 =	vld [tilespmem:s9+$0x81B0]  }
0x161: {  	v44 =	vbroadcast v16, $0x3;
	v17 =	vmax.f32 v17, v34;
	v34 =	vmax.f32 v24, v21;
	v31 =	vld [tilespmem:s2+$0x83A0]  }
.Ltmp0:
0x162: {  	v42 =	vmax.f32 v17, v46;
	v40 =	vmul.f32 v45, v36;
	v21 =	vbroadcast v16, $0x8;
	v47 =	vld [tilespmem:s9+$0x81A0];
	(pc) =	sbr.rel @p0 .LBB2_3-.Ltmp0, $4  }
0x163: {  	v46 =	vmul.f32 v41, v49;
	v45 =	vmul.f32 v50, v44;
	v24 =	vld [tilespmem:s0+$0x8480]  }
0x164: {  	v17 =	vbroadcast v16, $0xA;
	v41 =	vmul.f32 v51, v36;
	v43 =	vld [tilespmem:s21+$0x8290];
	(v2sf) =	vpush v20, $0xE  }
0x165: {  	v35 =	vmul.f32 v35, v15;
	v39 =	vmax.f32 v39, v46;
	v20 =	vmul.f32 v37, v21;
	v46 =	vld [tilespmem:s7+$0x8320]  }
0x166: {  	s20 =	sadd.s32 $0x10, s20;
	v49 =	vmax.f32 v39, v48;
	v37 =	vmul.f32 v52, v44;
	v39 =	vbroadcast v16, $0x6;
	v48 =	vld [tilespmem:s7+$0x8330]  }
0x167: {  	v50 =	vld [tilespmem:s5+$0x8130];
	v27 =	vmul.f32 v27, v44;
	v54 =	vmul.f32 v47, v44  }
0x168: {  	v51 =	vld [tilespmem:s4+$0x8420];
	v25 =	vmul.f32 v25, v36;
	v29 =	vmul.f32 v29, v26  }
0x169: {  	v52 =	vld [tilespmem:s6+$0x8230];
	v61 =	vmul.f32 v28, v19;
	v13 =	vmul.f32 v13, v6  }
0x16a: {  	v55 =	vld [tilespmem:s7+$0x8300];
	v31 =	vmul.f32 v31, v19;
	v11 =	vmul.f32 v11, v14  }
0x16b: {  	v32 =	vmax.f32 v49, v32;
	v56 =	vld [tilespmem:s4+$0x8430];
	v16 =	vbroadcast v16, $0xB;
	v12 =	vmul.f32 v12, v17  }
0x16c: {  	v38 =	vmax.f32 v38, v45;
	v57 =	vld [tilespmem:s28+$0x8690];
	v8 =	vmul.f32 v8, v21;
	v4 =	vmul.f32 v4, v6  }
0x16d: {  	v59 =	vld [tilespmem:s2+$0x83B0];
	v33 =	vmul.f32 v33, v39;
	v38 =	vmax.f32 v38, v41;
	v42 =	vmax.f32 v42, v54  }
0x16e: {  	v60 =	vld [tilespmem:s0+$0x84A0];
	v27 =	vmax.f32 v32, v27;
	v58 =	vmul.f32 v43, v26;
	v22 =	vmax.f32 v38, v22  }
0x16f: {  	v62 =	vld [tilespmem:s28+$0x8680];
	v5 =	vmul.f32 v5, v16;
	v43 =	vmul.f32 v46, v39;
	v25 =	vmax.f32 v27, v25  }
0x170: {  	v49 =	vld [tilespmem:s26+$0x8790];
	v40 =	vmax.f32 v42, v40;
	v44 =	vmul.f32 v48, v39;
	v23 =	vmul.f32 v50, v23  }
0x171: {  	v26 =	vld [tilespmem:s29+$0x8620];
	v25 =	vmax.f32 v25, v58;
	v63 =	vmul.f32 v52, v36;
	v47 =	vmul.f32 v55, v39  }
0x172: {  	v46 =	vld [tilespmem:s30+$0x8520];
	v30 =	vmax.f32 v40, v30;
	v32 =	vmul.f32 v57, v14;
	v19 =	vmul.f32 v59, v19  }
0x173: {  	v48 =	vld [tilespmem:s0+$0x84B0];
	v25 =	vmax.f32 v25, v33;
	v51 =	vmul.f32 v51, v21;
	v54 =	vmul.f32 v60, v15  }
0x174: {  	v50 =	vld [tilespmem:s31+$0x8580];
	v28 =	vmul.f32 v62, v14;
	v57 =	vmul.f32 v24, v15;
	v25 =	vmax.f32 v25, v61  }
0x175: {  	v52 =	vld [tilespmem:s31+$0x85A0];
	v60 =	vmax.f32 v30, v43;
	v23 =	vmax.f32 v34, v23;
	v20 =	vmax.f32 v25, v20  }
0x176: {  	v59 =	vld [tilespmem:s28+$0x86B0];
	v22 =	vmax.f32 v22, v47;
	v25 =	vmax.f32 v60, v31;
	v26 =	vmul.f32 v26, v6  }
0x177: {  	v43 =	vld [tilespmem:s30+$0x8500];
	v23 =	vmax.f32 v23, v37;
	v20 =	vmax.f32 v20, v35;
	v35 =	vmul.f32 v56, v21  }
0x178: {  	v47 =	vld [tilespmem:s29+$0x8630];
	v36 =	vmul.f32 v46, v17;
	v18 =	vmax.f32 v22, v18;
	v25 =	vmax.f32 v25, v51  }
0x179: {  	v56 =	vld [tilespmem:s30+$0x8530];
	v39 =	vmul.f32 v48, v15;
	v58 =	vmax.f32 v23, v63;
	v23 =	vmul.f32 v49, v10  }
0x17a: {  	v63 =	vld [tilespmem:s31+$0x85B0];
	v12 =	vmax.f32 v20, v12;
	v8 =	vmax.f32 v18, v8;
	v25 =	vmax.f32 v25, v54  }
0x17b: {  	v49 =	vld [tilespmem:s26+$0x87A0];
	v62 =	vmul.f32 v52, v16;
	v40 =	vmul.f32 v50, v16;
	v8 =	vmax.f32 v8, v57;
	s21 =	spop (v2sf)  }
0x17c: {  	v5 =	vmax.f32 v12, v5;
	v22 =	vmax.f32 v58, v29;
	v48 =	vmul.f32 v59, v14;
	v53 =	vld [tilespmem:s21+$0x8700]  }
0x17d: {  	v25 =	vmax.f32 v25, v36;
	v52 =	vmul.f32 v43, v17;
	v22 =	vmax.f32 v22, v44;
	v55 =	vld [tilespmem:s21+$0x8710]  }
0x17e: {  	v5 =	vmax.f32 v5, v13;
	v19 =	vmax.f32 v22, v19;
	v57 =	vmul.f32 v47, v6;
	v61 =	vld [tilespmem:s21+$0x8720]  }
0x17f: {  	v8 =	vmax.f32 v8, v52;
	v5 =	vmax.f32 v5, v32;
	v45 =	vld [tilespmem:s21+$0x8730];
	v46 =	vmul.f32 v56, v17  }
0x180: {  	v56 =	vmax.f32 v25, v62;
	v8 =	vmax.f32 v8, v40;
	v16 =	vmul.f32 v63, v16  }
0x181: {  	v59 =	vmax.f32 v56, v26;
	v60 =	vmul.f32 v49, v10;
	v4 =	vmax.f32 v8, v4  }
0x182: {  	v41 =	vmul.f32 v55, v9;
	v51 =	vmul.f32 v53, v9;
	v53 =	vld [tilespmem:s26+$0x87B0];
	v55 =	vmax.f32 v19, v35  }
0x183: {  	v11 =	vmax.f32 v59, v11;
	v4 =	vmax.f32 v4, v28;
	v58 =	vmax.f32 v55, v39  }
0x184: {  	v50 =	vmul.f32 v61, v9;
	v54 =	vmul.f32 v45, v9;
	v12 =	vmax.f32 v58, v46  }
0x185: {  	p0 =	seq.s32 s22, $0x3F;
	s31 =	sshll.u32 s22, $0x8;
	v4 =	vmax.f32 v4, v51;
	v5 =	vmax.f32 v5, v41;
	v61 =	vmax.f32 v12, v16  }
.Ltmp1:
0x186: {  	s0 =	sand.u32 $0x3FFFFF00, s31;
	v63 =	vmax.f32 v11, v50;
	v4 =	vmax.f32 v4, v7;
	v6 =	vmax.f32 v61, v57;
	(pc) =	sbr.rel @p0 .LBB2_6-.Ltmp1, $4  }
0x187: {  	v5 =	vmax.f32 v5, v23;
	[tilespmem:s0+$0x15200] =	vst v4;
	v62 =	vmul.f32 v53, v10;
	v6 =	vmax.f32 v6, v48  }
0x188: {  	v4 =	vmax.f32 v63, v60;
	[tilespmem:s0+$0x15210] =	vst v5;
	v6 =	vmax.f32 v6, v54  }
0x189: {  	[tilespmem:s0+$0x15220] =	vst v4;
	v5 =	vmax.f32 v6, v62  }
0x18a: {  	[tilespmem:s0+$0x15230] =	vst v5  }
0x18b: {  	v4 =	vld [tilespmem:s25+$0x200];
	_ =	sdelay $0x4  }
0x18c: {  	vm0 =	vlt.s32 v4, $0x7B000  }
0x18d: {  	v5 =	vsel vm0, $0x0, v1  }
0x18e: {  	v4 =	vadd.s32 v4, v5  }
0x18f: {  	[tilespmem:$0x15000] =	vst v4  }
0x190: {  	v4 =	vld [tilespmem:s25+$0x210];
	_ =	sdelay $0x4  }
0x191: {  	vm4 =	vlt.s32 v4, $0x7B000  }
0x192: {  	v5 =	vsel vm4, $0x0, v1  }
0x193: {  	v4 =	vadd.s32 v4, v5  }
0x194: {  	[tilespmem:$0x15010] =	vst v4  }
0x195: {  	v4 =	vld [tilespmem:s25+$0x220];
	_ =	sdelay $0x4  }
0x196: {  	vm5 =	vlt.s32 v4, $0x7B000  }
0x197: {  	v5 =	vsel vm5, $0x0, v1  }
0x198: {  	v4 =	vadd.s32 v4, v5  }
0x199: {  	[tilespmem:$0x15020] =	vst v4  }
0x19a: {  	v4 =	vld [tilespmem:s25+$0x230];
	_ =	sdelay $0x4  }
0x19b: {  	vm6 =	vlt.s32 v4, $0x7B000  }
0x19c: {  	v5 =	vsel vm6, $0x0, v1  }
0x19d: {  	v4 =	vadd.s32 v4, v5  }
0x19e: {  	[tilespmem:$0x15030] =	vst v4  }
0x19f: {  	v4 =	vld [tilespmem:s25+$0x240];
	_ =	sdelay $0x4  }
0x1a0: {  	vm7 =	vlt.s32 v4, $0x7B000  }
0x1a1: {  	v5 =	vsel vm7, $0x0, v1  }
0x1a2: {  	v4 =	vadd.s32 v4, v5  }
0x1a3: {  	[tilespmem:$0x15040] =	vst v4  }
0x1a4: {  	v4 =	vld [tilespmem:s25+$0x250];
	_ =	sdelay $0x4  }
0x1a5: {  	vm8 =	vlt.s32 v4, $0x7B000  }
0x1a6: {  	v5 =	vsel vm8, $0x0, v1  }
0x1a7: {  	v4 =	vadd.s32 v4, v5  }
0x1a8: {  	[tilespmem:$0x15050] =	vst v4  }
0x1a9: {  	v4 =	vld [tilespmem:s25+$0x260];
	_ =	sdelay $0x4  }
0x1aa: {  	vm9 =	vlt.s32 v4, $0x7B000  }
0x1ab: {  	v5 =	vsel vm9, $0x0, v1  }
0x1ac: {  	v4 =	vadd.s32 v4, v5  }
0x1ad: {  	[tilespmem:$0x15060] =	vst v4  }
0x1ae: {  	v4 =	vld [tilespmem:s25+$0x270];
	_ =	sdelay $0x4  }
0x1af: {  	vm10 =	vlt.s32 v4, $0x7B000  }
0x1b0: {  	v5 =	vsel vm10, $0x0, v1  }
0x1b1: {  	v4 =	vadd.s32 v4, v5  }
0x1b2: {  	[tilespmem:$0x15070] =	vst v4  }
0x1b3: {  	v4 =	vld [tilespmem:s25+$0x280];
	_ =	sdelay $0x4  }
0x1b4: {  	vm11 =	vlt.s32 v4, $0x7B000  }
0x1b5: {  	v5 =	vsel vm11, $0x0, v1  }
0x1b6: {  	v4 =	vadd.s32 v4, v5  }
0x1b7: {  	[tilespmem:$0x15080] =	vst v4  }
0x1b8: {  	v4 =	vld [tilespmem:s25+$0x290];
	_ =	sdelay $0x4  }
0x1b9: {  	vm12 =	vlt.s32 v4, $0x7B000  }
0x1ba: {  	v5 =	vsel vm12, $0x0, v1  }
0x1bb: {  	v4 =	vadd.s32 v4, v5  }
0x1bc: {  	[tilespmem:$0x15090] =	vst v4  }
0x1bd: {  	v4 =	vld [tilespmem:s25+$0x2A0];
	_ =	sdelay $0x4  }
0x1be: {  	vm13 =	vlt.s32 v4, $0x7B000  }
0x1bf: {  	v5 =	vsel vm13, $0x0, v1  }
0x1c0: {  	v4 =	vadd.s32 v4, v5  }
0x1c1: {  	[tilespmem:$0x150A0] =	vst v4  }
0x1c2: {  	v4 =	vld [tilespmem:s25+$0x2B0];
	_ =	sdelay $0x4  }
0x1c3: {  	vm14 =	vlt.s32 v4, $0x7B000  }
0x1c4: {  	v5 =	vsel vm14, $0x0, v1  }
0x1c5: {  	v4 =	vadd.s32 v4, v5  }
0x1c6: {  	[tilespmem:$0x150B0] =	vst v4  }
0x1c7: {  	v4 =	vld [tilespmem:s25+$0x2C0];
	_ =	sdelay $0x4  }
0x1c8: {  	vm15 =	vlt.s32 v4, $0x7B000  }
0x1c9: {  	v5 =	vsel vm15, $0x0, v1  }
0x1ca: {  	v4 =	vadd.s32 v4, v5  }
0x1cb: {  	s0 =	simm.s32 $0x15000;
	s1 =	simm.s32 $0x8000;
	[tilespmem:$0x150C0] =	vst v4  }
0x1cc: {  	[tilespmem:s1], [sflag:$0x1] =	stream.indirect.gather [hbm4b:s3+s8], $0x80, s0, s8, $0xb8;
	[tilespmem:$0x19200] =	vst v63  }
0x1cd: {  	_ = 	snop  }
0x1ce: {  	[tilespmem:s13], [sflag:$0x1] =	stream.indirect.gather [hbm4b:s3+s11], $0x80, s12, s11, $0xb8;
	[tilespmem:$0x19200] =	vst v63  }
.LBB2_6:
0x1cf: {  	_ =	swait.ge [sflag:s19], $0x3400  }
0x1d0: {  	[sflag:s19] =	ssyncset.done $0x0  }
0x1d1: {  	s0 =	simm.s32 $0x0;
	[sflag:s19] =	ssyncadd.s32 $0xFFFFCC00  }
0x1d2: {  	s1 =	sand.u32 $0x80, s0;
	_ =	swait.ge [sflag:s19], $0x3000  }
0x1d3: {  	s0 =	sand.u32 $0x70, s0;
	s1 =	sadd.s32 s1, s24;
	[sflag:s19] =	ssyncset.done $0x0  }
0x1d4: {  	s0 =	sadd.s32 s0, s1;
	[sflag:s19] =	ssyncadd.s32 $0xFFFFD000  }
0x1d5: {  	v6 =	vld [tilespmem:s0+$0x0];
	_ =	sdelay $0x4  }
0x1d6: {  	vm0 =	vgt.s32 v6, $0x7AFFF  }
0x1d7: {  	s20 =	simm.s32 $0x0;
	v4 =	vsel vm0, $0x40, v3  }
0x1d8: {  	v20 =	vadd.s32 s20, v4  }
0x1d9: {  	(v2sf) =	vpush v20, $0xF  }
0x1da: {  	(v2sf) =	vpush v20, $0xD  }
0x1db: {  	(v2sf) =	vpush v20, $0xB  }
0x1dc: {  	(v2sf) =	vpush v20, $0x1;
	_ =	sdelay $0x2  }
0x1dd: {  	(v2sf) =	vpush v20, $0xC;
	_ =	sdelay $0x1  }
0x1de: {  	(v2sf) =	vpush v20, $0xA  }
0x1df: {  	(v2sf) =	vpush v20, $0x9  }
0x1e0: {  	(v2sf) =	vpush v20, $0x8;
	_ =	sdelay $0x1  }
0x1e1: {  	(v2sf) =	vpush v20, $0x7  }
0x1e2: {  	(v2sf) =	vpush v20, $0x3;
	_ =	sdelay $0x1  }
0x1e3: {  	s25 =	spop (v2sf)  }
0x1e4: {  	(v2sf) =	vpush v20, $0x5;
	v7 =	vld [tilespmem:s25+$0xEF80];
	s28 =	spop (v2sf)  }
0x1e5: {  	(v2sf) =	vpush v20, $0x2;
	v11 =	vld [tilespmem:s28+$0xEEA0];
	s30 =	spop (v2sf)  }
0x1e6: {  	(v2sf) =	vpush v20, $0x4;
	v5 =	vld [tilespmem:s30+$0xED90];
	s6 =	spop (v2sf)  }
0x1e7: {  	(v2sf) =	vpush v20, $0x0;
	v10 =	vld [tilespmem:s6+$0xE890]  }
0x1e8: {  	v30 =	vld [tilespmem:s6+$0xE8B0]  }
0x1e9: {  	s26 =	spop (v2sf);
	v28 =	vld [tilespmem:s6+$0xE880]  }
0x1ea: {  	v13 =	vld [tilespmem:s26+$0xEE10]  }
0x1eb: {  	s29 =	spop (v2sf);
	v4 =	vld [tilespmem:s26+$0xEE00]  }
0x1ec: {  	v12 =	vld [tilespmem:s29+$0xED10];
	s0 =	spop (v2sf)  }
0x1ed: {  	v35 =	vld [tilespmem:s0+$0xEC90];
	s4 =	spop (v2sf)  }
0x1ee: {  	v8 =	vld [tilespmem:s4+$0xEC00]  }
0x1ef: {  	s2 =	spop (v2sf);
	v37 =	vld [tilespmem:s4+$0xEC10]  }
0x1f0: {  	s7 =	spop (v2sf);
	v14 =	vld [tilespmem:s2+$0xEB80]  }
0x1f1: {  	v27 =	vld [tilespmem:s7+$0xE990]  }
0x1f2: {  	v45 =	vld [tilespmem:s7+$0xE980]  }
0x1f3: {  	s21 =	spop (v2sf);
	v50 =	vld [tilespmem:s7+$0xE9B0]  }
0x1f4: {  	(v2sf) =	vpush v20, $0x6;
	v47 =	vld [tilespmem:s7+$0xE9A0];
	s5 =	spop (v2sf)  }
0x1f5: {  	vm15 =	veq.s32 v6, $0xBB8;
	v18 =	vld [tilespmem:s5+$0xE910];
	s31 =	spop (v2sf)  }
0x1f6: {  	v16 =	vsel vm15, $0x0, v2;
	v24 =	vld [tilespmem:s5+$0xE900];
	s9 =	spop (v2sf)  }
0x1f7: {  	v15 =	vbroadcast v16, $0x9;
	v22 =	vld [tilespmem:s9+$0xE820]  }
0x1f8: {  	v6 =	vbroadcast v16, $0xC;
	v26 =	vbroadcast v16, $0x5;
	v32 =	vld [tilespmem:s5+$0xE920]  }
0x1f9: {  	v9 =	vbroadcast v16, $0xE;
	v34 =	vbroadcast v16, $0x1;
	v31 =	vld [tilespmem:s9+$0xE800]  }
0x1fa: {  	v39 =	vbroadcast v16, $0x0;
	v23 =	vbroadcast v16, $0x2;
	v17 =	vld [tilespmem:s21+$0xEAA0]  }
0x1fb: {  	v19 =	vbroadcast v16, $0x7;
	v48 =	vmul.f32 v10, v34;
	v21 =	vld [tilespmem:s21+$0xEA80]  }
0x1fc: {  	v35 =	vmul.f32 v35, v15;
	v36 =	vmul.f32 v39, v22;
	v22 =	vld [tilespmem:s6+$0xE8A0]  }
0x1fd: {  	v38 =	vld [tilespmem:s9+$0xE830];
	v24 =	vmul.f32 v24, v23;
	v33 =	vmul.f32 v18, v23  }
0x1fe: {  	v46 =	vimm.f32 $-Inf;
	v29 =	vld [tilespmem:s21+$0xEAB0];
	v41 =	vmul.f32 v32, v23;
	v10 =	vmul.f32 v39, v31  }
0x1ff: {  	(v2sf) =	vpush v20, $0xE;
	v43 =	vld [tilespmem:s9+$0xE810];
	v18 =	vmul.f32 v14, v19;
	v31 =	vmul.f32 v28, v34  }
0x200: {  	v40 =	vld [tilespmem:s31+$0xEA20];
	v14 =	vbroadcast v16, $0xD;
	v42 =	vmax.f32 v46, v10;
	v10 =	vbroadcast v16, $0xF  }
0x201: {  	v25 =	vld [tilespmem:s31+$0xEA10];
	v31 =	vmax.f32 v42, v31;
	v44 =	vmul.f32 v22, v34;
	v22 =	vmul.f32 v21, v26  }
0x202: {  	v49 =	vld [tilespmem:s31+$0xEA00];
	v21 =	vmul.f32 v38, v39;
	v38 =	vmax.f32 v31, v24;
	v24 =	vmul.f32 v30, v34  }
0x203: {  	v28 =	vld [tilespmem:s2+$0xEB90];
	s6 =	spop (v2sf);
	v30 =	vmul.f32 v17, v26;
	v17 =	vmax.f32 v46, v36;
	v36 =	vbroadcast v16, $0x4  }
0x204: {  	v32 =	vld [tilespmem:s6+$0xEB10];
	v7 =	vmul.f32 v7, v10;
	v39 =	vmul.f32 v39, v43;
	v21 =	vmax.f32 v46, v21  }
0x205: {  	v31 =	vld [tilespmem:s2+$0xEBA0];
	v17 =	vmax.f32 v17, v44;
	v44 =	vbroadcast v16, $0x3;
	v40 =	vmul.f32 v40, v36  }
0x206: {  	v43 =	vld [tilespmem:s21+$0xEA90];
	v39 =	vmax.f32 v46, v39;
	v34 =	vmax.f32 v21, v24;
	v21 =	vbroadcast v16, $0x8  }
0x207: {  	v46 =	vld [tilespmem:s6+$0xEB20];
	v42 =	vmax.f32 v17, v41;
	v41 =	vmul.f32 v49, v36;
	v17 =	vbroadcast v16, $0xA  }
0x208: {  	v24 =	vld [tilespmem:s0+$0xEC80];
	v49 =	vmax.f32 v39, v48;
	v39 =	vbroadcast v16, $0x6;
	v45 =	vmul.f32 v45, v44  }
0x209: {  	s1 =	simm.s32 $0x2000;
	s20 =	simm.s32 $0x10;
	v48 =	vld [tilespmem:s6+$0xEB30];
	v20 =	vmul.f32 v37, v21;
	v37 =	vmul.f32 v50, v44  }
.LBB2_7:
0x20a: {  	s7 =	sand.u32 $0x80, s20  }
0x20b: {  	p0 =	sne.s32 s1, $0x18000;
	v50 =	vld [tilespmem:s5+$0xE930];
	v27 =	vmul.f32 v27, v44;
	v44 =	vmul.f32 v47, v44;
	s5 =	smov.u32 s1;
	s1 =	sadd.s32 $0x2000, s1  }
0x20c: {  	s9 =	sand.u32 $0x70, s20;
	v47 =	vmul.f32 v25, v36;
	v29 =	vmul.f32 v29, v26;
	s7 =	sadd.s32 s7, s24;
	v51 =	vld [tilespmem:s4+$0xEC20]  }
0x20d: {  	v33 =	vmax.f32 v49, v33;
	v38 =	vmax.f32 v38, v45;
	s7 =	sadd.s32 s9, s7;
	v42 =	vmax.f32 v42, v44;
	v44 =	vld [tilespmem:s31+$0xEA30]  }
0x20e: {  	v27 =	vmax.f32 v33, v27;
	v26 =	vmul.f32 v43, v26;
	v25 =	vld [tilespmem:s7+$0x0];
	v33 =	vmul.f32 v46, v39  }
0x20f: {  	v32 =	vmul.f32 v32, v39;
	v27 =	vmax.f32 v27, v47;
	v43 =	vld [tilespmem:s6+$0xEB00];
	v45 =	vmul.f32 v48, v39  }
0x210: {  	v40 =	vmax.f32 v42, v40;
	v26 =	vmax.f32 v27, v26;
	v27 =	vmul.f32 v28, v19;
	v28 =	vld [tilespmem:s4+$0xEC30]  }
0x211: {  	v38 =	vmax.f32 v38, v41;
	v42 =	vmul.f32 v50, v23;
	v23 =	vmax.f32 v26, v32;
	v26 =	vld [tilespmem:s28+$0xEE90]  }
0x212: {  	v27 =	vmax.f32 v23, v27;
	v23 =	vmul.f32 v13, v6;
	v32 =	vmul.f32 v44, v36;
	v36 =	vld [tilespmem:s2+$0xEBB0]  }
0x213: {  	v30 =	vmax.f32 v40, v30;
	v13 =	vmax.f32 v34, v42;
	vm0 =	vgt.s32 v25, $0x7AFFF;
	v34 =	vld [tilespmem:s0+$0xECA0]  }
0x214: {  	s2 =	sshra.s32 s5, $0x2;
	v27 =	vmax.f32 v27, v20;
	v40 =	vsel vm0, $0x40, v3;
	v39 =	vmul.f32 v43, v39;
	v41 =	vld [tilespmem:s28+$0xEE80]  }
0x215: {  	v13 =	vmax.f32 v13, v37;
	v27 =	vmax.f32 v27, v35;
	v20 =	vadd.s32 s2, v40;
	v35 =	vld [tilespmem:s29+$0xED20]  }
0x216: {  	v31 =	vmul.f32 v31, v19;
	v40 =	vmul.f32 v11, v14;
	(v2sf) =	vpush v20, $0xF;
	v37 =	vld [tilespmem:s26+$0xEE20]  }
0x217: {  	v16 =	vbroadcast v16, $0xB;
	v26 =	vmul.f32 v26, v14;
	(v2sf) =	vpush v20, $0xD;
	v11 =	vld [tilespmem:s0+$0xECB0];
	s0 =	spop (v2sf)  }
0x218: {  	v28 =	vmul.f32 v28, v21;
	v19 =	vmul.f32 v36, v19;
	(v2sf) =	vpush v20, $0xB;
	v36 =	vld [tilespmem:s25+$0xEF90]  }
0x219: {  	v22 =	vmax.f32 v38, v22;
	v38 =	vmul.f32 v51, v21;
	(v2sf) =	vpush v20, $0x1;
	v42 =	vld [tilespmem:s30+$0xED80]  }
0x21a: {  	v12 =	vmul.f32 v12, v17;
	(v2sf) =	vpush v20, $0xC;
	v35 =	vmul.f32 v35, v17;
	v43 =	vld [tilespmem:s0+$0xEF00]  }
0x21b: {  	v22 =	vmax.f32 v22, v39;
	v34 =	vmul.f32 v34, v15;
	(v2sf) =	vpush v20, $0xA;
	v39 =	vld [tilespmem:s30+$0xEDA0]  }
0x21c: {  	v41 =	vmul.f32 v41, v14;
	(v2sf) =	vpush v20, $0x9;
	v44 =	vmul.f32 v11, v15;
	v11 =	vld [tilespmem:s29+$0xED30]  }
0x21d: {  	v18 =	vmax.f32 v22, v18;
	v15 =	vmul.f32 v24, v15;
	(v2sf) =	vpush v20, $0x8;
	v22 =	vld [tilespmem:s0+$0xEF10]  }
0x21e: {  	v13 =	vmax.f32 v13, v32;
	v32 =	vmul.f32 v36, v10;
	(v2sf) =	vpush v20, $0x7;
	v24 =	vld [tilespmem:s30+$0xEDB0]  }
0x21f: {  	v5 =	vmul.f32 v5, v16;
	v30 =	vmax.f32 v30, v33;
	(v2sf) =	vpush v20, $0x3;
	v33 =	vld [tilespmem:s0+$0xEF20]  }
0x220: {  	v8 =	vmul.f32 v8, v21;
	(v2sf) =	vpush v20, $0x5;
	v36 =	vmul.f32 v39, v16;
	v21 =	vld [tilespmem:s28+$0xEEB0]  }
0x221: {  	v12 =	vmax.f32 v27, v12;
	v27 =	vmul.f32 v42, v16;
	(v2sf) =	vpush v20, $0x2;
	v39 =	vld [tilespmem:s25+$0xEFA0]  }
0x222: {  	v30 =	vmax.f32 v30, v31;
	v8 =	vmax.f32 v18, v8;
	v18 =	vld [tilespmem:s26+$0xEE30];
	v22 =	vmul.f32 v22, v9  }
0x223: {  	v30 =	vmax.f32 v30, v38;
	v15 =	vmax.f32 v8, v15;
	(v2sf) =	vpush v20, $0x4;
	v8 =	vld [tilespmem:s0+$0xEF30]  }
0x224: {  	v42 =	vmax.f32 v12, v5;
	v38 =	vmul.f32 v11, v17;
	(v2sf) =	vpush v20, $0x0;
	v31 =	vld [tilespmem:s29+$0xED00]  }
0x225: {  	v5 =	vmax.f32 v13, v29;
	v12 =	vmax.f32 v30, v34;
	v14 =	vmul.f32 v21, v14;
	v29 =	vld [tilespmem:s25+$0xEFB0];
	s25 =	spop (v2sf)  }
0x226: {  	v30 =	vmul.f32 v37, v6;
	v13 =	vmax.f32 v5, v45;
	v33 =	vmul.f32 v33, v9;
	v21 =	vld [tilespmem:s25+$0xEF80];
	s28 =	spop (v2sf)  }
0x227: {  	v12 =	vmax.f32 v12, v35;
	v16 =	vmul.f32 v24, v16;
	v24 =	vmul.f32 v43, v9;
	v11 =	vld [tilespmem:s28+$0xEEA0];
	s30 =	spop (v2sf)  }
0x228: {  	v13 =	vmax.f32 v13, v19;
	v19 =	vmul.f32 v4, v6;
	v5 =	vld [tilespmem:s30+$0xED90];
	s6 =	spop (v2sf);
	v9 =	vmul.f32 v8, v9  }
0x229: {  	v4 =	vmax.f32 v13, v28;
	v6 =	vmul.f32 v18, v6;
	v8 =	vmax.f32 v12, v36;
	v34 =	vld [tilespmem:s6+$0xE890];
	s26 =	spop (v2sf)  }
0x22a: {  	v4 =	vmax.f32 v4, v44;
	v18 =	vmul.f32 v39, v10;
	v8 =	vmax.f32 v8, v30;
	v13 =	vld [tilespmem:s26+$0xEE10];
	s29 =	spop (v2sf)  }
0x22b: {  	v4 =	vmax.f32 v4, v38;
	v17 =	vmul.f32 v31, v17;
	v28 =	vmax.f32 v8, v40;
	v12 =	vld [tilespmem:s29+$0xED10];
	s0 =	spop (v2sf)  }
0x22c: {  	vm0 =	veq.s32 v25, $0xBB8;
	v4 =	vmax.f32 v4, v16;
	v10 =	vmul.f32 v29, v10;
	v35 =	vld [tilespmem:s0+$0xEC90];
	s4 =	spop (v2sf)  }
0x22d: {  	v16 =	vsel vm0, $0x0, v2;
	v4 =	vmax.f32 v4, v6;
	v15 =	vmax.f32 v15, v17;
	v8 =	vld [tilespmem:s4+$0xEC00];
	s2 =	spop (v2sf)  }
0x22e: {  	v14 =	vmax.f32 v4, v14;
	v6 =	vmax.f32 v15, v27;
	v15 =	vmax.f32 v28, v33;
	v37 =	vld [tilespmem:s4+$0xEC10];
	s9 =	spop (v2sf)  }
0x22f: {  	v17 =	vmax.f32 v42, v23;
	v6 =	vmax.f32 v6, v19;
	v31 =	vmax.f32 v15, v18;
	v4 =	vld [tilespmem:s26+$0xEE00];
	s7 =	spop (v2sf)  }
0x230: {  	v9 =	vmax.f32 v14, v9;
	v15 =	vmax.f32 v17, v26;
	v6 =	vmax.f32 v6, v41;
	v18 =	vld [tilespmem:s2+$0xEB80];
	s5 =	spop (v2sf)  }
0x231: {  	v14 =	vmax.f32 v15, v22;
	v6 =	vmax.f32 v6, v24;
	v17 =	vld [tilespmem:s7+$0xEAA0];
	(v2sf) =	vpush v20, $0x6  }
0x232: {  	v39 =	vmax.f32 v14, v32;
	v24 =	vmax.f32 v9, v10;
	v7 =	vmax.f32 v6, v7;
	v22 =	vld [tilespmem:s5+$0xE910];
	s31 =	spop (v2sf)  }
0x233: {  	v30 =	vld [tilespmem:s7+$0xEA80];
	s10 =	spop (v2sf)  }
0x234: {  	v25 =	vld [tilespmem:s31+$0xEA10]  }
0x235: {  	v27 =	vld [tilespmem:s9+$0xE990]  }
0x236: {  	v10 =	vld [tilespmem:s10+$0xE820]  }
0x237: {  	v14 =	vld [tilespmem:s5+$0xE900]  }
0x238: {  	v36 =	vld [tilespmem:s6+$0xE8B0]  }
0x239: {  	v15 =	vbroadcast v16, $0x9;
	v6 =	vbroadcast v16, $0xC;
	v28 =	vld [tilespmem:s6+$0xE880]  }
0x23a: {  	v26 =	vbroadcast v16, $0x5;
	v9 =	vbroadcast v16, $0xE;
	v32 =	vld [tilespmem:s10+$0xE800]  }
0x23b: {  	v40 =	vbroadcast v16, $0x1;
	v41 =	vbroadcast v16, $0x0;
	v38 =	vld [tilespmem:s5+$0xE920]  }
0x23c: {  	v23 =	vbroadcast v16, $0x2;
	v19 =	vbroadcast v16, $0x7;
	v29 =	vld [tilespmem:s7+$0xEAB0]  }
0x23d: {  	v48 =	vmul.f32 v34, v40;
	v42 =	vmul.f32 v41, v10;
	v34 =	vld [tilespmem:s6+$0xE8A0]  }
0x23e: {  	v33 =	vmul.f32 v22, v23;
	v44 =	vmul.f32 v14, v23;
	v43 =	vld [tilespmem:s10+$0xE830]  }
0x23f: {  	v22 =	vmul.f32 v28, v40;
	v10 =	vmul.f32 v41, v32;
	v45 =	vld [tilespmem:s31+$0xEA20]  }
0x240: {  	v18 =	vmul.f32 v18, v19;
	v46 =	vmul.f32 v38, v23;
	v28 =	vld [tilespmem:s2+$0xEB90];
	s6 =	spop (v2sf)  }
0x241: {  	v14 =	vbroadcast v16, $0xD;
	v7 =	vmax.f32 v7, v10;
	v32 =	vld [tilespmem:s6+$0xEB10];
	v10 =	vbroadcast v16, $0xF  }
0x242: {  	v49 =	vld [tilespmem:s10+$0xE810];
	v7 =	vmax.f32 v7, v22;
	v34 =	vmul.f32 v34, v40;
	v22 =	vmul.f32 v30, v26  }
0x243: {  	v43 =	vmul.f32 v43, v41;
	v38 =	vmax.f32 v7, v44;
	v50 =	vld [tilespmem:s9+$0xE980];
	v7 =	vmul.f32 v21, v10  }
0x244: {  	v30 =	vmul.f32 v17, v26;
	v21 =	vmul.f32 v36, v40;
	v51 =	vld [tilespmem:s31+$0xEA00]  }
0x245: {  	v17 =	vmax.f32 v31, v42;
	v36 =	vbroadcast v16, $0x4;
	v24 =	vmax.f32 v24, v43;
	v52 =	vld [tilespmem:s9+$0xE9B0]  }
0x246: {  	v44 =	vbroadcast v16, $0x3;
	v17 =	vmax.f32 v17, v34;
	v34 =	vmax.f32 v24, v21;
	v31 =	vld [tilespmem:s2+$0xEBA0]  }
.Ltmp2:
0x247: {  	v42 =	vmax.f32 v17, v46;
	v40 =	vmul.f32 v45, v36;
	v21 =	vbroadcast v16, $0x8;
	v47 =	vld [tilespmem:s9+$0xE9A0];
	(pc) =	sbr.rel @p0 .LBB2_7-.Ltmp2, $4  }
0x248: {  	v46 =	vmul.f32 v41, v49;
	v45 =	vmul.f32 v50, v44;
	v24 =	vld [tilespmem:s0+$0xEC80]  }
0x249: {  	v17 =	vbroadcast v16, $0xA;
	v41 =	vmul.f32 v51, v36;
	v43 =	vld [tilespmem:s7+$0xEA90];
	(v2sf) =	vpush v20, $0xE  }
0x24a: {  	v35 =	vmul.f32 v35, v15;
	v39 =	vmax.f32 v39, v46;
	v20 =	vmul.f32 v37, v21;
	v46 =	vld [tilespmem:s6+$0xEB20]  }
0x24b: {  	s20 =	sadd.s32 $0x10, s20;
	v49 =	vmax.f32 v39, v48;
	v37 =	vmul.f32 v52, v44;
	v39 =	vbroadcast v16, $0x6;
	v48 =	vld [tilespmem:s6+$0xEB30]  }
0x24c: {  	v50 =	vld [tilespmem:s5+$0xE930];
	v27 =	vmul.f32 v27, v44;
	v54 =	vmul.f32 v47, v44  }
0x24d: {  	v51 =	vld [tilespmem:s4+$0xEC20];
	v25 =	vmul.f32 v25, v36;
	v29 =	vmul.f32 v29, v26  }
0x24e: {  	v52 =	vld [tilespmem:s31+$0xEA30];
	v61 =	vmul.f32 v28, v19;
	v13 =	vmul.f32 v13, v6  }
0x24f: {  	v55 =	vld [tilespmem:s6+$0xEB00];
	v31 =	vmul.f32 v31, v19;
	v11 =	vmul.f32 v11, v14  }
0x250: {  	v33 =	vmax.f32 v49, v33;
	v56 =	vld [tilespmem:s4+$0xEC30];
	v16 =	vbroadcast v16, $0xB;
	v12 =	vmul.f32 v12, v17  }
0x251: {  	v38 =	vmax.f32 v38, v45;
	v57 =	vld [tilespmem:s28+$0xEE90];
	v8 =	vmul.f32 v8, v21;
	v4 =	vmul.f32 v4, v6  }
0x252: {  	v59 =	vld [tilespmem:s2+$0xEBB0];
	v32 =	vmul.f32 v32, v39;
	v38 =	vmax.f32 v38, v41;
	v42 =	vmax.f32 v42, v54  }
0x253: {  	v60 =	vld [tilespmem:s0+$0xECA0];
	v27 =	vmax.f32 v33, v27;
	v58 =	vmul.f32 v43, v26;
	v22 =	vmax.f32 v38, v22  }
0x254: {  	v62 =	vld [tilespmem:s28+$0xEE80];
	v5 =	vmul.f32 v5, v16;
	v43 =	vmul.f32 v46, v39;
	v25 =	vmax.f32 v27, v25  }
0x255: {  	v49 =	vld [tilespmem:s25+$0xEF90];
	v40 =	vmax.f32 v42, v40;
	v44 =	vmul.f32 v48, v39;
	v23 =	vmul.f32 v50, v23  }
0x256: {  	v26 =	vld [tilespmem:s26+$0xEE20];
	v25 =	vmax.f32 v25, v58;
	v63 =	vmul.f32 v52, v36;
	v47 =	vmul.f32 v55, v39  }
0x257: {  	v46 =	vld [tilespmem:s29+$0xED20];
	v30 =	vmax.f32 v40, v30;
	v33 =	vmul.f32 v57, v14;
	v19 =	vmul.f32 v59, v19  }
0x258: {  	v48 =	vld [tilespmem:s0+$0xECB0];
	v25 =	vmax.f32 v25, v32;
	v51 =	vmul.f32 v51, v21;
	v54 =	vmul.f32 v60, v15  }
0x259: {  	v50 =	vld [tilespmem:s30+$0xED80];
	v28 =	vmul.f32 v62, v14;
	v57 =	vmul.f32 v24, v15;
	v25 =	vmax.f32 v25, v61  }
0x25a: {  	v52 =	vld [tilespmem:s30+$0xEDA0];
	v60 =	vmax.f32 v30, v43;
	v23 =	vmax.f32 v34, v23;
	v20 =	vmax.f32 v25, v20  }
0x25b: {  	v59 =	vld [tilespmem:s28+$0xEEB0];
	v22 =	vmax.f32 v22, v47;
	v25 =	vmax.f32 v60, v31;
	v26 =	vmul.f32 v26, v6  }
0x25c: {  	v43 =	vld [tilespmem:s29+$0xED00];
	v23 =	vmax.f32 v23, v37;
	v20 =	vmax.f32 v20, v35;
	v35 =	vmul.f32 v56, v21  }
0x25d: {  	v47 =	vld [tilespmem:s26+$0xEE30];
	v36 =	vmul.f32 v46, v17;
	v18 =	vmax.f32 v22, v18;
	v25 =	vmax.f32 v25, v51  }
0x25e: {  	v56 =	vld [tilespmem:s29+$0xED30];
	v39 =	vmul.f32 v48, v15;
	v58 =	vmax.f32 v23, v63;
	v23 =	vmul.f32 v49, v10  }
0x25f: {  	v63 =	vld [tilespmem:s30+$0xEDB0];
	v12 =	vmax.f32 v20, v12;
	v8 =	vmax.f32 v18, v8;
	v25 =	vmax.f32 v25, v54  }
0x260: {  	v49 =	vld [tilespmem:s25+$0xEFA0];
	v62 =	vmul.f32 v52, v16;
	v40 =	vmul.f32 v50, v16;
	v8 =	vmax.f32 v8, v57;
	s24 =	spop (v2sf)  }
0x261: {  	v5 =	vmax.f32 v12, v5;
	v22 =	vmax.f32 v58, v29;
	v48 =	vmul.f32 v59, v14;
	v53 =	vld [tilespmem:s24+$0xEF00]  }
0x262: {  	v25 =	vmax.f32 v25, v36;
	v52 =	vmul.f32 v43, v17;
	v22 =	vmax.f32 v22, v44;
	v55 =	vld [tilespmem:s24+$0xEF10]  }
0x263: {  	v5 =	vmax.f32 v5, v13;
	v19 =	vmax.f32 v22, v19;
	v57 =	vmul.f32 v47, v6;
	v61 =	vld [tilespmem:s24+$0xEF20]  }
0x264: {  	v8 =	vmax.f32 v8, v52;
	v5 =	vmax.f32 v5, v33;
	v45 =	vld [tilespmem:s24+$0xEF30];
	v46 =	vmul.f32 v56, v17  }
0x265: {  	v56 =	vmax.f32 v25, v62;
	v8 =	vmax.f32 v8, v40;
	v16 =	vmul.f32 v63, v16  }
0x266: {  	v59 =	vmax.f32 v56, v26;
	v60 =	vmul.f32 v49, v10;
	v4 =	vmax.f32 v8, v4  }
0x267: {  	v41 =	vmul.f32 v55, v9;
	v51 =	vmul.f32 v53, v9;
	v53 =	vld [tilespmem:s25+$0xEFB0];
	v55 =	vmax.f32 v19, v35  }
0x268: {  	v11 =	vmax.f32 v59, v11;
	v4 =	vmax.f32 v4, v28;
	v58 =	vmax.f32 v55, v39  }
0x269: {  	s22 =	sadd.s32 $0x1, s22;
	v50 =	vmul.f32 v61, v9;
	v54 =	vmul.f32 v45, v9;
	v12 =	vmax.f32 v58, v46  }
0x26a: {  	s31 =	sshll.u32 s23, $0x7;
	p0 =	sne.s32 s22, $0x40;
	v4 =	vmax.f32 v4, v51;
	v5 =	vmax.f32 v5, v41;
	v61 =	vmax.f32 v12, v16  }
.Ltmp3:
0x26b: {  	s0 =	sand.u32 $0x3FFFFF80, s31;
	v63 =	vmax.f32 v11, v50;
	v4 =	vmax.f32 v4, v7;
	v6 =	vmax.f32 v61, v57;
	(pc) =	sbr.rel @p0 .LBB2_2-.Ltmp3, $4  }
0x26c: {  	v5 =	vmax.f32 v5, v23;
	[tilespmem:s0+$0x15200] =	vst v4;
	v62 =	vmul.f32 v53, v10;
	v6 =	vmax.f32 v6, v48  }
0x26d: {  	v4 =	vmax.f32 v63, v60;
	[tilespmem:s0+$0x15210] =	vst v5;
	v6 =	vmax.f32 v6, v54  }
0x26e: {  	[tilespmem:s0+$0x15220] =	vst v4;
	v5 =	vmax.f32 v6, v62  }
0x26f: {  	[tilespmem:s0+$0x15230] =	vst v5  }
0x270: {  	s6 =	simm.s32 $0x0;
	s0 =	rddreg [dreg:$0x3];
	s1 =	simm.s32 $0x15200  }
0x271: {  	[hbm4b:s0+s6] =	stream.linear.scatter [tilespmem:s1], [sflag:$0x3], $0x4000, $0x38;
	[tilespmem:$0x19200] =	vst v63  }
0x272: {  	s1 =	simm.s32 $0x3  }
0x273: {  	_ =	swait.ge [sflag:s1], $0x4000  }
0x274: {  	s2 =	rddreg [dreg:$0x5]  }
0x275: {  	s31 =	rddreg [dreg:$0x4];
	s2 =	sadd.s32 $0x1, s2  }
0x276: {  	p0 =	sne.s32 s2, s31  }
.Ltmp4:
0x277: {  	_ = 	snop;
	(pc) =	sbr.rel @p0 .LBB2_1-.Ltmp4, $3  }
0x278: {  	_ =	sdelay $0x1  }
0x279: {  	[sflag:s1] =	ssyncset.done $0x0  }
0x27a: {  	[sflag:s1] =	ssyncadd.s32 $0xFFFFC000  }
0x27b: {  	_ =	sfence.sel $0x180000  }
0x27c: {  	[bflag:$0x0] =	sbarrier.arrive $0xFFFF  }
0x27d: {  	_ =	strace $0x90000047  }
0x27e: {  	s0 =	stileid.u32;
	[bflag:$0x2] =	sbarrier.arrive $0xFFFF  }
0x27f: {  	p0 =	sne.s32 s0, $0x0;
	s0 =	rddreg [dreg:$0x1]  }
0x280: {  	s0 =	sadd.s32 @!p0 $0x100000, s0  }
0x281: {  	[sflag:s0] =	ssyncadd.tile.s32 @!p0 $0x1;
	_ =	shalt  }
.Lfunc_end2:
_tile_overlayer_lowered:
.L_overlay_start_2:
0x282: {  	(tag) =	ssettag $0x2  }
0x283: {  	s0 =	rddreg [dreg:$0x0];
	s2 =	stileid.u32  }
0x284: {  	s1 =	rddreg [dreg:$0x1];
	p0 =	sne.s32 s2, $0x0  }
0x285: {  	s3 =	rddreg [dreg:$0x2];
	[bflag:$0x3] =	sbarrier.arrive $0xFFFF;
	s2 =	simm.s32 @!p0 $0x1C03  }
0x286: {  	[timem:s3], [sflag:s2] =	dma.local @!p0 [hbm:s0], s1  }
0x287: {  	s0 =	simm.s32 @!p0 $0x3  }
0x288: {  	_ =	swait.ge @!p0 [sflag:s0], s1  }
0x289: {  	s1 =	ssub.s32 @!p0 $0x0, s1;
	[sflag:s0] =	ssyncset.done @!p0 $0x0  }
0x28a: {  	[sflag:s0] =	ssyncadd.s32 @!p0 s1  }
0x28b: {  	[bflag:$0x3] =	sbarrier.arrive $0xFFFF  }
0x28c: {  	_ =	shalt  }

</sc_bundles>
